<compile_context>
chip_gen: v7x
topology: tpu7x:2x2x1
jax: 0.10.2.dev20260603
libtpu: 0.0.44.dev20260713+nightly
codegen_flags: <defaults>
</compile_context>

<pallas_src>
import jax
import jax.numpy as jnp
from jax import lax
from jax.experimental import pallas as pl
from jax.experimental.pallas import tpu as pltpu
from jax.experimental.pallas import tpu_sc as plsc

TOP_K = 8
N_EXPERTS = 64
N_GROUP = 8
PER_GROUP = N_EXPERTS // N_GROUP
TOPK_GROUP = 4
ROUTED_SCALING = 2.5

_L = 16
_NW = 32



def _tc_scores_body(x_ref, w_ref, b_ref, out_ref):
    logits = lax.dot_general(
        w_ref[...], x_ref[...], (((1,), (1,)), ((), ())),
        preferred_element_type=jnp.float32)
    sfc = 1.0 / (1.0 + jnp.exp(-logits)) + b_ref[...]
    for tcol in range(sfc.shape[1] // 128):
        out_ref[0, :, tcol] = sfc[:, tcol * 128:(tcol + 1) * 128].reshape(
            N_GROUP, PER_GROUP, 128)


def _tc_scores(x, weight, bias_col, tblk):
    t, h = x.shape
    grid = t // tblk
    return pl.pallas_call(
        _tc_scores_body,
        grid=(grid,),
        in_specs=[
            pl.BlockSpec((tblk, h), lambda i: (i, 0)),
            pl.BlockSpec((N_EXPERTS, h), lambda i: (0, 0)),
            pl.BlockSpec((N_EXPERTS, 1), lambda i: (0, 0)),
        ],
        out_specs=pl.BlockSpec((1, N_GROUP, tblk // 128, PER_GROUP, 128),
                               lambda i: (i, 0, 0, 0, 0)),
        out_shape=jax.ShapeDtypeStruct(
            (grid, N_GROUP, tblk // 128, PER_GROUP, 128), jnp.float32),
    )(x, weight, bias_col)



def _sc_route_body(sfc_hbm, bias_hbm, idx_hbm, w_hbm,
                   sc_v, bias_v, ow_v, oi_v):
    ntcol = sfc_hbm.shape[2]
    tpw = ntcol * 128
    cols = tpw // _L
    wid = lax.axis_index("s") * 2 + lax.axis_index("c")
    base_tok = wid * tpw

    pltpu.sync_copy(sfc_hbm.at[wid], sc_v)
    pltpu.sync_copy(bias_hbm, bias_v)

    lanes = lax.iota(jnp.int32, _L)
    neg_inf = jnp.full((_L,), -jnp.inf, jnp.float32)

    def argmax_tree(pairs):
        while len(pairs) > 1:
            nxt = []
            for k in range(0, len(pairs) - 1, 2):
                (av, ai), (bv, bi) = pairs[k], pairs[k + 1]
                gt = bv > av
                nxt.append((jnp.where(gt, bv, av), jnp.where(gt, bi, ai)))
            if len(pairs) % 2:
                nxt.append(pairs[-1])
            pairs = nxt
        return pairs[0]

    def col_body(col):
        cb = col * _L
        tcl = col // (128 // _L)
        toff = (col % (128 // _L)) * _L
        tcl_v = jnp.zeros((_L,), jnp.int32) + tcl
        tin_v = toff + lanes

        gs = []
        for g in range(N_GROUP):
            m1 = sc_v[g, tcl, 0, pl.ds(toff, _L)]
            m2 = neg_inf
            for j in range(1, PER_GROUP):
                v = sc_v[g, tcl, j, pl.ds(toff, _L)]
                m2 = jnp.maximum(m2, jnp.minimum(m1, v))
                m1 = jnp.maximum(m1, v)
            gs.append(m1 + m2)

        gids = []
        for _ in range(TOPK_GROUP):
            m, gi = argmax_tree(
                [(gs[g], jnp.full((_L,), g, jnp.int32)) for g in range(N_GROUP)])
            gids.append(gi)
            for g in range(N_GROUP):
                gs[g] = jnp.where(gi == g, neg_inf, gs[g])

        vals = []
        for r in range(TOPK_GROUP):
            for j in range(PER_GROUP):
                jv = jnp.full((_L,), j, jnp.int32)
                vals.append(plsc.load_gather(sc_v, [gids[r], tcl_v, jv, tin_v]))

        ncand = TOPK_GROUP * PER_GROUP
        cposs = [jnp.full((_L,), c, jnp.int32) for c in range(ncand)]
        ws = []
        for r in range(TOP_K):
            m, mi = argmax_tree(list(zip(vals, cposs)))
            rk = mi >> 3
            ge = jnp.where(rk == 0, gids[0],
                           jnp.where(rk == 1, gids[1],
                                     jnp.where(rk == 2, gids[2], gids[3])))
            eor = ge * PER_GROUP + (mi & 7)
            b = plsc.load_gather(bias_v, [eor])
            oi_v[tcl, r, pl.ds(toff, _L)] = eor
            ws.append(m - b)
            if r < TOP_K - 1:
                for c in range(ncand):
                    vals[c] = jnp.where(mi == c, neg_inf, vals[c])

        ssum = (((ws[0] + ws[1]) + (ws[2] + ws[3]))
                + ((ws[4] + ws[5]) + (ws[6] + ws[7]))) + 1e-20
        scale = ROUTED_SCALING / ssum
        for r in range(TOP_K):
            ow_v[tcl, r, pl.ds(toff, _L)] = ws[r] * scale

    plsc.parallel_loop(0, cols, unroll=2)(col_body)

    pltpu.sync_copy(oi_v, idx_hbm.at[pl.ds(wid * ntcol, ntcol)])
    pltpu.sync_copy(ow_v, w_hbm.at[pl.ds(wid * ntcol, ntcol)])


def _sc_route(sfc5, bias):
    tpw = sfc5.shape[2] * 128
    t = sfc5.shape[0] * tpw
    mesh = plsc.VectorSubcoreMesh(core_axis_name="c", subcore_axis_name="s")
    fn = pl.kernel(
        _sc_route_body,
        out_type=[
            jax.ShapeDtypeStruct((t // 128, TOP_K, 128), jnp.int32),
            jax.ShapeDtypeStruct((t // 128, TOP_K, 128), jnp.float32),
        ],
        mesh=mesh,
        compiler_params=pltpu.CompilerParams(
            needs_layout_passes=False, use_tc_tiling_on_sc=False),
        scratch_types=[
            pltpu.VMEM((N_GROUP, tpw // 128, PER_GROUP, 128), jnp.float32),
            pltpu.VMEM((N_EXPERTS,), jnp.float32),
            pltpu.VMEM((tpw // 128, TOP_K, 128), jnp.float32),
            pltpu.VMEM((tpw // 128, TOP_K, 128), jnp.int32),
        ],
    )
    return fn(sfc5, bias)


def kernel(hidden_states, weight, e_score_correction_bias):
    b, s, h = hidden_states.shape
    t = b * s
    x = hidden_states.reshape(t, h).astype(jnp.float32)
    sfc = _tc_scores(x, weight.astype(jnp.float32),
                     e_score_correction_bias.reshape(N_EXPERTS, 1), 512)
    idx_3, w_3 = _sc_route(sfc, e_score_correction_bias)
    return (idx_3.transpose(0, 2, 1).reshape(t, TOP_K),
            w_3.transpose(0, 2, 1).reshape(t, TOP_K))

# --- scband reference (transcript-rebuilt; emitter-appended) ---
"""Pipeline reference for scband-kimi-k25-text-mo-egate-55662776156364 (READ-ONLY COPY).

The authoritative reference and input builder live on the scoring server;
editing this copy changes nothing except your own understanding.
"""

import jax, jax.numpy as jnp
import numpy as np

TOP_K = 8
N_EXPERTS = 64
N_GROUP = 8
TOPK_GROUP = 4
HIDDEN = 4096
ROUTED_SCALING = 2.5
NORM_TOPK_PROB = True


def setup_inputs(seed: int = 0) -> dict:
    key = jax.random.key(seed)
    k1, k2 = jax.random.split(key, 2)
    hidden_states = jax.random.normal(k1, (4, 4096, HIDDEN), dtype=jnp.float32)
    # kaiming_uniform_(a=sqrt(5)) on (n_experts, hidden) -> bound = 1/sqrt(fan_in)
    bound = 1.0 / np.sqrt(HIDDEN)
    weight = jax.random.uniform(k2, (N_EXPERTS, HIDDEN), minval=-bound, maxval=bound, dtype=jnp.float32)
    e_score_correction_bias = jnp.zeros((N_EXPERTS,), dtype=jnp.float32)
    return {'hidden_states': hidden_states, 'weight': weight, 'e_score_correction_bias': e_score_correction_bias}


def reference(hidden_states, weight, e_score_correction_bias):
    B, S, H = hidden_states.shape
    T = B * S
    x = hidden_states.reshape(-1, H).astype(jnp.float32)
    logits = x @ weight.astype(jnp.float32).T
    scores = jax.nn.sigmoid(logits)
    scores_for_choice = scores + e_score_correction_bias[None, :]
    per_group = N_EXPERTS // N_GROUP
    grp = scores_for_choice.reshape(T, N_GROUP, per_group)
    top2_vals = jax.lax.top_k(grp, 2)[0]
    group_scores = top2_vals.sum(axis=-1)
    group_idx = jax.lax.top_k(group_scores, TOPK_GROUP)[1]
    group_mask = jnp.zeros_like(group_scores).at[jnp.arange(T)[:, None], group_idx].set(1.0)
    score_mask = jnp.broadcast_to(group_mask[:, :, None], (T, N_GROUP, per_group)).reshape(T, -1)
    tmp_scores = jnp.where(score_mask > 0, scores_for_choice, 0.0)
    _, topk_idx = jax.lax.top_k(tmp_scores, TOP_K)
    topk_weight = jnp.take_along_axis(scores, topk_idx, axis=1)
    if TOP_K > 1 and NORM_TOPK_PROB:
        topk_weight = topk_weight / (topk_weight.sum(axis=-1, keepdims=True) + 1e-20)
    topk_weight = topk_weight * ROUTED_SCALING
    return (topk_idx, topk_weight)

if __name__ == "__main__":
    import jax
    _d = setup_inputs()
    print(jax.jit(kernel)(*tuple(_d.values())))

</pallas_src>

<mosaic_0001>
#map = affine_map<(d0, d1) -> (0, 0, 0, 0, 0)>
#map1 = affine_map<(d0, d1) -> (0)>
#map2 = affine_map<(d0, d1) -> (0, 0, 0)>
module attributes {stable_mosaic.version = 14 : i64} {
  func.func @_sc_route_body(%arg0: i32, %arg1: i32, %arg2: memref<32x8x4x8x128xf32, #tpu.memory_space<hbm>>, %arg3: memref<64xf32, #tpu.memory_space<hbm>>, %arg4: memref<128x8x128xi32, #tpu.memory_space<hbm>>, %arg5: memref<128x8x128xf32, #tpu.memory_space<hbm>>, %arg6: memref<8x4x8x128xf32, #tpu.memory_space<vmem>>, %arg7: memref<64xf32, #tpu.memory_space<vmem>>, %arg8: memref<4x8x128xf32, #tpu.memory_space<vmem>>, %arg9: memref<4x8x128xi32, #tpu.memory_space<vmem>>) attributes {dimension_semantics = [#tpu.dimension_semantics<core_parallel>, #tpu.dimension_semantics<subcore_parallel>], iteration_bounds = array<i64: 2, 16>, scalar_prefetch = 0 : i64, scratch_operands = 4 : i64, tpu.core_type = #tpu.core_type<sc_vector_subcore>, window_params = [{transform_indices = #map}, {transform_indices = #map1}, {transform_indices = #map2}, {transform_indices = #map2}]} {
    %mul3A = arith.constant 2 : i32
    %mul3A_0 = arith.muli %arg1, %mul3A : i32
    %add3A = arith.addi %mul3A_0, %arg0 : i32
    %mul3A_1 = arith.constant 512 : i32
    %mul3A_2 = arith.muli %add3A, %mul3A_1 : i32
    "tpu.region"() ({
      %run_scoped3A = tpu.sem_alloc : memref<!tpu.dma_semaphore, #tpu.memory_space<semaphore_mem>>
      %dma_start3A = arith.constant 0 : i32
      %dma_start3A_10 = arith.constant 0 : i32
      %dma_start3A_11 = arith.constant 0 : i32
      %dma_start3A_12 = arith.constant 0 : i32
      %dma_start3A_13 = tpu.memref_slice %arg2[%add3A, %dma_start3A, %dma_start3A_10, %dma_start3A_11, %dma_start3A_12] : memref<32x8x4x8x128xf32, #tpu.memory_space<hbm>> -> memref<1x8x4x8x128xf32, #tpu.memory_space<hbm>>
      %dma_start3A_14 = tpu.memref_squeeze %dma_start3A_13 : memref<1x8x4x8x128xf32, #tpu.memory_space<hbm>> -> memref<8x4x8x128xf32, #tpu.memory_space<hbm>>
      %dma_start3A_15 = arith.constant 0 : i32
      %dma_start3A_16 = arith.constant 0 : i32
      %dma_start3A_17 = arith.constant 0 : i32
      %dma_start3A_18 = arith.constant 0 : i32
      %dma_start3A_19 = tpu.memref_slice %arg2[%add3A, %dma_start3A_15, %dma_start3A_16, %dma_start3A_17, %dma_start3A_18] : memref<32x8x4x8x128xf32, #tpu.memory_space<hbm>> -> memref<1x8x4x8x128xf32, #tpu.memory_space<hbm>>
      %dma_start3A_20 = tpu.memref_squeeze %dma_start3A_19 : memref<1x8x4x8x128xf32, #tpu.memory_space<hbm>> -> memref<8x4x8x128xf32, #tpu.memory_space<hbm>>
      tpu.enqueue_dma source(%dma_start3A_20 : memref<8x4x8x128xf32, #tpu.memory_space<hbm>>) target(%arg6 : memref<8x4x8x128xf32, #tpu.memory_space<vmem>>) target_semaphore(%run_scoped3A : memref<!tpu.dma_semaphore, #tpu.memory_space<semaphore_mem>>)
      %dma_wait3A = arith.constant 0 : i32
      %dma_wait3A_21 = arith.constant 0 : i32
      %dma_wait3A_22 = arith.constant 0 : i32
      %dma_wait3A_23 = arith.constant 0 : i32
      %dma_wait3A_24 = tpu.memref_slice %arg2[%add3A, %dma_wait3A, %dma_wait3A_21, %dma_wait3A_22, %dma_wait3A_23] : memref<32x8x4x8x128xf32, #tpu.memory_space<hbm>> -> memref<1x8x4x8x128xf32, #tpu.memory_space<hbm>>
      %dma_wait3A_25 = tpu.memref_squeeze %dma_wait3A_24 : memref<1x8x4x8x128xf32, #tpu.memory_space<hbm>> -> memref<8x4x8x128xf32, #tpu.memory_space<hbm>>
      %dma_wait3A_26 = arith.constant 0 : i32
      %dma_wait3A_27 = arith.constant 0 : i32
      %dma_wait3A_28 = arith.constant 0 : i32
      %dma_wait3A_29 = arith.constant 0 : i32
      %dma_wait3A_30 = tpu.memref_slice %arg2[%add3A, %dma_wait3A_26, %dma_wait3A_27, %dma_wait3A_28, %dma_wait3A_29] : memref<32x8x4x8x128xf32, #tpu.memory_space<hbm>> -> memref<1x8x4x8x128xf32, #tpu.memory_space<hbm>>
      %dma_wait3A_31 = tpu.memref_squeeze %dma_wait3A_30 : memref<1x8x4x8x128xf32, #tpu.memory_space<hbm>> -> memref<8x4x8x128xf32, #tpu.memory_space<hbm>>
      tpu.wait_dma2 semaphore(%run_scoped3A : memref<!tpu.dma_semaphore, #tpu.memory_space<semaphore_mem>>) src(%dma_wait3A_31 : memref<8x4x8x128xf32, #tpu.memory_space<hbm>>) dst(%arg6 : memref<8x4x8x128xf32, #tpu.memory_space<vmem>>)
      tpu.yield
    }) : () -> ()
    "tpu.region"() ({
      %run_scoped3A = tpu.sem_alloc : memref<!tpu.dma_semaphore, #tpu.memory_space<semaphore_mem>>
      tpu.enqueue_dma source(%arg3 : memref<64xf32, #tpu.memory_space<hbm>>) target(%arg7 : memref<64xf32, #tpu.memory_space<vmem>>) target_semaphore(%run_scoped3A : memref<!tpu.dma_semaphore, #tpu.memory_space<semaphore_mem>>)
      tpu.wait_dma2 semaphore(%run_scoped3A : memref<!tpu.dma_semaphore, #tpu.memory_space<semaphore_mem>>) src(%arg3 : memref<64xf32, #tpu.memory_space<hbm>>) dst(%arg7 : memref<64xf32, #tpu.memory_space<vmem>>)
      tpu.yield
    }) : () -> ()
    %iota3A = tpu.iota {dimensions = array<i32: 0>} : vector<16xi32>
    %broadcast_in_dim3A = arith.constant 0xFF800000 : f32
    %broadcast_in_dim3A_3 = vector.broadcast %broadcast_in_dim3A : f32 to vector<16xf32>
    %parallel_loop3A = arith.constant 0 : i32
    %parallel_loop3A_4 = arith.constant 32 : i32
    %parallel_loop3A_5 = arith.constant 1 : i32
    scf.for %parallel_loop3A_10 = %parallel_loop3A to %parallel_loop3A_4 step %parallel_loop3A_5  : i32 {
      %parallel_loop3A_11 = arith.constant 16 : i32
      %parallel_loop3A_12 = arith.muli %parallel_loop3A_10, %parallel_loop3A_11 : i32
      %parallel_loop3A_13 = arith.constant 8 : i32
      %parallel_loop3A_14 = arith.divsi %parallel_loop3A_10, %parallel_loop3A_13 : i32
      %parallel_loop3A_15 = arith.constant 0 : i32
      %parallel_loop3A_16 = arith.cmpi sgt, %parallel_loop3A_10, %parallel_loop3A_15 : i32
      %parallel_loop3A_17 = arith.extui %parallel_loop3A_16 : i1 to i32
      %parallel_loop3A_18 = arith.constant 0 : i32
      %parallel_loop3A_19 = arith.cmpi slt, %parallel_loop3A_10, %parallel_loop3A_18 : i32
      %parallel_loop3A_20 = arith.extui %parallel_loop3A_19 : i1 to i32
      %parallel_loop3A_21 = arith.subi %parallel_loop3A_17, %parallel_loop3A_20 : i32
      %parallel_loop3A_22 = arith.constant 0 : i32
      %parallel_loop3A_23 = arith.cmpi sgt, %parallel_loop3A_13, %parallel_loop3A_22 : i32
      %parallel_loop3A_24 = arith.extui %parallel_loop3A_23 : i1 to i32
      %parallel_loop3A_25 = arith.constant 0 : i32
      %parallel_loop3A_26 = arith.cmpi slt, %parallel_loop3A_13, %parallel_loop3A_25 : i32
      %parallel_loop3A_27 = arith.extui %parallel_loop3A_26 : i1 to i32
      %parallel_loop3A_28 = arith.subi %parallel_loop3A_24, %parallel_loop3A_27 : i32
      %parallel_loop3A_29 = arith.cmpi ne, %parallel_loop3A_21, %parallel_loop3A_28 : i32
      %parallel_loop3A_30 = arith.remsi %parallel_loop3A_10, %parallel_loop3A_13 : i32
      %parallel_loop3A_31 = arith.constant 0 : i32
      %parallel_loop3A_32 = arith.cmpi ne, %parallel_loop3A_30, %parallel_loop3A_31 : i32
      %parallel_loop3A_33 = arith.andi %parallel_loop3A_29, %parallel_loop3A_32 : i1
      %parallel_loop3A_34 = arith.constant 1 : i32
      %parallel_loop3A_35 = arith.subi %parallel_loop3A_14, %parallel_loop3A_34 : i32
      %parallel_loop3A_36 = arith.select %parallel_loop3A_33, %parallel_loop3A_35, %parallel_loop3A_14 : i32
      %parallel_loop3A_37 = arith.constant 8 : i32
      %parallel_loop3A_38 = arith.constant 0 : i32
      %parallel_loop3A_39 = arith.cmpi eq, %parallel_loop3A_37, %parallel_loop3A_38 : i32
      %parallel_loop3A_40 = arith.constant 1 : i32
      %parallel_loop3A_41 = arith.select %parallel_loop3A_39, %parallel_loop3A_40, %parallel_loop3A_37 : i32
      %parallel_loop3A_42 = arith.remsi %parallel_loop3A_10, %parallel_loop3A_41 : i32
      %parallel_loop3A_43 = arith.constant 0 : i32
      %parallel_loop3A_44 = arith.cmpi ne, %parallel_loop3A_42, %parallel_loop3A_43 : i32
      %parallel_loop3A_45 = arith.constant 0 : i32
      %parallel_loop3A_46 = arith.cmpi slt, %parallel_loop3A_42, %parallel_loop3A_45 : i32
      %parallel_loop3A_47 = arith.constant 0 : i32
      %parallel_loop3A_48 = arith.cmpi slt, %parallel_loop3A_41, %parallel_loop3A_47 : i32
      %parallel_loop3A_49 = arith.xori %parallel_loop3A_46, %parallel_loop3A_48 : i1
      %parallel_loop3A_50 = arith.andi %parallel_loop3A_49, %parallel_loop3A_44 : i1
      %parallel_loop3A_51 = arith.addi %parallel_loop3A_42, %parallel_loop3A_41 : i32
      %parallel_loop3A_52 = arith.select %parallel_loop3A_50, %parallel_loop3A_51, %parallel_loop3A_42 : i32
      %parallel_loop3A_53 = arith.constant 16 : i32
      %parallel_loop3A_54 = arith.muli %parallel_loop3A_52, %parallel_loop3A_53 : i32
      %parallel_loop3A_55 = arith.constant 0 : i32
      %parallel_loop3A_56 = vector.broadcast %parallel_loop3A_55 : i32 to vector<16xi32>
      %parallel_loop3A_57 = vector.broadcast %parallel_loop3A_36 : i32 to vector<16xi32>
      %parallel_loop3A_58 = arith.addi %parallel_loop3A_56, %parallel_loop3A_57 : vector<16xi32>
      %parallel_loop3A_59 = vector.broadcast %parallel_loop3A_54 : i32 to vector<16xi32>
      %parallel_loop3A_60 = arith.addi %parallel_loop3A_59, %iota3A : vector<16xi32>
      %parallel_loop3A_61 = arith.constant 0 : i32
      %parallel_loop3A_62 = arith.constant 0 : i32
      %parallel_loop3A_63 = arith.index_cast %parallel_loop3A_61 : i32 to index
      %parallel_loop3A_64 = arith.index_cast %parallel_loop3A_36 : i32 to index
      %parallel_loop3A_65 = arith.index_cast %parallel_loop3A_62 : i32 to index
      %parallel_loop3A_66 = arith.index_cast %parallel_loop3A_54 : i32 to index
      %parallel_loop3A_67 = tpu.vector_load %arg6[%parallel_loop3A_63, %parallel_loop3A_64, %parallel_loop3A_65, %parallel_loop3A_66] {strides = array<i32>} : memref<8x4x8x128xf32, #tpu.memory_space<vmem>>, vector<16xf32>,
      %parallel_loop3A_68 = arith.constant 0 : i32
      %parallel_loop3A_69 = arith.constant 1 : i32
      %parallel_loop3A_70 = arith.index_cast %parallel_loop3A_68 : i32 to index
      %parallel_loop3A_71 = arith.index_cast %parallel_loop3A_36 : i32 to index
      %parallel_loop3A_72 = arith.index_cast %parallel_loop3A_69 : i32 to index
      %parallel_loop3A_73 = arith.index_cast %parallel_loop3A_54 : i32 to index
      %parallel_loop3A_74 = tpu.vector_load %arg6[%parallel_loop3A_70, %parallel_loop3A_71, %parallel_loop3A_72, %parallel_loop3A_73] {strides = array<i32>} : memref<8x4x8x128xf32, #tpu.memory_space<vmem>>, vector<16xf32>,
      %parallel_loop3A_75 = arith.minimumf %parallel_loop3A_67, %parallel_loop3A_74 : vector<16xf32>
      %parallel_loop3A_76 = arith.maximumf %broadcast_in_dim3A_3, %parallel_loop3A_75 : vector<16xf32>
      %parallel_loop3A_77 = arith.maximumf %parallel_loop3A_67, %parallel_loop3A_74 : vector<16xf32>
      %parallel_loop3A_78 = arith.constant 0 : i32
      %parallel_loop3A_79 = arith.constant 2 : i32
      %parallel_loop3A_80 = arith.index_cast %parallel_loop3A_78 : i32 to index
      %parallel_loop3A_81 = arith.index_cast %parallel_loop3A_36 : i32 to index
      %parallel_loop3A_82 = arith.index_cast %parallel_loop3A_79 : i32 to index
      %parallel_loop3A_83 = arith.index_cast %parallel_loop3A_54 : i32 to index
      %parallel_loop3A_84 = tpu.vector_load %arg6[%parallel_loop3A_80, %parallel_loop3A_81, %parallel_loop3A_82, %parallel_loop3A_83] {strides = array<i32>} : memref<8x4x8x128xf32, #tpu.memory_space<vmem>>, vector<16xf32>,
      %parallel_loop3A_85 = arith.minimumf %parallel_loop3A_77, %parallel_loop3A_84 : vector<16xf32>
      %parallel_loop3A_86 = arith.maximumf %parallel_loop3A_76, %parallel_loop3A_85 : vector<16xf32>
      %parallel_loop3A_87 = arith.maximumf %parallel_loop3A_77, %parallel_loop3A_84 : vector<16xf32>
      %parallel_loop3A_88 = arith.constant 0 : i32
      %parallel_loop3A_89 = arith.constant 3 : i32
      %parallel_loop3A_90 = arith.index_cast %parallel_loop3A_88 : i32 to index
      %parallel_loop3A_91 = arith.index_cast %parallel_loop3A_36 : i32 to index
      %parallel_loop3A_92 = arith.index_cast %parallel_loop3A_89 : i32 to index
      %parallel_loop3A_93 = arith.index_cast %parallel_loop3A_54 : i32 to index
      %parallel_loop3A_94 = tpu.vector_load %arg6[%parallel_loop3A_90, %parallel_loop3A_91, %parallel_loop3A_92, %parallel_loop3A_93] {strides = array<i32>} : memref<8x4x8x128xf32, #tpu.memory_space<vmem>>, vector<16xf32>,
      %parallel_loop3A_95 = arith.minimumf %parallel_loop3A_87, %parallel_loop3A_94 : vector<16xf32>
      %parallel_loop3A_96 = arith.maximumf %parallel_loop3A_86, %parallel_loop3A_95 : vector<16xf32>
      %parallel_loop3A_97 = arith.maximumf %parallel_loop3A_87, %parallel_loop3A_94 : vector<16xf32>
      %parallel_loop3A_98 = arith.constant 0 : i32
      %parallel_loop3A_99 = arith.constant 4 : i32
      %parallel_loop3A_100 = arith.index_cast %parallel_loop3A_98 : i32 to index
      %parallel_loop3A_101 = arith.index_cast %parallel_loop3A_36 : i32 to index
      %parallel_loop3A_102 = arith.index_cast %parallel_loop3A_99 : i32 to index
      %parallel_loop3A_103 = arith.index_cast %parallel_loop3A_54 : i32 to index
      %parallel_loop3A_104 = tpu.vector_load %arg6[%parallel_loop3A_100, %parallel_loop3A_101, %parallel_loop3A_102, %parallel_loop3A_103] {strides = array<i32>} : memref<8x4x8x128xf32, #tpu.memory_space<vmem>>, vector<16xf32>,
      %parallel_loop3A_105 = arith.minimumf %parallel_loop3A_97, %parallel_loop3A_104 : vector<16xf32>
      %parallel_loop3A_106 = arith.maximumf %parallel_loop3A_96, %parallel_loop3A_105 : vector<16xf32>
      %parallel_loop3A_107 = arith.maximumf %parallel_loop3A_97, %parallel_loop3A_104 : vector<16xf32>
      %parallel_loop3A_108 = arith.constant 0 : i32
      %parallel_loop3A_109 = arith.constant 5 : i32
      %parallel_loop3A_110 = arith.index_cast %parallel_loop3A_108 : i32 to index
      %parallel_loop3A_111 = arith.index_cast %parallel_loop3A_36 : i32 to index
      %parallel_loop3A_112 = arith.index_cast %parallel_loop3A_109 : i32 to index
      %parallel_loop3A_113 = arith.index_cast %parallel_loop3A_54 : i32 to index
      %parallel_loop3A_114 = tpu.vector_load %arg6[%parallel_loop3A_110, %parallel_loop3A_111, %parallel_loop3A_112, %parallel_loop3A_113] {strides = array<i32>} : memref<8x4x8x128xf32, #tpu.memory_space<vmem>>, vector<16xf32>,
      %parallel_loop3A_115 = arith.minimumf %parallel_loop3A_107, %parallel_loop3A_114 : vector<16xf32>
      %parallel_loop3A_116 = arith.maximumf %parallel_loop3A_106, %parallel_loop3A_115 : vector<16xf32>
      %parallel_loop3A_117 = arith.maximumf %parallel_loop3A_107, %parallel_loop3A_114 : vector<16xf32>
      %parallel_loop3A_118 = arith.constant 0 : i32
      %parallel_loop3A_119 = arith.constant 6 : i32
      %parallel_loop3A_120 = arith.index_cast %parallel_loop3A_118 : i32 to index
      %parallel_loop3A_121 = arith.index_cast %parallel_loop3A_36 : i32 to index
      %parallel_loop3A_122 = arith.index_cast %parallel_loop3A_119 : i32 to index
      %parallel_loop3A_123 = arith.index_cast %parallel_loop3A_54 : i32 to index
      %parallel_loop3A_124 = tpu.vector_load %arg6[%parallel_loop3A_120, %parallel_loop3A_121, %parallel_loop3A_122, %parallel_loop3A_123] {strides = array<i32>} : memref<8x4x8x128xf32, #tpu.memory_space<vmem>>, vector<16xf32>,
      %parallel_loop3A_125 = arith.minimumf %parallel_loop3A_117, %parallel_loop3A_124 : vector<16xf32>
      %parallel_loop3A_126 = arith.maximumf %parallel_loop3A_116, %parallel_loop3A_125 : vector<16xf32>
      %parallel_loop3A_127 = arith.maximumf %parallel_loop3A_117, %parallel_loop3A_124 : vector<16xf32>
      %parallel_loop3A_128 = arith.constant 0 : i32
      %parallel_loop3A_129 = arith.constant 7 : i32
      %parallel_loop3A_130 = arith.index_cast %parallel_loop3A_128 : i32 to index
      %parallel_loop3A_131 = arith.index_cast %parallel_loop3A_36 : i32 to index
      %parallel_loop3A_132 = arith.index_cast %parallel_loop3A_129 : i32 to index
      %parallel_loop3A_133 = arith.index_cast %parallel_loop3A_54 : i32 to index
      %parallel_loop3A_134 = tpu.vector_load %arg6[%parallel_loop3A_130, %parallel_loop3A_131, %parallel_loop3A_132, %parallel_loop3A_133] {strides = array<i32>} : memref<8x4x8x128xf32, #tpu.memory_space<vmem>>, vector<16xf32>,
      %parallel_loop3A_135 = arith.minimumf %parallel_loop3A_127, %parallel_loop3A_134 : vector<16xf32>
      %parallel_loop3A_136 = arith.maximumf %parallel_loop3A_126, %parallel_loop3A_135 : vector<16xf32>
      %parallel_loop3A_137 = arith.maximumf %parallel_loop3A_127, %parallel_loop3A_134 : vector<16xf32>
      %parallel_loop3A_138 = arith.addf %parallel_loop3A_137, %parallel_loop3A_136 : vector<16xf32>
      %parallel_loop3A_139 = arith.constant 1 : i32
      %parallel_loop3A_140 = arith.constant 0 : i32
      %parallel_loop3A_141 = arith.index_cast %parallel_loop3A_139 : i32 to index
      %parallel_loop3A_142 = arith.index_cast %parallel_loop3A_36 : i32 to index
      %parallel_loop3A_143 = arith.index_cast %parallel_loop3A_140 : i32 to index
      %parallel_loop3A_144 = arith.index_cast %parallel_loop3A_54 : i32 to index
      %parallel_loop3A_145 = tpu.vector_load %arg6[%parallel_loop3A_141, %parallel_loop3A_142, %parallel_loop3A_143, %parallel_loop3A_144] {strides = array<i32>} : memref<8x4x8x128xf32, #tpu.memory_space<vmem>>, vector<16xf32>,
      %parallel_loop3A_146 = arith.constant 1 : i32
      %parallel_loop3A_147 = arith.constant 1 : i32
      %parallel_loop3A_148 = arith.index_cast %parallel_loop3A_146 : i32 to index
      %parallel_loop3A_149 = arith.index_cast %parallel_loop3A_36 : i32 to index
      %parallel_loop3A_150 = arith.index_cast %parallel_loop3A_147 : i32 to index
      %parallel_loop3A_151 = arith.index_cast %parallel_loop3A_54 : i32 to index
      %parallel_loop3A_152 = tpu.vector_load %arg6[%parallel_loop3A_148, %parallel_loop3A_149, %parallel_loop3A_150, %parallel_loop3A_151] {strides = array<i32>} : memref<8x4x8x128xf32, #tpu.memory_space<vmem>>, vector<16xf32>,
      %parallel_loop3A_153 = arith.minimumf %parallel_loop3A_145, %parallel_loop3A_152 : vector<16xf32>
      %parallel_loop3A_154 = arith.maximumf %broadcast_in_dim3A_3, %parallel_loop3A_153 : vector<16xf32>
      %parallel_loop3A_155 = arith.maximumf %parallel_loop3A_145, %parallel_loop3A_152 : vector<16xf32>
      %parallel_loop3A_156 = arith.constant 1 : i32
      %parallel_loop3A_157 = arith.constant 2 : i32
      %parallel_loop3A_158 = arith.index_cast %parallel_loop3A_156 : i32 to index
      %parallel_loop3A_159 = arith.index_cast %parallel_loop3A_36 : i32 to index
      %parallel_loop3A_160 = arith.index_cast %parallel_loop3A_157 : i32 to index
      %parallel_loop3A_161 = arith.index_cast %parallel_loop3A_54 : i32 to index
      %parallel_loop3A_162 = tpu.vector_load %arg6[%parallel_loop3A_158, %parallel_loop3A_159, %parallel_loop3A_160, %parallel_loop3A_161] {strides = array<i32>} : memref<8x4x8x128xf32, #tpu.memory_space<vmem>>, vector<16xf32>,
      %parallel_loop3A_163 = arith.minimumf %parallel_loop3A_155, %parallel_loop3A_162 : vector<16xf32>
      %parallel_loop3A_164 = arith.maximumf %parallel_loop3A_154, %parallel_loop3A_163 : vector<16xf32>
      %parallel_loop3A_165 = arith.maximumf %parallel_loop3A_155, %parallel_loop3A_162 : vector<16xf32>
      %parallel_loop3A_166 = arith.constant 1 : i32
      %parallel_loop3A_167 = arith.constant 3 : i32
      %parallel_loop3A_168 = arith.index_cast %parallel_loop3A_166 : i32 to index
      %parallel_loop3A_169 = arith.index_cast %parallel_loop3A_36 : i32 to index
      %parallel_loop3A_170 = arith.index_cast %parallel_loop3A_167 : i32 to index
      %parallel_loop3A_171 = arith.index_cast %parallel_loop3A_54 : i32 to index
      %parallel_loop3A_172 = tpu.vector_load %arg6[%parallel_loop3A_168, %parallel_loop3A_169, %parallel_loop3A_170, %parallel_loop3A_171] {strides = array<i32>} : memref<8x4x8x128xf32, #tpu.memory_space<vmem>>, vector<16xf32>,
      %parallel_loop3A_173 = arith.minimumf %parallel_loop3A_165, %parallel_loop3A_172 : vector<16xf32>
      %parallel_loop3A_174 = arith.maximumf %parallel_loop3A_164, %parallel_loop3A_173 : vector<16xf32>
      %parallel_loop3A_175 = arith.maximumf %parallel_loop3A_165, %parallel_loop3A_172 : vector<16xf32>
      %parallel_loop3A_176 = arith.constant 1 : i32
      %parallel_loop3A_177 = arith.constant 4 : i32
      %parallel_loop3A_178 = arith.index_cast %parallel_loop3A_176 : i32 to index
      %parallel_loop3A_179 = arith.index_cast %parallel_loop3A_36 : i32 to index
      %parallel_loop3A_180 = arith.index_cast %parallel_loop3A_177 : i32 to index
      %parallel_loop3A_181 = arith.index_cast %parallel_loop3A_54 : i32 to index
      %parallel_loop3A_182 = tpu.vector_load %arg6[%parallel_loop3A_178, %parallel_loop3A_179, %parallel_loop3A_180, %parallel_loop3A_181] {strides = array<i32>} : memref<8x4x8x128xf32, #tpu.memory_space<vmem>>, vector<16xf32>,
      %parallel_loop3A_183 = arith.minimumf %parallel_loop3A_175, %parallel_loop3A_182 : vector<16xf32>
      %parallel_loop3A_184 = arith.maximumf %parallel_loop3A_174, %parallel_loop3A_183 : vector<16xf32>
      %parallel_loop3A_185 = arith.maximumf %parallel_loop3A_175, %parallel_loop3A_182 : vector<16xf32>
      %parallel_loop3A_186 = arith.constant 1 : i32
      %parallel_loop3A_187 = arith.constant 5 : i32
      %parallel_loop3A_188 = arith.index_cast %parallel_loop3A_186 : i32 to index
      %parallel_loop3A_189 = arith.index_cast %parallel_loop3A_36 : i32 to index
      %parallel_loop3A_190 = arith.index_cast %parallel_loop3A_187 : i32 to index
      %parallel_loop3A_191 = arith.index_cast %parallel_loop3A_54 : i32 to index
      %parallel_loop3A_192 = tpu.vector_load %arg6[%parallel_loop3A_188, %parallel_loop3A_189, %parallel_loop3A_190, %parallel_loop3A_191] {strides = array<i32>} : memref<8x4x8x128xf32, #tpu.memory_space<vmem>>, vector<16xf32>,
      %parallel_loop3A_193 = arith.minimumf %parallel_loop3A_185, %parallel_loop3A_192 : vector<16xf32>
      %parallel_loop3A_194 = arith.maximumf %parallel_loop3A_184, %parallel_loop3A_193 : vector<16xf32>
      %parallel_loop3A_195 = arith.maximumf %parallel_loop3A_185, %parallel_loop3A_192 : vector<16xf32>
      %parallel_loop3A_196 = arith.constant 1 : i32
      %parallel_loop3A_197 = arith.constant 6 : i32
      %parallel_loop3A_198 = arith.index_cast %parallel_loop3A_196 : i32 to index
      %parallel_loop3A_199 = arith.index_cast %parallel_loop3A_36 : i32 to index
      %parallel_loop3A_200 = arith.index_cast %parallel_loop3A_197 : i32 to index
      %parallel_loop3A_201 = arith.index_cast %parallel_loop3A_54 : i32 to index
      %parallel_loop3A_202 = tpu.vector_load %arg6[%parallel_loop3A_198, %parallel_loop3A_199, %parallel_loop3A_200, %parallel_loop3A_201] {strides = array<i32>} : memref<8x4x8x128xf32, #tpu.memory_space<vmem>>, vector<16xf32>,
      %parallel_loop3A_203 = arith.minimumf %parallel_loop3A_195, %parallel_loop3A_202 : vector<16xf32>
      %parallel_loop3A_204 = arith.maximumf %parallel_loop3A_194, %parallel_loop3A_203 : vector<16xf32>
      %parallel_loop3A_205 = arith.maximumf %parallel_loop3A_195, %parallel_loop3A_202 : vector<16xf32>
      %parallel_loop3A_206 = arith.constant 1 : i32
      %parallel_loop3A_207 = arith.constant 7 : i32
      %parallel_loop3A_208 = arith.index_cast %parallel_loop3A_206 : i32 to index
      %parallel_loop3A_209 = arith.index_cast %parallel_loop3A_36 : i32 to index
      %parallel_loop3A_210 = arith.index_cast %parallel_loop3A_207 : i32 to index
      %parallel_loop3A_211 = arith.index_cast %parallel_loop3A_54 : i32 to index
      %parallel_loop3A_212 = tpu.vector_load %arg6[%parallel_loop3A_208, %parallel_loop3A_209, %parallel_loop3A_210, %parallel_loop3A_211] {strides = array<i32>} : memref<8x4x8x128xf32, #tpu.memory_space<vmem>>, vector<16xf32>,
      %parallel_loop3A_213 = arith.minimumf %parallel_loop3A_205, %parallel_loop3A_212 : vector<16xf32>
      %parallel_loop3A_214 = arith.maximumf %parallel_loop3A_204, %parallel_loop3A_213 : vector<16xf32>
      %parallel_loop3A_215 = arith.maximumf %parallel_loop3A_205, %parallel_loop3A_212 : vector<16xf32>
      %parallel_loop3A_216 = arith.addf %parallel_loop3A_215, %parallel_loop3A_214 : vector<16xf32>
      %parallel_loop3A_217 = arith.constant 2 : i32
      %parallel_loop3A_218 = arith.constant 0 : i32
      %parallel_loop3A_219 = arith.index_cast %parallel_loop3A_217 : i32 to index
      %parallel_loop3A_220 = arith.index_cast %parallel_loop3A_36 : i32 to index
      %parallel_loop3A_221 = arith.index_cast %parallel_loop3A_218 : i32 to index
      %parallel_loop3A_222 = arith.index_cast %parallel_loop3A_54 : i32 to index
      %parallel_loop3A_223 = tpu.vector_load %arg6[%parallel_loop3A_219, %parallel_loop3A_220, %parallel_loop3A_221, %parallel_loop3A_222] {strides = array<i32>} : memref<8x4x8x128xf32, #tpu.memory_space<vmem>>, vector<16xf32>,
      %parallel_loop3A_224 = arith.constant 2 : i32
      %parallel_loop3A_225 = arith.constant 1 : i32
      %parallel_loop3A_226 = arith.index_cast %parallel_loop3A_224 : i32 to index
      %parallel_loop3A_227 = arith.index_cast %parallel_loop3A_36 : i32 to index
      %parallel_loop3A_228 = arith.index_cast %parallel_loop3A_225 : i32 to index
      %parallel_loop3A_229 = arith.index_cast %parallel_loop3A_54 : i32 to index
      %parallel_loop3A_230 = tpu.vector_load %arg6[%parallel_loop3A_226, %parallel_loop3A_227, %parallel_loop3A_228, %parallel_loop3A_229] {strides = array<i32>} : memref<8x4x8x128xf32, #tpu.memory_space<vmem>>, vector<16xf32>,
      %parallel_loop3A_231 = arith.minimumf %parallel_loop3A_223, %parallel_loop3A_230 : vector<16xf32>
      %parallel_loop3A_232 = arith.maximumf %broadcast_in_dim3A_3, %parallel_loop3A_231 : vector<16xf32>
      %parallel_loop3A_233 = arith.maximumf %parallel_loop3A_223, %parallel_loop3A_230 : vector<16xf32>
      %parallel_loop3A_234 = arith.constant 2 : i32
      %parallel_loop3A_235 = arith.constant 2 : i32
      %parallel_loop3A_236 = arith.index_cast %parallel_loop3A_234 : i32 to index
      %parallel_loop3A_237 = arith.index_cast %parallel_loop3A_36 : i32 to index
      %parallel_loop3A_238 = arith.index_cast %parallel_loop3A_235 : i32 to index
      %parallel_loop3A_239 = arith.index_cast %parallel_loop3A_54 : i32 to index
      %parallel_loop3A_240 = tpu.vector_load %arg6[%parallel_loop3A_236, %parallel_loop3A_237, %parallel_loop3A_238, %parallel_loop3A_239] {strides = array<i32>} : memref<8x4x8x128xf32, #tpu.memory_space<vmem>>, vector<16xf32>,
      %parallel_loop3A_241 = arith.minimumf %parallel_loop3A_233, %parallel_loop3A_240 : vector<16xf32>
      %parallel_loop3A_242 = arith.maximumf %parallel_loop3A_232, %parallel_loop3A_241 : vector<16xf32>
      %parallel_loop3A_243 = arith.maximumf %parallel_loop3A_233, %parallel_loop3A_240 : vector<16xf32>
      %parallel_loop3A_244 = arith.constant 2 : i32
      %parallel_loop3A_245 = arith.constant 3 : i32
      %parallel_loop3A_246 = arith.index_cast %parallel_loop3A_244 : i32 to index
      %parallel_loop3A_247 = arith.index_cast %parallel_loop3A_36 : i32 to index
      %parallel_loop3A_248 = arith.index_cast %parallel_loop3A_245 : i32 to index
      %parallel_loop3A_249 = arith.index_cast %parallel_loop3A_54 : i32 to index
      %parallel_loop3A_250 = tpu.vector_load %arg6[%parallel_loop3A_246, %parallel_loop3A_247, %parallel_loop3A_248, %parallel_loop3A_249] {strides = array<i32>} : memref<8x4x8x128xf32, #tpu.memory_space<vmem>>, vector<16xf32>,
      %parallel_loop3A_251 = arith.minimumf %parallel_loop3A_243, %parallel_loop3A_250 : vector<16xf32>
      %parallel_loop3A_252 = arith.maximumf %parallel_loop3A_242, %parallel_loop3A_251 : vector<16xf32>
      %parallel_loop3A_253 = arith.maximumf %parallel_loop3A_243, %parallel_loop3A_250 : vector<16xf32>
      %parallel_loop3A_254 = arith.constant 2 : i32
      %parallel_loop3A_255 = arith.constant 4 : i32
      %parallel_loop3A_256 = arith.index_cast %parallel_loop3A_254 : i32 to index
      %parallel_loop3A_257 = arith.index_cast %parallel_loop3A_36 : i32 to index
      %parallel_loop3A_258 = arith.index_cast %parallel_loop3A_255 : i32 to index
      %parallel_loop3A_259 = arith.index_cast %parallel_loop3A_54 : i32 to index
      %parallel_loop3A_260 = tpu.vector_load %arg6[%parallel_loop3A_256, %parallel_loop3A_257, %parallel_loop3A_258, %parallel_loop3A_259] {strides = array<i32>} : memref<8x4x8x128xf32, #tpu.memory_space<vmem>>, vector<16xf32>,
      %parallel_loop3A_261 = arith.minimumf %parallel_loop3A_253, %parallel_loop3A_260 : vector<16xf32>
      %parallel_loop3A_262 = arith.maximumf %parallel_loop3A_252, %parallel_loop3A_261 : vector<16xf32>
      %parallel_loop3A_263 = arith.maximumf %parallel_loop3A_253, %parallel_loop3A_260 : vector<16xf32>
      %parallel_loop3A_264 = arith.constant 2 : i32
      %parallel_loop3A_265 = arith.constant 5 : i32
      %parallel_loop3A_266 = arith.index_cast %parallel_loop3A_264 : i32 to index
      %parallel_loop3A_267 = arith.index_cast %parallel_loop3A_36 : i32 to index
      %parallel_loop3A_268 = arith.index_cast %parallel_loop3A_265 : i32 to index
      %parallel_loop3A_269 = arith.index_cast %parallel_loop3A_54 : i32 to index
      %parallel_loop3A_270 = tpu.vector_load %arg6[%parallel_loop3A_266, %parallel_loop3A_267, %parallel_loop3A_268, %parallel_loop3A_269] {strides = array<i32>} : memref<8x4x8x128xf32, #tpu.memory_space<vmem>>, vector<16xf32>,
      %parallel_loop3A_271 = arith.minimumf %parallel_loop3A_263, %parallel_loop3A_270 : vector<16xf32>
      %parallel_loop3A_272 = arith.maximumf %parallel_loop3A_262, %parallel_loop3A_271 : vector<16xf32>
      %parallel_loop3A_273 = arith.maximumf %parallel_loop3A_263, %parallel_loop3A_270 : vector<16xf32>
      %parallel_loop3A_274 = arith.constant 2 : i32
      %parallel_loop3A_275 = arith.constant 6 : i32
      %parallel_loop3A_276 = arith.index_cast %parallel_loop3A_274 : i32 to index
      %parallel_loop3A_277 = arith.index_cast %parallel_loop3A_36 : i32 to index
      %parallel_loop3A_278 = arith.index_cast %parallel_loop3A_275 : i32 to index
      %parallel_loop3A_279 = arith.index_cast %parallel_loop3A_54 : i32 to index
      %parallel_loop3A_280 = tpu.vector_load %arg6[%parallel_loop3A_276, %parallel_loop3A_277, %parallel_loop3A_278, %parallel_loop3A_279] {strides = array<i32>} : memref<8x4x8x128xf32, #tpu.memory_space<vmem>>, vector<16xf32>,
      %parallel_loop3A_281 = arith.minimumf %parallel_loop3A_273, %parallel_loop3A_280 : vector<16xf32>
      %parallel_loop3A_282 = arith.maximumf %parallel_loop3A_272, %parallel_loop3A_281 : vector<16xf32>
      %parallel_loop3A_283 = arith.maximumf %parallel_loop3A_273, %parallel_loop3A_280 : vector<16xf32>
      %parallel_loop3A_284 = arith.constant 2 : i32
      %parallel_loop3A_285 = arith.constant 7 : i32
      %parallel_loop3A_286 = arith.index_cast %parallel_loop3A_284 : i32 to index
      %parallel_loop3A_287 = arith.index_cast %parallel_loop3A_36 : i32 to index
      %parallel_loop3A_288 = arith.index_cast %parallel_loop3A_285 : i32 to index
      %parallel_loop3A_289 = arith.index_cast %parallel_loop3A_54 : i32 to index
      %parallel_loop3A_290 = tpu.vector_load %arg6[%parallel_loop3A_286, %parallel_loop3A_287, %parallel_loop3A_288, %parallel_loop3A_289] {strides = array<i32>} : memref<8x4x8x128xf32, #tpu.memory_space<vmem>>, vector<16xf32>,
      %parallel_loop3A_291 = arith.minimumf %parallel_loop3A_283, %parallel_loop3A_290 : vector<16xf32>
      %parallel_loop3A_292 = arith.maximumf %parallel_loop3A_282, %parallel_loop3A_291 : vector<16xf32>
      %parallel_loop3A_293 = arith.maximumf %parallel_loop3A_283, %parallel_loop3A_290 : vector<16xf32>
      %parallel_loop3A_294 = arith.addf %parallel_loop3A_293, %parallel_loop3A_292 : vector<16xf32>
      %parallel_loop3A_295 = arith.constant 3 : i32
      %parallel_loop3A_296 = arith.constant 0 : i32
      %parallel_loop3A_297 = arith.index_cast %parallel_loop3A_295 : i32 to index
      %parallel_loop3A_298 = arith.index_cast %parallel_loop3A_36 : i32 to index
      %parallel_loop3A_299 = arith.index_cast %parallel_loop3A_296 : i32 to index
      %parallel_loop3A_300 = arith.index_cast %parallel_loop3A_54 : i32 to index
      %parallel_loop3A_301 = tpu.vector_load %arg6[%parallel_loop3A_297, %parallel_loop3A_298, %parallel_loop3A_299, %parallel_loop3A_300] {strides = array<i32>} : memref<8x4x8x128xf32, #tpu.memory_space<vmem>>, vector<16xf32>,
      %parallel_loop3A_302 = arith.constant 3 : i32
      %parallel_loop3A_303 = arith.constant 1 : i32
      %parallel_loop3A_304 = arith.index_cast %parallel_loop3A_302 : i32 to index
      %parallel_loop3A_305 = arith.index_cast %parallel_loop3A_36 : i32 to index
      %parallel_loop3A_306 = arith.index_cast %parallel_loop3A_303 : i32 to index
      %parallel_loop3A_307 = arith.index_cast %parallel_loop3A_54 : i32 to index
      %parallel_loop3A_308 = tpu.vector_load %arg6[%parallel_loop3A_304, %parallel_loop3A_305, %parallel_loop3A_306, %parallel_loop3A_307] {strides = array<i32>} : memref<8x4x8x128xf32, #tpu.memory_space<vmem>>, vector<16xf32>,
      %parallel_loop3A_309 = arith.minimumf %parallel_loop3A_301, %parallel_loop3A_308 : vector<16xf32>
      %parallel_loop3A_310 = arith.maximumf %broadcast_in_dim3A_3, %parallel_loop3A_309 : vector<16xf32>
      %parallel_loop3A_311 = arith.maximumf %parallel_loop3A_301, %parallel_loop3A_308 : vector<16xf32>
      %parallel_loop3A_312 = arith.constant 3 : i32
      %parallel_loop3A_313 = arith.constant 2 : i32
      %parallel_loop3A_314 = arith.index_cast %parallel_loop3A_312 : i32 to index
      %parallel_loop3A_315 = arith.index_cast %parallel_loop3A_36 : i32 to index
      %parallel_loop3A_316 = arith.index_cast %parallel_loop3A_313 : i32 to index
      %parallel_loop3A_317 = arith.index_cast %parallel_loop3A_54 : i32 to index
      %parallel_loop3A_318 = tpu.vector_load %arg6[%parallel_loop3A_314, %parallel_loop3A_315, %parallel_loop3A_316, %parallel_loop3A_317] {strides = array<i32>} : memref<8x4x8x128xf32, #tpu.memory_space<vmem>>, vector<16xf32>,
      %parallel_loop3A_319 = arith.minimumf %parallel_loop3A_311, %parallel_loop3A_318 : vector<16xf32>
      %parallel_loop3A_320 = arith.maximumf %parallel_loop3A_310, %parallel_loop3A_319 : vector<16xf32>
      %parallel_loop3A_321 = arith.maximumf %parallel_loop3A_311, %parallel_loop3A_318 : vector<16xf32>
      %parallel_loop3A_322 = arith.constant 3 : i32
      %parallel_loop3A_323 = arith.constant 3 : i32
      %parallel_loop3A_324 = arith.index_cast %parallel_loop3A_322 : i32 to index
      %parallel_loop3A_325 = arith.index_cast %parallel_loop3A_36 : i32 to index
      %parallel_loop3A_326 = arith.index_cast %parallel_loop3A_323 : i32 to index
      %parallel_loop3A_327 = arith.index_cast %parallel_loop3A_54 : i32 to index
      %parallel_loop3A_328 = tpu.vector_load %arg6[%parallel_loop3A_324, %parallel_loop3A_325, %parallel_loop3A_326, %parallel_loop3A_327] {strides = array<i32>} : memref<8x4x8x128xf32, #tpu.memory_space<vmem>>, vector<16xf32>,
      %parallel_loop3A_329 = arith.minimumf %parallel_loop3A_321, %parallel_loop3A_328 : vector<16xf32>
      %parallel_loop3A_330 = arith.maximumf %parallel_loop3A_320, %parallel_loop3A_329 : vector<16xf32>
      %parallel_loop3A_331 = arith.maximumf %parallel_loop3A_321, %parallel_loop3A_328 : vector<16xf32>
      %parallel_loop3A_332 = arith.constant 3 : i32
      %parallel_loop3A_333 = arith.constant 4 : i32
      %parallel_loop3A_334 = arith.index_cast %parallel_loop3A_332 : i32 to index
      %parallel_loop3A_335 = arith.index_cast %parallel_loop3A_36 : i32 to index
      %parallel_loop3A_336 = arith.index_cast %parallel_loop3A_333 : i32 to index
      %parallel_loop3A_337 = arith.index_cast %parallel_loop3A_54 : i32 to index
      %parallel_loop3A_338 = tpu.vector_load %arg6[%parallel_loop3A_334, %parallel_loop3A_335, %parallel_loop3A_336, %parallel_loop3A_337] {strides = array<i32>} : memref<8x4x8x128xf32, #tpu.memory_space<vmem>>, vector<16xf32>,
      %parallel_loop3A_339 = arith.minimumf %parallel_loop3A_331, %parallel_loop3A_338 : vector<16xf32>
      %parallel_loop3A_340 = arith.maximumf %parallel_loop3A_330, %parallel_loop3A_339 : vector<16xf32>
      %parallel_loop3A_341 = arith.maximumf %parallel_loop3A_331, %parallel_loop3A_338 : vector<16xf32>
      %parallel_loop3A_342 = arith.constant 3 : i32
      %parallel_loop3A_343 = arith.constant 5 : i32
      %parallel_loop3A_344 = arith.index_cast %parallel_loop3A_342 : i32 to index
      %parallel_loop3A_345 = arith.index_cast %parallel_loop3A_36 : i32 to index
      %parallel_loop3A_346 = arith.index_cast %parallel_loop3A_343 : i32 to index
      %parallel_loop3A_347 = arith.index_cast %parallel_loop3A_54 : i32 to index
      %parallel_loop3A_348 = tpu.vector_load %arg6[%parallel_loop3A_344, %parallel_loop3A_345, %parallel_loop3A_346, %parallel_loop3A_347] {strides = array<i32>} : memref<8x4x8x128xf32, #tpu.memory_space<vmem>>, vector<16xf32>,
      %parallel_loop3A_349 = arith.minimumf %parallel_loop3A_341, %parallel_loop3A_348 : vector<16xf32>
      %parallel_loop3A_350 = arith.maximumf %parallel_loop3A_340, %parallel_loop3A_349 : vector<16xf32>
      %parallel_loop3A_351 = arith.maximumf %parallel_loop3A_341, %parallel_loop3A_348 : vector<16xf32>
      %parallel_loop3A_352 = arith.constant 3 : i32
      %parallel_loop3A_353 = arith.constant 6 : i32
      %parallel_loop3A_354 = arith.index_cast %parallel_loop3A_352 : i32 to index
      %parallel_loop3A_355 = arith.index_cast %parallel_loop3A_36 : i32 to index
      %parallel_loop3A_356 = arith.index_cast %parallel_loop3A_353 : i32 to index
      %parallel_loop3A_357 = arith.index_cast %parallel_loop3A_54 : i32 to index
      %parallel_loop3A_358 = tpu.vector_load %arg6[%parallel_loop3A_354, %parallel_loop3A_355, %parallel_loop3A_356, %parallel_loop3A_357] {strides = array<i32>} : memref<8x4x8x128xf32, #tpu.memory_space<vmem>>, vector<16xf32>,
      %parallel_loop3A_359 = arith.minimumf %parallel_loop3A_351, %parallel_loop3A_358 : vector<16xf32>
      %parallel_loop3A_360 = arith.maximumf %parallel_loop3A_350, %parallel_loop3A_359 : vector<16xf32>
      %parallel_loop3A_361 = arith.maximumf %parallel_loop3A_351, %parallel_loop3A_358 : vector<16xf32>
      %parallel_loop3A_362 = arith.constant 3 : i32
      %parallel_loop3A_363 = arith.constant 7 : i32
      %parallel_loop3A_364 = arith.index_cast %parallel_loop3A_362 : i32 to index
      %parallel_loop3A_365 = arith.index_cast %parallel_loop3A_36 : i32 to index
      %parallel_loop3A_366 = arith.index_cast %parallel_loop3A_363 : i32 to index
      %parallel_loop3A_367 = arith.index_cast %parallel_loop3A_54 : i32 to index
      %parallel_loop3A_368 = tpu.vector_load %arg6[%parallel_loop3A_364, %parallel_loop3A_365, %parallel_loop3A_366, %parallel_loop3A_367] {strides = array<i32>} : memref<8x4x8x128xf32, #tpu.memory_space<vmem>>, vector<16xf32>,
      %parallel_loop3A_369 = arith.minimumf %parallel_loop3A_361, %parallel_loop3A_368 : vector<16xf32>
      %parallel_loop3A_370 = arith.maximumf %parallel_loop3A_360, %parallel_loop3A_369 : vector<16xf32>
      %parallel_loop3A_371 = arith.maximumf %parallel_loop3A_361, %parallel_loop3A_368 : vector<16xf32>
      %parallel_loop3A_372 = arith.addf %parallel_loop3A_371, %parallel_loop3A_370 : vector<16xf32>
      %parallel_loop3A_373 = arith.constant 4 : i32
      %parallel_loop3A_374 = arith.constant 0 : i32
      %parallel_loop3A_375 = arith.index_cast %parallel_loop3A_373 : i32 to index
      %parallel_loop3A_376 = arith.index_cast %parallel_loop3A_36 : i32 to index
      %parallel_loop3A_377 = arith.index_cast %parallel_loop3A_374 : i32 to index
      %parallel_loop3A_378 = arith.index_cast %parallel_loop3A_54 : i32 to index
      %parallel_loop3A_379 = tpu.vector_load %arg6[%parallel_loop3A_375, %parallel_loop3A_376, %parallel_loop3A_377, %parallel_loop3A_378] {strides = array<i32>} : memref<8x4x8x128xf32, #tpu.memory_space<vmem>>, vector<16xf32>,
      %parallel_loop3A_380 = arith.constant 4 : i32
      %parallel_loop3A_381 = arith.constant 1 : i32
      %parallel_loop3A_382 = arith.index_cast %parallel_loop3A_380 : i32 to index
      %parallel_loop3A_383 = arith.index_cast %parallel_loop3A_36 : i32 to index
      %parallel_loop3A_384 = arith.index_cast %parallel_loop3A_381 : i32 to index
      %parallel_loop3A_385 = arith.index_cast %parallel_loop3A_54 : i32 to index
      %parallel_loop3A_386 = tpu.vector_load %arg6[%parallel_loop3A_382, %parallel_loop3A_383, %parallel_loop3A_384, %parallel_loop3A_385] {strides = array<i32>} : memref<8x4x8x128xf32, #tpu.memory_space<vmem>>, vector<16xf32>,
      %parallel_loop3A_387 = arith.minimumf %parallel_loop3A_379, %parallel_loop3A_386 : vector<16xf32>
      %parallel_loop3A_388 = arith.maximumf %broadcast_in_dim3A_3, %parallel_loop3A_387 : vector<16xf32>
      %parallel_loop3A_389 = arith.maximumf %parallel_loop3A_379, %parallel_loop3A_386 : vector<16xf32>
      %parallel_loop3A_390 = arith.constant 4 : i32
      %parallel_loop3A_391 = arith.constant 2 : i32
      %parallel_loop3A_392 = arith.index_cast %parallel_loop3A_390 : i32 to index
      %parallel_loop3A_393 = arith.index_cast %parallel_loop3A_36 : i32 to index
      %parallel_loop3A_394 = arith.index_cast %parallel_loop3A_391 : i32 to index
      %parallel_loop3A_395 = arith.index_cast %parallel_loop3A_54 : i32 to index
      %parallel_loop3A_396 = tpu.vector_load %arg6[%parallel_loop3A_392, %parallel_loop3A_393, %parallel_loop3A_394, %parallel_loop3A_395] {strides = array<i32>} : memref<8x4x8x128xf32, #tpu.memory_space<vmem>>, vector<16xf32>,
      %parallel_loop3A_397 = arith.minimumf %parallel_loop3A_389, %parallel_loop3A_396 : vector<16xf32>
      %parallel_loop3A_398 = arith.maximumf %parallel_loop3A_388, %parallel_loop3A_397 : vector<16xf32>
      %parallel_loop3A_399 = arith.maximumf %parallel_loop3A_389, %parallel_loop3A_396 : vector<16xf32>
      %parallel_loop3A_400 = arith.constant 4 : i32
      %parallel_loop3A_401 = arith.constant 3 : i32
      %parallel_loop3A_402 = arith.index_cast %parallel_loop3A_400 : i32 to index
      %parallel_loop3A_403 = arith.index_cast %parallel_loop3A_36 : i32 to index
      %parallel_loop3A_404 = arith.index_cast %parallel_loop3A_401 : i32 to index
      %parallel_loop3A_405 = arith.index_cast %parallel_loop3A_54 : i32 to index
      %parallel_loop3A_406 = tpu.vector_load %arg6[%parallel_loop3A_402, %parallel_loop3A_403, %parallel_loop3A_404, %parallel_loop3A_405] {strides = array<i32>} : memref<8x4x8x128xf32, #tpu.memory_space<vmem>>, vector<16xf32>,
      %parallel_loop3A_407 = arith.minimumf %parallel_loop3A_399, %parallel_loop3A_406 : vector<16xf32>
      %parallel_loop3A_408 = arith.maximumf %parallel_loop3A_398, %parallel_loop3A_407 : vector<16xf32>
      %parallel_loop3A_409 = arith.maximumf %parallel_loop3A_399, %parallel_loop3A_406 : vector<16xf32>
      %parallel_loop3A_410 = arith.constant 4 : i32
      %parallel_loop3A_411 = arith.constant 4 : i32
      %parallel_loop3A_412 = arith.index_cast %parallel_loop3A_410 : i32 to index
      %parallel_loop3A_413 = arith.index_cast %parallel_loop3A_36 : i32 to index
      %parallel_loop3A_414 = arith.index_cast %parallel_loop3A_411 : i32 to index
      %parallel_loop3A_415 = arith.index_cast %parallel_loop3A_54 : i32 to index
      %parallel_loop3A_416 = tpu.vector_load %arg6[%parallel_loop3A_412, %parallel_loop3A_413, %parallel_loop3A_414, %parallel_loop3A_415] {strides = array<i32>} : memref<8x4x8x128xf32, #tpu.memory_space<vmem>>, vector<16xf32>,
      %parallel_loop3A_417 = arith.minimumf %parallel_loop3A_409, %parallel_loop3A_416 : vector<16xf32>
      %parallel_loop3A_418 = arith.maximumf %parallel_loop3A_408, %parallel_loop3A_417 : vector<16xf32>
      %parallel_loop3A_419 = arith.maximumf %parallel_loop3A_409, %parallel_loop3A_416 : vector<16xf32>
      %parallel_loop3A_420 = arith.constant 4 : i32
      %parallel_loop3A_421 = arith.constant 5 : i32
      %parallel_loop3A_422 = arith.index_cast %parallel_loop3A_420 : i32 to index
      %parallel_loop3A_423 = arith.index_cast %parallel_loop3A_36 : i32 to index
      %parallel_loop3A_424 = arith.index_cast %parallel_loop3A_421 : i32 to index
      %parallel_loop3A_425 = arith.index_cast %parallel_loop3A_54 : i32 to index
      %parallel_loop3A_426 = tpu.vector_load %arg6[%parallel_loop3A_422, %parallel_loop3A_423, %parallel_loop3A_424, %parallel_loop3A_425] {strides = array<i32>} : memref<8x4x8x128xf32, #tpu.memory_space<vmem>>, vector<16xf32>,
      %parallel_loop3A_427 = arith.minimumf %parallel_loop3A_419, %parallel_loop3A_426 : vector<16xf32>
      %parallel_loop3A_428 = arith.maximumf %parallel_loop3A_418, %parallel_loop3A_427 : vector<16xf32>
      %parallel_loop3A_429 = arith.maximumf %parallel_loop3A_419, %parallel_loop3A_426 : vector<16xf32>
      %parallel_loop3A_430 = arith.constant 4 : i32
      %parallel_loop3A_431 = arith.constant 6 : i32
      %parallel_loop3A_432 = arith.index_cast %parallel_loop3A_430 : i32 to index
      %parallel_loop3A_433 = arith.index_cast %parallel_loop3A_36 : i32 to index
      %parallel_loop3A_434 = arith.index_cast %parallel_loop3A_431 : i32 to index
      %parallel_loop3A_435 = arith.index_cast %parallel_loop3A_54 : i32 to index
      %parallel_loop3A_436 = tpu.vector_load %arg6[%parallel_loop3A_432, %parallel_loop3A_433, %parallel_loop3A_434, %parallel_loop3A_435] {strides = array<i32>} : memref<8x4x8x128xf32, #tpu.memory_space<vmem>>, vector<16xf32>,
      %parallel_loop3A_437 = arith.minimumf %parallel_loop3A_429, %parallel_loop3A_436 : vector<16xf32>
      %parallel_loop3A_438 = arith.maximumf %parallel_loop3A_428, %parallel_loop3A_437 : vector<16xf32>
      %parallel_loop3A_439 = arith.maximumf %parallel_loop3A_429, %parallel_loop3A_436 : vector<16xf32>
      %parallel_loop3A_440 = arith.constant 4 : i32
      %parallel_loop3A_441 = arith.constant 7 : i32
      %parallel_loop3A_442 = arith.index_cast %parallel_loop3A_440 : i32 to index
      %parallel_loop3A_443 = arith.index_cast %parallel_loop3A_36 : i32 to index
      %parallel_loop3A_444 = arith.index_cast %parallel_loop3A_441 : i32 to index
      %parallel_loop3A_445 = arith.index_cast %parallel_loop3A_54 : i32 to index
      %parallel_loop3A_446 = tpu.vector_load %arg6[%parallel_loop3A_442, %parallel_loop3A_443, %parallel_loop3A_444, %parallel_loop3A_445] {strides = array<i32>} : memref<8x4x8x128xf32, #tpu.memory_space<vmem>>, vector<16xf32>,
      %parallel_loop3A_447 = arith.minimumf %parallel_loop3A_439, %parallel_loop3A_446 : vector<16xf32>
      %parallel_loop3A_448 = arith.maximumf %parallel_loop3A_438, %parallel_loop3A_447 : vector<16xf32>
      %parallel_loop3A_449 = arith.maximumf %parallel_loop3A_439, %parallel_loop3A_446 : vector<16xf32>
      %parallel_loop3A_450 = arith.addf %parallel_loop3A_449, %parallel_loop3A_448 : vector<16xf32>
      %parallel_loop3A_451 = arith.constant 5 : i32
      %parallel_loop3A_452 = arith.constant 0 : i32
      %parallel_loop3A_453 = arith.index_cast %parallel_loop3A_451 : i32 to index
      %parallel_loop3A_454 = arith.index_cast %parallel_loop3A_36 : i32 to index
      %parallel_loop3A_455 = arith.index_cast %parallel_loop3A_452 : i32 to index
      %parallel_loop3A_456 = arith.index_cast %parallel_loop3A_54 : i32 to index
      %parallel_loop3A_457 = tpu.vector_load %arg6[%parallel_loop3A_453, %parallel_loop3A_454, %parallel_loop3A_455, %parallel_loop3A_456] {strides = array<i32>} : memref<8x4x8x128xf32, #tpu.memory_space<vmem>>, vector<16xf32>,
      %parallel_loop3A_458 = arith.constant 5 : i32
      %parallel_loop3A_459 = arith.constant 1 : i32
      %parallel_loop3A_460 = arith.index_cast %parallel_loop3A_458 : i32 to index
      %parallel_loop3A_461 = arith.index_cast %parallel_loop3A_36 : i32 to index
      %parallel_loop3A_462 = arith.index_cast %parallel_loop3A_459 : i32 to index
      %parallel_loop3A_463 = arith.index_cast %parallel_loop3A_54 : i32 to index
      %parallel_loop3A_464 = tpu.vector_load %arg6[%parallel_loop3A_460, %parallel_loop3A_461, %parallel_loop3A_462, %parallel_loop3A_463] {strides = array<i32>} : memref<8x4x8x128xf32, #tpu.memory_space<vmem>>, vector<16xf32>,
      %parallel_loop3A_465 = arith.minimumf %parallel_loop3A_457, %parallel_loop3A_464 : vector<16xf32>
      %parallel_loop3A_466 = arith.maximumf %broadcast_in_dim3A_3, %parallel_loop3A_465 : vector<16xf32>
      %parallel_loop3A_467 = arith.maximumf %parallel_loop3A_457, %parallel_loop3A_464 : vector<16xf32>
      %parallel_loop3A_468 = arith.constant 5 : i32
      %parallel_loop3A_469 = arith.constant 2 : i32
      %parallel_loop3A_470 = arith.index_cast %parallel_loop3A_468 : i32 to index
      %parallel_loop3A_471 = arith.index_cast %parallel_loop3A_36 : i32 to index
      %parallel_loop3A_472 = arith.index_cast %parallel_loop3A_469 : i32 to index
      %parallel_loop3A_473 = arith.index_cast %parallel_loop3A_54 : i32 to index
      %parallel_loop3A_474 = tpu.vector_load %arg6[%parallel_loop3A_470, %parallel_loop3A_471, %parallel_loop3A_472, %parallel_loop3A_473] {strides = array<i32>} : memref<8x4x8x128xf32, #tpu.memory_space<vmem>>, vector<16xf32>,
      %parallel_loop3A_475 = arith.minimumf %parallel_loop3A_467, %parallel_loop3A_474 : vector<16xf32>
      %parallel_loop3A_476 = arith.maximumf %parallel_loop3A_466, %parallel_loop3A_475 : vector<16xf32>
      %parallel_loop3A_477 = arith.maximumf %parallel_loop3A_467, %parallel_loop3A_474 : vector<16xf32>
      %parallel_loop3A_478 = arith.constant 5 : i32
      %parallel_loop3A_479 = arith.constant 3 : i32
      %parallel_loop3A_480 = arith.index_cast %parallel_loop3A_478 : i32 to index
      %parallel_loop3A_481 = arith.index_cast %parallel_loop3A_36 : i32 to index
      %parallel_loop3A_482 = arith.index_cast %parallel_loop3A_479 : i32 to index
      %parallel_loop3A_483 = arith.index_cast %parallel_loop3A_54 : i32 to index
      %parallel_loop3A_484 = tpu.vector_load %arg6[%parallel_loop3A_480, %parallel_loop3A_481, %parallel_loop3A_482, %parallel_loop3A_483] {strides = array<i32>} : memref<8x4x8x128xf32, #tpu.memory_space<vmem>>, vector<16xf32>,
      %parallel_loop3A_485 = arith.minimumf %parallel_loop3A_477, %parallel_loop3A_484 : vector<16xf32>
      %parallel_loop3A_486 = arith.maximumf %parallel_loop3A_476, %parallel_loop3A_485 : vector<16xf32>
      %parallel_loop3A_487 = arith.maximumf %parallel_loop3A_477, %parallel_loop3A_484 : vector<16xf32>
      %parallel_loop3A_488 = arith.constant 5 : i32
      %parallel_loop3A_489 = arith.constant 4 : i32
      %parallel_loop3A_490 = arith.index_cast %parallel_loop3A_488 : i32 to index
      %parallel_loop3A_491 = arith.index_cast %parallel_loop3A_36 : i32 to index
      %parallel_loop3A_492 = arith.index_cast %parallel_loop3A_489 : i32 to index
      %parallel_loop3A_493 = arith.index_cast %parallel_loop3A_54 : i32 to index
      %parallel_loop3A_494 = tpu.vector_load %arg6[%parallel_loop3A_490, %parallel_loop3A_491, %parallel_loop3A_492, %parallel_loop3A_493] {strides = array<i32>} : memref<8x4x8x128xf32, #tpu.memory_space<vmem>>, vector<16xf32>,
      %parallel_loop3A_495 = arith.minimumf %parallel_loop3A_487, %parallel_loop3A_494 : vector<16xf32>
      %parallel_loop3A_496 = arith.maximumf %parallel_loop3A_486, %parallel_loop3A_495 : vector<16xf32>
      %parallel_loop3A_497 = arith.maximumf %parallel_loop3A_487, %parallel_loop3A_494 : vector<16xf32>
      %parallel_loop3A_498 = arith.constant 5 : i32
      %parallel_loop3A_499 = arith.constant 5 : i32
      %parallel_loop3A_500 = arith.index_cast %parallel_loop3A_498 : i32 to index
      %parallel_loop3A_501 = arith.index_cast %parallel_loop3A_36 : i32 to index
      %parallel_loop3A_502 = arith.index_cast %parallel_loop3A_499 : i32 to index
      %parallel_loop3A_503 = arith.index_cast %parallel_loop3A_54 : i32 to index
      %parallel_loop3A_504 = tpu.vector_load %arg6[%parallel_loop3A_500, %parallel_loop3A_501, %parallel_loop3A_502, %parallel_loop3A_503] {strides = array<i32>} : memref<8x4x8x128xf32, #tpu.memory_space<vmem>>, vector<16xf32>,
      %parallel_loop3A_505 = arith.minimumf %parallel_loop3A_497, %parallel_loop3A_504 : vector<16xf32>
      %parallel_loop3A_506 = arith.maximumf %parallel_loop3A_496, %parallel_loop3A_505 : vector<16xf32>
      %parallel_loop3A_507 = arith.maximumf %parallel_loop3A_497, %parallel_loop3A_504 : vector<16xf32>
      %parallel_loop3A_508 = arith.constant 5 : i32
      %parallel_loop3A_509 = arith.constant 6 : i32
      %parallel_loop3A_510 = arith.index_cast %parallel_loop3A_508 : i32 to index
      %parallel_loop3A_511 = arith.index_cast %parallel_loop3A_36 : i32 to index
      %parallel_loop3A_512 = arith.index_cast %parallel_loop3A_509 : i32 to index
      %parallel_loop3A_513 = arith.index_cast %parallel_loop3A_54 : i32 to index
      %parallel_loop3A_514 = tpu.vector_load %arg6[%parallel_loop3A_510, %parallel_loop3A_511, %parallel_loop3A_512, %parallel_loop3A_513] {strides = array<i32>} : memref<8x4x8x128xf32, #tpu.memory_space<vmem>>, vector<16xf32>,
      %parallel_loop3A_515 = arith.minimumf %parallel_loop3A_507, %parallel_loop3A_514 : vector<16xf32>
      %parallel_loop3A_516 = arith.maximumf %parallel_loop3A_506, %parallel_loop3A_515 : vector<16xf32>
      %parallel_loop3A_517 = arith.maximumf %parallel_loop3A_507, %parallel_loop3A_514 : vector<16xf32>
      %parallel_loop3A_518 = arith.constant 5 : i32
      %parallel_loop3A_519 = arith.constant 7 : i32
      %parallel_loop3A_520 = arith.index_cast %parallel_loop3A_518 : i32 to index
      %parallel_loop3A_521 = arith.index_cast %parallel_loop3A_36 : i32 to index
      %parallel_loop3A_522 = arith.index_cast %parallel_loop3A_519 : i32 to index
      %parallel_loop3A_523 = arith.index_cast %parallel_loop3A_54 : i32 to index
      %parallel_loop3A_524 = tpu.vector_load %arg6[%parallel_loop3A_520, %parallel_loop3A_521, %parallel_loop3A_522, %parallel_loop3A_523] {strides = array<i32>} : memref<8x4x8x128xf32, #tpu.memory_space<vmem>>, vector<16xf32>,
      %parallel_loop3A_525 = arith.minimumf %parallel_loop3A_517, %parallel_loop3A_524 : vector<16xf32>
      %parallel_loop3A_526 = arith.maximumf %parallel_loop3A_516, %parallel_loop3A_525 : vector<16xf32>
      %parallel_loop3A_527 = arith.maximumf %parallel_loop3A_517, %parallel_loop3A_524 : vector<16xf32>
      %parallel_loop3A_528 = arith.addf %parallel_loop3A_527, %parallel_loop3A_526 : vector<16xf32>
      %parallel_loop3A_529 = arith.constant 6 : i32
      %parallel_loop3A_530 = arith.constant 0 : i32
      %parallel_loop3A_531 = arith.index_cast %parallel_loop3A_529 : i32 to index
      %parallel_loop3A_532 = arith.index_cast %parallel_loop3A_36 : i32 to index
      %parallel_loop3A_533 = arith.index_cast %parallel_loop3A_530 : i32 to index
      %parallel_loop3A_534 = arith.index_cast %parallel_loop3A_54 : i32 to index
      %parallel_loop3A_535 = tpu.vector_load %arg6[%parallel_loop3A_531, %parallel_loop3A_532, %parallel_loop3A_533, %parallel_loop3A_534] {strides = array<i32>} : memref<8x4x8x128xf32, #tpu.memory_space<vmem>>, vector<16xf32>,
      %parallel_loop3A_536 = arith.constant 6 : i32
      %parallel_loop3A_537 = arith.constant 1 : i32
      %parallel_loop3A_538 = arith.index_cast %parallel_loop3A_536 : i32 to index
      %parallel_loop3A_539 = arith.index_cast %parallel_loop3A_36 : i32 to index
      %parallel_loop3A_540 = arith.index_cast %parallel_loop3A_537 : i32 to index
      %parallel_loop3A_541 = arith.index_cast %parallel_loop3A_54 : i32 to index
      %parallel_loop3A_542 = tpu.vector_load %arg6[%parallel_loop3A_538, %parallel_loop3A_539, %parallel_loop3A_540, %parallel_loop3A_541] {strides = array<i32>} : memref<8x4x8x128xf32, #tpu.memory_space<vmem>>, vector<16xf32>,
      %parallel_loop3A_543 = arith.minimumf %parallel_loop3A_535, %parallel_loop3A_542 : vector<16xf32>
      %parallel_loop3A_544 = arith.maximumf %broadcast_in_dim3A_3, %parallel_loop3A_543 : vector<16xf32>
      %parallel_loop3A_545 = arith.maximumf %parallel_loop3A_535, %parallel_loop3A_542 : vector<16xf32>
      %parallel_loop3A_546 = arith.constant 6 : i32
      %parallel_loop3A_547 = arith.constant 2 : i32
      %parallel_loop3A_548 = arith.index_cast %parallel_loop3A_546 : i32 to index
      %parallel_loop3A_549 = arith.index_cast %parallel_loop3A_36 : i32 to index
      %parallel_loop3A_550 = arith.index_cast %parallel_loop3A_547 : i32 to index
      %parallel_loop3A_551 = arith.index_cast %parallel_loop3A_54 : i32 to index
      %parallel_loop3A_552 = tpu.vector_load %arg6[%parallel_loop3A_548, %parallel_loop3A_549, %parallel_loop3A_550, %parallel_loop3A_551] {strides = array<i32>} : memref<8x4x8x128xf32, #tpu.memory_space<vmem>>, vector<16xf32>,
      %parallel_loop3A_553 = arith.minimumf %parallel_loop3A_545, %parallel_loop3A_552 : vector<16xf32>
      %parallel_loop3A_554 = arith.maximumf %parallel_loop3A_544, %parallel_loop3A_553 : vector<16xf32>
      %parallel_loop3A_555 = arith.maximumf %parallel_loop3A_545, %parallel_loop3A_552 : vector<16xf32>
      %parallel_loop3A_556 = arith.constant 6 : i32
      %parallel_loop3A_557 = arith.constant 3 : i32
      %parallel_loop3A_558 = arith.index_cast %parallel_loop3A_556 : i32 to index
      %parallel_loop3A_559 = arith.index_cast %parallel_loop3A_36 : i32 to index
      %parallel_loop3A_560 = arith.index_cast %parallel_loop3A_557 : i32 to index
      %parallel_loop3A_561 = arith.index_cast %parallel_loop3A_54 : i32 to index
      %parallel_loop3A_562 = tpu.vector_load %arg6[%parallel_loop3A_558, %parallel_loop3A_559, %parallel_loop3A_560, %parallel_loop3A_561] {strides = array<i32>} : memref<8x4x8x128xf32, #tpu.memory_space<vmem>>, vector<16xf32>,
      %parallel_loop3A_563 = arith.minimumf %parallel_loop3A_555, %parallel_loop3A_562 : vector<16xf32>
      %parallel_loop3A_564 = arith.maximumf %parallel_loop3A_554, %parallel_loop3A_563 : vector<16xf32>
      %parallel_loop3A_565 = arith.maximumf %parallel_loop3A_555, %parallel_loop3A_562 : vector<16xf32>
      %parallel_loop3A_566 = arith.constant 6 : i32
      %parallel_loop3A_567 = arith.constant 4 : i32
      %parallel_loop3A_568 = arith.index_cast %parallel_loop3A_566 : i32 to index
      %parallel_loop3A_569 = arith.index_cast %parallel_loop3A_36 : i32 to index
      %parallel_loop3A_570 = arith.index_cast %parallel_loop3A_567 : i32 to index
      %parallel_loop3A_571 = arith.index_cast %parallel_loop3A_54 : i32 to index
      %parallel_loop3A_572 = tpu.vector_load %arg6[%parallel_loop3A_568, %parallel_loop3A_569, %parallel_loop3A_570, %parallel_loop3A_571] {strides = array<i32>} : memref<8x4x8x128xf32, #tpu.memory_space<vmem>>, vector<16xf32>,
      %parallel_loop3A_573 = arith.minimumf %parallel_loop3A_565, %parallel_loop3A_572 : vector<16xf32>
      %parallel_loop3A_574 = arith.maximumf %parallel_loop3A_564, %parallel_loop3A_573 : vector<16xf32>
      %parallel_loop3A_575 = arith.maximumf %parallel_loop3A_565, %parallel_loop3A_572 : vector<16xf32>
      %parallel_loop3A_576 = arith.constant 6 : i32
      %parallel_loop3A_577 = arith.constant 5 : i32
      %parallel_loop3A_578 = arith.index_cast %parallel_loop3A_576 : i32 to index
      %parallel_loop3A_579 = arith.index_cast %parallel_loop3A_36 : i32 to index
      %parallel_loop3A_580 = arith.index_cast %parallel_loop3A_577 : i32 to index
      %parallel_loop3A_581 = arith.index_cast %parallel_loop3A_54 : i32 to index
      %parallel_loop3A_582 = tpu.vector_load %arg6[%parallel_loop3A_578, %parallel_loop3A_579, %parallel_loop3A_580, %parallel_loop3A_581] {strides = array<i32>} : memref<8x4x8x128xf32, #tpu.memory_space<vmem>>, vector<16xf32>,
      %parallel_loop3A_583 = arith.minimumf %parallel_loop3A_575, %parallel_loop3A_582 : vector<16xf32>
      %parallel_loop3A_584 = arith.maximumf %parallel_loop3A_574, %parallel_loop3A_583 : vector<16xf32>
      %parallel_loop3A_585 = arith.maximumf %parallel_loop3A_575, %parallel_loop3A_582 : vector<16xf32>
      %parallel_loop3A_586 = arith.constant 6 : i32
      %parallel_loop3A_587 = arith.constant 6 : i32
      %parallel_loop3A_588 = arith.index_cast %parallel_loop3A_586 : i32 to index
      %parallel_loop3A_589 = arith.index_cast %parallel_loop3A_36 : i32 to index
      %parallel_loop3A_590 = arith.index_cast %parallel_loop3A_587 : i32 to index
      %parallel_loop3A_591 = arith.index_cast %parallel_loop3A_54 : i32 to index
      %parallel_loop3A_592 = tpu.vector_load %arg6[%parallel_loop3A_588, %parallel_loop3A_589, %parallel_loop3A_590, %parallel_loop3A_591] {strides = array<i32>} : memref<8x4x8x128xf32, #tpu.memory_space<vmem>>, vector<16xf32>,
      %parallel_loop3A_593 = arith.minimumf %parallel_loop3A_585, %parallel_loop3A_592 : vector<16xf32>
      %parallel_loop3A_594 = arith.maximumf %parallel_loop3A_584, %parallel_loop3A_593 : vector<16xf32>
      %parallel_loop3A_595 = arith.maximumf %parallel_loop3A_585, %parallel_loop3A_592 : vector<16xf32>
      %parallel_loop3A_596 = arith.constant 6 : i32
      %parallel_loop3A_597 = arith.constant 7 : i32
      %parallel_loop3A_598 = arith.index_cast %parallel_loop3A_596 : i32 to index
      %parallel_loop3A_599 = arith.index_cast %parallel_loop3A_36 : i32 to index
      %parallel_loop3A_600 = arith.index_cast %parallel_loop3A_597 : i32 to index
      %parallel_loop3A_601 = arith.index_cast %parallel_loop3A_54 : i32 to index
      %parallel_loop3A_602 = tpu.vector_load %arg6[%parallel_loop3A_598, %parallel_loop3A_599, %parallel_loop3A_600, %parallel_loop3A_601] {strides = array<i32>} : memref<8x4x8x128xf32, #tpu.memory_space<vmem>>, vector<16xf32>,
      %parallel_loop3A_603 = arith.minimumf %parallel_loop3A_595, %parallel_loop3A_602 : vector<16xf32>
      %parallel_loop3A_604 = arith.maximumf %parallel_loop3A_594, %parallel_loop3A_603 : vector<16xf32>
      %parallel_loop3A_605 = arith.maximumf %parallel_loop3A_595, %parallel_loop3A_602 : vector<16xf32>
      %parallel_loop3A_606 = arith.addf %parallel_loop3A_605, %parallel_loop3A_604 : vector<16xf32>
      %parallel_loop3A_607 = arith.constant 7 : i32
      %parallel_loop3A_608 = arith.constant 0 : i32
      %parallel_loop3A_609 = arith.index_cast %parallel_loop3A_607 : i32 to index
      %parallel_loop3A_610 = arith.index_cast %parallel_loop3A_36 : i32 to index
      %parallel_loop3A_611 = arith.index_cast %parallel_loop3A_608 : i32 to index
      %parallel_loop3A_612 = arith.index_cast %parallel_loop3A_54 : i32 to index
      %parallel_loop3A_613 = tpu.vector_load %arg6[%parallel_loop3A_609, %parallel_loop3A_610, %parallel_loop3A_611, %parallel_loop3A_612] {strides = array<i32>} : memref<8x4x8x128xf32, #tpu.memory_space<vmem>>, vector<16xf32>,
      %parallel_loop3A_614 = arith.constant 7 : i32
      %parallel_loop3A_615 = arith.constant 1 : i32
      %parallel_loop3A_616 = arith.index_cast %parallel_loop3A_614 : i32 to index
      %parallel_loop3A_617 = arith.index_cast %parallel_loop3A_36 : i32 to index
      %parallel_loop3A_618 = arith.index_cast %parallel_loop3A_615 : i32 to index
      %parallel_loop3A_619 = arith.index_cast %parallel_loop3A_54 : i32 to index
      %parallel_loop3A_620 = tpu.vector_load %arg6[%parallel_loop3A_616, %parallel_loop3A_617, %parallel_loop3A_618, %parallel_loop3A_619] {strides = array<i32>} : memref<8x4x8x128xf32, #tpu.memory_space<vmem>>, vector<16xf32>,
      %parallel_loop3A_621 = arith.minimumf %parallel_loop3A_613, %parallel_loop3A_620 : vector<16xf32>
      %parallel_loop3A_622 = arith.maximumf %broadcast_in_dim3A_3, %parallel_loop3A_621 : vector<16xf32>
      %parallel_loop3A_623 = arith.maximumf %parallel_loop3A_613, %parallel_loop3A_620 : vector<16xf32>
      %parallel_loop3A_624 = arith.constant 7 : i32
      %parallel_loop3A_625 = arith.constant 2 : i32
      %parallel_loop3A_626 = arith.index_cast %parallel_loop3A_624 : i32 to index
      %parallel_loop3A_627 = arith.index_cast %parallel_loop3A_36 : i32 to index
      %parallel_loop3A_628 = arith.index_cast %parallel_loop3A_625 : i32 to index
      %parallel_loop3A_629 = arith.index_cast %parallel_loop3A_54 : i32 to index
      %parallel_loop3A_630 = tpu.vector_load %arg6[%parallel_loop3A_626, %parallel_loop3A_627, %parallel_loop3A_628, %parallel_loop3A_629] {strides = array<i32>} : memref<8x4x8x128xf32, #tpu.memory_space<vmem>>, vector<16xf32>,
      %parallel_loop3A_631 = arith.minimumf %parallel_loop3A_623, %parallel_loop3A_630 : vector<16xf32>
      %parallel_loop3A_632 = arith.maximumf %parallel_loop3A_622, %parallel_loop3A_631 : vector<16xf32>
      %parallel_loop3A_633 = arith.maximumf %parallel_loop3A_623, %parallel_loop3A_630 : vector<16xf32>
      %parallel_loop3A_634 = arith.constant 7 : i32
      %parallel_loop3A_635 = arith.constant 3 : i32
      %parallel_loop3A_636 = arith.index_cast %parallel_loop3A_634 : i32 to index
      %parallel_loop3A_637 = arith.index_cast %parallel_loop3A_36 : i32 to index
      %parallel_loop3A_638 = arith.index_cast %parallel_loop3A_635 : i32 to index
      %parallel_loop3A_639 = arith.index_cast %parallel_loop3A_54 : i32 to index
      %parallel_loop3A_640 = tpu.vector_load %arg6[%parallel_loop3A_636, %parallel_loop3A_637, %parallel_loop3A_638, %parallel_loop3A_639] {strides = array<i32>} : memref<8x4x8x128xf32, #tpu.memory_space<vmem>>, vector<16xf32>,
      %parallel_loop3A_641 = arith.minimumf %parallel_loop3A_633, %parallel_loop3A_640 : vector<16xf32>
      %parallel_loop3A_642 = arith.maximumf %parallel_loop3A_632, %parallel_loop3A_641 : vector<16xf32>
      %parallel_loop3A_643 = arith.maximumf %parallel_loop3A_633, %parallel_loop3A_640 : vector<16xf32>
      %parallel_loop3A_644 = arith.constant 7 : i32
      %parallel_loop3A_645 = arith.constant 4 : i32
      %parallel_loop3A_646 = arith.index_cast %parallel_loop3A_644 : i32 to index
      %parallel_loop3A_647 = arith.index_cast %parallel_loop3A_36 : i32 to index
      %parallel_loop3A_648 = arith.index_cast %parallel_loop3A_645 : i32 to index
      %parallel_loop3A_649 = arith.index_cast %parallel_loop3A_54 : i32 to index
      %parallel_loop3A_650 = tpu.vector_load %arg6[%parallel_loop3A_646, %parallel_loop3A_647, %parallel_loop3A_648, %parallel_loop3A_649] {strides = array<i32>} : memref<8x4x8x128xf32, #tpu.memory_space<vmem>>, vector<16xf32>,
      %parallel_loop3A_651 = arith.minimumf %parallel_loop3A_643, %parallel_loop3A_650 : vector<16xf32>
      %parallel_loop3A_652 = arith.maximumf %parallel_loop3A_642, %parallel_loop3A_651 : vector<16xf32>
      %parallel_loop3A_653 = arith.maximumf %parallel_loop3A_643, %parallel_loop3A_650 : vector<16xf32>
      %parallel_loop3A_654 = arith.constant 7 : i32
      %parallel_loop3A_655 = arith.constant 5 : i32
      %parallel_loop3A_656 = arith.index_cast %parallel_loop3A_654 : i32 to index
      %parallel_loop3A_657 = arith.index_cast %parallel_loop3A_36 : i32 to index
      %parallel_loop3A_658 = arith.index_cast %parallel_loop3A_655 : i32 to index
      %parallel_loop3A_659 = arith.index_cast %parallel_loop3A_54 : i32 to index
      %parallel_loop3A_660 = tpu.vector_load %arg6[%parallel_loop3A_656, %parallel_loop3A_657, %parallel_loop3A_658, %parallel_loop3A_659] {strides = array<i32>} : memref<8x4x8x128xf32, #tpu.memory_space<vmem>>, vector<16xf32>,
      %parallel_loop3A_661 = arith.minimumf %parallel_loop3A_653, %parallel_loop3A_660 : vector<16xf32>
      %parallel_loop3A_662 = arith.maximumf %parallel_loop3A_652, %parallel_loop3A_661 : vector<16xf32>
      %parallel_loop3A_663 = arith.maximumf %parallel_loop3A_653, %parallel_loop3A_660 : vector<16xf32>
      %parallel_loop3A_664 = arith.constant 7 : i32
      %parallel_loop3A_665 = arith.constant 6 : i32
      %parallel_loop3A_666 = arith.index_cast %parallel_loop3A_664 : i32 to index
      %parallel_loop3A_667 = arith.index_cast %parallel_loop3A_36 : i32 to index
      %parallel_loop3A_668 = arith.index_cast %parallel_loop3A_665 : i32 to index
      %parallel_loop3A_669 = arith.index_cast %parallel_loop3A_54 : i32 to index
      %parallel_loop3A_670 = tpu.vector_load %arg6[%parallel_loop3A_666, %parallel_loop3A_667, %parallel_loop3A_668, %parallel_loop3A_669] {strides = array<i32>} : memref<8x4x8x128xf32, #tpu.memory_space<vmem>>, vector<16xf32>,
      %parallel_loop3A_671 = arith.minimumf %parallel_loop3A_663, %parallel_loop3A_670 : vector<16xf32>
      %parallel_loop3A_672 = arith.maximumf %parallel_loop3A_662, %parallel_loop3A_671 : vector<16xf32>
      %parallel_loop3A_673 = arith.maximumf %parallel_loop3A_663, %parallel_loop3A_670 : vector<16xf32>
      %parallel_loop3A_674 = arith.constant 7 : i32
      %parallel_loop3A_675 = arith.constant 7 : i32
      %parallel_loop3A_676 = arith.index_cast %parallel_loop3A_674 : i32 to index
      %parallel_loop3A_677 = arith.index_cast %parallel_loop3A_36 : i32 to index
      %parallel_loop3A_678 = arith.index_cast %parallel_loop3A_675 : i32 to index
      %parallel_loop3A_679 = arith.index_cast %parallel_loop3A_54 : i32 to index
      %parallel_loop3A_680 = tpu.vector_load %arg6[%parallel_loop3A_676, %parallel_loop3A_677, %parallel_loop3A_678, %parallel_loop3A_679] {strides = array<i32>} : memref<8x4x8x128xf32, #tpu.memory_space<vmem>>, vector<16xf32>,
      %parallel_loop3A_681 = arith.minimumf %parallel_loop3A_673, %parallel_loop3A_680 : vector<16xf32>
      %parallel_loop3A_682 = arith.maximumf %parallel_loop3A_672, %parallel_loop3A_681 : vector<16xf32>
      %parallel_loop3A_683 = arith.maximumf %parallel_loop3A_673, %parallel_loop3A_680 : vector<16xf32>
      %parallel_loop3A_684 = arith.addf %parallel_loop3A_683, %parallel_loop3A_682 : vector<16xf32>
      %parallel_loop3A_685 = arith.constant 0 : i32
      %parallel_loop3A_686 = vector.broadcast %parallel_loop3A_685 : i32 to vector<16xi32>
      %parallel_loop3A_687 = arith.constant 1 : i32
      %parallel_loop3A_688 = vector.broadcast %parallel_loop3A_687 : i32 to vector<16xi32>
      %parallel_loop3A_689 = arith.constant 2 : i32
      %parallel_loop3A_690 = vector.broadcast %parallel_loop3A_689 : i32 to vector<16xi32>
      %parallel_loop3A_691 = arith.constant 3 : i32
      %parallel_loop3A_692 = vector.broadcast %parallel_loop3A_691 : i32 to vector<16xi32>
      %parallel_loop3A_693 = arith.constant 4 : i32
      %parallel_loop3A_694 = vector.broadcast %parallel_loop3A_693 : i32 to vector<16xi32>
      %parallel_loop3A_695 = arith.constant 5 : i32
      %parallel_loop3A_696 = vector.broadcast %parallel_loop3A_695 : i32 to vector<16xi32>
      %parallel_loop3A_697 = arith.constant 6 : i32
      %parallel_loop3A_698 = vector.broadcast %parallel_loop3A_697 : i32 to vector<16xi32>
      %parallel_loop3A_699 = arith.constant 7 : i32
      %parallel_loop3A_700 = vector.broadcast %parallel_loop3A_699 : i32 to vector<16xi32>
      %parallel_loop3A_701 = arith.cmpf ogt, %parallel_loop3A_216, %parallel_loop3A_138 : vector<16xf32>
      %parallel_loop3A_702 = arith.select %parallel_loop3A_701, %parallel_loop3A_216, %parallel_loop3A_138 : vector<16xi1>, vector<16xf32>
      %parallel_loop3A_703 = arith.select %parallel_loop3A_701, %parallel_loop3A_688, %parallel_loop3A_686 : vector<16xi1>, vector<16xi32>
      %parallel_loop3A_704 = arith.cmpf ogt, %parallel_loop3A_372, %parallel_loop3A_294 : vector<16xf32>
      %parallel_loop3A_705 = arith.select %parallel_loop3A_704, %parallel_loop3A_372, %parallel_loop3A_294 : vector<16xi1>, vector<16xf32>
      %parallel_loop3A_706 = arith.select %parallel_loop3A_704, %parallel_loop3A_692, %parallel_loop3A_690 : vector<16xi1>, vector<16xi32>
      %parallel_loop3A_707 = arith.cmpf ogt, %parallel_loop3A_528, %parallel_loop3A_450 : vector<16xf32>
      %parallel_loop3A_708 = arith.select %parallel_loop3A_707, %parallel_loop3A_528, %parallel_loop3A_450 : vector<16xi1>, vector<16xf32>
      %parallel_loop3A_709 = arith.select %parallel_loop3A_707, %parallel_loop3A_696, %parallel_loop3A_694 : vector<16xi1>, vector<16xi32>
      %parallel_loop3A_710 = arith.cmpf ogt, %parallel_loop3A_684, %parallel_loop3A_606 : vector<16xf32>
      %parallel_loop3A_711 = arith.select %parallel_loop3A_710, %parallel_loop3A_684, %parallel_loop3A_606 : vector<16xi1>, vector<16xf32>
      %parallel_loop3A_712 = arith.select %parallel_loop3A_710, %parallel_loop3A_700, %parallel_loop3A_698 : vector<16xi1>, vector<16xi32>
      %parallel_loop3A_713 = arith.cmpf ogt, %parallel_loop3A_705, %parallel_loop3A_702 : vector<16xf32>
      %parallel_loop3A_714 = arith.select %parallel_loop3A_713, %parallel_loop3A_705, %parallel_loop3A_702 : vector<16xi1>, vector<16xf32>
      %parallel_loop3A_715 = arith.select %parallel_loop3A_713, %parallel_loop3A_706, %parallel_loop3A_703 : vector<16xi1>, vector<16xi32>
      %parallel_loop3A_716 = arith.cmpf ogt, %parallel_loop3A_711, %parallel_loop3A_708 : vector<16xf32>
      %parallel_loop3A_717 = arith.select %parallel_loop3A_716, %parallel_loop3A_711, %parallel_loop3A_708 : vector<16xi1>, vector<16xf32>
      %parallel_loop3A_718 = arith.select %parallel_loop3A_716, %parallel_loop3A_712, %parallel_loop3A_709 : vector<16xi1>, vector<16xi32>
      %parallel_loop3A_719 = arith.cmpf ogt, %parallel_loop3A_717, %parallel_loop3A_714 : vector<16xf32>
      %parallel_loop3A_720 = arith.select %parallel_loop3A_719, %parallel_loop3A_717, %parallel_loop3A_714 : vector<16xi1>, vector<16xf32>
      %parallel_loop3A_721 = arith.select %parallel_loop3A_719, %parallel_loop3A_718, %parallel_loop3A_715 : vector<16xi1>, vector<16xi32>
      %parallel_loop3A_722 = arith.constant 0 : i32
      %parallel_loop3A_723 = vector.broadcast %parallel_loop3A_722 : i32 to vector<16xi32>
      %parallel_loop3A_724 = arith.cmpi eq, %parallel_loop3A_721, %parallel_loop3A_723 : vector<16xi32>
      %parallel_loop3A_725 = arith.select %parallel_loop3A_724, %broadcast_in_dim3A_3, %parallel_loop3A_138 : vector<16xi1>, vector<16xf32>
      %parallel_loop3A_726 = arith.constant 1 : i32
      %parallel_loop3A_727 = vector.broadcast %parallel_loop3A_726 : i32 to vector<16xi32>
      %parallel_loop3A_728 = arith.cmpi eq, %parallel_loop3A_721, %parallel_loop3A_727 : vector<16xi32>
      %parallel_loop3A_729 = arith.select %parallel_loop3A_728, %broadcast_in_dim3A_3, %parallel_loop3A_216 : vector<16xi1>, vector<16xf32>
      %parallel_loop3A_730 = arith.constant 2 : i32
      %parallel_loop3A_731 = vector.broadcast %parallel_loop3A_730 : i32 to vector<16xi32>
      %parallel_loop3A_732 = arith.cmpi eq, %parallel_loop3A_721, %parallel_loop3A_731 : vector<16xi32>
      %parallel_loop3A_733 = arith.select %parallel_loop3A_732, %broadcast_in_dim3A_3, %parallel_loop3A_294 : vector<16xi1>, vector<16xf32>
      %parallel_loop3A_734 = arith.constant 3 : i32
      %parallel_loop3A_735 = vector.broadcast %parallel_loop3A_734 : i32 to vector<16xi32>
      %parallel_loop3A_736 = arith.cmpi eq, %parallel_loop3A_721, %parallel_loop3A_735 : vector<16xi32>
      %parallel_loop3A_737 = arith.select %parallel_loop3A_736, %broadcast_in_dim3A_3, %parallel_loop3A_372 : vector<16xi1>, vector<16xf32>
      %parallel_loop3A_738 = arith.constant 4 : i32
      %parallel_loop3A_739 = vector.broadcast %parallel_loop3A_738 : i32 to vector<16xi32>
      %parallel_loop3A_740 = arith.cmpi eq, %parallel_loop3A_721, %parallel_loop3A_739 : vector<16xi32>
      %parallel_loop3A_741 = arith.select %parallel_loop3A_740, %broadcast_in_dim3A_3, %parallel_loop3A_450 : vector<16xi1>, vector<16xf32>
      %parallel_loop3A_742 = arith.constant 5 : i32
      %parallel_loop3A_743 = vector.broadcast %parallel_loop3A_742 : i32 to vector<16xi32>
      %parallel_loop3A_744 = arith.cmpi eq, %parallel_loop3A_721, %parallel_loop3A_743 : vector<16xi32>
      %parallel_loop3A_745 = arith.select %parallel_loop3A_744, %broadcast_in_dim3A_3, %parallel_loop3A_528 : vector<16xi1>, vector<16xf32>
      %parallel_loop3A_746 = arith.constant 6 : i32
      %parallel_loop3A_747 = vector.broadcast %parallel_loop3A_746 : i32 to vector<16xi32>
      %parallel_loop3A_748 = arith.cmpi eq, %parallel_loop3A_721, %parallel_loop3A_747 : vector<16xi32>
      %parallel_loop3A_749 = arith.select %parallel_loop3A_748, %broadcast_in_dim3A_3, %parallel_loop3A_606 : vector<16xi1>, vector<16xf32>
      %parallel_loop3A_750 = arith.constant 7 : i32
      %parallel_loop3A_751 = vector.broadcast %parallel_loop3A_750 : i32 to vector<16xi32>
      %parallel_loop3A_752 = arith.cmpi eq, %parallel_loop3A_721, %parallel_loop3A_751 : vector<16xi32>
      %parallel_loop3A_753 = arith.select %parallel_loop3A_752, %broadcast_in_dim3A_3, %parallel_loop3A_684 : vector<16xi1>, vector<16xf32>
      %parallel_loop3A_754 = arith.constant 0 : i32
      %parallel_loop3A_755 = vector.broadcast %parallel_loop3A_754 : i32 to vector<16xi32>
      %parallel_loop3A_756 = arith.constant 1 : i32
      %parallel_loop3A_757 = vector.broadcast %parallel_loop3A_756 : i32 to vector<16xi32>
      %parallel_loop3A_758 = arith.constant 2 : i32
      %parallel_loop3A_759 = vector.broadcast %parallel_loop3A_758 : i32 to vector<16xi32>
      %parallel_loop3A_760 = arith.constant 3 : i32
      %parallel_loop3A_761 = vector.broadcast %parallel_loop3A_760 : i32 to vector<16xi32>
      %parallel_loop3A_762 = arith.constant 4 : i32
      %parallel_loop3A_763 = vector.broadcast %parallel_loop3A_762 : i32 to vector<16xi32>
      %parallel_loop3A_764 = arith.constant 5 : i32
      %parallel_loop3A_765 = vector.broadcast %parallel_loop3A_764 : i32 to vector<16xi32>
      %parallel_loop3A_766 = arith.constant 6 : i32
      %parallel_loop3A_767 = vector.broadcast %parallel_loop3A_766 : i32 to vector<16xi32>
      %parallel_loop3A_768 = arith.constant 7 : i32
      %parallel_loop3A_769 = vector.broadcast %parallel_loop3A_768 : i32 to vector<16xi32>
      %parallel_loop3A_770 = arith.cmpf ogt, %parallel_loop3A_729, %parallel_loop3A_725 : vector<16xf32>
      %parallel_loop3A_771 = arith.select %parallel_loop3A_770, %parallel_loop3A_729, %parallel_loop3A_725 : vector<16xi1>, vector<16xf32>
      %parallel_loop3A_772 = arith.select %parallel_loop3A_770, %parallel_loop3A_757, %parallel_loop3A_755 : vector<16xi1>, vector<16xi32>
      %parallel_loop3A_773 = arith.cmpf ogt, %parallel_loop3A_737, %parallel_loop3A_733 : vector<16xf32>
      %parallel_loop3A_774 = arith.select %parallel_loop3A_773, %parallel_loop3A_737, %parallel_loop3A_733 : vector<16xi1>, vector<16xf32>
      %parallel_loop3A_775 = arith.select %parallel_loop3A_773, %parallel_loop3A_761, %parallel_loop3A_759 : vector<16xi1>, vector<16xi32>
      %parallel_loop3A_776 = arith.cmpf ogt, %parallel_loop3A_745, %parallel_loop3A_741 : vector<16xf32>
      %parallel_loop3A_777 = arith.select %parallel_loop3A_776, %parallel_loop3A_745, %parallel_loop3A_741 : vector<16xi1>, vector<16xf32>
      %parallel_loop3A_778 = arith.select %parallel_loop3A_776, %parallel_loop3A_765, %parallel_loop3A_763 : vector<16xi1>, vector<16xi32>
      %parallel_loop3A_779 = arith.cmpf ogt, %parallel_loop3A_753, %parallel_loop3A_749 : vector<16xf32>
      %parallel_loop3A_780 = arith.select %parallel_loop3A_779, %parallel_loop3A_753, %parallel_loop3A_749 : vector<16xi1>, vector<16xf32>
      %parallel_loop3A_781 = arith.select %parallel_loop3A_779, %parallel_loop3A_769, %parallel_loop3A_767 : vector<16xi1>, vector<16xi32>
      %parallel_loop3A_782 = arith.cmpf ogt, %parallel_loop3A_774, %parallel_loop3A_771 : vector<16xf32>
      %parallel_loop3A_783 = arith.select %parallel_loop3A_782, %parallel_loop3A_774, %parallel_loop3A_771 : vector<16xi1>, vector<16xf32>
      %parallel_loop3A_784 = arith.select %parallel_loop3A_782, %parallel_loop3A_775, %parallel_loop3A_772 : vector<16xi1>, vector<16xi32>
      %parallel_loop3A_785 = arith.cmpf ogt, %parallel_loop3A_780, %parallel_loop3A_777 : vector<16xf32>
      %parallel_loop3A_786 = arith.select %parallel_loop3A_785, %parallel_loop3A_780, %parallel_loop3A_777 : vector<16xi1>, vector<16xf32>
      %parallel_loop3A_787 = arith.select %parallel_loop3A_785, %parallel_loop3A_781, %parallel_loop3A_778 : vector<16xi1>, vector<16xi32>
      %parallel_loop3A_788 = arith.cmpf ogt, %parallel_loop3A_786, %parallel_loop3A_783 : vector<16xf32>
      %parallel_loop3A_789 = arith.select %parallel_loop3A_788, %parallel_loop3A_786, %parallel_loop3A_783 : vector<16xi1>, vector<16xf32>
      %parallel_loop3A_790 = arith.select %parallel_loop3A_788, %parallel_loop3A_787, %parallel_loop3A_784 : vector<16xi1>, vector<16xi32>
      %parallel_loop3A_791 = arith.constant 0 : i32
      %parallel_loop3A_792 = vector.broadcast %parallel_loop3A_791 : i32 to vector<16xi32>
      %parallel_loop3A_793 = arith.cmpi eq, %parallel_loop3A_790, %parallel_loop3A_792 : vector<16xi32>
      %parallel_loop3A_794 = arith.select %parallel_loop3A_793, %broadcast_in_dim3A_3, %parallel_loop3A_725 : vector<16xi1>, vector<16xf32>
      %parallel_loop3A_795 = arith.constant 1 : i32
      %parallel_loop3A_796 = vector.broadcast %parallel_loop3A_795 : i32 to vector<16xi32>
      %parallel_loop3A_797 = arith.cmpi eq, %parallel_loop3A_790, %parallel_loop3A_796 : vector<16xi32>
      %parallel_loop3A_798 = arith.select %parallel_loop3A_797, %broadcast_in_dim3A_3, %parallel_loop3A_729 : vector<16xi1>, vector<16xf32>
      %parallel_loop3A_799 = arith.constant 2 : i32
      %parallel_loop3A_800 = vector.broadcast %parallel_loop3A_799 : i32 to vector<16xi32>
      %parallel_loop3A_801 = arith.cmpi eq, %parallel_loop3A_790, %parallel_loop3A_800 : vector<16xi32>
      %parallel_loop3A_802 = arith.select %parallel_loop3A_801, %broadcast_in_dim3A_3, %parallel_loop3A_733 : vector<16xi1>, vector<16xf32>
      %parallel_loop3A_803 = arith.constant 3 : i32
      %parallel_loop3A_804 = vector.broadcast %parallel_loop3A_803 : i32 to vector<16xi32>
      %parallel_loop3A_805 = arith.cmpi eq, %parallel_loop3A_790, %parallel_loop3A_804 : vector<16xi32>
      %parallel_loop3A_806 = arith.select %parallel_loop3A_805, %broadcast_in_dim3A_3, %parallel_loop3A_737 : vector<16xi1>, vector<16xf32>
      %parallel_loop3A_807 = arith.constant 4 : i32
      %parallel_loop3A_808 = vector.broadcast %parallel_loop3A_807 : i32 to vector<16xi32>
      %parallel_loop3A_809 = arith.cmpi eq, %parallel_loop3A_790, %parallel_loop3A_808 : vector<16xi32>
      %parallel_loop3A_810 = arith.select %parallel_loop3A_809, %broadcast_in_dim3A_3, %parallel_loop3A_741 : vector<16xi1>, vector<16xf32>
      %parallel_loop3A_811 = arith.constant 5 : i32
      %parallel_loop3A_812 = vector.broadcast %parallel_loop3A_811 : i32 to vector<16xi32>
      %parallel_loop3A_813 = arith.cmpi eq, %parallel_loop3A_790, %parallel_loop3A_812 : vector<16xi32>
      %parallel_loop3A_814 = arith.select %parallel_loop3A_813, %broadcast_in_dim3A_3, %parallel_loop3A_745 : vector<16xi1>, vector<16xf32>
      %parallel_loop3A_815 = arith.constant 6 : i32
      %parallel_loop3A_816 = vector.broadcast %parallel_loop3A_815 : i32 to vector<16xi32>
      %parallel_loop3A_817 = arith.cmpi eq, %parallel_loop3A_790, %parallel_loop3A_816 : vector<16xi32>
      %parallel_loop3A_818 = arith.select %parallel_loop3A_817, %broadcast_in_dim3A_3, %parallel_loop3A_749 : vector<16xi1>, vector<16xf32>
      %parallel_loop3A_819 = arith.constant 7 : i32
      %parallel_loop3A_820 = vector.broadcast %parallel_loop3A_819 : i32 to vector<16xi32>
      %parallel_loop3A_821 = arith.cmpi eq, %parallel_loop3A_790, %parallel_loop3A_820 : vector<16xi32>
      %parallel_loop3A_822 = arith.select %parallel_loop3A_821, %broadcast_in_dim3A_3, %parallel_loop3A_753 : vector<16xi1>, vector<16xf32>
      %parallel_loop3A_823 = arith.constant 0 : i32
      %parallel_loop3A_824 = vector.broadcast %parallel_loop3A_823 : i32 to vector<16xi32>
      %parallel_loop3A_825 = arith.constant 1 : i32
      %parallel_loop3A_826 = vector.broadcast %parallel_loop3A_825 : i32 to vector<16xi32>
      %parallel_loop3A_827 = arith.constant 2 : i32
      %parallel_loop3A_828 = vector.broadcast %parallel_loop3A_827 : i32 to vector<16xi32>
      %parallel_loop3A_829 = arith.constant 3 : i32
      %parallel_loop3A_830 = vector.broadcast %parallel_loop3A_829 : i32 to vector<16xi32>
      %parallel_loop3A_831 = arith.constant 4 : i32
      %parallel_loop3A_832 = vector.broadcast %parallel_loop3A_831 : i32 to vector<16xi32>
      %parallel_loop3A_833 = arith.constant 5 : i32
      %parallel_loop3A_834 = vector.broadcast %parallel_loop3A_833 : i32 to vector<16xi32>
      %parallel_loop3A_835 = arith.constant 6 : i32
      %parallel_loop3A_836 = vector.broadcast %parallel_loop3A_835 : i32 to vector<16xi32>
      %parallel_loop3A_837 = arith.constant 7 : i32
      %parallel_loop3A_838 = vector.broadcast %parallel_loop3A_837 : i32 to vector<16xi32>
      %parallel_loop3A_839 = arith.cmpf ogt, %parallel_loop3A_798, %parallel_loop3A_794 : vector<16xf32>
      %parallel_loop3A_840 = arith.select %parallel_loop3A_839, %parallel_loop3A_798, %parallel_loop3A_794 : vector<16xi1>, vector<16xf32>
      %parallel_loop3A_841 = arith.select %parallel_loop3A_839, %parallel_loop3A_826, %parallel_loop3A_824 : vector<16xi1>, vector<16xi32>
      %parallel_loop3A_842 = arith.cmpf ogt, %parallel_loop3A_806, %parallel_loop3A_802 : vector<16xf32>
      %parallel_loop3A_843 = arith.select %parallel_loop3A_842, %parallel_loop3A_806, %parallel_loop3A_802 : vector<16xi1>, vector<16xf32>
      %parallel_loop3A_844 = arith.select %parallel_loop3A_842, %parallel_loop3A_830, %parallel_loop3A_828 : vector<16xi1>, vector<16xi32>
      %parallel_loop3A_845 = arith.cmpf ogt, %parallel_loop3A_814, %parallel_loop3A_810 : vector<16xf32>
      %parallel_loop3A_846 = arith.select %parallel_loop3A_845, %parallel_loop3A_814, %parallel_loop3A_810 : vector<16xi1>, vector<16xf32>
      %parallel_loop3A_847 = arith.select %parallel_loop3A_845, %parallel_loop3A_834, %parallel_loop3A_832 : vector<16xi1>, vector<16xi32>
      %parallel_loop3A_848 = arith.cmpf ogt, %parallel_loop3A_822, %parallel_loop3A_818 : vector<16xf32>
      %parallel_loop3A_849 = arith.select %parallel_loop3A_848, %parallel_loop3A_822, %parallel_loop3A_818 : vector<16xi1>, vector<16xf32>
      %parallel_loop3A_850 = arith.select %parallel_loop3A_848, %parallel_loop3A_838, %parallel_loop3A_836 : vector<16xi1>, vector<16xi32>
      %parallel_loop3A_851 = arith.cmpf ogt, %parallel_loop3A_843, %parallel_loop3A_840 : vector<16xf32>
      %parallel_loop3A_852 = arith.select %parallel_loop3A_851, %parallel_loop3A_843, %parallel_loop3A_840 : vector<16xi1>, vector<16xf32>
      %parallel_loop3A_853 = arith.select %parallel_loop3A_851, %parallel_loop3A_844, %parallel_loop3A_841 : vector<16xi1>, vector<16xi32>
      %parallel_loop3A_854 = arith.cmpf ogt, %parallel_loop3A_849, %parallel_loop3A_846 : vector<16xf32>
      %parallel_loop3A_855 = arith.select %parallel_loop3A_854, %parallel_loop3A_849, %parallel_loop3A_846 : vector<16xi1>, vector<16xf32>
      %parallel_loop3A_856 = arith.select %parallel_loop3A_854, %parallel_loop3A_850, %parallel_loop3A_847 : vector<16xi1>, vector<16xi32>
      %parallel_loop3A_857 = arith.cmpf ogt, %parallel_loop3A_855, %parallel_loop3A_852 : vector<16xf32>
      %parallel_loop3A_858 = arith.select %parallel_loop3A_857, %parallel_loop3A_855, %parallel_loop3A_852 : vector<16xi1>, vector<16xf32>
      %parallel_loop3A_859 = arith.select %parallel_loop3A_857, %parallel_loop3A_856, %parallel_loop3A_853 : vector<16xi1>, vector<16xi32>
      %parallel_loop3A_860 = arith.constant 0 : i32
      %parallel_loop3A_861 = vector.broadcast %parallel_loop3A_860 : i32 to vector<16xi32>
      %parallel_loop3A_862 = arith.cmpi eq, %parallel_loop3A_859, %parallel_loop3A_861 : vector<16xi32>
      %parallel_loop3A_863 = arith.select %parallel_loop3A_862, %broadcast_in_dim3A_3, %parallel_loop3A_794 : vector<16xi1>, vector<16xf32>
      %parallel_loop3A_864 = arith.constant 1 : i32
      %parallel_loop3A_865 = vector.broadcast %parallel_loop3A_864 : i32 to vector<16xi32>
      %parallel_loop3A_866 = arith.cmpi eq, %parallel_loop3A_859, %parallel_loop3A_865 : vector<16xi32>
      %parallel_loop3A_867 = arith.select %parallel_loop3A_866, %broadcast_in_dim3A_3, %parallel_loop3A_798 : vector<16xi1>, vector<16xf32>
      %parallel_loop3A_868 = arith.constant 2 : i32
      %parallel_loop3A_869 = vector.broadcast %parallel_loop3A_868 : i32 to vector<16xi32>
      %parallel_loop3A_870 = arith.cmpi eq, %parallel_loop3A_859, %parallel_loop3A_869 : vector<16xi32>
      %parallel_loop3A_871 = arith.select %parallel_loop3A_870, %broadcast_in_dim3A_3, %parallel_loop3A_802 : vector<16xi1>, vector<16xf32>
      %parallel_loop3A_872 = arith.constant 3 : i32
      %parallel_loop3A_873 = vector.broadcast %parallel_loop3A_872 : i32 to vector<16xi32>
      %parallel_loop3A_874 = arith.cmpi eq, %parallel_loop3A_859, %parallel_loop3A_873 : vector<16xi32>
      %parallel_loop3A_875 = arith.select %parallel_loop3A_874, %broadcast_in_dim3A_3, %parallel_loop3A_806 : vector<16xi1>, vector<16xf32>
      %parallel_loop3A_876 = arith.constant 4 : i32
      %parallel_loop3A_877 = vector.broadcast %parallel_loop3A_876 : i32 to vector<16xi32>
      %parallel_loop3A_878 = arith.cmpi eq, %parallel_loop3A_859, %parallel_loop3A_877 : vector<16xi32>
      %parallel_loop3A_879 = arith.select %parallel_loop3A_878, %broadcast_in_dim3A_3, %parallel_loop3A_810 : vector<16xi1>, vector<16xf32>
      %parallel_loop3A_880 = arith.constant 5 : i32
      %parallel_loop3A_881 = vector.broadcast %parallel_loop3A_880 : i32 to vector<16xi32>
      %parallel_loop3A_882 = arith.cmpi eq, %parallel_loop3A_859, %parallel_loop3A_881 : vector<16xi32>
      %parallel_loop3A_883 = arith.select %parallel_loop3A_882, %broadcast_in_dim3A_3, %parallel_loop3A_814 : vector<16xi1>, vector<16xf32>
      %parallel_loop3A_884 = arith.constant 6 : i32
      %parallel_loop3A_885 = vector.broadcast %parallel_loop3A_884 : i32 to vector<16xi32>
      %parallel_loop3A_886 = arith.cmpi eq, %parallel_loop3A_859, %parallel_loop3A_885 : vector<16xi32>
      %parallel_loop3A_887 = arith.select %parallel_loop3A_886, %broadcast_in_dim3A_3, %parallel_loop3A_818 : vector<16xi1>, vector<16xf32>
      %parallel_loop3A_888 = arith.constant 7 : i32
      %parallel_loop3A_889 = vector.broadcast %parallel_loop3A_888 : i32 to vector<16xi32>
      %parallel_loop3A_890 = arith.cmpi eq, %parallel_loop3A_859, %parallel_loop3A_889 : vector<16xi32>
      %parallel_loop3A_891 = arith.select %parallel_loop3A_890, %broadcast_in_dim3A_3, %parallel_loop3A_822 : vector<16xi1>, vector<16xf32>
      %parallel_loop3A_892 = arith.constant 0 : i32
      %parallel_loop3A_893 = vector.broadcast %parallel_loop3A_892 : i32 to vector<16xi32>
      %parallel_loop3A_894 = arith.constant 1 : i32
      %parallel_loop3A_895 = vector.broadcast %parallel_loop3A_894 : i32 to vector<16xi32>
      %parallel_loop3A_896 = arith.constant 2 : i32
      %parallel_loop3A_897 = vector.broadcast %parallel_loop3A_896 : i32 to vector<16xi32>
      %parallel_loop3A_898 = arith.constant 3 : i32
      %parallel_loop3A_899 = vector.broadcast %parallel_loop3A_898 : i32 to vector<16xi32>
      %parallel_loop3A_900 = arith.constant 4 : i32
      %parallel_loop3A_901 = vector.broadcast %parallel_loop3A_900 : i32 to vector<16xi32>
      %parallel_loop3A_902 = arith.constant 5 : i32
      %parallel_loop3A_903 = vector.broadcast %parallel_loop3A_902 : i32 to vector<16xi32>
      %parallel_loop3A_904 = arith.constant 6 : i32
      %parallel_loop3A_905 = vector.broadcast %parallel_loop3A_904 : i32 to vector<16xi32>
      %parallel_loop3A_906 = arith.constant 7 : i32
      %parallel_loop3A_907 = vector.broadcast %parallel_loop3A_906 : i32 to vector<16xi32>
      %parallel_loop3A_908 = arith.cmpf ogt, %parallel_loop3A_867, %parallel_loop3A_863 : vector<16xf32>
      %parallel_loop3A_909 = arith.select %parallel_loop3A_908, %parallel_loop3A_867, %parallel_loop3A_863 : vector<16xi1>, vector<16xf32>
      %parallel_loop3A_910 = arith.select %parallel_loop3A_908, %parallel_loop3A_895, %parallel_loop3A_893 : vector<16xi1>, vector<16xi32>
      %parallel_loop3A_911 = arith.cmpf ogt, %parallel_loop3A_875, %parallel_loop3A_871 : vector<16xf32>
      %parallel_loop3A_912 = arith.select %parallel_loop3A_911, %parallel_loop3A_875, %parallel_loop3A_871 : vector<16xi1>, vector<16xf32>
      %parallel_loop3A_913 = arith.select %parallel_loop3A_911, %parallel_loop3A_899, %parallel_loop3A_897 : vector<16xi1>, vector<16xi32>
      %parallel_loop3A_914 = arith.cmpf ogt, %parallel_loop3A_883, %parallel_loop3A_879 : vector<16xf32>
      %parallel_loop3A_915 = arith.select %parallel_loop3A_914, %parallel_loop3A_883, %parallel_loop3A_879 : vector<16xi1>, vector<16xf32>
      %parallel_loop3A_916 = arith.select %parallel_loop3A_914, %parallel_loop3A_903, %parallel_loop3A_901 : vector<16xi1>, vector<16xi32>
      %parallel_loop3A_917 = arith.cmpf ogt, %parallel_loop3A_891, %parallel_loop3A_887 : vector<16xf32>
      %parallel_loop3A_918 = arith.select %parallel_loop3A_917, %parallel_loop3A_891, %parallel_loop3A_887 : vector<16xi1>, vector<16xf32>
      %parallel_loop3A_919 = arith.select %parallel_loop3A_917, %parallel_loop3A_907, %parallel_loop3A_905 : vector<16xi1>, vector<16xi32>
      %parallel_loop3A_920 = arith.cmpf ogt, %parallel_loop3A_912, %parallel_loop3A_909 : vector<16xf32>
      %parallel_loop3A_921 = arith.select %parallel_loop3A_920, %parallel_loop3A_912, %parallel_loop3A_909 : vector<16xi1>, vector<16xf32>
      %parallel_loop3A_922 = arith.select %parallel_loop3A_920, %parallel_loop3A_913, %parallel_loop3A_910 : vector<16xi1>, vector<16xi32>
      %parallel_loop3A_923 = arith.cmpf ogt, %parallel_loop3A_918, %parallel_loop3A_915 : vector<16xf32>
      %parallel_loop3A_924 = arith.select %parallel_loop3A_923, %parallel_loop3A_918, %parallel_loop3A_915 : vector<16xi1>, vector<16xf32>
      %parallel_loop3A_925 = arith.select %parallel_loop3A_923, %parallel_loop3A_919, %parallel_loop3A_916 : vector<16xi1>, vector<16xi32>
      %parallel_loop3A_926 = arith.cmpf ogt, %parallel_loop3A_924, %parallel_loop3A_921 : vector<16xf32>
      %parallel_loop3A_927 = arith.select %parallel_loop3A_926, %parallel_loop3A_924, %parallel_loop3A_921 : vector<16xi1>, vector<16xf32>
      %parallel_loop3A_928 = arith.select %parallel_loop3A_926, %parallel_loop3A_925, %parallel_loop3A_922 : vector<16xi1>, vector<16xi32>
      %parallel_loop3A_929 = arith.constant 0 : i32
      %parallel_loop3A_930 = vector.broadcast %parallel_loop3A_929 : i32 to vector<16xi32>
      %parallel_loop3A_931 = arith.cmpi eq, %parallel_loop3A_928, %parallel_loop3A_930 : vector<16xi32>
      %parallel_loop3A_932 = arith.select %parallel_loop3A_931, %broadcast_in_dim3A_3, %parallel_loop3A_863 : vector<16xi1>, vector<16xf32>
      %parallel_loop3A_933 = arith.constant 1 : i32
      %parallel_loop3A_934 = vector.broadcast %parallel_loop3A_933 : i32 to vector<16xi32>
      %parallel_loop3A_935 = arith.cmpi eq, %parallel_loop3A_928, %parallel_loop3A_934 : vector<16xi32>
      %parallel_loop3A_936 = arith.select %parallel_loop3A_935, %broadcast_in_dim3A_3, %parallel_loop3A_867 : vector<16xi1>, vector<16xf32>
      %parallel_loop3A_937 = arith.constant 2 : i32
      %parallel_loop3A_938 = vector.broadcast %parallel_loop3A_937 : i32 to vector<16xi32>
      %parallel_loop3A_939 = arith.cmpi eq, %parallel_loop3A_928, %parallel_loop3A_938 : vector<16xi32>
      %parallel_loop3A_940 = arith.select %parallel_loop3A_939, %broadcast_in_dim3A_3, %parallel_loop3A_871 : vector<16xi1>, vector<16xf32>
      %parallel_loop3A_941 = arith.constant 3 : i32
      %parallel_loop3A_942 = vector.broadcast %parallel_loop3A_941 : i32 to vector<16xi32>
      %parallel_loop3A_943 = arith.cmpi eq, %parallel_loop3A_928, %parallel_loop3A_942 : vector<16xi32>
      %parallel_loop3A_944 = arith.select %parallel_loop3A_943, %broadcast_in_dim3A_3, %parallel_loop3A_875 : vector<16xi1>, vector<16xf32>
      %parallel_loop3A_945 = arith.constant 4 : i32
      %parallel_loop3A_946 = vector.broadcast %parallel_loop3A_945 : i32 to vector<16xi32>
      %parallel_loop3A_947 = arith.cmpi eq, %parallel_loop3A_928, %parallel_loop3A_946 : vector<16xi32>
      %parallel_loop3A_948 = arith.select %parallel_loop3A_947, %broadcast_in_dim3A_3, %parallel_loop3A_879 : vector<16xi1>, vector<16xf32>
      %parallel_loop3A_949 = arith.constant 5 : i32
      %parallel_loop3A_950 = vector.broadcast %parallel_loop3A_949 : i32 to vector<16xi32>
      %parallel_loop3A_951 = arith.cmpi eq, %parallel_loop3A_928, %parallel_loop3A_950 : vector<16xi32>
      %parallel_loop3A_952 = arith.select %parallel_loop3A_951, %broadcast_in_dim3A_3, %parallel_loop3A_883 : vector<16xi1>, vector<16xf32>
      %parallel_loop3A_953 = arith.constant 6 : i32
      %parallel_loop3A_954 = vector.broadcast %parallel_loop3A_953 : i32 to vector<16xi32>
      %parallel_loop3A_955 = arith.cmpi eq, %parallel_loop3A_928, %parallel_loop3A_954 : vector<16xi32>
      %parallel_loop3A_956 = arith.select %parallel_loop3A_955, %broadcast_in_dim3A_3, %parallel_loop3A_887 : vector<16xi1>, vector<16xf32>
      %parallel_loop3A_957 = arith.constant 7 : i32
      %parallel_loop3A_958 = vector.broadcast %parallel_loop3A_957 : i32 to vector<16xi32>
      %parallel_loop3A_959 = arith.cmpi eq, %parallel_loop3A_928, %parallel_loop3A_958 : vector<16xi32>
      %parallel_loop3A_960 = arith.select %parallel_loop3A_959, %broadcast_in_dim3A_3, %parallel_loop3A_891 : vector<16xi1>, vector<16xf32>
      %parallel_loop3A_961 = arith.constant 0 : i32
      %parallel_loop3A_962 = vector.broadcast %parallel_loop3A_961 : i32 to vector<16xi32>
      %parallel_loop3A_963 = tpu.vector_load_idx %arg6[%parallel_loop3A_721, %parallel_loop3A_58, %parallel_loop3A_962, %parallel_loop3A_60] : memref<8x4x8x128xf32, #tpu.memory_space<vmem>>[vector<16xi32>, vector<16xi32>, vector<16xi32>, vector<16xi32>], vector<16xf32>,
      %parallel_loop3A_964 = arith.constant 1 : i32
      %parallel_loop3A_965 = vector.broadcast %parallel_loop3A_964 : i32 to vector<16xi32>
      %parallel_loop3A_966 = tpu.vector_load_idx %arg6[%parallel_loop3A_721, %parallel_loop3A_58, %parallel_loop3A_965, %parallel_loop3A_60] : memref<8x4x8x128xf32, #tpu.memory_space<vmem>>[vector<16xi32>, vector<16xi32>, vector<16xi32>, vector<16xi32>], vector<16xf32>,
      %parallel_loop3A_967 = arith.constant 2 : i32
      %parallel_loop3A_968 = vector.broadcast %parallel_loop3A_967 : i32 to vector<16xi32>
      %parallel_loop3A_969 = tpu.vector_load_idx %arg6[%parallel_loop3A_721, %parallel_loop3A_58, %parallel_loop3A_968, %parallel_loop3A_60] : memref<8x4x8x128xf32, #tpu.memory_space<vmem>>[vector<16xi32>, vector<16xi32>, vector<16xi32>, vector<16xi32>], vector<16xf32>,
      %parallel_loop3A_970 = arith.constant 3 : i32
      %parallel_loop3A_971 = vector.broadcast %parallel_loop3A_970 : i32 to vector<16xi32>
      %parallel_loop3A_972 = tpu.vector_load_idx %arg6[%parallel_loop3A_721, %parallel_loop3A_58, %parallel_loop3A_971, %parallel_loop3A_60] : memref<8x4x8x128xf32, #tpu.memory_space<vmem>>[vector<16xi32>, vector<16xi32>, vector<16xi32>, vector<16xi32>], vector<16xf32>,
      %parallel_loop3A_973 = arith.constant 4 : i32
      %parallel_loop3A_974 = vector.broadcast %parallel_loop3A_973 : i32 to vector<16xi32>
      %parallel_loop3A_975 = tpu.vector_load_idx %arg6[%parallel_loop3A_721, %parallel_loop3A_58, %parallel_loop3A_974, %parallel_loop3A_60] : memref<8x4x8x128xf32, #tpu.memory_space<vmem>>[vector<16xi32>, vector<16xi32>, vector<16xi32>, vector<16xi32>], vector<16xf32>,
      %parallel_loop3A_976 = arith.constant 5 : i32
      %parallel_loop3A_977 = vector.broadcast %parallel_loop3A_976 : i32 to vector<16xi32>
      %parallel_loop3A_978 = tpu.vector_load_idx %arg6[%parallel_loop3A_721, %parallel_loop3A_58, %parallel_loop3A_977, %parallel_loop3A_60] : memref<8x4x8x128xf32, #tpu.memory_space<vmem>>[vector<16xi32>, vector<16xi32>, vector<16xi32>, vector<16xi32>], vector<16xf32>,
      %parallel_loop3A_979 = arith.constant 6 : i32
      %parallel_loop3A_980 = vector.broadcast %parallel_loop3A_979 : i32 to vector<16xi32>
      %parallel_loop3A_981 = tpu.vector_load_idx %arg6[%parallel_loop3A_721, %parallel_loop3A_58, %parallel_loop3A_980, %parallel_loop3A_60] : memref<8x4x8x128xf32, #tpu.memory_space<vmem>>[vector<16xi32>, vector<16xi32>, vector<16xi32>, vector<16xi32>], vector<16xf32>,
      %parallel_loop3A_982 = arith.constant 7 : i32
      %parallel_loop3A_983 = vector.broadcast %parallel_loop3A_982 : i32 to vector<16xi32>
      %parallel_loop3A_984 = tpu.vector_load_idx %arg6[%parallel_loop3A_721, %parallel_loop3A_58, %parallel_loop3A_983, %parallel_loop3A_60] : memref<8x4x8x128xf32, #tpu.memory_space<vmem>>[vector<16xi32>, vector<16xi32>, vector<16xi32>, vector<16xi32>], vector<16xf32>,
      %parallel_loop3A_985 = arith.constant 0 : i32
      %parallel_loop3A_986 = vector.broadcast %parallel_loop3A_985 : i32 to vector<16xi32>
      %parallel_loop3A_987 = tpu.vector_load_idx %arg6[%parallel_loop3A_790, %parallel_loop3A_58, %parallel_loop3A_986, %parallel_loop3A_60] : memref<8x4x8x128xf32, #tpu.memory_space<vmem>>[vector<16xi32>, vector<16xi32>, vector<16xi32>, vector<16xi32>], vector<16xf32>,
      %parallel_loop3A_988 = arith.constant 1 : i32
      %parallel_loop3A_989 = vector.broadcast %parallel_loop3A_988 : i32 to vector<16xi32>
      %parallel_loop3A_990 = tpu.vector_load_idx %arg6[%parallel_loop3A_790, %parallel_loop3A_58, %parallel_loop3A_989, %parallel_loop3A_60] : memref<8x4x8x128xf32, #tpu.memory_space<vmem>>[vector<16xi32>, vector<16xi32>, vector<16xi32>, vector<16xi32>], vector<16xf32>,
      %parallel_loop3A_991 = arith.constant 2 : i32
      %parallel_loop3A_992 = vector.broadcast %parallel_loop3A_991 : i32 to vector<16xi32>
      %parallel_loop3A_993 = tpu.vector_load_idx %arg6[%parallel_loop3A_790, %parallel_loop3A_58, %parallel_loop3A_992, %parallel_loop3A_60] : memref<8x4x8x128xf32, #tpu.memory_space<vmem>>[vector<16xi32>, vector<16xi32>, vector<16xi32>, vector<16xi32>], vector<16xf32>,
      %parallel_loop3A_994 = arith.constant 3 : i32
      %parallel_loop3A_995 = vector.broadcast %parallel_loop3A_994 : i32 to vector<16xi32>
      %parallel_loop3A_996 = tpu.vector_load_idx %arg6[%parallel_loop3A_790, %parallel_loop3A_58, %parallel_loop3A_995, %parallel_loop3A_60] : memref<8x4x8x128xf32, #tpu.memory_space<vmem>>[vector<16xi32>, vector<16xi32>, vector<16xi32>, vector<16xi32>], vector<16xf32>,
      %parallel_loop3A_997 = arith.constant 4 : i32
      %parallel_loop3A_998 = vector.broadcast %parallel_loop3A_997 : i32 to vector<16xi32>
      %parallel_loop3A_999 = tpu.vector_load_idx %arg6[%parallel_loop3A_790, %parallel_loop3A_58, %parallel_loop3A_998, %parallel_loop3A_60] : memref<8x4x8x128xf32, #tpu.memory_space<vmem>>[vector<16xi32>, vector<16xi32>, vector<16xi32>, vector<16xi32>], vector<16xf32>,
      %parallel_loop3A_1000 = arith.constant 5 : i32
      %parallel_loop3A_1001 = vector.broadcast %parallel_loop3A_1000 : i32 to vector<16xi32>
      %parallel_loop3A_1002 = tpu.vector_load_idx %arg6[%parallel_loop3A_790, %parallel_loop3A_58, %parallel_loop3A_1001, %parallel_loop3A_60] : memref<8x4x8x128xf32, #tpu.memory_space<vmem>>[vector<16xi32>, vector<16xi32>, vector<16xi32>, vector<16xi32>], vector<16xf32>,
      %parallel_loop3A_1003 = arith.constant 6 : i32
      %parallel_loop3A_1004 = vector.broadcast %parallel_loop3A_1003 : i32 to vector<16xi32>
      %parallel_loop3A_1005 = tpu.vector_load_idx %arg6[%parallel_loop3A_790, %parallel_loop3A_58, %parallel_loop3A_1004, %parallel_loop3A_60] : memref<8x4x8x128xf32, #tpu.memory_space<vmem>>[vector<16xi32>, vector<16xi32>, vector<16xi32>, vector<16xi32>], vector<16xf32>,
      %parallel_loop3A_1006 = arith.constant 7 : i32
      %parallel_loop3A_1007 = vector.broadcast %parallel_loop3A_1006 : i32 to vector<16xi32>
      %parallel_loop3A_1008 = tpu.vector_load_idx %arg6[%parallel_loop3A_790, %parallel_loop3A_58, %parallel_loop3A_1007, %parallel_loop3A_60] : memref<8x4x8x128xf32, #tpu.memory_space<vmem>>[vector<16xi32>, vector<16xi32>, vector<16xi32>, vector<16xi32>], vector<16xf32>,
      %parallel_loop3A_1009 = arith.constant 0 : i32
      %parallel_loop3A_1010 = vector.broadcast %parallel_loop3A_1009 : i32 to vector<16xi32>
      %parallel_loop3A_1011 = tpu.vector_load_idx %arg6[%parallel_loop3A_859, %parallel_loop3A_58, %parallel_loop3A_1010, %parallel_loop3A_60] : memref<8x4x8x128xf32, #tpu.memory_space<vmem>>[vector<16xi32>, vector<16xi32>, vector<16xi32>, vector<16xi32>], vector<16xf32>,
      %parallel_loop3A_1012 = arith.constant 1 : i32
      %parallel_loop3A_1013 = vector.broadcast %parallel_loop3A_1012 : i32 to vector<16xi32>
      %parallel_loop3A_1014 = tpu.vector_load_idx %arg6[%parallel_loop3A_859, %parallel_loop3A_58, %parallel_loop3A_1013, %parallel_loop3A_60] : memref<8x4x8x128xf32, #tpu.memory_space<vmem>>[vector<16xi32>, vector<16xi32>, vector<16xi32>, vector<16xi32>], vector<16xf32>,
      %parallel_loop3A_1015 = arith.constant 2 : i32
      %parallel_loop3A_1016 = vector.broadcast %parallel_loop3A_1015 : i32 to vector<16xi32>
      %parallel_loop3A_1017 = tpu.vector_load_idx %arg6[%parallel_loop3A_859, %parallel_loop3A_58, %parallel_loop3A_1016, %parallel_loop3A_60] : memref<8x4x8x128xf32, #tpu.memory_space<vmem>>[vector<16xi32>, vector<16xi32>, vector<16xi32>, vector<16xi32>], vector<16xf32>,
      %parallel_loop3A_1018 = arith.constant 3 : i32
      %parallel_loop3A_1019 = vector.broadcast %parallel_loop3A_1018 : i32 to vector<16xi32>
      %parallel_loop3A_1020 = tpu.vector_load_idx %arg6[%parallel_loop3A_859, %parallel_loop3A_58, %parallel_loop3A_1019, %parallel_loop3A_60] : memref<8x4x8x128xf32, #tpu.memory_space<vmem>>[vector<16xi32>, vector<16xi32>, vector<16xi32>, vector<16xi32>], vector<16xf32>,
      %parallel_loop3A_1021 = arith.constant 4 : i32
      %parallel_loop3A_1022 = vector.broadcast %parallel_loop3A_1021 : i32 to vector<16xi32>
      %parallel_loop3A_1023 = tpu.vector_load_idx %arg6[%parallel_loop3A_859, %parallel_loop3A_58, %parallel_loop3A_1022, %parallel_loop3A_60] : memref<8x4x8x128xf32, #tpu.memory_space<vmem>>[vector<16xi32>, vector<16xi32>, vector<16xi32>, vector<16xi32>], vector<16xf32>,
      %parallel_loop3A_1024 = arith.constant 5 : i32
      %parallel_loop3A_1025 = vector.broadcast %parallel_loop3A_1024 : i32 to vector<16xi32>
      %parallel_loop3A_1026 = tpu.vector_load_idx %arg6[%parallel_loop3A_859, %parallel_loop3A_58, %parallel_loop3A_1025, %parallel_loop3A_60] : memref<8x4x8x128xf32, #tpu.memory_space<vmem>>[vector<16xi32>, vector<16xi32>, vector<16xi32>, vector<16xi32>], vector<16xf32>,
      %parallel_loop3A_1027 = arith.constant 6 : i32
      %parallel_loop3A_1028 = vector.broadcast %parallel_loop3A_1027 : i32 to vector<16xi32>
      %parallel_loop3A_1029 = tpu.vector_load_idx %arg6[%parallel_loop3A_859, %parallel_loop3A_58, %parallel_loop3A_1028, %parallel_loop3A_60] : memref<8x4x8x128xf32, #tpu.memory_space<vmem>>[vector<16xi32>, vector<16xi32>, vector<16xi32>, vector<16xi32>], vector<16xf32>,
      %parallel_loop3A_1030 = arith.constant 7 : i32
      %parallel_loop3A_1031 = vector.broadcast %parallel_loop3A_1030 : i32 to vector<16xi32>
      %parallel_loop3A_1032 = tpu.vector_load_idx %arg6[%parallel_loop3A_859, %parallel_loop3A_58, %parallel_loop3A_1031, %parallel_loop3A_60] : memref<8x4x8x128xf32, #tpu.memory_space<vmem>>[vector<16xi32>, vector<16xi32>, vector<16xi32>, vector<16xi32>], vector<16xf32>,
      %parallel_loop3A_1033 = arith.constant 0 : i32
      %parallel_loop3A_1034 = vector.broadcast %parallel_loop3A_1033 : i32 to vector<16xi32>
      %parallel_loop3A_1035 = tpu.vector_load_idx %arg6[%parallel_loop3A_928, %parallel_loop3A_58, %parallel_loop3A_1034, %parallel_loop3A_60] : memref<8x4x8x128xf32, #tpu.memory_space<vmem>>[vector<16xi32>, vector<16xi32>, vector<16xi32>, vector<16xi32>], vector<16xf32>,
      %parallel_loop3A_1036 = arith.constant 1 : i32
      %parallel_loop3A_1037 = vector.broadcast %parallel_loop3A_1036 : i32 to vector<16xi32>
      %parallel_loop3A_1038 = tpu.vector_load_idx %arg6[%parallel_loop3A_928, %parallel_loop3A_58, %parallel_loop3A_1037, %parallel_loop3A_60] : memref<8x4x8x128xf32, #tpu.memory_space<vmem>>[vector<16xi32>, vector<16xi32>, vector<16xi32>, vector<16xi32>], vector<16xf32>,
      %parallel_loop3A_1039 = arith.constant 2 : i32
      %parallel_loop3A_1040 = vector.broadcast %parallel_loop3A_1039 : i32 to vector<16xi32>
      %parallel_loop3A_1041 = tpu.vector_load_idx %arg6[%parallel_loop3A_928, %parallel_loop3A_58, %parallel_loop3A_1040, %parallel_loop3A_60] : memref<8x4x8x128xf32, #tpu.memory_space<vmem>>[vector<16xi32>, vector<16xi32>, vector<16xi32>, vector<16xi32>], vector<16xf32>,
      %parallel_loop3A_1042 = arith.constant 3 : i32
      %parallel_loop3A_1043 = vector.broadcast %parallel_loop3A_1042 : i32 to vector<16xi32>
      %parallel_loop3A_1044 = tpu.vector_load_idx %arg6[%parallel_loop3A_928, %parallel_loop3A_58, %parallel_loop3A_1043, %parallel_loop3A_60] : memref<8x4x8x128xf32, #tpu.memory_space<vmem>>[vector<16xi32>, vector<16xi32>, vector<16xi32>, vector<16xi32>], vector<16xf32>,
      %parallel_loop3A_1045 = arith.constant 4 : i32
      %parallel_loop3A_1046 = vector.broadcast %parallel_loop3A_1045 : i32 to vector<16xi32>
      %parallel_loop3A_1047 = tpu.vector_load_idx %arg6[%parallel_loop3A_928, %parallel_loop3A_58, %parallel_loop3A_1046, %parallel_loop3A_60] : memref<8x4x8x128xf32, #tpu.memory_space<vmem>>[vector<16xi32>, vector<16xi32>, vector<16xi32>, vector<16xi32>], vector<16xf32>,
      %parallel_loop3A_1048 = arith.constant 5 : i32
      %parallel_loop3A_1049 = vector.broadcast %parallel_loop3A_1048 : i32 to vector<16xi32>
      %parallel_loop3A_1050 = tpu.vector_load_idx %arg6[%parallel_loop3A_928, %parallel_loop3A_58, %parallel_loop3A_1049, %parallel_loop3A_60] : memref<8x4x8x128xf32, #tpu.memory_space<vmem>>[vector<16xi32>, vector<16xi32>, vector<16xi32>, vector<16xi32>], vector<16xf32>,
      %parallel_loop3A_1051 = arith.constant 6 : i32
      %parallel_loop3A_1052 = vector.broadcast %parallel_loop3A_1051 : i32 to vector<16xi32>
      %parallel_loop3A_1053 = tpu.vector_load_idx %arg6[%parallel_loop3A_928, %parallel_loop3A_58, %parallel_loop3A_1052, %parallel_loop3A_60] : memref<8x4x8x128xf32, #tpu.memory_space<vmem>>[vector<16xi32>, vector<16xi32>, vector<16xi32>, vector<16xi32>], vector<16xf32>,
      %parallel_loop3A_1054 = arith.constant 7 : i32
      %parallel_loop3A_1055 = vector.broadcast %parallel_loop3A_1054 : i32 to vector<16xi32>
      %parallel_loop3A_1056 = tpu.vector_load_idx %arg6[%parallel_loop3A_928, %parallel_loop3A_58, %parallel_loop3A_1055, %parallel_loop3A_60] : memref<8x4x8x128xf32, #tpu.memory_space<vmem>>[vector<16xi32>, vector<16xi32>, vector<16xi32>, vector<16xi32>], vector<16xf32>,
      %parallel_loop3A_1057 = arith.constant 0 : i32
      %parallel_loop3A_1058 = vector.broadcast %parallel_loop3A_1057 : i32 to vector<16xi32>
      %parallel_loop3A_1059 = arith.constant 1 : i32
      %parallel_loop3A_1060 = vector.broadcast %parallel_loop3A_1059 : i32 to vector<16xi32>
      %parallel_loop3A_1061 = arith.constant 2 : i32
      %parallel_loop3A_1062 = vector.broadcast %parallel_loop3A_1061 : i32 to vector<16xi32>
      %parallel_loop3A_1063 = arith.constant 3 : i32
      %parallel_loop3A_1064 = vector.broadcast %parallel_loop3A_1063 : i32 to vector<16xi32>
      %parallel_loop3A_1065 = arith.constant 4 : i32
      %parallel_loop3A_1066 = vector.broadcast %parallel_loop3A_1065 : i32 to vector<16xi32>
      %parallel_loop3A_1067 = arith.constant 5 : i32
      %parallel_loop3A_1068 = vector.broadcast %parallel_loop3A_1067 : i32 to vector<16xi32>
      %parallel_loop3A_1069 = arith.constant 6 : i32
      %parallel_loop3A_1070 = vector.broadcast %parallel_loop3A_1069 : i32 to vector<16xi32>
      %parallel_loop3A_1071 = arith.constant 7 : i32
      %parallel_loop3A_1072 = vector.broadcast %parallel_loop3A_1071 : i32 to vector<16xi32>
      %parallel_loop3A_1073 = arith.constant 8 : i32
      %parallel_loop3A_1074 = vector.broadcast %parallel_loop3A_1073 : i32 to vector<16xi32>
      %parallel_loop3A_1075 = arith.constant 9 : i32
      %parallel_loop3A_1076 = vector.broadcast %parallel_loop3A_1075 : i32 to vector<16xi32>
      %parallel_loop3A_1077 = arith.constant 10 : i32
      %parallel_loop3A_1078 = vector.broadcast %parallel_loop3A_1077 : i32 to vector<16xi32>
      %parallel_loop3A_1079 = arith.constant 11 : i32
      %parallel_loop3A_1080 = vector.broadcast %parallel_loop3A_1079 : i32 to vector<16xi32>
      %parallel_loop3A_1081 = arith.constant 12 : i32
      %parallel_loop3A_1082 = vector.broadcast %parallel_loop3A_1081 : i32 to vector<16xi32>
      %parallel_loop3A_1083 = arith.constant 13 : i32
      %parallel_loop3A_1084 = vector.broadcast %parallel_loop3A_1083 : i32 to vector<16xi32>
      %parallel_loop3A_1085 = arith.constant 14 : i32
      %parallel_loop3A_1086 = vector.broadcast %parallel_loop3A_1085 : i32 to vector<16xi32>
      %parallel_loop3A_1087 = arith.constant 15 : i32
      %parallel_loop3A_1088 = vector.broadcast %parallel_loop3A_1087 : i32 to vector<16xi32>
      %parallel_loop3A_1089 = arith.constant 16 : i32
      %parallel_loop3A_1090 = vector.broadcast %parallel_loop3A_1089 : i32 to vector<16xi32>
      %parallel_loop3A_1091 = arith.constant 17 : i32
      %parallel_loop3A_1092 = vector.broadcast %parallel_loop3A_1091 : i32 to vector<16xi32>
      %parallel_loop3A_1093 = arith.constant 18 : i32
      %parallel_loop3A_1094 = vector.broadcast %parallel_loop3A_1093 : i32 to vector<16xi32>
      %parallel_loop3A_1095 = arith.constant 19 : i32
      %parallel_loop3A_1096 = vector.broadcast %parallel_loop3A_1095 : i32 to vector<16xi32>
      %parallel_loop3A_1097 = arith.constant 20 : i32
      %parallel_loop3A_1098 = vector.broadcast %parallel_loop3A_1097 : i32 to vector<16xi32>
      %parallel_loop3A_1099 = arith.constant 21 : i32
      %parallel_loop3A_1100 = vector.broadcast %parallel_loop3A_1099 : i32 to vector<16xi32>
      %parallel_loop3A_1101 = arith.constant 22 : i32
      %parallel_loop3A_1102 = vector.broadcast %parallel_loop3A_1101 : i32 to vector<16xi32>
      %parallel_loop3A_1103 = arith.constant 23 : i32
      %parallel_loop3A_1104 = vector.broadcast %parallel_loop3A_1103 : i32 to vector<16xi32>
      %parallel_loop3A_1105 = arith.constant 24 : i32
      %parallel_loop3A_1106 = vector.broadcast %parallel_loop3A_1105 : i32 to vector<16xi32>
      %parallel_loop3A_1107 = arith.constant 25 : i32
      %parallel_loop3A_1108 = vector.broadcast %parallel_loop3A_1107 : i32 to vector<16xi32>
      %parallel_loop3A_1109 = arith.constant 26 : i32
      %parallel_loop3A_1110 = vector.broadcast %parallel_loop3A_1109 : i32 to vector<16xi32>
      %parallel_loop3A_1111 = arith.constant 27 : i32
      %parallel_loop3A_1112 = vector.broadcast %parallel_loop3A_1111 : i32 to vector<16xi32>
      %parallel_loop3A_1113 = arith.constant 28 : i32
      %parallel_loop3A_1114 = vector.broadcast %parallel_loop3A_1113 : i32 to vector<16xi32>
      %parallel_loop3A_1115 = arith.constant 29 : i32
      %parallel_loop3A_1116 = vector.broadcast %parallel_loop3A_1115 : i32 to vector<16xi32>
      %parallel_loop3A_1117 = arith.constant 30 : i32
      %parallel_loop3A_1118 = vector.broadcast %parallel_loop3A_1117 : i32 to vector<16xi32>
      %parallel_loop3A_1119 = arith.constant 31 : i32
      %parallel_loop3A_1120 = vector.broadcast %parallel_loop3A_1119 : i32 to vector<16xi32>
      %parallel_loop3A_1121 = arith.cmpf ogt, %parallel_loop3A_966, %parallel_loop3A_963 : vector<16xf32>
      %parallel_loop3A_1122 = arith.select %parallel_loop3A_1121, %parallel_loop3A_966, %parallel_loop3A_963 : vector<16xi1>, vector<16xf32>
      %parallel_loop3A_1123 = arith.select %parallel_loop3A_1121, %parallel_loop3A_1060, %parallel_loop3A_1058 : vector<16xi1>, vector<16xi32>
      %parallel_loop3A_1124 = arith.cmpf ogt, %parallel_loop3A_972, %parallel_loop3A_969 : vector<16xf32>
      %parallel_loop3A_1125 = arith.select %parallel_loop3A_1124, %parallel_loop3A_972, %parallel_loop3A_969 : vector<16xi1>, vector<16xf32>
      %parallel_loop3A_1126 = arith.select %parallel_loop3A_1124, %parallel_loop3A_1064, %parallel_loop3A_1062 : vector<16xi1>, vector<16xi32>
      %parallel_loop3A_1127 = arith.cmpf ogt, %parallel_loop3A_978, %parallel_loop3A_975 : vector<16xf32>
      %parallel_loop3A_1128 = arith.select %parallel_loop3A_1127, %parallel_loop3A_978, %parallel_loop3A_975 : vector<16xi1>, vector<16xf32>
      %parallel_loop3A_1129 = arith.select %parallel_loop3A_1127, %parallel_loop3A_1068, %parallel_loop3A_1066 : vector<16xi1>, vector<16xi32>
      %parallel_loop3A_1130 = arith.cmpf ogt, %parallel_loop3A_984, %parallel_loop3A_981 : vector<16xf32>
      %parallel_loop3A_1131 = arith.select %parallel_loop3A_1130, %parallel_loop3A_984, %parallel_loop3A_981 : vector<16xi1>, vector<16xf32>
      %parallel_loop3A_1132 = arith.select %parallel_loop3A_1130, %parallel_loop3A_1072, %parallel_loop3A_1070 : vector<16xi1>, vector<16xi32>
      %parallel_loop3A_1133 = arith.cmpf ogt, %parallel_loop3A_990, %parallel_loop3A_987 : vector<16xf32>
      %parallel_loop3A_1134 = arith.select %parallel_loop3A_1133, %parallel_loop3A_990, %parallel_loop3A_987 : vector<16xi1>, vector<16xf32>
      %parallel_loop3A_1135 = arith.select %parallel_loop3A_1133, %parallel_loop3A_1076, %parallel_loop3A_1074 : vector<16xi1>, vector<16xi32>
      %parallel_loop3A_1136 = arith.cmpf ogt, %parallel_loop3A_996, %parallel_loop3A_993 : vector<16xf32>
      %parallel_loop3A_1137 = arith.select %parallel_loop3A_1136, %parallel_loop3A_996, %parallel_loop3A_993 : vector<16xi1>, vector<16xf32>
      %parallel_loop3A_1138 = arith.select %parallel_loop3A_1136, %parallel_loop3A_1080, %parallel_loop3A_1078 : vector<16xi1>, vector<16xi32>
      %parallel_loop3A_1139 = arith.cmpf ogt, %parallel_loop3A_1002, %parallel_loop3A_999 : vector<16xf32>
      %parallel_loop3A_1140 = arith.select %parallel_loop3A_1139, %parallel_loop3A_1002, %parallel_loop3A_999 : vector<16xi1>, vector<16xf32>
      %parallel_loop3A_1141 = arith.select %parallel_loop3A_1139, %parallel_loop3A_1084, %parallel_loop3A_1082 : vector<16xi1>, vector<16xi32>
      %parallel_loop3A_1142 = arith.cmpf ogt, %parallel_loop3A_1008, %parallel_loop3A_1005 : vector<16xf32>
      %parallel_loop3A_1143 = arith.select %parallel_loop3A_1142, %parallel_loop3A_1008, %parallel_loop3A_1005 : vector<16xi1>, vector<16xf32>
      %parallel_loop3A_1144 = arith.select %parallel_loop3A_1142, %parallel_loop3A_1088, %parallel_loop3A_1086 : vector<16xi1>, vector<16xi32>
      %parallel_loop3A_1145 = arith.cmpf ogt, %parallel_loop3A_1014, %parallel_loop3A_1011 : vector<16xf32>
      %parallel_loop3A_1146 = arith.select %parallel_loop3A_1145, %parallel_loop3A_1014, %parallel_loop3A_1011 : vector<16xi1>, vector<16xf32>
      %parallel_loop3A_1147 = arith.select %parallel_loop3A_1145, %parallel_loop3A_1092, %parallel_loop3A_1090 : vector<16xi1>, vector<16xi32>
      %parallel_loop3A_1148 = arith.cmpf ogt, %parallel_loop3A_1020, %parallel_loop3A_1017 : vector<16xf32>
      %parallel_loop3A_1149 = arith.select %parallel_loop3A_1148, %parallel_loop3A_1020, %parallel_loop3A_1017 : vector<16xi1>, vector<16xf32>
      %parallel_loop3A_1150 = arith.select %parallel_loop3A_1148, %parallel_loop3A_1096, %parallel_loop3A_1094 : vector<16xi1>, vector<16xi32>
      %parallel_loop3A_1151 = arith.cmpf ogt, %parallel_loop3A_1026, %parallel_loop3A_1023 : vector<16xf32>
      %parallel_loop3A_1152 = arith.select %parallel_loop3A_1151, %parallel_loop3A_1026, %parallel_loop3A_1023 : vector<16xi1>, vector<16xf32>
      %parallel_loop3A_1153 = arith.select %parallel_loop3A_1151, %parallel_loop3A_1100, %parallel_loop3A_1098 : vector<16xi1>, vector<16xi32>
      %parallel_loop3A_1154 = arith.cmpf ogt, %parallel_loop3A_1032, %parallel_loop3A_1029 : vector<16xf32>
      %parallel_loop3A_1155 = arith.select %parallel_loop3A_1154, %parallel_loop3A_1032, %parallel_loop3A_1029 : vector<16xi1>, vector<16xf32>
      %parallel_loop3A_1156 = arith.select %parallel_loop3A_1154, %parallel_loop3A_1104, %parallel_loop3A_1102 : vector<16xi1>, vector<16xi32>
      %parallel_loop3A_1157 = arith.cmpf ogt, %parallel_loop3A_1038, %parallel_loop3A_1035 : vector<16xf32>
      %parallel_loop3A_1158 = arith.select %parallel_loop3A_1157, %parallel_loop3A_1038, %parallel_loop3A_1035 : vector<16xi1>, vector<16xf32>
      %parallel_loop3A_1159 = arith.select %parallel_loop3A_1157, %parallel_loop3A_1108, %parallel_loop3A_1106 : vector<16xi1>, vector<16xi32>
      %parallel_loop3A_1160 = arith.cmpf ogt, %parallel_loop3A_1044, %parallel_loop3A_1041 : vector<16xf32>
      %parallel_loop3A_1161 = arith.select %parallel_loop3A_1160, %parallel_loop3A_1044, %parallel_loop3A_1041 : vector<16xi1>, vector<16xf32>
      %parallel_loop3A_1162 = arith.select %parallel_loop3A_1160, %parallel_loop3A_1112, %parallel_loop3A_1110 : vector<16xi1>, vector<16xi32>
      %parallel_loop3A_1163 = arith.cmpf ogt, %parallel_loop3A_1050, %parallel_loop3A_1047 : vector<16xf32>
      %parallel_loop3A_1164 = arith.select %parallel_loop3A_1163, %parallel_loop3A_1050, %parallel_loop3A_1047 : vector<16xi1>, vector<16xf32>
      %parallel_loop3A_1165 = arith.select %parallel_loop3A_1163, %parallel_loop3A_1116, %parallel_loop3A_1114 : vector<16xi1>, vector<16xi32>
      %parallel_loop3A_1166 = arith.cmpf ogt, %parallel_loop3A_1056, %parallel_loop3A_1053 : vector<16xf32>
      %parallel_loop3A_1167 = arith.select %parallel_loop3A_1166, %parallel_loop3A_1056, %parallel_loop3A_1053 : vector<16xi1>, vector<16xf32>
      %parallel_loop3A_1168 = arith.select %parallel_loop3A_1166, %parallel_loop3A_1120, %parallel_loop3A_1118 : vector<16xi1>, vector<16xi32>
      %parallel_loop3A_1169 = arith.cmpf ogt, %parallel_loop3A_1125, %parallel_loop3A_1122 : vector<16xf32>
      %parallel_loop3A_1170 = arith.select %parallel_loop3A_1169, %parallel_loop3A_1125, %parallel_loop3A_1122 : vector<16xi1>, vector<16xf32>
      %parallel_loop3A_1171 = arith.select %parallel_loop3A_1169, %parallel_loop3A_1126, %parallel_loop3A_1123 : vector<16xi1>, vector<16xi32>
      %parallel_loop3A_1172 = arith.cmpf ogt, %parallel_loop3A_1131, %parallel_loop3A_1128 : vector<16xf32>
      %parallel_loop3A_1173 = arith.select %parallel_loop3A_1172, %parallel_loop3A_1131, %parallel_loop3A_1128 : vector<16xi1>, vector<16xf32>
      %parallel_loop3A_1174 = arith.select %parallel_loop3A_1172, %parallel_loop3A_1132, %parallel_loop3A_1129 : vector<16xi1>, vector<16xi32>
      %parallel_loop3A_1175 = arith.cmpf ogt, %parallel_loop3A_1137, %parallel_loop3A_1134 : vector<16xf32>
      %parallel_loop3A_1176 = arith.select %parallel_loop3A_1175, %parallel_loop3A_1137, %parallel_loop3A_1134 : vector<16xi1>, vector<16xf32>
      %parallel_loop3A_1177 = arith.select %parallel_loop3A_1175, %parallel_loop3A_1138, %parallel_loop3A_1135 : vector<16xi1>, vector<16xi32>
      %parallel_loop3A_1178 = arith.cmpf ogt, %parallel_loop3A_1143, %parallel_loop3A_1140 : vector<16xf32>
      %parallel_loop3A_1179 = arith.select %parallel_loop3A_1178, %parallel_loop3A_1143, %parallel_loop3A_1140 : vector<16xi1>, vector<16xf32>
      %parallel_loop3A_1180 = arith.select %parallel_loop3A_1178, %parallel_loop3A_1144, %parallel_loop3A_1141 : vector<16xi1>, vector<16xi32>
      %parallel_loop3A_1181 = arith.cmpf ogt, %parallel_loop3A_1149, %parallel_loop3A_1146 : vector<16xf32>
      %parallel_loop3A_1182 = arith.select %parallel_loop3A_1181, %parallel_loop3A_1149, %parallel_loop3A_1146 : vector<16xi1>, vector<16xf32>
      %parallel_loop3A_1183 = arith.select %parallel_loop3A_1181, %parallel_loop3A_1150, %parallel_loop3A_1147 : vector<16xi1>, vector<16xi32>
      %parallel_loop3A_1184 = arith.cmpf ogt, %parallel_loop3A_1155, %parallel_loop3A_1152 : vector<16xf32>
      %parallel_loop3A_1185 = arith.select %parallel_loop3A_1184, %parallel_loop3A_1155, %parallel_loop3A_1152 : vector<16xi1>, vector<16xf32>
      %parallel_loop3A_1186 = arith.select %parallel_loop3A_1184, %parallel_loop3A_1156, %parallel_loop3A_1153 : vector<16xi1>, vector<16xi32>
      %parallel_loop3A_1187 = arith.cmpf ogt, %parallel_loop3A_1161, %parallel_loop3A_1158 : vector<16xf32>
      %parallel_loop3A_1188 = arith.select %parallel_loop3A_1187, %parallel_loop3A_1161, %parallel_loop3A_1158 : vector<16xi1>, vector<16xf32>
      %parallel_loop3A_1189 = arith.select %parallel_loop3A_1187, %parallel_loop3A_1162, %parallel_loop3A_1159 : vector<16xi1>, vector<16xi32>
      %parallel_loop3A_1190 = arith.cmpf ogt, %parallel_loop3A_1167, %parallel_loop3A_1164 : vector<16xf32>
      %parallel_loop3A_1191 = arith.select %parallel_loop3A_1190, %parallel_loop3A_1167, %parallel_loop3A_1164 : vector<16xi1>, vector<16xf32>
      %parallel_loop3A_1192 = arith.select %parallel_loop3A_1190, %parallel_loop3A_1168, %parallel_loop3A_1165 : vector<16xi1>, vector<16xi32>
      %parallel_loop3A_1193 = arith.cmpf ogt, %parallel_loop3A_1173, %parallel_loop3A_1170 : vector<16xf32>
      %parallel_loop3A_1194 = arith.select %parallel_loop3A_1193, %parallel_loop3A_1173, %parallel_loop3A_1170 : vector<16xi1>, vector<16xf32>
      %parallel_loop3A_1195 = arith.select %parallel_loop3A_1193, %parallel_loop3A_1174, %parallel_loop3A_1171 : vector<16xi1>, vector<16xi32>
      %parallel_loop3A_1196 = arith.cmpf ogt, %parallel_loop3A_1179, %parallel_loop3A_1176 : vector<16xf32>
      %parallel_loop3A_1197 = arith.select %parallel_loop3A_1196, %parallel_loop3A_1179, %parallel_loop3A_1176 : vector<16xi1>, vector<16xf32>
      %parallel_loop3A_1198 = arith.select %parallel_loop3A_1196, %parallel_loop3A_1180, %parallel_loop3A_1177 : vector<16xi1>, vector<16xi32>
      %parallel_loop3A_1199 = arith.cmpf ogt, %parallel_loop3A_1185, %parallel_loop3A_1182 : vector<16xf32>
      %parallel_loop3A_1200 = arith.select %parallel_loop3A_1199, %parallel_loop3A_1185, %parallel_loop3A_1182 : vector<16xi1>, vector<16xf32>
      %parallel_loop3A_1201 = arith.select %parallel_loop3A_1199, %parallel_loop3A_1186, %parallel_loop3A_1183 : vector<16xi1>, vector<16xi32>
      %parallel_loop3A_1202 = arith.cmpf ogt, %parallel_loop3A_1191, %parallel_loop3A_1188 : vector<16xf32>
      %parallel_loop3A_1203 = arith.select %parallel_loop3A_1202, %parallel_loop3A_1191, %parallel_loop3A_1188 : vector<16xi1>, vector<16xf32>
      %parallel_loop3A_1204 = arith.select %parallel_loop3A_1202, %parallel_loop3A_1192, %parallel_loop3A_1189 : vector<16xi1>, vector<16xi32>
      %parallel_loop3A_1205 = arith.cmpf ogt, %parallel_loop3A_1197, %parallel_loop3A_1194 : vector<16xf32>
      %parallel_loop3A_1206 = arith.select %parallel_loop3A_1205, %parallel_loop3A_1197, %parallel_loop3A_1194 : vector<16xi1>, vector<16xf32>
      %parallel_loop3A_1207 = arith.select %parallel_loop3A_1205, %parallel_loop3A_1198, %parallel_loop3A_1195 : vector<16xi1>, vector<16xi32>
      %parallel_loop3A_1208 = arith.cmpf ogt, %parallel_loop3A_1203, %parallel_loop3A_1200 : vector<16xf32>
      %parallel_loop3A_1209 = arith.select %parallel_loop3A_1208, %parallel_loop3A_1203, %parallel_loop3A_1200 : vector<16xi1>, vector<16xf32>
      %parallel_loop3A_1210 = arith.select %parallel_loop3A_1208, %parallel_loop3A_1204, %parallel_loop3A_1201 : vector<16xi1>, vector<16xi32>
      %parallel_loop3A_1211 = arith.cmpf ogt, %parallel_loop3A_1209, %parallel_loop3A_1206 : vector<16xf32>
      %parallel_loop3A_1212 = arith.select %parallel_loop3A_1211, %parallel_loop3A_1209, %parallel_loop3A_1206 : vector<16xi1>, vector<16xf32>
      %parallel_loop3A_1213 = arith.select %parallel_loop3A_1211, %parallel_loop3A_1210, %parallel_loop3A_1207 : vector<16xi1>, vector<16xi32>
      %parallel_loop3A_1214 = arith.constant 3 : i32
      %parallel_loop3A_1215 = vector.broadcast %parallel_loop3A_1214 : i32 to vector<16xi32>
      %parallel_loop3A_1216 = arith.shrsi %parallel_loop3A_1213, %parallel_loop3A_1215 : vector<16xi32>
      %parallel_loop3A_1217 = arith.constant 0 : i32
      %parallel_loop3A_1218 = vector.broadcast %parallel_loop3A_1217 : i32 to vector<16xi32>
      %parallel_loop3A_1219 = arith.cmpi eq, %parallel_loop3A_1216, %parallel_loop3A_1218 : vector<16xi32>
      %parallel_loop3A_1220 = arith.constant 1 : i32
      %parallel_loop3A_1221 = vector.broadcast %parallel_loop3A_1220 : i32 to vector<16xi32>
      %parallel_loop3A_1222 = arith.cmpi eq, %parallel_loop3A_1216, %parallel_loop3A_1221 : vector<16xi32>
      %parallel_loop3A_1223 = arith.constant 2 : i32
      %parallel_loop3A_1224 = vector.broadcast %parallel_loop3A_1223 : i32 to vector<16xi32>
      %parallel_loop3A_1225 = arith.cmpi eq, %parallel_loop3A_1216, %parallel_loop3A_1224 : vector<16xi32>
      %parallel_loop3A_1226 = arith.select %parallel_loop3A_1225, %parallel_loop3A_859, %parallel_loop3A_928 : vector<16xi1>, vector<16xi32>
      %parallel_loop3A_1227 = arith.select %parallel_loop3A_1222, %parallel_loop3A_790, %parallel_loop3A_1226 : vector<16xi1>, vector<16xi32>
      %parallel_loop3A_1228 = arith.select %parallel_loop3A_1219, %parallel_loop3A_721, %parallel_loop3A_1227 : vector<16xi1>, vector<16xi32>
      %parallel_loop3A_1229 = arith.constant 8 : i32
      %parallel_loop3A_1230 = vector.broadcast %parallel_loop3A_1229 : i32 to vector<16xi32>
      %parallel_loop3A_1231 = arith.muli %parallel_loop3A_1228, %parallel_loop3A_1230 : vector<16xi32>
      %parallel_loop3A_1232 = arith.constant 7 : i32
      %parallel_loop3A_1233 = vector.broadcast %parallel_loop3A_1232 : i32 to vector<16xi32>
      %parallel_loop3A_1234 = arith.andi %parallel_loop3A_1213, %parallel_loop3A_1233 : vector<16xi32>
      %parallel_loop3A_1235 = arith.addi %parallel_loop3A_1231, %parallel_loop3A_1234 : vector<16xi32>
      %parallel_loop3A_1236 = tpu.vector_load_idx %arg7[%parallel_loop3A_1235] : memref<64xf32, #tpu.memory_space<vmem>>[vector<16xi32>], vector<16xf32>,
      %parallel_loop3A_1237 = arith.constant 0 : i32
      %parallel_loop3A_1238 = arith.index_cast %parallel_loop3A_36 : i32 to index
      %parallel_loop3A_1239 = arith.index_cast %parallel_loop3A_1237 : i32 to index
      %parallel_loop3A_1240 = arith.index_cast %parallel_loop3A_54 : i32 to index
      %parallel_loop3A_1241 = tpu.vector_load %arg9[%parallel_loop3A_1238, %parallel_loop3A_1239, %parallel_loop3A_1240] {strides = array<i32>} : memref<4x8x128xi32, #tpu.memory_space<vmem>>, vector<16xi32>,
      tpu.vector_store %arg9[%parallel_loop3A_1238, %parallel_loop3A_1239, %parallel_loop3A_1240], %parallel_loop3A_1235 {strides = array<i32>} : memref<4x8x128xi32, #tpu.memory_space<vmem>>, vector<16xi32>,
      %parallel_loop3A_1242 = arith.subf %parallel_loop3A_1212, %parallel_loop3A_1236 : vector<16xf32>
      %parallel_loop3A_1243 = arith.constant 0 : i32
      %parallel_loop3A_1244 = vector.broadcast %parallel_loop3A_1243 : i32 to vector<16xi32>
      %parallel_loop3A_1245 = arith.cmpi eq, %parallel_loop3A_1213, %parallel_loop3A_1244 : vector<16xi32>
      %parallel_loop3A_1246 = arith.select %parallel_loop3A_1245, %broadcast_in_dim3A_3, %parallel_loop3A_963 : vector<16xi1>, vector<16xf32>
      %parallel_loop3A_1247 = arith.constant 1 : i32
      %parallel_loop3A_1248 = vector.broadcast %parallel_loop3A_1247 : i32 to vector<16xi32>
      %parallel_loop3A_1249 = arith.cmpi eq, %parallel_loop3A_1213, %parallel_loop3A_1248 : vector<16xi32>
      %parallel_loop3A_1250 = arith.select %parallel_loop3A_1249, %broadcast_in_dim3A_3, %parallel_loop3A_966 : vector<16xi1>, vector<16xf32>
      %parallel_loop3A_1251 = arith.constant 2 : i32
      %parallel_loop3A_1252 = vector.broadcast %parallel_loop3A_1251 : i32 to vector<16xi32>
      %parallel_loop3A_1253 = arith.cmpi eq, %parallel_loop3A_1213, %parallel_loop3A_1252 : vector<16xi32>
      %parallel_loop3A_1254 = arith.select %parallel_loop3A_1253, %broadcast_in_dim3A_3, %parallel_loop3A_969 : vector<16xi1>, vector<16xf32>
      %parallel_loop3A_1255 = arith.constant 3 : i32
      %parallel_loop3A_1256 = vector.broadcast %parallel_loop3A_1255 : i32 to vector<16xi32>
      %parallel_loop3A_1257 = arith.cmpi eq, %parallel_loop3A_1213, %parallel_loop3A_1256 : vector<16xi32>
      %parallel_loop3A_1258 = arith.select %parallel_loop3A_1257, %broadcast_in_dim3A_3, %parallel_loop3A_972 : vector<16xi1>, vector<16xf32>
      %parallel_loop3A_1259 = arith.constant 4 : i32
      %parallel_loop3A_1260 = vector.broadcast %parallel_loop3A_1259 : i32 to vector<16xi32>
      %parallel_loop3A_1261 = arith.cmpi eq, %parallel_loop3A_1213, %parallel_loop3A_1260 : vector<16xi32>
      %parallel_loop3A_1262 = arith.select %parallel_loop3A_1261, %broadcast_in_dim3A_3, %parallel_loop3A_975 : vector<16xi1>, vector<16xf32>
      %parallel_loop3A_1263 = arith.constant 5 : i32
      %parallel_loop3A_1264 = vector.broadcast %parallel_loop3A_1263 : i32 to vector<16xi32>
      %parallel_loop3A_1265 = arith.cmpi eq, %parallel_loop3A_1213, %parallel_loop3A_1264 : vector<16xi32>
      %parallel_loop3A_1266 = arith.select %parallel_loop3A_1265, %broadcast_in_dim3A_3, %parallel_loop3A_978 : vector<16xi1>, vector<16xf32>
      %parallel_loop3A_1267 = arith.constant 6 : i32
      %parallel_loop3A_1268 = vector.broadcast %parallel_loop3A_1267 : i32 to vector<16xi32>
      %parallel_loop3A_1269 = arith.cmpi eq, %parallel_loop3A_1213, %parallel_loop3A_1268 : vector<16xi32>
      %parallel_loop3A_1270 = arith.select %parallel_loop3A_1269, %broadcast_in_dim3A_3, %parallel_loop3A_981 : vector<16xi1>, vector<16xf32>
      %parallel_loop3A_1271 = arith.constant 7 : i32
      %parallel_loop3A_1272 = vector.broadcast %parallel_loop3A_1271 : i32 to vector<16xi32>
      %parallel_loop3A_1273 = arith.cmpi eq, %parallel_loop3A_1213, %parallel_loop3A_1272 : vector<16xi32>
      %parallel_loop3A_1274 = arith.select %parallel_loop3A_1273, %broadcast_in_dim3A_3, %parallel_loop3A_984 : vector<16xi1>, vector<16xf32>
      %parallel_loop3A_1275 = arith.constant 8 : i32
      %parallel_loop3A_1276 = vector.broadcast %parallel_loop3A_1275 : i32 to vector<16xi32>
      %parallel_loop3A_1277 = arith.cmpi eq, %parallel_loop3A_1213, %parallel_loop3A_1276 : vector<16xi32>
      %parallel_loop3A_1278 = arith.select %parallel_loop3A_1277, %broadcast_in_dim3A_3, %parallel_loop3A_987 : vector<16xi1>, vector<16xf32>
      %parallel_loop3A_1279 = arith.constant 9 : i32
      %parallel_loop3A_1280 = vector.broadcast %parallel_loop3A_1279 : i32 to vector<16xi32>
      %parallel_loop3A_1281 = arith.cmpi eq, %parallel_loop3A_1213, %parallel_loop3A_1280 : vector<16xi32>
      %parallel_loop3A_1282 = arith.select %parallel_loop3A_1281, %broadcast_in_dim3A_3, %parallel_loop3A_990 : vector<16xi1>, vector<16xf32>
      %parallel_loop3A_1283 = arith.constant 10 : i32
      %parallel_loop3A_1284 = vector.broadcast %parallel_loop3A_1283 : i32 to vector<16xi32>
      %parallel_loop3A_1285 = arith.cmpi eq, %parallel_loop3A_1213, %parallel_loop3A_1284 : vector<16xi32>
      %parallel_loop3A_1286 = arith.select %parallel_loop3A_1285, %broadcast_in_dim3A_3, %parallel_loop3A_993 : vector<16xi1>, vector<16xf32>
      %parallel_loop3A_1287 = arith.constant 11 : i32
      %parallel_loop3A_1288 = vector.broadcast %parallel_loop3A_1287 : i32 to vector<16xi32>
      %parallel_loop3A_1289 = arith.cmpi eq, %parallel_loop3A_1213, %parallel_loop3A_1288 : vector<16xi32>
      %parallel_loop3A_1290 = arith.select %parallel_loop3A_1289, %broadcast_in_dim3A_3, %parallel_loop3A_996 : vector<16xi1>, vector<16xf32>
      %parallel_loop3A_1291 = arith.constant 12 : i32
      %parallel_loop3A_1292 = vector.broadcast %parallel_loop3A_1291 : i32 to vector<16xi32>
      %parallel_loop3A_1293 = arith.cmpi eq, %parallel_loop3A_1213, %parallel_loop3A_1292 : vector<16xi32>
      %parallel_loop3A_1294 = arith.select %parallel_loop3A_1293, %broadcast_in_dim3A_3, %parallel_loop3A_999 : vector<16xi1>, vector<16xf32>
      %parallel_loop3A_1295 = arith.constant 13 : i32
      %parallel_loop3A_1296 = vector.broadcast %parallel_loop3A_1295 : i32 to vector<16xi32>
      %parallel_loop3A_1297 = arith.cmpi eq, %parallel_loop3A_1213, %parallel_loop3A_1296 : vector<16xi32>
      %parallel_loop3A_1298 = arith.select %parallel_loop3A_1297, %broadcast_in_dim3A_3, %parallel_loop3A_1002 : vector<16xi1>, vector<16xf32>
      %parallel_loop3A_1299 = arith.constant 14 : i32
      %parallel_loop3A_1300 = vector.broadcast %parallel_loop3A_1299 : i32 to vector<16xi32>
      %parallel_loop3A_1301 = arith.cmpi eq, %parallel_loop3A_1213, %parallel_loop3A_1300 : vector<16xi32>
      %parallel_loop3A_1302 = arith.select %parallel_loop3A_1301, %broadcast_in_dim3A_3, %parallel_loop3A_1005 : vector<16xi1>, vector<16xf32>
      %parallel_loop3A_1303 = arith.constant 15 : i32
      %parallel_loop3A_1304 = vector.broadcast %parallel_loop3A_1303 : i32 to vector<16xi32>
      %parallel_loop3A_1305 = arith.cmpi eq, %parallel_loop3A_1213, %parallel_loop3A_1304 : vector<16xi32>
      %parallel_loop3A_1306 = arith.select %parallel_loop3A_1305, %broadcast_in_dim3A_3, %parallel_loop3A_1008 : vector<16xi1>, vector<16xf32>
      %parallel_loop3A_1307 = arith.constant 16 : i32
      %parallel_loop3A_1308 = vector.broadcast %parallel_loop3A_1307 : i32 to vector<16xi32>
      %parallel_loop3A_1309 = arith.cmpi eq, %parallel_loop3A_1213, %parallel_loop3A_1308 : vector<16xi32>
      %parallel_loop3A_1310 = arith.select %parallel_loop3A_1309, %broadcast_in_dim3A_3, %parallel_loop3A_1011 : vector<16xi1>, vector<16xf32>
      %parallel_loop3A_1311 = arith.constant 17 : i32
      %parallel_loop3A_1312 = vector.broadcast %parallel_loop3A_1311 : i32 to vector<16xi32>
      %parallel_loop3A_1313 = arith.cmpi eq, %parallel_loop3A_1213, %parallel_loop3A_1312 : vector<16xi32>
      %parallel_loop3A_1314 = arith.select %parallel_loop3A_1313, %broadcast_in_dim3A_3, %parallel_loop3A_1014 : vector<16xi1>, vector<16xf32>
      %parallel_loop3A_1315 = arith.constant 18 : i32
      %parallel_loop3A_1316 = vector.broadcast %parallel_loop3A_1315 : i32 to vector<16xi32>
      %parallel_loop3A_1317 = arith.cmpi eq, %parallel_loop3A_1213, %parallel_loop3A_1316 : vector<16xi32>
      %parallel_loop3A_1318 = arith.select %parallel_loop3A_1317, %broadcast_in_dim3A_3, %parallel_loop3A_1017 : vector<16xi1>, vector<16xf32>
      %parallel_loop3A_1319 = arith.constant 19 : i32
      %parallel_loop3A_1320 = vector.broadcast %parallel_loop3A_1319 : i32 to vector<16xi32>
      %parallel_loop3A_1321 = arith.cmpi eq, %parallel_loop3A_1213, %parallel_loop3A_1320 : vector<16xi32>
      %parallel_loop3A_1322 = arith.select %parallel_loop3A_1321, %broadcast_in_dim3A_3, %parallel_loop3A_1020 : vector<16xi1>, vector<16xf32>
      %parallel_loop3A_1323 = arith.constant 20 : i32
      %parallel_loop3A_1324 = vector.broadcast %parallel_loop3A_1323 : i32 to vector<16xi32>
      %parallel_loop3A_1325 = arith.cmpi eq, %parallel_loop3A_1213, %parallel_loop3A_1324 : vector<16xi32>
      %parallel_loop3A_1326 = arith.select %parallel_loop3A_1325, %broadcast_in_dim3A_3, %parallel_loop3A_1023 : vector<16xi1>, vector<16xf32>
      %parallel_loop3A_1327 = arith.constant 21 : i32
      %parallel_loop3A_1328 = vector.broadcast %parallel_loop3A_1327 : i32 to vector<16xi32>
      %parallel_loop3A_1329 = arith.cmpi eq, %parallel_loop3A_1213, %parallel_loop3A_1328 : vector<16xi32>
      %parallel_loop3A_1330 = arith.select %parallel_loop3A_1329, %broadcast_in_dim3A_3, %parallel_loop3A_1026 : vector<16xi1>, vector<16xf32>
      %parallel_loop3A_1331 = arith.constant 22 : i32
      %parallel_loop3A_1332 = vector.broadcast %parallel_loop3A_1331 : i32 to vector<16xi32>
      %parallel_loop3A_1333 = arith.cmpi eq, %parallel_loop3A_1213, %parallel_loop3A_1332 : vector<16xi32>
      %parallel_loop3A_1334 = arith.select %parallel_loop3A_1333, %broadcast_in_dim3A_3, %parallel_loop3A_1029 : vector<16xi1>, vector<16xf32>
      %parallel_loop3A_1335 = arith.constant 23 : i32
      %parallel_loop3A_1336 = vector.broadcast %parallel_loop3A_1335 : i32 to vector<16xi32>
      %parallel_loop3A_1337 = arith.cmpi eq, %parallel_loop3A_1213, %parallel_loop3A_1336 : vector<16xi32>
      %parallel_loop3A_1338 = arith.select %parallel_loop3A_1337, %broadcast_in_dim3A_3, %parallel_loop3A_1032 : vector<16xi1>, vector<16xf32>
      %parallel_loop3A_1339 = arith.constant 24 : i32
      %parallel_loop3A_1340 = vector.broadcast %parallel_loop3A_1339 : i32 to vector<16xi32>
      %parallel_loop3A_1341 = arith.cmpi eq, %parallel_loop3A_1213, %parallel_loop3A_1340 : vector<16xi32>
      %parallel_loop3A_1342 = arith.select %parallel_loop3A_1341, %broadcast_in_dim3A_3, %parallel_loop3A_1035 : vector<16xi1>, vector<16xf32>
      %parallel_loop3A_1343 = arith.constant 25 : i32
      %parallel_loop3A_1344 = vector.broadcast %parallel_loop3A_1343 : i32 to vector<16xi32>
      %parallel_loop3A_1345 = arith.cmpi eq, %parallel_loop3A_1213, %parallel_loop3A_1344 : vector<16xi32>
      %parallel_loop3A_1346 = arith.select %parallel_loop3A_1345, %broadcast_in_dim3A_3, %parallel_loop3A_1038 : vector<16xi1>, vector<16xf32>
      %parallel_loop3A_1347 = arith.constant 26 : i32
      %parallel_loop3A_1348 = vector.broadcast %parallel_loop3A_1347 : i32 to vector<16xi32>
      %parallel_loop3A_1349 = arith.cmpi eq, %parallel_loop3A_1213, %parallel_loop3A_1348 : vector<16xi32>
      %parallel_loop3A_1350 = arith.select %parallel_loop3A_1349, %broadcast_in_dim3A_3, %parallel_loop3A_1041 : vector<16xi1>, vector<16xf32>
      %parallel_loop3A_1351 = arith.constant 27 : i32
      %parallel_loop3A_1352 = vector.broadcast %parallel_loop3A_1351 : i32 to vector<16xi32>
      %parallel_loop3A_1353 = arith.cmpi eq, %parallel_loop3A_1213, %parallel_loop3A_1352 : vector<16xi32>
      %parallel_loop3A_1354 = arith.select %parallel_loop3A_1353, %broadcast_in_dim3A_3, %parallel_loop3A_1044 : vector<16xi1>, vector<16xf32>
      %parallel_loop3A_1355 = arith.constant 28 : i32
      %parallel_loop3A_1356 = vector.broadcast %parallel_loop3A_1355 : i32 to vector<16xi32>
      %parallel_loop3A_1357 = arith.cmpi eq, %parallel_loop3A_1213, %parallel_loop3A_1356 : vector<16xi32>
      %parallel_loop3A_1358 = arith.select %parallel_loop3A_1357, %broadcast_in_dim3A_3, %parallel_loop3A_1047 : vector<16xi1>, vector<16xf32>
      %parallel_loop3A_1359 = arith.constant 29 : i32
      %parallel_loop3A_1360 = vector.broadcast %parallel_loop3A_1359 : i32 to vector<16xi32>
      %parallel_loop3A_1361 = arith.cmpi eq, %parallel_loop3A_1213, %parallel_loop3A_1360 : vector<16xi32>
      %parallel_loop3A_1362 = arith.select %parallel_loop3A_1361, %broadcast_in_dim3A_3, %parallel_loop3A_1050 : vector<16xi1>, vector<16xf32>
      %parallel_loop3A_1363 = arith.constant 30 : i32
      %parallel_loop3A_1364 = vector.broadcast %parallel_loop3A_1363 : i32 to vector<16xi32>
      %parallel_loop3A_1365 = arith.cmpi eq, %parallel_loop3A_1213, %parallel_loop3A_1364 : vector<16xi32>
      %parallel_loop3A_1366 = arith.select %parallel_loop3A_1365, %broadcast_in_dim3A_3, %parallel_loop3A_1053 : vector<16xi1>, vector<16xf32>
      %parallel_loop3A_1367 = arith.constant 31 : i32
      %parallel_loop3A_1368 = vector.broadcast %parallel_loop3A_1367 : i32 to vector<16xi32>
      %parallel_loop3A_1369 = arith.cmpi eq, %parallel_loop3A_1213, %parallel_loop3A_1368 : vector<16xi32>
      %parallel_loop3A_1370 = arith.select %parallel_loop3A_1369, %broadcast_in_dim3A_3, %parallel_loop3A_1056 : vector<16xi1>, vector<16xf32>
      %parallel_loop3A_1371 = arith.cmpf ogt, %parallel_loop3A_1250, %parallel_loop3A_1246 : vector<16xf32>
      %parallel_loop3A_1372 = arith.select %parallel_loop3A_1371, %parallel_loop3A_1250, %parallel_loop3A_1246 : vector<16xi1>, vector<16xf32>
      %parallel_loop3A_1373 = arith.select %parallel_loop3A_1371, %parallel_loop3A_1060, %parallel_loop3A_1058 : vector<16xi1>, vector<16xi32>
      %parallel_loop3A_1374 = arith.cmpf ogt, %parallel_loop3A_1258, %parallel_loop3A_1254 : vector<16xf32>
      %parallel_loop3A_1375 = arith.select %parallel_loop3A_1374, %parallel_loop3A_1258, %parallel_loop3A_1254 : vector<16xi1>, vector<16xf32>
      %parallel_loop3A_1376 = arith.select %parallel_loop3A_1374, %parallel_loop3A_1064, %parallel_loop3A_1062 : vector<16xi1>, vector<16xi32>
      %parallel_loop3A_1377 = arith.cmpf ogt, %parallel_loop3A_1266, %parallel_loop3A_1262 : vector<16xf32>
      %parallel_loop3A_1378 = arith.select %parallel_loop3A_1377, %parallel_loop3A_1266, %parallel_loop3A_1262 : vector<16xi1>, vector<16xf32>
      %parallel_loop3A_1379 = arith.select %parallel_loop3A_1377, %parallel_loop3A_1068, %parallel_loop3A_1066 : vector<16xi1>, vector<16xi32>
      %parallel_loop3A_1380 = arith.cmpf ogt, %parallel_loop3A_1274, %parallel_loop3A_1270 : vector<16xf32>
      %parallel_loop3A_1381 = arith.select %parallel_loop3A_1380, %parallel_loop3A_1274, %parallel_loop3A_1270 : vector<16xi1>, vector<16xf32>
      %parallel_loop3A_1382 = arith.select %parallel_loop3A_1380, %parallel_loop3A_1072, %parallel_loop3A_1070 : vector<16xi1>, vector<16xi32>
      %parallel_loop3A_1383 = arith.cmpf ogt, %parallel_loop3A_1282, %parallel_loop3A_1278 : vector<16xf32>
      %parallel_loop3A_1384 = arith.select %parallel_loop3A_1383, %parallel_loop3A_1282, %parallel_loop3A_1278 : vector<16xi1>, vector<16xf32>
      %parallel_loop3A_1385 = arith.select %parallel_loop3A_1383, %parallel_loop3A_1076, %parallel_loop3A_1074 : vector<16xi1>, vector<16xi32>
      %parallel_loop3A_1386 = arith.cmpf ogt, %parallel_loop3A_1290, %parallel_loop3A_1286 : vector<16xf32>
      %parallel_loop3A_1387 = arith.select %parallel_loop3A_1386, %parallel_loop3A_1290, %parallel_loop3A_1286 : vector<16xi1>, vector<16xf32>
      %parallel_loop3A_1388 = arith.select %parallel_loop3A_1386, %parallel_loop3A_1080, %parallel_loop3A_1078 : vector<16xi1>, vector<16xi32>
      %parallel_loop3A_1389 = arith.cmpf ogt, %parallel_loop3A_1298, %parallel_loop3A_1294 : vector<16xf32>
      %parallel_loop3A_1390 = arith.select %parallel_loop3A_1389, %parallel_loop3A_1298, %parallel_loop3A_1294 : vector<16xi1>, vector<16xf32>
      %parallel_loop3A_1391 = arith.select %parallel_loop3A_1389, %parallel_loop3A_1084, %parallel_loop3A_1082 : vector<16xi1>, vector<16xi32>
      %parallel_loop3A_1392 = arith.cmpf ogt, %parallel_loop3A_1306, %parallel_loop3A_1302 : vector<16xf32>
      %parallel_loop3A_1393 = arith.select %parallel_loop3A_1392, %parallel_loop3A_1306, %parallel_loop3A_1302 : vector<16xi1>, vector<16xf32>
      %parallel_loop3A_1394 = arith.select %parallel_loop3A_1392, %parallel_loop3A_1088, %parallel_loop3A_1086 : vector<16xi1>, vector<16xi32>
      %parallel_loop3A_1395 = arith.cmpf ogt, %parallel_loop3A_1314, %parallel_loop3A_1310 : vector<16xf32>
      %parallel_loop3A_1396 = arith.select %parallel_loop3A_1395, %parallel_loop3A_1314, %parallel_loop3A_1310 : vector<16xi1>, vector<16xf32>
      %parallel_loop3A_1397 = arith.select %parallel_loop3A_1395, %parallel_loop3A_1092, %parallel_loop3A_1090 : vector<16xi1>, vector<16xi32>
      %parallel_loop3A_1398 = arith.cmpf ogt, %parallel_loop3A_1322, %parallel_loop3A_1318 : vector<16xf32>
      %parallel_loop3A_1399 = arith.select %parallel_loop3A_1398, %parallel_loop3A_1322, %parallel_loop3A_1318 : vector<16xi1>, vector<16xf32>
      %parallel_loop3A_1400 = arith.select %parallel_loop3A_1398, %parallel_loop3A_1096, %parallel_loop3A_1094 : vector<16xi1>, vector<16xi32>
      %parallel_loop3A_1401 = arith.cmpf ogt, %parallel_loop3A_1330, %parallel_loop3A_1326 : vector<16xf32>
      %parallel_loop3A_1402 = arith.select %parallel_loop3A_1401, %parallel_loop3A_1330, %parallel_loop3A_1326 : vector<16xi1>, vector<16xf32>
      %parallel_loop3A_1403 = arith.select %parallel_loop3A_1401, %parallel_loop3A_1100, %parallel_loop3A_1098 : vector<16xi1>, vector<16xi32>
      %parallel_loop3A_1404 = arith.cmpf ogt, %parallel_loop3A_1338, %parallel_loop3A_1334 : vector<16xf32>
      %parallel_loop3A_1405 = arith.select %parallel_loop3A_1404, %parallel_loop3A_1338, %parallel_loop3A_1334 : vector<16xi1>, vector<16xf32>
      %parallel_loop3A_1406 = arith.select %parallel_loop3A_1404, %parallel_loop3A_1104, %parallel_loop3A_1102 : vector<16xi1>, vector<16xi32>
      %parallel_loop3A_1407 = arith.cmpf ogt, %parallel_loop3A_1346, %parallel_loop3A_1342 : vector<16xf32>
      %parallel_loop3A_1408 = arith.select %parallel_loop3A_1407, %parallel_loop3A_1346, %parallel_loop3A_1342 : vector<16xi1>, vector<16xf32>
      %parallel_loop3A_1409 = arith.select %parallel_loop3A_1407, %parallel_loop3A_1108, %parallel_loop3A_1106 : vector<16xi1>, vector<16xi32>
      %parallel_loop3A_1410 = arith.cmpf ogt, %parallel_loop3A_1354, %parallel_loop3A_1350 : vector<16xf32>
      %parallel_loop3A_1411 = arith.select %parallel_loop3A_1410, %parallel_loop3A_1354, %parallel_loop3A_1350 : vector<16xi1>, vector<16xf32>
      %parallel_loop3A_1412 = arith.select %parallel_loop3A_1410, %parallel_loop3A_1112, %parallel_loop3A_1110 : vector<16xi1>, vector<16xi32>
      %parallel_loop3A_1413 = arith.cmpf ogt, %parallel_loop3A_1362, %parallel_loop3A_1358 : vector<16xf32>
      %parallel_loop3A_1414 = arith.select %parallel_loop3A_1413, %parallel_loop3A_1362, %parallel_loop3A_1358 : vector<16xi1>, vector<16xf32>
      %parallel_loop3A_1415 = arith.select %parallel_loop3A_1413, %parallel_loop3A_1116, %parallel_loop3A_1114 : vector<16xi1>, vector<16xi32>
      %parallel_loop3A_1416 = arith.cmpf ogt, %parallel_loop3A_1370, %parallel_loop3A_1366 : vector<16xf32>
      %parallel_loop3A_1417 = arith.select %parallel_loop3A_1416, %parallel_loop3A_1370, %parallel_loop3A_1366 : vector<16xi1>, vector<16xf32>
      %parallel_loop3A_1418 = arith.select %parallel_loop3A_1416, %parallel_loop3A_1120, %parallel_loop3A_1118 : vector<16xi1>, vector<16xi32>
      %parallel_loop3A_1419 = arith.cmpf ogt, %parallel_loop3A_1375, %parallel_loop3A_1372 : vector<16xf32>
      %parallel_loop3A_1420 = arith.select %parallel_loop3A_1419, %parallel_loop3A_1375, %parallel_loop3A_1372 : vector<16xi1>, vector<16xf32>
      %parallel_loop3A_1421 = arith.select %parallel_loop3A_1419, %parallel_loop3A_1376, %parallel_loop3A_1373 : vector<16xi1>, vector<16xi32>
      %parallel_loop3A_1422 = arith.cmpf ogt, %parallel_loop3A_1381, %parallel_loop3A_1378 : vector<16xf32>
      %parallel_loop3A_1423 = arith.select %parallel_loop3A_1422, %parallel_loop3A_1381, %parallel_loop3A_1378 : vector<16xi1>, vector<16xf32>
      %parallel_loop3A_1424 = arith.select %parallel_loop3A_1422, %parallel_loop3A_1382, %parallel_loop3A_1379 : vector<16xi1>, vector<16xi32>
      %parallel_loop3A_1425 = arith.cmpf ogt, %parallel_loop3A_1387, %parallel_loop3A_1384 : vector<16xf32>
      %parallel_loop3A_1426 = arith.select %parallel_loop3A_1425, %parallel_loop3A_1387, %parallel_loop3A_1384 : vector<16xi1>, vector<16xf32>
      %parallel_loop3A_1427 = arith.select %parallel_loop3A_1425, %parallel_loop3A_1388, %parallel_loop3A_1385 : vector<16xi1>, vector<16xi32>
      %parallel_loop3A_1428 = arith.cmpf ogt, %parallel_loop3A_1393, %parallel_loop3A_1390 : vector<16xf32>
      %parallel_loop3A_1429 = arith.select %parallel_loop3A_1428, %parallel_loop3A_1393, %parallel_loop3A_1390 : vector<16xi1>, vector<16xf32>
      %parallel_loop3A_1430 = arith.select %parallel_loop3A_1428, %parallel_loop3A_1394, %parallel_loop3A_1391 : vector<16xi1>, vector<16xi32>
      %parallel_loop3A_1431 = arith.cmpf ogt, %parallel_loop3A_1399, %parallel_loop3A_1396 : vector<16xf32>
      %parallel_loop3A_1432 = arith.select %parallel_loop3A_1431, %parallel_loop3A_1399, %parallel_loop3A_1396 : vector<16xi1>, vector<16xf32>
      %parallel_loop3A_1433 = arith.select %parallel_loop3A_1431, %parallel_loop3A_1400, %parallel_loop3A_1397 : vector<16xi1>, vector<16xi32>
      %parallel_loop3A_1434 = arith.cmpf ogt, %parallel_loop3A_1405, %parallel_loop3A_1402 : vector<16xf32>
      %parallel_loop3A_1435 = arith.select %parallel_loop3A_1434, %parallel_loop3A_1405, %parallel_loop3A_1402 : vector<16xi1>, vector<16xf32>
      %parallel_loop3A_1436 = arith.select %parallel_loop3A_1434, %parallel_loop3A_1406, %parallel_loop3A_1403 : vector<16xi1>, vector<16xi32>
      %parallel_loop3A_1437 = arith.cmpf ogt, %parallel_loop3A_1411, %parallel_loop3A_1408 : vector<16xf32>
      %parallel_loop3A_1438 = arith.select %parallel_loop3A_1437, %parallel_loop3A_1411, %parallel_loop3A_1408 : vector<16xi1>, vector<16xf32>
      %parallel_loop3A_1439 = arith.select %parallel_loop3A_1437, %parallel_loop3A_1412, %parallel_loop3A_1409 : vector<16xi1>, vector<16xi32>
      %parallel_loop3A_1440 = arith.cmpf ogt, %parallel_loop3A_1417, %parallel_loop3A_1414 : vector<16xf32>
      %parallel_loop3A_1441 = arith.select %parallel_loop3A_1440, %parallel_loop3A_1417, %parallel_loop3A_1414 : vector<16xi1>, vector<16xf32>
      %parallel_loop3A_1442 = arith.select %parallel_loop3A_1440, %parallel_loop3A_1418, %parallel_loop3A_1415 : vector<16xi1>, vector<16xi32>
      %parallel_loop3A_1443 = arith.cmpf ogt, %parallel_loop3A_1423, %parallel_loop3A_1420 : vector<16xf32>
      %parallel_loop3A_1444 = arith.select %parallel_loop3A_1443, %parallel_loop3A_1423, %parallel_loop3A_1420 : vector<16xi1>, vector<16xf32>
      %parallel_loop3A_1445 = arith.select %parallel_loop3A_1443, %parallel_loop3A_1424, %parallel_loop3A_1421 : vector<16xi1>, vector<16xi32>
      %parallel_loop3A_1446 = arith.cmpf ogt, %parallel_loop3A_1429, %parallel_loop3A_1426 : vector<16xf32>
      %parallel_loop3A_1447 = arith.select %parallel_loop3A_1446, %parallel_loop3A_1429, %parallel_loop3A_1426 : vector<16xi1>, vector<16xf32>
      %parallel_loop3A_1448 = arith.select %parallel_loop3A_1446, %parallel_loop3A_1430, %parallel_loop3A_1427 : vector<16xi1>, vector<16xi32>
      %parallel_loop3A_1449 = arith.cmpf ogt, %parallel_loop3A_1435, %parallel_loop3A_1432 : vector<16xf32>
      %parallel_loop3A_1450 = arith.select %parallel_loop3A_1449, %parallel_loop3A_1435, %parallel_loop3A_1432 : vector<16xi1>, vector<16xf32>
      %parallel_loop3A_1451 = arith.select %parallel_loop3A_1449, %parallel_loop3A_1436, %parallel_loop3A_1433 : vector<16xi1>, vector<16xi32>
      %parallel_loop3A_1452 = arith.cmpf ogt, %parallel_loop3A_1441, %parallel_loop3A_1438 : vector<16xf32>
      %parallel_loop3A_1453 = arith.select %parallel_loop3A_1452, %parallel_loop3A_1441, %parallel_loop3A_1438 : vector<16xi1>, vector<16xf32>
      %parallel_loop3A_1454 = arith.select %parallel_loop3A_1452, %parallel_loop3A_1442, %parallel_loop3A_1439 : vector<16xi1>, vector<16xi32>
      %parallel_loop3A_1455 = arith.cmpf ogt, %parallel_loop3A_1447, %parallel_loop3A_1444 : vector<16xf32>
      %parallel_loop3A_1456 = arith.select %parallel_loop3A_1455, %parallel_loop3A_1447, %parallel_loop3A_1444 : vector<16xi1>, vector<16xf32>
      %parallel_loop3A_1457 = arith.select %parallel_loop3A_1455, %parallel_loop3A_1448, %parallel_loop3A_1445 : vector<16xi1>, vector<16xi32>
      %parallel_loop3A_1458 = arith.cmpf ogt, %parallel_loop3A_1453, %parallel_loop3A_1450 : vector<16xf32>
      %parallel_loop3A_1459 = arith.select %parallel_loop3A_1458, %parallel_loop3A_1453, %parallel_loop3A_1450 : vector<16xi1>, vector<16xf32>
      %parallel_loop3A_1460 = arith.select %parallel_loop3A_1458, %parallel_loop3A_1454, %parallel_loop3A_1451 : vector<16xi1>, vector<16xi32>
      %parallel_loop3A_1461 = arith.cmpf ogt, %parallel_loop3A_1459, %parallel_loop3A_1456 : vector<16xf32>
      %parallel_loop3A_1462 = arith.select %parallel_loop3A_1461, %parallel_loop3A_1459, %parallel_loop3A_1456 : vector<16xi1>, vector<16xf32>
      %parallel_loop3A_1463 = arith.select %parallel_loop3A_1461, %parallel_loop3A_1460, %parallel_loop3A_1457 : vector<16xi1>, vector<16xi32>
      %parallel_loop3A_1464 = arith.constant 3 : i32
      %parallel_loop3A_1465 = vector.broadcast %parallel_loop3A_1464 : i32 to vector<16xi32>
      %parallel_loop3A_1466 = arith.shrsi %parallel_loop3A_1463, %parallel_loop3A_1465 : vector<16xi32>
      %parallel_loop3A_1467 = arith.constant 0 : i32
      %parallel_loop3A_1468 = vector.broadcast %parallel_loop3A_1467 : i32 to vector<16xi32>
      %parallel_loop3A_1469 = arith.cmpi eq, %parallel_loop3A_1466, %parallel_loop3A_1468 : vector<16xi32>
      %parallel_loop3A_1470 = arith.constant 1 : i32
      %parallel_loop3A_1471 = vector.broadcast %parallel_loop3A_1470 : i32 to vector<16xi32>
      %parallel_loop3A_1472 = arith.cmpi eq, %parallel_loop3A_1466, %parallel_loop3A_1471 : vector<16xi32>
      %parallel_loop3A_1473 = arith.constant 2 : i32
      %parallel_loop3A_1474 = vector.broadcast %parallel_loop3A_1473 : i32 to vector<16xi32>
      %parallel_loop3A_1475 = arith.cmpi eq, %parallel_loop3A_1466, %parallel_loop3A_1474 : vector<16xi32>
      %parallel_loop3A_1476 = arith.select %parallel_loop3A_1475, %parallel_loop3A_859, %parallel_loop3A_928 : vector<16xi1>, vector<16xi32>
      %parallel_loop3A_1477 = arith.select %parallel_loop3A_1472, %parallel_loop3A_790, %parallel_loop3A_1476 : vector<16xi1>, vector<16xi32>
      %parallel_loop3A_1478 = arith.select %parallel_loop3A_1469, %parallel_loop3A_721, %parallel_loop3A_1477 : vector<16xi1>, vector<16xi32>
      %parallel_loop3A_1479 = arith.constant 8 : i32
      %parallel_loop3A_1480 = vector.broadcast %parallel_loop3A_1479 : i32 to vector<16xi32>
      %parallel_loop3A_1481 = arith.muli %parallel_loop3A_1478, %parallel_loop3A_1480 : vector<16xi32>
      %parallel_loop3A_1482 = arith.constant 7 : i32
      %parallel_loop3A_1483 = vector.broadcast %parallel_loop3A_1482 : i32 to vector<16xi32>
      %parallel_loop3A_1484 = arith.andi %parallel_loop3A_1463, %parallel_loop3A_1483 : vector<16xi32>
      %parallel_loop3A_1485 = arith.addi %parallel_loop3A_1481, %parallel_loop3A_1484 : vector<16xi32>
      %parallel_loop3A_1486 = tpu.vector_load_idx %arg7[%parallel_loop3A_1485] : memref<64xf32, #tpu.memory_space<vmem>>[vector<16xi32>], vector<16xf32>,
      %parallel_loop3A_1487 = arith.constant 1 : i32
      %parallel_loop3A_1488 = arith.index_cast %parallel_loop3A_36 : i32 to index
      %parallel_loop3A_1489 = arith.index_cast %parallel_loop3A_1487 : i32 to index
      %parallel_loop3A_1490 = arith.index_cast %parallel_loop3A_54 : i32 to index
      %parallel_loop3A_1491 = tpu.vector_load %arg9[%parallel_loop3A_1488, %parallel_loop3A_1489, %parallel_loop3A_1490] {strides = array<i32>} : memref<4x8x128xi32, #tpu.memory_space<vmem>>, vector<16xi32>,
      tpu.vector_store %arg9[%parallel_loop3A_1488, %parallel_loop3A_1489, %parallel_loop3A_1490], %parallel_loop3A_1485 {strides = array<i32>} : memref<4x8x128xi32, #tpu.memory_space<vmem>>, vector<16xi32>,
      %parallel_loop3A_1492 = arith.subf %parallel_loop3A_1462, %parallel_loop3A_1486 : vector<16xf32>
      %parallel_loop3A_1493 = arith.constant 0 : i32
      %parallel_loop3A_1494 = vector.broadcast %parallel_loop3A_1493 : i32 to vector<16xi32>
      %parallel_loop3A_1495 = arith.cmpi eq, %parallel_loop3A_1463, %parallel_loop3A_1494 : vector<16xi32>
      %parallel_loop3A_1496 = arith.select %parallel_loop3A_1495, %broadcast_in_dim3A_3, %parallel_loop3A_1246 : vector<16xi1>, vector<16xf32>
      %parallel_loop3A_1497 = arith.constant 1 : i32
      %parallel_loop3A_1498 = vector.broadcast %parallel_loop3A_1497 : i32 to vector<16xi32>
      %parallel_loop3A_1499 = arith.cmpi eq, %parallel_loop3A_1463, %parallel_loop3A_1498 : vector<16xi32>
      %parallel_loop3A_1500 = arith.select %parallel_loop3A_1499, %broadcast_in_dim3A_3, %parallel_loop3A_1250 : vector<16xi1>, vector<16xf32>
      %parallel_loop3A_1501 = arith.constant 2 : i32
      %parallel_loop3A_1502 = vector.broadcast %parallel_loop3A_1501 : i32 to vector<16xi32>
      %parallel_loop3A_1503 = arith.cmpi eq, %parallel_loop3A_1463, %parallel_loop3A_1502 : vector<16xi32>
      %parallel_loop3A_1504 = arith.select %parallel_loop3A_1503, %broadcast_in_dim3A_3, %parallel_loop3A_1254 : vector<16xi1>, vector<16xf32>
      %parallel_loop3A_1505 = arith.constant 3 : i32
      %parallel_loop3A_1506 = vector.broadcast %parallel_loop3A_1505 : i32 to vector<16xi32>
      %parallel_loop3A_1507 = arith.cmpi eq, %parallel_loop3A_1463, %parallel_loop3A_1506 : vector<16xi32>
      %parallel_loop3A_1508 = arith.select %parallel_loop3A_1507, %broadcast_in_dim3A_3, %parallel_loop3A_1258 : vector<16xi1>, vector<16xf32>
      %parallel_loop3A_1509 = arith.constant 4 : i32
      %parallel_loop3A_1510 = vector.broadcast %parallel_loop3A_1509 : i32 to vector<16xi32>
      %parallel_loop3A_1511 = arith.cmpi eq, %parallel_loop3A_1463, %parallel_loop3A_1510 : vector<16xi32>
      %parallel_loop3A_1512 = arith.select %parallel_loop3A_1511, %broadcast_in_dim3A_3, %parallel_loop3A_1262 : vector<16xi1>, vector<16xf32>
      %parallel_loop3A_1513 = arith.constant 5 : i32
      %parallel_loop3A_1514 = vector.broadcast %parallel_loop3A_1513 : i32 to vector<16xi32>
      %parallel_loop3A_1515 = arith.cmpi eq, %parallel_loop3A_1463, %parallel_loop3A_1514 : vector<16xi32>
      %parallel_loop3A_1516 = arith.select %parallel_loop3A_1515, %broadcast_in_dim3A_3, %parallel_loop3A_1266 : vector<16xi1>, vector<16xf32>
      %parallel_loop3A_1517 = arith.constant 6 : i32
      %parallel_loop3A_1518 = vector.broadcast %parallel_loop3A_1517 : i32 to vector<16xi32>
      %parallel_loop3A_1519 = arith.cmpi eq, %parallel_loop3A_1463, %parallel_loop3A_1518 : vector<16xi32>
      %parallel_loop3A_1520 = arith.select %parallel_loop3A_1519, %broadcast_in_dim3A_3, %parallel_loop3A_1270 : vector<16xi1>, vector<16xf32>
      %parallel_loop3A_1521 = arith.constant 7 : i32
      %parallel_loop3A_1522 = vector.broadcast %parallel_loop3A_1521 : i32 to vector<16xi32>
      %parallel_loop3A_1523 = arith.cmpi eq, %parallel_loop3A_1463, %parallel_loop3A_1522 : vector<16xi32>
      %parallel_loop3A_1524 = arith.select %parallel_loop3A_1523, %broadcast_in_dim3A_3, %parallel_loop3A_1274 : vector<16xi1>, vector<16xf32>
      %parallel_loop3A_1525 = arith.constant 8 : i32
      %parallel_loop3A_1526 = vector.broadcast %parallel_loop3A_1525 : i32 to vector<16xi32>
      %parallel_loop3A_1527 = arith.cmpi eq, %parallel_loop3A_1463, %parallel_loop3A_1526 : vector<16xi32>
      %parallel_loop3A_1528 = arith.select %parallel_loop3A_1527, %broadcast_in_dim3A_3, %parallel_loop3A_1278 : vector<16xi1>, vector<16xf32>
      %parallel_loop3A_1529 = arith.constant 9 : i32
      %parallel_loop3A_1530 = vector.broadcast %parallel_loop3A_1529 : i32 to vector<16xi32>
      %parallel_loop3A_1531 = arith.cmpi eq, %parallel_loop3A_1463, %parallel_loop3A_1530 : vector<16xi32>
      %parallel_loop3A_1532 = arith.select %parallel_loop3A_1531, %broadcast_in_dim3A_3, %parallel_loop3A_1282 : vector<16xi1>, vector<16xf32>
      %parallel_loop3A_1533 = arith.constant 10 : i32
      %parallel_loop3A_1534 = vector.broadcast %parallel_loop3A_1533 : i32 to vector<16xi32>
      %parallel_loop3A_1535 = arith.cmpi eq, %parallel_loop3A_1463, %parallel_loop3A_1534 : vector<16xi32>
      %parallel_loop3A_1536 = arith.select %parallel_loop3A_1535, %broadcast_in_dim3A_3, %parallel_loop3A_1286 : vector<16xi1>, vector<16xf32>
      %parallel_loop3A_1537 = arith.constant 11 : i32
      %parallel_loop3A_1538 = vector.broadcast %parallel_loop3A_1537 : i32 to vector<16xi32>
      %parallel_loop3A_1539 = arith.cmpi eq, %parallel_loop3A_1463, %parallel_loop3A_1538 : vector<16xi32>
      %parallel_loop3A_1540 = arith.select %parallel_loop3A_1539, %broadcast_in_dim3A_3, %parallel_loop3A_1290 : vector<16xi1>, vector<16xf32>
      %parallel_loop3A_1541 = arith.constant 12 : i32
      %parallel_loop3A_1542 = vector.broadcast %parallel_loop3A_1541 : i32 to vector<16xi32>
      %parallel_loop3A_1543 = arith.cmpi eq, %parallel_loop3A_1463, %parallel_loop3A_1542 : vector<16xi32>
      %parallel_loop3A_1544 = arith.select %parallel_loop3A_1543, %broadcast_in_dim3A_3, %parallel_loop3A_1294 : vector<16xi1>, vector<16xf32>
      %parallel_loop3A_1545 = arith.constant 13 : i32
      %parallel_loop3A_1546 = vector.broadcast %parallel_loop3A_1545 : i32 to vector<16xi32>
      %parallel_loop3A_1547 = arith.cmpi eq, %parallel_loop3A_1463, %parallel_loop3A_1546 : vector<16xi32>
      %parallel_loop3A_1548 = arith.select %parallel_loop3A_1547, %broadcast_in_dim3A_3, %parallel_loop3A_1298 : vector<16xi1>, vector<16xf32>
      %parallel_loop3A_1549 = arith.constant 14 : i32
      %parallel_loop3A_1550 = vector.broadcast %parallel_loop3A_1549 : i32 to vector<16xi32>
      %parallel_loop3A_1551 = arith.cmpi eq, %parallel_loop3A_1463, %parallel_loop3A_1550 : vector<16xi32>
      %parallel_loop3A_1552 = arith.select %parallel_loop3A_1551, %broadcast_in_dim3A_3, %parallel_loop3A_1302 : vector<16xi1>, vector<16xf32>
      %parallel_loop3A_1553 = arith.constant 15 : i32
      %parallel_loop3A_1554 = vector.broadcast %parallel_loop3A_1553 : i32 to vector<16xi32>
      %parallel_loop3A_1555 = arith.cmpi eq, %parallel_loop3A_1463, %parallel_loop3A_1554 : vector<16xi32>
      %parallel_loop3A_1556 = arith.select %parallel_loop3A_1555, %broadcast_in_dim3A_3, %parallel_loop3A_1306 : vector<16xi1>, vector<16xf32>
      %parallel_loop3A_1557 = arith.constant 16 : i32
      %parallel_loop3A_1558 = vector.broadcast %parallel_loop3A_1557 : i32 to vector<16xi32>
      %parallel_loop3A_1559 = arith.cmpi eq, %parallel_loop3A_1463, %parallel_loop3A_1558 : vector<16xi32>
      %parallel_loop3A_1560 = arith.select %parallel_loop3A_1559, %broadcast_in_dim3A_3, %parallel_loop3A_1310 : vector<16xi1>, vector<16xf32>
      %parallel_loop3A_1561 = arith.constant 17 : i32
      %parallel_loop3A_1562 = vector.broadcast %parallel_loop3A_1561 : i32 to vector<16xi32>
      %parallel_loop3A_1563 = arith.cmpi eq, %parallel_loop3A_1463, %parallel_loop3A_1562 : vector<16xi32>
      %parallel_loop3A_1564 = arith.select %parallel_loop3A_1563, %broadcast_in_dim3A_3, %parallel_loop3A_1314 : vector<16xi1>, vector<16xf32>
      %parallel_loop3A_1565 = arith.constant 18 : i32
      %parallel_loop3A_1566 = vector.broadcast %parallel_loop3A_1565 : i32 to vector<16xi32>
      %parallel_loop3A_1567 = arith.cmpi eq, %parallel_loop3A_1463, %parallel_loop3A_1566 : vector<16xi32>
      %parallel_loop3A_1568 = arith.select %parallel_loop3A_1567, %broadcast_in_dim3A_3, %parallel_loop3A_1318 : vector<16xi1>, vector<16xf32>
      %parallel_loop3A_1569 = arith.constant 19 : i32
      %parallel_loop3A_1570 = vector.broadcast %parallel_loop3A_1569 : i32 to vector<16xi32>
      %parallel_loop3A_1571 = arith.cmpi eq, %parallel_loop3A_1463, %parallel_loop3A_1570 : vector<16xi32>
      %parallel_loop3A_1572 = arith.select %parallel_loop3A_1571, %broadcast_in_dim3A_3, %parallel_loop3A_1322 : vector<16xi1>, vector<16xf32>
      %parallel_loop3A_1573 = arith.constant 20 : i32
      %parallel_loop3A_1574 = vector.broadcast %parallel_loop3A_1573 : i32 to vector<16xi32>
      %parallel_loop3A_1575 = arith.cmpi eq, %parallel_loop3A_1463, %parallel_loop3A_1574 : vector<16xi32>
      %parallel_loop3A_1576 = arith.select %parallel_loop3A_1575, %broadcast_in_dim3A_3, %parallel_loop3A_1326 : vector<16xi1>, vector<16xf32>
      %parallel_loop3A_1577 = arith.constant 21 : i32
      %parallel_loop3A_1578 = vector.broadcast %parallel_loop3A_1577 : i32 to vector<16xi32>
      %parallel_loop3A_1579 = arith.cmpi eq, %parallel_loop3A_1463, %parallel_loop3A_1578 : vector<16xi32>
      %parallel_loop3A_1580 = arith.select %parallel_loop3A_1579, %broadcast_in_dim3A_3, %parallel_loop3A_1330 : vector<16xi1>, vector<16xf32>
      %parallel_loop3A_1581 = arith.constant 22 : i32
      %parallel_loop3A_1582 = vector.broadcast %parallel_loop3A_1581 : i32 to vector<16xi32>
      %parallel_loop3A_1583 = arith.cmpi eq, %parallel_loop3A_1463, %parallel_loop3A_1582 : vector<16xi32>
      %parallel_loop3A_1584 = arith.select %parallel_loop3A_1583, %broadcast_in_dim3A_3, %parallel_loop3A_1334 : vector<16xi1>, vector<16xf32>
      %parallel_loop3A_1585 = arith.constant 23 : i32
      %parallel_loop3A_1586 = vector.broadcast %parallel_loop3A_1585 : i32 to vector<16xi32>
      %parallel_loop3A_1587 = arith.cmpi eq, %parallel_loop3A_1463, %parallel_loop3A_1586 : vector<16xi32>
      %parallel_loop3A_1588 = arith.select %parallel_loop3A_1587, %broadcast_in_dim3A_3, %parallel_loop3A_1338 : vector<16xi1>, vector<16xf32>
      %parallel_loop3A_1589 = arith.constant 24 : i32
      %parallel_loop3A_1590 = vector.broadcast %parallel_loop3A_1589 : i32 to vector<16xi32>
      %parallel_loop3A_1591 = arith.cmpi eq, %parallel_loop3A_1463, %parallel_loop3A_1590 : vector<16xi32>
      %parallel_loop3A_1592 = arith.select %parallel_loop3A_1591, %broadcast_in_dim3A_3, %parallel_loop3A_1342 : vector<16xi1>, vector<16xf32>
      %parallel_loop3A_1593 = arith.constant 25 : i32
      %parallel_loop3A_1594 = vector.broadcast %parallel_loop3A_1593 : i32 to vector<16xi32>
      %parallel_loop3A_1595 = arith.cmpi eq, %parallel_loop3A_1463, %parallel_loop3A_1594 : vector<16xi32>
      %parallel_loop3A_1596 = arith.select %parallel_loop3A_1595, %broadcast_in_dim3A_3, %parallel_loop3A_1346 : vector<16xi1>, vector<16xf32>
      %parallel_loop3A_1597 = arith.constant 26 : i32
      %parallel_loop3A_1598 = vector.broadcast %parallel_loop3A_1597 : i32 to vector<16xi32>
      %parallel_loop3A_1599 = arith.cmpi eq, %parallel_loop3A_1463, %parallel_loop3A_1598 : vector<16xi32>
      %parallel_loop3A_1600 = arith.select %parallel_loop3A_1599, %broadcast_in_dim3A_3, %parallel_loop3A_1350 : vector<16xi1>, vector<16xf32>
      %parallel_loop3A_1601 = arith.constant 27 : i32
      %parallel_loop3A_1602 = vector.broadcast %parallel_loop3A_1601 : i32 to vector<16xi32>
      %parallel_loop3A_1603 = arith.cmpi eq, %parallel_loop3A_1463, %parallel_loop3A_1602 : vector<16xi32>
      %parallel_loop3A_1604 = arith.select %parallel_loop3A_1603, %broadcast_in_dim3A_3, %parallel_loop3A_1354 : vector<16xi1>, vector<16xf32>
      %parallel_loop3A_1605 = arith.constant 28 : i32
      %parallel_loop3A_1606 = vector.broadcast %parallel_loop3A_1605 : i32 to vector<16xi32>
      %parallel_loop3A_1607 = arith.cmpi eq, %parallel_loop3A_1463, %parallel_loop3A_1606 : vector<16xi32>
      %parallel_loop3A_1608 = arith.select %parallel_loop3A_1607, %broadcast_in_dim3A_3, %parallel_loop3A_1358 : vector<16xi1>, vector<16xf32>
      %parallel_loop3A_1609 = arith.constant 29 : i32
      %parallel_loop3A_1610 = vector.broadcast %parallel_loop3A_1609 : i32 to vector<16xi32>
      %parallel_loop3A_1611 = arith.cmpi eq, %parallel_loop3A_1463, %parallel_loop3A_1610 : vector<16xi32>
      %parallel_loop3A_1612 = arith.select %parallel_loop3A_1611, %broadcast_in_dim3A_3, %parallel_loop3A_1362 : vector<16xi1>, vector<16xf32>
      %parallel_loop3A_1613 = arith.constant 30 : i32
      %parallel_loop3A_1614 = vector.broadcast %parallel_loop3A_1613 : i32 to vector<16xi32>
      %parallel_loop3A_1615 = arith.cmpi eq, %parallel_loop3A_1463, %parallel_loop3A_1614 : vector<16xi32>
      %parallel_loop3A_1616 = arith.select %parallel_loop3A_1615, %broadcast_in_dim3A_3, %parallel_loop3A_1366 : vector<16xi1>, vector<16xf32>
      %parallel_loop3A_1617 = arith.constant 31 : i32
      %parallel_loop3A_1618 = vector.broadcast %parallel_loop3A_1617 : i32 to vector<16xi32>
      %parallel_loop3A_1619 = arith.cmpi eq, %parallel_loop3A_1463, %parallel_loop3A_1618 : vector<16xi32>
      %parallel_loop3A_1620 = arith.select %parallel_loop3A_1619, %broadcast_in_dim3A_3, %parallel_loop3A_1370 : vector<16xi1>, vector<16xf32>
      %parallel_loop3A_1621 = arith.cmpf ogt, %parallel_loop3A_1500, %parallel_loop3A_1496 : vector<16xf32>
      %parallel_loop3A_1622 = arith.select %parallel_loop3A_1621, %parallel_loop3A_1500, %parallel_loop3A_1496 : vector<16xi1>, vector<16xf32>
      %parallel_loop3A_1623 = arith.select %parallel_loop3A_1621, %parallel_loop3A_1060, %parallel_loop3A_1058 : vector<16xi1>, vector<16xi32>
      %parallel_loop3A_1624 = arith.cmpf ogt, %parallel_loop3A_1508, %parallel_loop3A_1504 : vector<16xf32>
      %parallel_loop3A_1625 = arith.select %parallel_loop3A_1624, %parallel_loop3A_1508, %parallel_loop3A_1504 : vector<16xi1>, vector<16xf32>
      %parallel_loop3A_1626 = arith.select %parallel_loop3A_1624, %parallel_loop3A_1064, %parallel_loop3A_1062 : vector<16xi1>, vector<16xi32>
      %parallel_loop3A_1627 = arith.cmpf ogt, %parallel_loop3A_1516, %parallel_loop3A_1512 : vector<16xf32>
      %parallel_loop3A_1628 = arith.select %parallel_loop3A_1627, %parallel_loop3A_1516, %parallel_loop3A_1512 : vector<16xi1>, vector<16xf32>
      %parallel_loop3A_1629 = arith.select %parallel_loop3A_1627, %parallel_loop3A_1068, %parallel_loop3A_1066 : vector<16xi1>, vector<16xi32>
      %parallel_loop3A_1630 = arith.cmpf ogt, %parallel_loop3A_1524, %parallel_loop3A_1520 : vector<16xf32>
      %parallel_loop3A_1631 = arith.select %parallel_loop3A_1630, %parallel_loop3A_1524, %parallel_loop3A_1520 : vector<16xi1>, vector<16xf32>
      %parallel_loop3A_1632 = arith.select %parallel_loop3A_1630, %parallel_loop3A_1072, %parallel_loop3A_1070 : vector<16xi1>, vector<16xi32>
      %parallel_loop3A_1633 = arith.cmpf ogt, %parallel_loop3A_1532, %parallel_loop3A_1528 : vector<16xf32>
      %parallel_loop3A_1634 = arith.select %parallel_loop3A_1633, %parallel_loop3A_1532, %parallel_loop3A_1528 : vector<16xi1>, vector<16xf32>
      %parallel_loop3A_1635 = arith.select %parallel_loop3A_1633, %parallel_loop3A_1076, %parallel_loop3A_1074 : vector<16xi1>, vector<16xi32>
      %parallel_loop3A_1636 = arith.cmpf ogt, %parallel_loop3A_1540, %parallel_loop3A_1536 : vector<16xf32>
      %parallel_loop3A_1637 = arith.select %parallel_loop3A_1636, %parallel_loop3A_1540, %parallel_loop3A_1536 : vector<16xi1>, vector<16xf32>
      %parallel_loop3A_1638 = arith.select %parallel_loop3A_1636, %parallel_loop3A_1080, %parallel_loop3A_1078 : vector<16xi1>, vector<16xi32>
      %parallel_loop3A_1639 = arith.cmpf ogt, %parallel_loop3A_1548, %parallel_loop3A_1544 : vector<16xf32>
      %parallel_loop3A_1640 = arith.select %parallel_loop3A_1639, %parallel_loop3A_1548, %parallel_loop3A_1544 : vector<16xi1>, vector<16xf32>
      %parallel_loop3A_1641 = arith.select %parallel_loop3A_1639, %parallel_loop3A_1084, %parallel_loop3A_1082 : vector<16xi1>, vector<16xi32>
      %parallel_loop3A_1642 = arith.cmpf ogt, %parallel_loop3A_1556, %parallel_loop3A_1552 : vector<16xf32>
      %parallel_loop3A_1643 = arith.select %parallel_loop3A_1642, %parallel_loop3A_1556, %parallel_loop3A_1552 : vector<16xi1>, vector<16xf32>
      %parallel_loop3A_1644 = arith.select %parallel_loop3A_1642, %parallel_loop3A_1088, %parallel_loop3A_1086 : vector<16xi1>, vector<16xi32>
      %parallel_loop3A_1645 = arith.cmpf ogt, %parallel_loop3A_1564, %parallel_loop3A_1560 : vector<16xf32>
      %parallel_loop3A_1646 = arith.select %parallel_loop3A_1645, %parallel_loop3A_1564, %parallel_loop3A_1560 : vector<16xi1>, vector<16xf32>
      %parallel_loop3A_1647 = arith.select %parallel_loop3A_1645, %parallel_loop3A_1092, %parallel_loop3A_1090 : vector<16xi1>, vector<16xi32>
      %parallel_loop3A_1648 = arith.cmpf ogt, %parallel_loop3A_1572, %parallel_loop3A_1568 : vector<16xf32>
      %parallel_loop3A_1649 = arith.select %parallel_loop3A_1648, %parallel_loop3A_1572, %parallel_loop3A_1568 : vector<16xi1>, vector<16xf32>
      %parallel_loop3A_1650 = arith.select %parallel_loop3A_1648, %parallel_loop3A_1096, %parallel_loop3A_1094 : vector<16xi1>, vector<16xi32>
      %parallel_loop3A_1651 = arith.cmpf ogt, %parallel_loop3A_1580, %parallel_loop3A_1576 : vector<16xf32>
      %parallel_loop3A_1652 = arith.select %parallel_loop3A_1651, %parallel_loop3A_1580, %parallel_loop3A_1576 : vector<16xi1>, vector<16xf32>
      %parallel_loop3A_1653 = arith.select %parallel_loop3A_1651, %parallel_loop3A_1100, %parallel_loop3A_1098 : vector<16xi1>, vector<16xi32>
      %parallel_loop3A_1654 = arith.cmpf ogt, %parallel_loop3A_1588, %parallel_loop3A_1584 : vector<16xf32>
      %parallel_loop3A_1655 = arith.select %parallel_loop3A_1654, %parallel_loop3A_1588, %parallel_loop3A_1584 : vector<16xi1>, vector<16xf32>
      %parallel_loop3A_1656 = arith.select %parallel_loop3A_1654, %parallel_loop3A_1104, %parallel_loop3A_1102 : vector<16xi1>, vector<16xi32>
      %parallel_loop3A_1657 = arith.cmpf ogt, %parallel_loop3A_1596, %parallel_loop3A_1592 : vector<16xf32>
      %parallel_loop3A_1658 = arith.select %parallel_loop3A_1657, %parallel_loop3A_1596, %parallel_loop3A_1592 : vector<16xi1>, vector<16xf32>
      %parallel_loop3A_1659 = arith.select %parallel_loop3A_1657, %parallel_loop3A_1108, %parallel_loop3A_1106 : vector<16xi1>, vector<16xi32>
      %parallel_loop3A_1660 = arith.cmpf ogt, %parallel_loop3A_1604, %parallel_loop3A_1600 : vector<16xf32>
      %parallel_loop3A_1661 = arith.select %parallel_loop3A_1660, %parallel_loop3A_1604, %parallel_loop3A_1600 : vector<16xi1>, vector<16xf32>
      %parallel_loop3A_1662 = arith.select %parallel_loop3A_1660, %parallel_loop3A_1112, %parallel_loop3A_1110 : vector<16xi1>, vector<16xi32>
      %parallel_loop3A_1663 = arith.cmpf ogt, %parallel_loop3A_1612, %parallel_loop3A_1608 : vector<16xf32>
      %parallel_loop3A_1664 = arith.select %parallel_loop3A_1663, %parallel_loop3A_1612, %parallel_loop3A_1608 : vector<16xi1>, vector<16xf32>
      %parallel_loop3A_1665 = arith.select %parallel_loop3A_1663, %parallel_loop3A_1116, %parallel_loop3A_1114 : vector<16xi1>, vector<16xi32>
      %parallel_loop3A_1666 = arith.cmpf ogt, %parallel_loop3A_1620, %parallel_loop3A_1616 : vector<16xf32>
      %parallel_loop3A_1667 = arith.select %parallel_loop3A_1666, %parallel_loop3A_1620, %parallel_loop3A_1616 : vector<16xi1>, vector<16xf32>
      %parallel_loop3A_1668 = arith.select %parallel_loop3A_1666, %parallel_loop3A_1120, %parallel_loop3A_1118 : vector<16xi1>, vector<16xi32>
      %parallel_loop3A_1669 = arith.cmpf ogt, %parallel_loop3A_1625, %parallel_loop3A_1622 : vector<16xf32>
      %parallel_loop3A_1670 = arith.select %parallel_loop3A_1669, %parallel_loop3A_1625, %parallel_loop3A_1622 : vector<16xi1>, vector<16xf32>
      %parallel_loop3A_1671 = arith.select %parallel_loop3A_1669, %parallel_loop3A_1626, %parallel_loop3A_1623 : vector<16xi1>, vector<16xi32>
      %parallel_loop3A_1672 = arith.cmpf ogt, %parallel_loop3A_1631, %parallel_loop3A_1628 : vector<16xf32>
      %parallel_loop3A_1673 = arith.select %parallel_loop3A_1672, %parallel_loop3A_1631, %parallel_loop3A_1628 : vector<16xi1>, vector<16xf32>
      %parallel_loop3A_1674 = arith.select %parallel_loop3A_1672, %parallel_loop3A_1632, %parallel_loop3A_1629 : vector<16xi1>, vector<16xi32>
      %parallel_loop3A_1675 = arith.cmpf ogt, %parallel_loop3A_1637, %parallel_loop3A_1634 : vector<16xf32>
      %parallel_loop3A_1676 = arith.select %parallel_loop3A_1675, %parallel_loop3A_1637, %parallel_loop3A_1634 : vector<16xi1>, vector<16xf32>
      %parallel_loop3A_1677 = arith.select %parallel_loop3A_1675, %parallel_loop3A_1638, %parallel_loop3A_1635 : vector<16xi1>, vector<16xi32>
      %parallel_loop3A_1678 = arith.cmpf ogt, %parallel_loop3A_1643, %parallel_loop3A_1640 : vector<16xf32>
      %parallel_loop3A_1679 = arith.select %parallel_loop3A_1678, %parallel_loop3A_1643, %parallel_loop3A_1640 : vector<16xi1>, vector<16xf32>
      %parallel_loop3A_1680 = arith.select %parallel_loop3A_1678, %parallel_loop3A_1644, %parallel_loop3A_1641 : vector<16xi1>, vector<16xi32>
      %parallel_loop3A_1681 = arith.cmpf ogt, %parallel_loop3A_1649, %parallel_loop3A_1646 : vector<16xf32>
      %parallel_loop3A_1682 = arith.select %parallel_loop3A_1681, %parallel_loop3A_1649, %parallel_loop3A_1646 : vector<16xi1>, vector<16xf32>
      %parallel_loop3A_1683 = arith.select %parallel_loop3A_1681, %parallel_loop3A_1650, %parallel_loop3A_1647 : vector<16xi1>, vector<16xi32>
      %parallel_loop3A_1684 = arith.cmpf ogt, %parallel_loop3A_1655, %parallel_loop3A_1652 : vector<16xf32>
      %parallel_loop3A_1685 = arith.select %parallel_loop3A_1684, %parallel_loop3A_1655, %parallel_loop3A_1652 : vector<16xi1>, vector<16xf32>
      %parallel_loop3A_1686 = arith.select %parallel_loop3A_1684, %parallel_loop3A_1656, %parallel_loop3A_1653 : vector<16xi1>, vector<16xi32>
      %parallel_loop3A_1687 = arith.cmpf ogt, %parallel_loop3A_1661, %parallel_loop3A_1658 : vector<16xf32>
      %parallel_loop3A_1688 = arith.select %parallel_loop3A_1687, %parallel_loop3A_1661, %parallel_loop3A_1658 : vector<16xi1>, vector<16xf32>
      %parallel_loop3A_1689 = arith.select %parallel_loop3A_1687, %parallel_loop3A_1662, %parallel_loop3A_1659 : vector<16xi1>, vector<16xi32>
      %parallel_loop3A_1690 = arith.cmpf ogt, %parallel_loop3A_1667, %parallel_loop3A_1664 : vector<16xf32>
      %parallel_loop3A_1691 = arith.select %parallel_loop3A_1690, %parallel_loop3A_1667, %parallel_loop3A_1664 : vector<16xi1>, vector<16xf32>
      %parallel_loop3A_1692 = arith.select %parallel_loop3A_1690, %parallel_loop3A_1668, %parallel_loop3A_1665 : vector<16xi1>, vector<16xi32>
      %parallel_loop3A_1693 = arith.cmpf ogt, %parallel_loop3A_1673, %parallel_loop3A_1670 : vector<16xf32>
      %parallel_loop3A_1694 = arith.select %parallel_loop3A_1693, %parallel_loop3A_1673, %parallel_loop3A_1670 : vector<16xi1>, vector<16xf32>
      %parallel_loop3A_1695 = arith.select %parallel_loop3A_1693, %parallel_loop3A_1674, %parallel_loop3A_1671 : vector<16xi1>, vector<16xi32>
      %parallel_loop3A_1696 = arith.cmpf ogt, %parallel_loop3A_1679, %parallel_loop3A_1676 : vector<16xf32>
      %parallel_loop3A_1697 = arith.select %parallel_loop3A_1696, %parallel_loop3A_1679, %parallel_loop3A_1676 : vector<16xi1>, vector<16xf32>
      %parallel_loop3A_1698 = arith.select %parallel_loop3A_1696, %parallel_loop3A_1680, %parallel_loop3A_1677 : vector<16xi1>, vector<16xi32>
      %parallel_loop3A_1699 = arith.cmpf ogt, %parallel_loop3A_1685, %parallel_loop3A_1682 : vector<16xf32>
      %parallel_loop3A_1700 = arith.select %parallel_loop3A_1699, %parallel_loop3A_1685, %parallel_loop3A_1682 : vector<16xi1>, vector<16xf32>
      %parallel_loop3A_1701 = arith.select %parallel_loop3A_1699, %parallel_loop3A_1686, %parallel_loop3A_1683 : vector<16xi1>, vector<16xi32>
      %parallel_loop3A_1702 = arith.cmpf ogt, %parallel_loop3A_1691, %parallel_loop3A_1688 : vector<16xf32>
      %parallel_loop3A_1703 = arith.select %parallel_loop3A_1702, %parallel_loop3A_1691, %parallel_loop3A_1688 : vector<16xi1>, vector<16xf32>
      %parallel_loop3A_1704 = arith.select %parallel_loop3A_1702, %parallel_loop3A_1692, %parallel_loop3A_1689 : vector<16xi1>, vector<16xi32>
      %parallel_loop3A_1705 = arith.cmpf ogt, %parallel_loop3A_1697, %parallel_loop3A_1694 : vector<16xf32>
      %parallel_loop3A_1706 = arith.select %parallel_loop3A_1705, %parallel_loop3A_1697, %parallel_loop3A_1694 : vector<16xi1>, vector<16xf32>
      %parallel_loop3A_1707 = arith.select %parallel_loop3A_1705, %parallel_loop3A_1698, %parallel_loop3A_1695 : vector<16xi1>, vector<16xi32>
      %parallel_loop3A_1708 = arith.cmpf ogt, %parallel_loop3A_1703, %parallel_loop3A_1700 : vector<16xf32>
      %parallel_loop3A_1709 = arith.select %parallel_loop3A_1708, %parallel_loop3A_1703, %parallel_loop3A_1700 : vector<16xi1>, vector<16xf32>
      %parallel_loop3A_1710 = arith.select %parallel_loop3A_1708, %parallel_loop3A_1704, %parallel_loop3A_1701 : vector<16xi1>, vector<16xi32>
      %parallel_loop3A_1711 = arith.cmpf ogt, %parallel_loop3A_1709, %parallel_loop3A_1706 : vector<16xf32>
      %parallel_loop3A_1712 = arith.select %parallel_loop3A_1711, %parallel_loop3A_1709, %parallel_loop3A_1706 : vector<16xi1>, vector<16xf32>
      %parallel_loop3A_1713 = arith.select %parallel_loop3A_1711, %parallel_loop3A_1710, %parallel_loop3A_1707 : vector<16xi1>, vector<16xi32>
      %parallel_loop3A_1714 = arith.constant 3 : i32
      %parallel_loop3A_1715 = vector.broadcast %parallel_loop3A_1714 : i32 to vector<16xi32>
      %parallel_loop3A_1716 = arith.shrsi %parallel_loop3A_1713, %parallel_loop3A_1715 : vector<16xi32>
      %parallel_loop3A_1717 = arith.constant 0 : i32
      %parallel_loop3A_1718 = vector.broadcast %parallel_loop3A_1717 : i32 to vector<16xi32>
      %parallel_loop3A_1719 = arith.cmpi eq, %parallel_loop3A_1716, %parallel_loop3A_1718 : vector<16xi32>
      %parallel_loop3A_1720 = arith.constant 1 : i32
      %parallel_loop3A_1721 = vector.broadcast %parallel_loop3A_1720 : i32 to vector<16xi32>
      %parallel_loop3A_1722 = arith.cmpi eq, %parallel_loop3A_1716, %parallel_loop3A_1721 : vector<16xi32>
      %parallel_loop3A_1723 = arith.constant 2 : i32
      %parallel_loop3A_1724 = vector.broadcast %parallel_loop3A_1723 : i32 to vector<16xi32>
      %parallel_loop3A_1725 = arith.cmpi eq, %parallel_loop3A_1716, %parallel_loop3A_1724 : vector<16xi32>
      %parallel_loop3A_1726 = arith.select %parallel_loop3A_1725, %parallel_loop3A_859, %parallel_loop3A_928 : vector<16xi1>, vector<16xi32>
      %parallel_loop3A_1727 = arith.select %parallel_loop3A_1722, %parallel_loop3A_790, %parallel_loop3A_1726 : vector<16xi1>, vector<16xi32>
      %parallel_loop3A_1728 = arith.select %parallel_loop3A_1719, %parallel_loop3A_721, %parallel_loop3A_1727 : vector<16xi1>, vector<16xi32>
      %parallel_loop3A_1729 = arith.constant 8 : i32
      %parallel_loop3A_1730 = vector.broadcast %parallel_loop3A_1729 : i32 to vector<16xi32>
      %parallel_loop3A_1731 = arith.muli %parallel_loop3A_1728, %parallel_loop3A_1730 : vector<16xi32>
      %parallel_loop3A_1732 = arith.constant 7 : i32
      %parallel_loop3A_1733 = vector.broadcast %parallel_loop3A_1732 : i32 to vector<16xi32>
      %parallel_loop3A_1734 = arith.andi %parallel_loop3A_1713, %parallel_loop3A_1733 : vector<16xi32>
      %parallel_loop3A_1735 = arith.addi %parallel_loop3A_1731, %parallel_loop3A_1734 : vector<16xi32>
      %parallel_loop3A_1736 = tpu.vector_load_idx %arg7[%parallel_loop3A_1735] : memref<64xf32, #tpu.memory_space<vmem>>[vector<16xi32>], vector<16xf32>,
      %parallel_loop3A_1737 = arith.constant 2 : i32
      %parallel_loop3A_1738 = arith.index_cast %parallel_loop3A_36 : i32 to index
      %parallel_loop3A_1739 = arith.index_cast %parallel_loop3A_1737 : i32 to index
      %parallel_loop3A_1740 = arith.index_cast %parallel_loop3A_54 : i32 to index
      %parallel_loop3A_1741 = tpu.vector_load %arg9[%parallel_loop3A_1738, %parallel_loop3A_1739, %parallel_loop3A_1740] {strides = array<i32>} : memref<4x8x128xi32, #tpu.memory_space<vmem>>, vector<16xi32>,
      tpu.vector_store %arg9[%parallel_loop3A_1738, %parallel_loop3A_1739, %parallel_loop3A_1740], %parallel_loop3A_1735 {strides = array<i32>} : memref<4x8x128xi32, #tpu.memory_space<vmem>>, vector<16xi32>,
      %parallel_loop3A_1742 = arith.subf %parallel_loop3A_1712, %parallel_loop3A_1736 : vector<16xf32>
      %parallel_loop3A_1743 = arith.constant 0 : i32
      %parallel_loop3A_1744 = vector.broadcast %parallel_loop3A_1743 : i32 to vector<16xi32>
      %parallel_loop3A_1745 = arith.cmpi eq, %parallel_loop3A_1713, %parallel_loop3A_1744 : vector<16xi32>
      %parallel_loop3A_1746 = arith.select %parallel_loop3A_1745, %broadcast_in_dim3A_3, %parallel_loop3A_1496 : vector<16xi1>, vector<16xf32>
      %parallel_loop3A_1747 = arith.constant 1 : i32
      %parallel_loop3A_1748 = vector.broadcast %parallel_loop3A_1747 : i32 to vector<16xi32>
      %parallel_loop3A_1749 = arith.cmpi eq, %parallel_loop3A_1713, %parallel_loop3A_1748 : vector<16xi32>
      %parallel_loop3A_1750 = arith.select %parallel_loop3A_1749, %broadcast_in_dim3A_3, %parallel_loop3A_1500 : vector<16xi1>, vector<16xf32>
      %parallel_loop3A_1751 = arith.constant 2 : i32
      %parallel_loop3A_1752 = vector.broadcast %parallel_loop3A_1751 : i32 to vector<16xi32>
      %parallel_loop3A_1753 = arith.cmpi eq, %parallel_loop3A_1713, %parallel_loop3A_1752 : vector<16xi32>
      %parallel_loop3A_1754 = arith.select %parallel_loop3A_1753, %broadcast_in_dim3A_3, %parallel_loop3A_1504 : vector<16xi1>, vector<16xf32>
      %parallel_loop3A_1755 = arith.constant 3 : i32
      %parallel_loop3A_1756 = vector.broadcast %parallel_loop3A_1755 : i32 to vector<16xi32>
      %parallel_loop3A_1757 = arith.cmpi eq, %parallel_loop3A_1713, %parallel_loop3A_1756 : vector<16xi32>
      %parallel_loop3A_1758 = arith.select %parallel_loop3A_1757, %broadcast_in_dim3A_3, %parallel_loop3A_1508 : vector<16xi1>, vector<16xf32>
      %parallel_loop3A_1759 = arith.constant 4 : i32
      %parallel_loop3A_1760 = vector.broadcast %parallel_loop3A_1759 : i32 to vector<16xi32>
      %parallel_loop3A_1761 = arith.cmpi eq, %parallel_loop3A_1713, %parallel_loop3A_1760 : vector<16xi32>
      %parallel_loop3A_1762 = arith.select %parallel_loop3A_1761, %broadcast_in_dim3A_3, %parallel_loop3A_1512 : vector<16xi1>, vector<16xf32>
      %parallel_loop3A_1763 = arith.constant 5 : i32
      %parallel_loop3A_1764 = vector.broadcast %parallel_loop3A_1763 : i32 to vector<16xi32>
      %parallel_loop3A_1765 = arith.cmpi eq, %parallel_loop3A_1713, %parallel_loop3A_1764 : vector<16xi32>
      %parallel_loop3A_1766 = arith.select %parallel_loop3A_1765, %broadcast_in_dim3A_3, %parallel_loop3A_1516 : vector<16xi1>, vector<16xf32>
      %parallel_loop3A_1767 = arith.constant 6 : i32
      %parallel_loop3A_1768 = vector.broadcast %parallel_loop3A_1767 : i32 to vector<16xi32>
      %parallel_loop3A_1769 = arith.cmpi eq, %parallel_loop3A_1713, %parallel_loop3A_1768 : vector<16xi32>
      %parallel_loop3A_1770 = arith.select %parallel_loop3A_1769, %broadcast_in_dim3A_3, %parallel_loop3A_1520 : vector<16xi1>, vector<16xf32>
      %parallel_loop3A_1771 = arith.constant 7 : i32
      %parallel_loop3A_1772 = vector.broadcast %parallel_loop3A_1771 : i32 to vector<16xi32>
      %parallel_loop3A_1773 = arith.cmpi eq, %parallel_loop3A_1713, %parallel_loop3A_1772 : vector<16xi32>
      %parallel_loop3A_1774 = arith.select %parallel_loop3A_1773, %broadcast_in_dim3A_3, %parallel_loop3A_1524 : vector<16xi1>, vector<16xf32>
      %parallel_loop3A_1775 = arith.constant 8 : i32
      %parallel_loop3A_1776 = vector.broadcast %parallel_loop3A_1775 : i32 to vector<16xi32>
      %parallel_loop3A_1777 = arith.cmpi eq, %parallel_loop3A_1713, %parallel_loop3A_1776 : vector<16xi32>
      %parallel_loop3A_1778 = arith.select %parallel_loop3A_1777, %broadcast_in_dim3A_3, %parallel_loop3A_1528 : vector<16xi1>, vector<16xf32>
      %parallel_loop3A_1779 = arith.constant 9 : i32
      %parallel_loop3A_1780 = vector.broadcast %parallel_loop3A_1779 : i32 to vector<16xi32>
      %parallel_loop3A_1781 = arith.cmpi eq, %parallel_loop3A_1713, %parallel_loop3A_1780 : vector<16xi32>
      %parallel_loop3A_1782 = arith.select %parallel_loop3A_1781, %broadcast_in_dim3A_3, %parallel_loop3A_1532 : vector<16xi1>, vector<16xf32>
      %parallel_loop3A_1783 = arith.constant 10 : i32
      %parallel_loop3A_1784 = vector.broadcast %parallel_loop3A_1783 : i32 to vector<16xi32>
      %parallel_loop3A_1785 = arith.cmpi eq, %parallel_loop3A_1713, %parallel_loop3A_1784 : vector<16xi32>
      %parallel_loop3A_1786 = arith.select %parallel_loop3A_1785, %broadcast_in_dim3A_3, %parallel_loop3A_1536 : vector<16xi1>, vector<16xf32>
      %parallel_loop3A_1787 = arith.constant 11 : i32
      %parallel_loop3A_1788 = vector.broadcast %parallel_loop3A_1787 : i32 to vector<16xi32>
      %parallel_loop3A_1789 = arith.cmpi eq, %parallel_loop3A_1713, %parallel_loop3A_1788 : vector<16xi32>
      %parallel_loop3A_1790 = arith.select %parallel_loop3A_1789, %broadcast_in_dim3A_3, %parallel_loop3A_1540 : vector<16xi1>, vector<16xf32>
      %parallel_loop3A_1791 = arith.constant 12 : i32
      %parallel_loop3A_1792 = vector.broadcast %parallel_loop3A_1791 : i32 to vector<16xi32>
      %parallel_loop3A_1793 = arith.cmpi eq, %parallel_loop3A_1713, %parallel_loop3A_1792 : vector<16xi32>
      %parallel_loop3A_1794 = arith.select %parallel_loop3A_1793, %broadcast_in_dim3A_3, %parallel_loop3A_1544 : vector<16xi1>, vector<16xf32>
      %parallel_loop3A_1795 = arith.constant 13 : i32
      %parallel_loop3A_1796 = vector.broadcast %parallel_loop3A_1795 : i32 to vector<16xi32>
      %parallel_loop3A_1797 = arith.cmpi eq, %parallel_loop3A_1713, %parallel_loop3A_1796 : vector<16xi32>
      %parallel_loop3A_1798 = arith.select %parallel_loop3A_1797, %broadcast_in_dim3A_3, %parallel_loop3A_1548 : vector<16xi1>, vector<16xf32>
      %parallel_loop3A_1799 = arith.constant 14 : i32
      %parallel_loop3A_1800 = vector.broadcast %parallel_loop3A_1799 : i32 to vector<16xi32>
      %parallel_loop3A_1801 = arith.cmpi eq, %parallel_loop3A_1713, %parallel_loop3A_1800 : vector<16xi32>
      %parallel_loop3A_1802 = arith.select %parallel_loop3A_1801, %broadcast_in_dim3A_3, %parallel_loop3A_1552 : vector<16xi1>, vector<16xf32>
      %parallel_loop3A_1803 = arith.constant 15 : i32
      %parallel_loop3A_1804 = vector.broadcast %parallel_loop3A_1803 : i32 to vector<16xi32>
      %parallel_loop3A_1805 = arith.cmpi eq, %parallel_loop3A_1713, %parallel_loop3A_1804 : vector<16xi32>
      %parallel_loop3A_1806 = arith.select %parallel_loop3A_1805, %broadcast_in_dim3A_3, %parallel_loop3A_1556 : vector<16xi1>, vector<16xf32>
      %parallel_loop3A_1807 = arith.constant 16 : i32
      %parallel_loop3A_1808 = vector.broadcast %parallel_loop3A_1807 : i32 to vector<16xi32>
      %parallel_loop3A_1809 = arith.cmpi eq, %parallel_loop3A_1713, %parallel_loop3A_1808 : vector<16xi32>
      %parallel_loop3A_1810 = arith.select %parallel_loop3A_1809, %broadcast_in_dim3A_3, %parallel_loop3A_1560 : vector<16xi1>, vector<16xf32>
      %parallel_loop3A_1811 = arith.constant 17 : i32
      %parallel_loop3A_1812 = vector.broadcast %parallel_loop3A_1811 : i32 to vector<16xi32>
      %parallel_loop3A_1813 = arith.cmpi eq, %parallel_loop3A_1713, %parallel_loop3A_1812 : vector<16xi32>
      %parallel_loop3A_1814 = arith.select %parallel_loop3A_1813, %broadcast_in_dim3A_3, %parallel_loop3A_1564 : vector<16xi1>, vector<16xf32>
      %parallel_loop3A_1815 = arith.constant 18 : i32
      %parallel_loop3A_1816 = vector.broadcast %parallel_loop3A_1815 : i32 to vector<16xi32>
      %parallel_loop3A_1817 = arith.cmpi eq, %parallel_loop3A_1713, %parallel_loop3A_1816 : vector<16xi32>
      %parallel_loop3A_1818 = arith.select %parallel_loop3A_1817, %broadcast_in_dim3A_3, %parallel_loop3A_1568 : vector<16xi1>, vector<16xf32>
      %parallel_loop3A_1819 = arith.constant 19 : i32
      %parallel_loop3A_1820 = vector.broadcast %parallel_loop3A_1819 : i32 to vector<16xi32>
      %parallel_loop3A_1821 = arith.cmpi eq, %parallel_loop3A_1713, %parallel_loop3A_1820 : vector<16xi32>
      %parallel_loop3A_1822 = arith.select %parallel_loop3A_1821, %broadcast_in_dim3A_3, %parallel_loop3A_1572 : vector<16xi1>, vector<16xf32>
      %parallel_loop3A_1823 = arith.constant 20 : i32
      %parallel_loop3A_1824 = vector.broadcast %parallel_loop3A_1823 : i32 to vector<16xi32>
      %parallel_loop3A_1825 = arith.cmpi eq, %parallel_loop3A_1713, %parallel_loop3A_1824 : vector<16xi32>
      %parallel_loop3A_1826 = arith.select %parallel_loop3A_1825, %broadcast_in_dim3A_3, %parallel_loop3A_1576 : vector<16xi1>, vector<16xf32>
      %parallel_loop3A_1827 = arith.constant 21 : i32
      %parallel_loop3A_1828 = vector.broadcast %parallel_loop3A_1827 : i32 to vector<16xi32>
      %parallel_loop3A_1829 = arith.cmpi eq, %parallel_loop3A_1713, %parallel_loop3A_1828 : vector<16xi32>
      %parallel_loop3A_1830 = arith.select %parallel_loop3A_1829, %broadcast_in_dim3A_3, %parallel_loop3A_1580 : vector<16xi1>, vector<16xf32>
      %parallel_loop3A_1831 = arith.constant 22 : i32
      %parallel_loop3A_1832 = vector.broadcast %parallel_loop3A_1831 : i32 to vector<16xi32>
      %parallel_loop3A_1833 = arith.cmpi eq, %parallel_loop3A_1713, %parallel_loop3A_1832 : vector<16xi32>
      %parallel_loop3A_1834 = arith.select %parallel_loop3A_1833, %broadcast_in_dim3A_3, %parallel_loop3A_1584 : vector<16xi1>, vector<16xf32>
      %parallel_loop3A_1835 = arith.constant 23 : i32
      %parallel_loop3A_1836 = vector.broadcast %parallel_loop3A_1835 : i32 to vector<16xi32>
      %parallel_loop3A_1837 = arith.cmpi eq, %parallel_loop3A_1713, %parallel_loop3A_1836 : vector<16xi32>
      %parallel_loop3A_1838 = arith.select %parallel_loop3A_1837, %broadcast_in_dim3A_3, %parallel_loop3A_1588 : vector<16xi1>, vector<16xf32>
      %parallel_loop3A_1839 = arith.constant 24 : i32
      %parallel_loop3A_1840 = vector.broadcast %parallel_loop3A_1839 : i32 to vector<16xi32>
      %parallel_loop3A_1841 = arith.cmpi eq, %parallel_loop3A_1713, %parallel_loop3A_1840 : vector<16xi32>
      %parallel_loop3A_1842 = arith.select %parallel_loop3A_1841, %broadcast_in_dim3A_3, %parallel_loop3A_1592 : vector<16xi1>, vector<16xf32>
      %parallel_loop3A_1843 = arith.constant 25 : i32
      %parallel_loop3A_1844 = vector.broadcast %parallel_loop3A_1843 : i32 to vector<16xi32>
      %parallel_loop3A_1845 = arith.cmpi eq, %parallel_loop3A_1713, %parallel_loop3A_1844 : vector<16xi32>
      %parallel_loop3A_1846 = arith.select %parallel_loop3A_1845, %broadcast_in_dim3A_3, %parallel_loop3A_1596 : vector<16xi1>, vector<16xf32>
      %parallel_loop3A_1847 = arith.constant 26 : i32
      %parallel_loop3A_1848 = vector.broadcast %parallel_loop3A_1847 : i32 to vector<16xi32>
      %parallel_loop3A_1849 = arith.cmpi eq, %parallel_loop3A_1713, %parallel_loop3A_1848 : vector<16xi32>
      %parallel_loop3A_1850 = arith.select %parallel_loop3A_1849, %broadcast_in_dim3A_3, %parallel_loop3A_1600 : vector<16xi1>, vector<16xf32>
      %parallel_loop3A_1851 = arith.constant 27 : i32
      %parallel_loop3A_1852 = vector.broadcast %parallel_loop3A_1851 : i32 to vector<16xi32>
      %parallel_loop3A_1853 = arith.cmpi eq, %parallel_loop3A_1713, %parallel_loop3A_1852 : vector<16xi32>
      %parallel_loop3A_1854 = arith.select %parallel_loop3A_1853, %broadcast_in_dim3A_3, %parallel_loop3A_1604 : vector<16xi1>, vector<16xf32>
      %parallel_loop3A_1855 = arith.constant 28 : i32
      %parallel_loop3A_1856 = vector.broadcast %parallel_loop3A_1855 : i32 to vector<16xi32>
      %parallel_loop3A_1857 = arith.cmpi eq, %parallel_loop3A_1713, %parallel_loop3A_1856 : vector<16xi32>
      %parallel_loop3A_1858 = arith.select %parallel_loop3A_1857, %broadcast_in_dim3A_3, %parallel_loop3A_1608 : vector<16xi1>, vector<16xf32>
      %parallel_loop3A_1859 = arith.constant 29 : i32
      %parallel_loop3A_1860 = vector.broadcast %parallel_loop3A_1859 : i32 to vector<16xi32>
      %parallel_loop3A_1861 = arith.cmpi eq, %parallel_loop3A_1713, %parallel_loop3A_1860 : vector<16xi32>
      %parallel_loop3A_1862 = arith.select %parallel_loop3A_1861, %broadcast_in_dim3A_3, %parallel_loop3A_1612 : vector<16xi1>, vector<16xf32>
      %parallel_loop3A_1863 = arith.constant 30 : i32
      %parallel_loop3A_1864 = vector.broadcast %parallel_loop3A_1863 : i32 to vector<16xi32>
      %parallel_loop3A_1865 = arith.cmpi eq, %parallel_loop3A_1713, %parallel_loop3A_1864 : vector<16xi32>
      %parallel_loop3A_1866 = arith.select %parallel_loop3A_1865, %broadcast_in_dim3A_3, %parallel_loop3A_1616 : vector<16xi1>, vector<16xf32>
      %parallel_loop3A_1867 = arith.constant 31 : i32
      %parallel_loop3A_1868 = vector.broadcast %parallel_loop3A_1867 : i32 to vector<16xi32>
      %parallel_loop3A_1869 = arith.cmpi eq, %parallel_loop3A_1713, %parallel_loop3A_1868 : vector<16xi32>
      %parallel_loop3A_1870 = arith.select %parallel_loop3A_1869, %broadcast_in_dim3A_3, %parallel_loop3A_1620 : vector<16xi1>, vector<16xf32>
      %parallel_loop3A_1871 = arith.cmpf ogt, %parallel_loop3A_1750, %parallel_loop3A_1746 : vector<16xf32>
      %parallel_loop3A_1872 = arith.select %parallel_loop3A_1871, %parallel_loop3A_1750, %parallel_loop3A_1746 : vector<16xi1>, vector<16xf32>
      %parallel_loop3A_1873 = arith.select %parallel_loop3A_1871, %parallel_loop3A_1060, %parallel_loop3A_1058 : vector<16xi1>, vector<16xi32>
      %parallel_loop3A_1874 = arith.cmpf ogt, %parallel_loop3A_1758, %parallel_loop3A_1754 : vector<16xf32>
      %parallel_loop3A_1875 = arith.select %parallel_loop3A_1874, %parallel_loop3A_1758, %parallel_loop3A_1754 : vector<16xi1>, vector<16xf32>
      %parallel_loop3A_1876 = arith.select %parallel_loop3A_1874, %parallel_loop3A_1064, %parallel_loop3A_1062 : vector<16xi1>, vector<16xi32>
      %parallel_loop3A_1877 = arith.cmpf ogt, %parallel_loop3A_1766, %parallel_loop3A_1762 : vector<16xf32>
      %parallel_loop3A_1878 = arith.select %parallel_loop3A_1877, %parallel_loop3A_1766, %parallel_loop3A_1762 : vector<16xi1>, vector<16xf32>
      %parallel_loop3A_1879 = arith.select %parallel_loop3A_1877, %parallel_loop3A_1068, %parallel_loop3A_1066 : vector<16xi1>, vector<16xi32>
      %parallel_loop3A_1880 = arith.cmpf ogt, %parallel_loop3A_1774, %parallel_loop3A_1770 : vector<16xf32>
      %parallel_loop3A_1881 = arith.select %parallel_loop3A_1880, %parallel_loop3A_1774, %parallel_loop3A_1770 : vector<16xi1>, vector<16xf32>
      %parallel_loop3A_1882 = arith.select %parallel_loop3A_1880, %parallel_loop3A_1072, %parallel_loop3A_1070 : vector<16xi1>, vector<16xi32>
      %parallel_loop3A_1883 = arith.cmpf ogt, %parallel_loop3A_1782, %parallel_loop3A_1778 : vector<16xf32>
      %parallel_loop3A_1884 = arith.select %parallel_loop3A_1883, %parallel_loop3A_1782, %parallel_loop3A_1778 : vector<16xi1>, vector<16xf32>
      %parallel_loop3A_1885 = arith.select %parallel_loop3A_1883, %parallel_loop3A_1076, %parallel_loop3A_1074 : vector<16xi1>, vector<16xi32>
      %parallel_loop3A_1886 = arith.cmpf ogt, %parallel_loop3A_1790, %parallel_loop3A_1786 : vector<16xf32>
      %parallel_loop3A_1887 = arith.select %parallel_loop3A_1886, %parallel_loop3A_1790, %parallel_loop3A_1786 : vector<16xi1>, vector<16xf32>
      %parallel_loop3A_1888 = arith.select %parallel_loop3A_1886, %parallel_loop3A_1080, %parallel_loop3A_1078 : vector<16xi1>, vector<16xi32>
      %parallel_loop3A_1889 = arith.cmpf ogt, %parallel_loop3A_1798, %parallel_loop3A_1794 : vector<16xf32>
      %parallel_loop3A_1890 = arith.select %parallel_loop3A_1889, %parallel_loop3A_1798, %parallel_loop3A_1794 : vector<16xi1>, vector<16xf32>
      %parallel_loop3A_1891 = arith.select %parallel_loop3A_1889, %parallel_loop3A_1084, %parallel_loop3A_1082 : vector<16xi1>, vector<16xi32>
      %parallel_loop3A_1892 = arith.cmpf ogt, %parallel_loop3A_1806, %parallel_loop3A_1802 : vector<16xf32>
      %parallel_loop3A_1893 = arith.select %parallel_loop3A_1892, %parallel_loop3A_1806, %parallel_loop3A_1802 : vector<16xi1>, vector<16xf32>
      %parallel_loop3A_1894 = arith.select %parallel_loop3A_1892, %parallel_loop3A_1088, %parallel_loop3A_1086 : vector<16xi1>, vector<16xi32>
      %parallel_loop3A_1895 = arith.cmpf ogt, %parallel_loop3A_1814, %parallel_loop3A_1810 : vector<16xf32>
      %parallel_loop3A_1896 = arith.select %parallel_loop3A_1895, %parallel_loop3A_1814, %parallel_loop3A_1810 : vector<16xi1>, vector<16xf32>
      %parallel_loop3A_1897 = arith.select %parallel_loop3A_1895, %parallel_loop3A_1092, %parallel_loop3A_1090 : vector<16xi1>, vector<16xi32>
      %parallel_loop3A_1898 = arith.cmpf ogt, %parallel_loop3A_1822, %parallel_loop3A_1818 : vector<16xf32>
      %parallel_loop3A_1899 = arith.select %parallel_loop3A_1898, %parallel_loop3A_1822, %parallel_loop3A_1818 : vector<16xi1>, vector<16xf32>
      %parallel_loop3A_1900 = arith.select %parallel_loop3A_1898, %parallel_loop3A_1096, %parallel_loop3A_1094 : vector<16xi1>, vector<16xi32>
      %parallel_loop3A_1901 = arith.cmpf ogt, %parallel_loop3A_1830, %parallel_loop3A_1826 : vector<16xf32>
      %parallel_loop3A_1902 = arith.select %parallel_loop3A_1901, %parallel_loop3A_1830, %parallel_loop3A_1826 : vector<16xi1>, vector<16xf32>
      %parallel_loop3A_1903 = arith.select %parallel_loop3A_1901, %parallel_loop3A_1100, %parallel_loop3A_1098 : vector<16xi1>, vector<16xi32>
      %parallel_loop3A_1904 = arith.cmpf ogt, %parallel_loop3A_1838, %parallel_loop3A_1834 : vector<16xf32>
      %parallel_loop3A_1905 = arith.select %parallel_loop3A_1904, %parallel_loop3A_1838, %parallel_loop3A_1834 : vector<16xi1>, vector<16xf32>
      %parallel_loop3A_1906 = arith.select %parallel_loop3A_1904, %parallel_loop3A_1104, %parallel_loop3A_1102 : vector<16xi1>, vector<16xi32>
      %parallel_loop3A_1907 = arith.cmpf ogt, %parallel_loop3A_1846, %parallel_loop3A_1842 : vector<16xf32>
      %parallel_loop3A_1908 = arith.select %parallel_loop3A_1907, %parallel_loop3A_1846, %parallel_loop3A_1842 : vector<16xi1>, vector<16xf32>
      %parallel_loop3A_1909 = arith.select %parallel_loop3A_1907, %parallel_loop3A_1108, %parallel_loop3A_1106 : vector<16xi1>, vector<16xi32>
      %parallel_loop3A_1910 = arith.cmpf ogt, %parallel_loop3A_1854, %parallel_loop3A_1850 : vector<16xf32>
      %parallel_loop3A_1911 = arith.select %parallel_loop3A_1910, %parallel_loop3A_1854, %parallel_loop3A_1850 : vector<16xi1>, vector<16xf32>
      %parallel_loop3A_1912 = arith.select %parallel_loop3A_1910, %parallel_loop3A_1112, %parallel_loop3A_1110 : vector<16xi1>, vector<16xi32>
      %parallel_loop3A_1913 = arith.cmpf ogt, %parallel_loop3A_1862, %parallel_loop3A_1858 : vector<16xf32>
      %parallel_loop3A_1914 = arith.select %parallel_loop3A_1913, %parallel_loop3A_1862, %parallel_loop3A_1858 : vector<16xi1>, vector<16xf32>
      %parallel_loop3A_1915 = arith.select %parallel_loop3A_1913, %parallel_loop3A_1116, %parallel_loop3A_1114 : vector<16xi1>, vector<16xi32>
      %parallel_loop3A_1916 = arith.cmpf ogt, %parallel_loop3A_1870, %parallel_loop3A_1866 : vector<16xf32>
      %parallel_loop3A_1917 = arith.select %parallel_loop3A_1916, %parallel_loop3A_1870, %parallel_loop3A_1866 : vector<16xi1>, vector<16xf32>
      %parallel_loop3A_1918 = arith.select %parallel_loop3A_1916, %parallel_loop3A_1120, %parallel_loop3A_1118 : vector<16xi1>, vector<16xi32>
      %parallel_loop3A_1919 = arith.cmpf ogt, %parallel_loop3A_1875, %parallel_loop3A_1872 : vector<16xf32>
      %parallel_loop3A_1920 = arith.select %parallel_loop3A_1919, %parallel_loop3A_1875, %parallel_loop3A_1872 : vector<16xi1>, vector<16xf32>
      %parallel_loop3A_1921 = arith.select %parallel_loop3A_1919, %parallel_loop3A_1876, %parallel_loop3A_1873 : vector<16xi1>, vector<16xi32>
      %parallel_loop3A_1922 = arith.cmpf ogt, %parallel_loop3A_1881, %parallel_loop3A_1878 : vector<16xf32>
      %parallel_loop3A_1923 = arith.select %parallel_loop3A_1922, %parallel_loop3A_1881, %parallel_loop3A_1878 : vector<16xi1>, vector<16xf32>
      %parallel_loop3A_1924 = arith.select %parallel_loop3A_1922, %parallel_loop3A_1882, %parallel_loop3A_1879 : vector<16xi1>, vector<16xi32>
      %parallel_loop3A_1925 = arith.cmpf ogt, %parallel_loop3A_1887, %parallel_loop3A_1884 : vector<16xf32>
      %parallel_loop3A_1926 = arith.select %parallel_loop3A_1925, %parallel_loop3A_1887, %parallel_loop3A_1884 : vector<16xi1>, vector<16xf32>
      %parallel_loop3A_1927 = arith.select %parallel_loop3A_1925, %parallel_loop3A_1888, %parallel_loop3A_1885 : vector<16xi1>, vector<16xi32>
      %parallel_loop3A_1928 = arith.cmpf ogt, %parallel_loop3A_1893, %parallel_loop3A_1890 : vector<16xf32>
      %parallel_loop3A_1929 = arith.select %parallel_loop3A_1928, %parallel_loop3A_1893, %parallel_loop3A_1890 : vector<16xi1>, vector<16xf32>
      %parallel_loop3A_1930 = arith.select %parallel_loop3A_1928, %parallel_loop3A_1894, %parallel_loop3A_1891 : vector<16xi1>, vector<16xi32>
      %parallel_loop3A_1931 = arith.cmpf ogt, %parallel_loop3A_1899, %parallel_loop3A_1896 : vector<16xf32>
      %parallel_loop3A_1932 = arith.select %parallel_loop3A_1931, %parallel_loop3A_1899, %parallel_loop3A_1896 : vector<16xi1>, vector<16xf32>
      %parallel_loop3A_1933 = arith.select %parallel_loop3A_1931, %parallel_loop3A_1900, %parallel_loop3A_1897 : vector<16xi1>, vector<16xi32>
      %parallel_loop3A_1934 = arith.cmpf ogt, %parallel_loop3A_1905, %parallel_loop3A_1902 : vector<16xf32>
      %parallel_loop3A_1935 = arith.select %parallel_loop3A_1934, %parallel_loop3A_1905, %parallel_loop3A_1902 : vector<16xi1>, vector<16xf32>
      %parallel_loop3A_1936 = arith.select %parallel_loop3A_1934, %parallel_loop3A_1906, %parallel_loop3A_1903 : vector<16xi1>, vector<16xi32>
      %parallel_loop3A_1937 = arith.cmpf ogt, %parallel_loop3A_1911, %parallel_loop3A_1908 : vector<16xf32>
      %parallel_loop3A_1938 = arith.select %parallel_loop3A_1937, %parallel_loop3A_1911, %parallel_loop3A_1908 : vector<16xi1>, vector<16xf32>
      %parallel_loop3A_1939 = arith.select %parallel_loop3A_1937, %parallel_loop3A_1912, %parallel_loop3A_1909 : vector<16xi1>, vector<16xi32>
      %parallel_loop3A_1940 = arith.cmpf ogt, %parallel_loop3A_1917, %parallel_loop3A_1914 : vector<16xf32>
      %parallel_loop3A_1941 = arith.select %parallel_loop3A_1940, %parallel_loop3A_1917, %parallel_loop3A_1914 : vector<16xi1>, vector<16xf32>
      %parallel_loop3A_1942 = arith.select %parallel_loop3A_1940, %parallel_loop3A_1918, %parallel_loop3A_1915 : vector<16xi1>, vector<16xi32>
      %parallel_loop3A_1943 = arith.cmpf ogt, %parallel_loop3A_1923, %parallel_loop3A_1920 : vector<16xf32>
      %parallel_loop3A_1944 = arith.select %parallel_loop3A_1943, %parallel_loop3A_1923, %parallel_loop3A_1920 : vector<16xi1>, vector<16xf32>
      %parallel_loop3A_1945 = arith.select %parallel_loop3A_1943, %parallel_loop3A_1924, %parallel_loop3A_1921 : vector<16xi1>, vector<16xi32>
      %parallel_loop3A_1946 = arith.cmpf ogt, %parallel_loop3A_1929, %parallel_loop3A_1926 : vector<16xf32>
      %parallel_loop3A_1947 = arith.select %parallel_loop3A_1946, %parallel_loop3A_1929, %parallel_loop3A_1926 : vector<16xi1>, vector<16xf32>
      %parallel_loop3A_1948 = arith.select %parallel_loop3A_1946, %parallel_loop3A_1930, %parallel_loop3A_1927 : vector<16xi1>, vector<16xi32>
      %parallel_loop3A_1949 = arith.cmpf ogt, %parallel_loop3A_1935, %parallel_loop3A_1932 : vector<16xf32>
      %parallel_loop3A_1950 = arith.select %parallel_loop3A_1949, %parallel_loop3A_1935, %parallel_loop3A_1932 : vector<16xi1>, vector<16xf32>
      %parallel_loop3A_1951 = arith.select %parallel_loop3A_1949, %parallel_loop3A_1936, %parallel_loop3A_1933 : vector<16xi1>, vector<16xi32>
      %parallel_loop3A_1952 = arith.cmpf ogt, %parallel_loop3A_1941, %parallel_loop3A_1938 : vector<16xf32>
      %parallel_loop3A_1953 = arith.select %parallel_loop3A_1952, %parallel_loop3A_1941, %parallel_loop3A_1938 : vector<16xi1>, vector<16xf32>
      %parallel_loop3A_1954 = arith.select %parallel_loop3A_1952, %parallel_loop3A_1942, %parallel_loop3A_1939 : vector<16xi1>, vector<16xi32>
      %parallel_loop3A_1955 = arith.cmpf ogt, %parallel_loop3A_1947, %parallel_loop3A_1944 : vector<16xf32>
      %parallel_loop3A_1956 = arith.select %parallel_loop3A_1955, %parallel_loop3A_1947, %parallel_loop3A_1944 : vector<16xi1>, vector<16xf32>
      %parallel_loop3A_1957 = arith.select %parallel_loop3A_1955, %parallel_loop3A_1948, %parallel_loop3A_1945 : vector<16xi1>, vector<16xi32>
      %parallel_loop3A_1958 = arith.cmpf ogt, %parallel_loop3A_1953, %parallel_loop3A_1950 : vector<16xf32>
      %parallel_loop3A_1959 = arith.select %parallel_loop3A_1958, %parallel_loop3A_1953, %parallel_loop3A_1950 : vector<16xi1>, vector<16xf32>
      %parallel_loop3A_1960 = arith.select %parallel_loop3A_1958, %parallel_loop3A_1954, %parallel_loop3A_1951 : vector<16xi1>, vector<16xi32>
      %parallel_loop3A_1961 = arith.cmpf ogt, %parallel_loop3A_1959, %parallel_loop3A_1956 : vector<16xf32>
      %parallel_loop3A_1962 = arith.select %parallel_loop3A_1961, %parallel_loop3A_1959, %parallel_loop3A_1956 : vector<16xi1>, vector<16xf32>
      %parallel_loop3A_1963 = arith.select %parallel_loop3A_1961, %parallel_loop3A_1960, %parallel_loop3A_1957 : vector<16xi1>, vector<16xi32>
      %parallel_loop3A_1964 = arith.constant 3 : i32
      %parallel_loop3A_1965 = vector.broadcast %parallel_loop3A_1964 : i32 to vector<16xi32>
      %parallel_loop3A_1966 = arith.shrsi %parallel_loop3A_1963, %parallel_loop3A_1965 : vector<16xi32>
      %parallel_loop3A_1967 = arith.constant 0 : i32
      %parallel_loop3A_1968 = vector.broadcast %parallel_loop3A_1967 : i32 to vector<16xi32>
      %parallel_loop3A_1969 = arith.cmpi eq, %parallel_loop3A_1966, %parallel_loop3A_1968 : vector<16xi32>
      %parallel_loop3A_1970 = arith.constant 1 : i32
      %parallel_loop3A_1971 = vector.broadcast %parallel_loop3A_1970 : i32 to vector<16xi32>
      %parallel_loop3A_1972 = arith.cmpi eq, %parallel_loop3A_1966, %parallel_loop3A_1971 : vector<16xi32>
      %parallel_loop3A_1973 = arith.constant 2 : i32
      %parallel_loop3A_1974 = vector.broadcast %parallel_loop3A_1973 : i32 to vector<16xi32>
      %parallel_loop3A_1975 = arith.cmpi eq, %parallel_loop3A_1966, %parallel_loop3A_1974 : vector<16xi32>
      %parallel_loop3A_1976 = arith.select %parallel_loop3A_1975, %parallel_loop3A_859, %parallel_loop3A_928 : vector<16xi1>, vector<16xi32>
      %parallel_loop3A_1977 = arith.select %parallel_loop3A_1972, %parallel_loop3A_790, %parallel_loop3A_1976 : vector<16xi1>, vector<16xi32>
      %parallel_loop3A_1978 = arith.select %parallel_loop3A_1969, %parallel_loop3A_721, %parallel_loop3A_1977 : vector<16xi1>, vector<16xi32>
      %parallel_loop3A_1979 = arith.constant 8 : i32
      %parallel_loop3A_1980 = vector.broadcast %parallel_loop3A_1979 : i32 to vector<16xi32>
      %parallel_loop3A_1981 = arith.muli %parallel_loop3A_1978, %parallel_loop3A_1980 : vector<16xi32>
      %parallel_loop3A_1982 = arith.constant 7 : i32
      %parallel_loop3A_1983 = vector.broadcast %parallel_loop3A_1982 : i32 to vector<16xi32>
      %parallel_loop3A_1984 = arith.andi %parallel_loop3A_1963, %parallel_loop3A_1983 : vector<16xi32>
      %parallel_loop3A_1985 = arith.addi %parallel_loop3A_1981, %parallel_loop3A_1984 : vector<16xi32>
      %parallel_loop3A_1986 = tpu.vector_load_idx %arg7[%parallel_loop3A_1985] : memref<64xf32, #tpu.memory_space<vmem>>[vector<16xi32>], vector<16xf32>,
      %parallel_loop3A_1987 = arith.constant 3 : i32
      %parallel_loop3A_1988 = arith.index_cast %parallel_loop3A_36 : i32 to index
      %parallel_loop3A_1989 = arith.index_cast %parallel_loop3A_1987 : i32 to index
      %parallel_loop3A_1990 = arith.index_cast %parallel_loop3A_54 : i32 to index
      %parallel_loop3A_1991 = tpu.vector_load %arg9[%parallel_loop3A_1988, %parallel_loop3A_1989, %parallel_loop3A_1990] {strides = array<i32>} : memref<4x8x128xi32, #tpu.memory_space<vmem>>, vector<16xi32>,
      tpu.vector_store %arg9[%parallel_loop3A_1988, %parallel_loop3A_1989, %parallel_loop3A_1990], %parallel_loop3A_1985 {strides = array<i32>} : memref<4x8x128xi32, #tpu.memory_space<vmem>>, vector<16xi32>,
      %parallel_loop3A_1992 = arith.subf %parallel_loop3A_1962, %parallel_loop3A_1986 : vector<16xf32>
      %parallel_loop3A_1993 = arith.constant 0 : i32
      %parallel_loop3A_1994 = vector.broadcast %parallel_loop3A_1993 : i32 to vector<16xi32>
      %parallel_loop3A_1995 = arith.cmpi eq, %parallel_loop3A_1963, %parallel_loop3A_1994 : vector<16xi32>
      %parallel_loop3A_1996 = arith.select %parallel_loop3A_1995, %broadcast_in_dim3A_3, %parallel_loop3A_1746 : vector<16xi1>, vector<16xf32>
      %parallel_loop3A_1997 = arith.constant 1 : i32
      %parallel_loop3A_1998 = vector.broadcast %parallel_loop3A_1997 : i32 to vector<16xi32>
      %parallel_loop3A_1999 = arith.cmpi eq, %parallel_loop3A_1963, %parallel_loop3A_1998 : vector<16xi32>
      %parallel_loop3A_2000 = arith.select %parallel_loop3A_1999, %broadcast_in_dim3A_3, %parallel_loop3A_1750 : vector<16xi1>, vector<16xf32>
      %parallel_loop3A_2001 = arith.constant 2 : i32
      %parallel_loop3A_2002 = vector.broadcast %parallel_loop3A_2001 : i32 to vector<16xi32>
      %parallel_loop3A_2003 = arith.cmpi eq, %parallel_loop3A_1963, %parallel_loop3A_2002 : vector<16xi32>
      %parallel_loop3A_2004 = arith.select %parallel_loop3A_2003, %broadcast_in_dim3A_3, %parallel_loop3A_1754 : vector<16xi1>, vector<16xf32>
      %parallel_loop3A_2005 = arith.constant 3 : i32
      %parallel_loop3A_2006 = vector.broadcast %parallel_loop3A_2005 : i32 to vector<16xi32>
      %parallel_loop3A_2007 = arith.cmpi eq, %parallel_loop3A_1963, %parallel_loop3A_2006 : vector<16xi32>
      %parallel_loop3A_2008 = arith.select %parallel_loop3A_2007, %broadcast_in_dim3A_3, %parallel_loop3A_1758 : vector<16xi1>, vector<16xf32>
      %parallel_loop3A_2009 = arith.constant 4 : i32
      %parallel_loop3A_2010 = vector.broadcast %parallel_loop3A_2009 : i32 to vector<16xi32>
      %parallel_loop3A_2011 = arith.cmpi eq, %parallel_loop3A_1963, %parallel_loop3A_2010 : vector<16xi32>
      %parallel_loop3A_2012 = arith.select %parallel_loop3A_2011, %broadcast_in_dim3A_3, %parallel_loop3A_1762 : vector<16xi1>, vector<16xf32>
      %parallel_loop3A_2013 = arith.constant 5 : i32
      %parallel_loop3A_2014 = vector.broadcast %parallel_loop3A_2013 : i32 to vector<16xi32>
      %parallel_loop3A_2015 = arith.cmpi eq, %parallel_loop3A_1963, %parallel_loop3A_2014 : vector<16xi32>
      %parallel_loop3A_2016 = arith.select %parallel_loop3A_2015, %broadcast_in_dim3A_3, %parallel_loop3A_1766 : vector<16xi1>, vector<16xf32>
      %parallel_loop3A_2017 = arith.constant 6 : i32
      %parallel_loop3A_2018 = vector.broadcast %parallel_loop3A_2017 : i32 to vector<16xi32>
      %parallel_loop3A_2019 = arith.cmpi eq, %parallel_loop3A_1963, %parallel_loop3A_2018 : vector<16xi32>
      %parallel_loop3A_2020 = arith.select %parallel_loop3A_2019, %broadcast_in_dim3A_3, %parallel_loop3A_1770 : vector<16xi1>, vector<16xf32>
      %parallel_loop3A_2021 = arith.constant 7 : i32
      %parallel_loop3A_2022 = vector.broadcast %parallel_loop3A_2021 : i32 to vector<16xi32>
      %parallel_loop3A_2023 = arith.cmpi eq, %parallel_loop3A_1963, %parallel_loop3A_2022 : vector<16xi32>
      %parallel_loop3A_2024 = arith.select %parallel_loop3A_2023, %broadcast_in_dim3A_3, %parallel_loop3A_1774 : vector<16xi1>, vector<16xf32>
      %parallel_loop3A_2025 = arith.constant 8 : i32
      %parallel_loop3A_2026 = vector.broadcast %parallel_loop3A_2025 : i32 to vector<16xi32>
      %parallel_loop3A_2027 = arith.cmpi eq, %parallel_loop3A_1963, %parallel_loop3A_2026 : vector<16xi32>
      %parallel_loop3A_2028 = arith.select %parallel_loop3A_2027, %broadcast_in_dim3A_3, %parallel_loop3A_1778 : vector<16xi1>, vector<16xf32>
      %parallel_loop3A_2029 = arith.constant 9 : i32
      %parallel_loop3A_2030 = vector.broadcast %parallel_loop3A_2029 : i32 to vector<16xi32>
      %parallel_loop3A_2031 = arith.cmpi eq, %parallel_loop3A_1963, %parallel_loop3A_2030 : vector<16xi32>
      %parallel_loop3A_2032 = arith.select %parallel_loop3A_2031, %broadcast_in_dim3A_3, %parallel_loop3A_1782 : vector<16xi1>, vector<16xf32>
      %parallel_loop3A_2033 = arith.constant 10 : i32
      %parallel_loop3A_2034 = vector.broadcast %parallel_loop3A_2033 : i32 to vector<16xi32>
      %parallel_loop3A_2035 = arith.cmpi eq, %parallel_loop3A_1963, %parallel_loop3A_2034 : vector<16xi32>
      %parallel_loop3A_2036 = arith.select %parallel_loop3A_2035, %broadcast_in_dim3A_3, %parallel_loop3A_1786 : vector<16xi1>, vector<16xf32>
      %parallel_loop3A_2037 = arith.constant 11 : i32
      %parallel_loop3A_2038 = vector.broadcast %parallel_loop3A_2037 : i32 to vector<16xi32>
      %parallel_loop3A_2039 = arith.cmpi eq, %parallel_loop3A_1963, %parallel_loop3A_2038 : vector<16xi32>
      %parallel_loop3A_2040 = arith.select %parallel_loop3A_2039, %broadcast_in_dim3A_3, %parallel_loop3A_1790 : vector<16xi1>, vector<16xf32>
      %parallel_loop3A_2041 = arith.constant 12 : i32
      %parallel_loop3A_2042 = vector.broadcast %parallel_loop3A_2041 : i32 to vector<16xi32>
      %parallel_loop3A_2043 = arith.cmpi eq, %parallel_loop3A_1963, %parallel_loop3A_2042 : vector<16xi32>
      %parallel_loop3A_2044 = arith.select %parallel_loop3A_2043, %broadcast_in_dim3A_3, %parallel_loop3A_1794 : vector<16xi1>, vector<16xf32>
      %parallel_loop3A_2045 = arith.constant 13 : i32
      %parallel_loop3A_2046 = vector.broadcast %parallel_loop3A_2045 : i32 to vector<16xi32>
      %parallel_loop3A_2047 = arith.cmpi eq, %parallel_loop3A_1963, %parallel_loop3A_2046 : vector<16xi32>
      %parallel_loop3A_2048 = arith.select %parallel_loop3A_2047, %broadcast_in_dim3A_3, %parallel_loop3A_1798 : vector<16xi1>, vector<16xf32>
      %parallel_loop3A_2049 = arith.constant 14 : i32
      %parallel_loop3A_2050 = vector.broadcast %parallel_loop3A_2049 : i32 to vector<16xi32>
      %parallel_loop3A_2051 = arith.cmpi eq, %parallel_loop3A_1963, %parallel_loop3A_2050 : vector<16xi32>
      %parallel_loop3A_2052 = arith.select %parallel_loop3A_2051, %broadcast_in_dim3A_3, %parallel_loop3A_1802 : vector<16xi1>, vector<16xf32>
      %parallel_loop3A_2053 = arith.constant 15 : i32
      %parallel_loop3A_2054 = vector.broadcast %parallel_loop3A_2053 : i32 to vector<16xi32>
      %parallel_loop3A_2055 = arith.cmpi eq, %parallel_loop3A_1963, %parallel_loop3A_2054 : vector<16xi32>
      %parallel_loop3A_2056 = arith.select %parallel_loop3A_2055, %broadcast_in_dim3A_3, %parallel_loop3A_1806 : vector<16xi1>, vector<16xf32>
      %parallel_loop3A_2057 = arith.constant 16 : i32
      %parallel_loop3A_2058 = vector.broadcast %parallel_loop3A_2057 : i32 to vector<16xi32>
      %parallel_loop3A_2059 = arith.cmpi eq, %parallel_loop3A_1963, %parallel_loop3A_2058 : vector<16xi32>
      %parallel_loop3A_2060 = arith.select %parallel_loop3A_2059, %broadcast_in_dim3A_3, %parallel_loop3A_1810 : vector<16xi1>, vector<16xf32>
      %parallel_loop3A_2061 = arith.constant 17 : i32
      %parallel_loop3A_2062 = vector.broadcast %parallel_loop3A_2061 : i32 to vector<16xi32>
      %parallel_loop3A_2063 = arith.cmpi eq, %parallel_loop3A_1963, %parallel_loop3A_2062 : vector<16xi32>
      %parallel_loop3A_2064 = arith.select %parallel_loop3A_2063, %broadcast_in_dim3A_3, %parallel_loop3A_1814 : vector<16xi1>, vector<16xf32>
      %parallel_loop3A_2065 = arith.constant 18 : i32
      %parallel_loop3A_2066 = vector.broadcast %parallel_loop3A_2065 : i32 to vector<16xi32>
      %parallel_loop3A_2067 = arith.cmpi eq, %parallel_loop3A_1963, %parallel_loop3A_2066 : vector<16xi32>
      %parallel_loop3A_2068 = arith.select %parallel_loop3A_2067, %broadcast_in_dim3A_3, %parallel_loop3A_1818 : vector<16xi1>, vector<16xf32>
      %parallel_loop3A_2069 = arith.constant 19 : i32
      %parallel_loop3A_2070 = vector.broadcast %parallel_loop3A_2069 : i32 to vector<16xi32>
      %parallel_loop3A_2071 = arith.cmpi eq, %parallel_loop3A_1963, %parallel_loop3A_2070 : vector<16xi32>
      %parallel_loop3A_2072 = arith.select %parallel_loop3A_2071, %broadcast_in_dim3A_3, %parallel_loop3A_1822 : vector<16xi1>, vector<16xf32>
      %parallel_loop3A_2073 = arith.constant 20 : i32
      %parallel_loop3A_2074 = vector.broadcast %parallel_loop3A_2073 : i32 to vector<16xi32>
      %parallel_loop3A_2075 = arith.cmpi eq, %parallel_loop3A_1963, %parallel_loop3A_2074 : vector<16xi32>
      %parallel_loop3A_2076 = arith.select %parallel_loop3A_2075, %broadcast_in_dim3A_3, %parallel_loop3A_1826 : vector<16xi1>, vector<16xf32>
      %parallel_loop3A_2077 = arith.constant 21 : i32
      %parallel_loop3A_2078 = vector.broadcast %parallel_loop3A_2077 : i32 to vector<16xi32>
      %parallel_loop3A_2079 = arith.cmpi eq, %parallel_loop3A_1963, %parallel_loop3A_2078 : vector<16xi32>
      %parallel_loop3A_2080 = arith.select %parallel_loop3A_2079, %broadcast_in_dim3A_3, %parallel_loop3A_1830 : vector<16xi1>, vector<16xf32>
      %parallel_loop3A_2081 = arith.constant 22 : i32
      %parallel_loop3A_2082 = vector.broadcast %parallel_loop3A_2081 : i32 to vector<16xi32>
      %parallel_loop3A_2083 = arith.cmpi eq, %parallel_loop3A_1963, %parallel_loop3A_2082 : vector<16xi32>
      %parallel_loop3A_2084 = arith.select %parallel_loop3A_2083, %broadcast_in_dim3A_3, %parallel_loop3A_1834 : vector<16xi1>, vector<16xf32>
      %parallel_loop3A_2085 = arith.constant 23 : i32
      %parallel_loop3A_2086 = vector.broadcast %parallel_loop3A_2085 : i32 to vector<16xi32>
      %parallel_loop3A_2087 = arith.cmpi eq, %parallel_loop3A_1963, %parallel_loop3A_2086 : vector<16xi32>
      %parallel_loop3A_2088 = arith.select %parallel_loop3A_2087, %broadcast_in_dim3A_3, %parallel_loop3A_1838 : vector<16xi1>, vector<16xf32>
      %parallel_loop3A_2089 = arith.constant 24 : i32
      %parallel_loop3A_2090 = vector.broadcast %parallel_loop3A_2089 : i32 to vector<16xi32>
      %parallel_loop3A_2091 = arith.cmpi eq, %parallel_loop3A_1963, %parallel_loop3A_2090 : vector<16xi32>
      %parallel_loop3A_2092 = arith.select %parallel_loop3A_2091, %broadcast_in_dim3A_3, %parallel_loop3A_1842 : vector<16xi1>, vector<16xf32>
      %parallel_loop3A_2093 = arith.constant 25 : i32
      %parallel_loop3A_2094 = vector.broadcast %parallel_loop3A_2093 : i32 to vector<16xi32>
      %parallel_loop3A_2095 = arith.cmpi eq, %parallel_loop3A_1963, %parallel_loop3A_2094 : vector<16xi32>
      %parallel_loop3A_2096 = arith.select %parallel_loop3A_2095, %broadcast_in_dim3A_3, %parallel_loop3A_1846 : vector<16xi1>, vector<16xf32>
      %parallel_loop3A_2097 = arith.constant 26 : i32
      %parallel_loop3A_2098 = vector.broadcast %parallel_loop3A_2097 : i32 to vector<16xi32>
      %parallel_loop3A_2099 = arith.cmpi eq, %parallel_loop3A_1963, %parallel_loop3A_2098 : vector<16xi32>
      %parallel_loop3A_2100 = arith.select %parallel_loop3A_2099, %broadcast_in_dim3A_3, %parallel_loop3A_1850 : vector<16xi1>, vector<16xf32>
      %parallel_loop3A_2101 = arith.constant 27 : i32
      %parallel_loop3A_2102 = vector.broadcast %parallel_loop3A_2101 : i32 to vector<16xi32>
      %parallel_loop3A_2103 = arith.cmpi eq, %parallel_loop3A_1963, %parallel_loop3A_2102 : vector<16xi32>
      %parallel_loop3A_2104 = arith.select %parallel_loop3A_2103, %broadcast_in_dim3A_3, %parallel_loop3A_1854 : vector<16xi1>, vector<16xf32>
      %parallel_loop3A_2105 = arith.constant 28 : i32
      %parallel_loop3A_2106 = vector.broadcast %parallel_loop3A_2105 : i32 to vector<16xi32>
      %parallel_loop3A_2107 = arith.cmpi eq, %parallel_loop3A_1963, %parallel_loop3A_2106 : vector<16xi32>
      %parallel_loop3A_2108 = arith.select %parallel_loop3A_2107, %broadcast_in_dim3A_3, %parallel_loop3A_1858 : vector<16xi1>, vector<16xf32>
      %parallel_loop3A_2109 = arith.constant 29 : i32
      %parallel_loop3A_2110 = vector.broadcast %parallel_loop3A_2109 : i32 to vector<16xi32>
      %parallel_loop3A_2111 = arith.cmpi eq, %parallel_loop3A_1963, %parallel_loop3A_2110 : vector<16xi32>
      %parallel_loop3A_2112 = arith.select %parallel_loop3A_2111, %broadcast_in_dim3A_3, %parallel_loop3A_1862 : vector<16xi1>, vector<16xf32>
      %parallel_loop3A_2113 = arith.constant 30 : i32
      %parallel_loop3A_2114 = vector.broadcast %parallel_loop3A_2113 : i32 to vector<16xi32>
      %parallel_loop3A_2115 = arith.cmpi eq, %parallel_loop3A_1963, %parallel_loop3A_2114 : vector<16xi32>
      %parallel_loop3A_2116 = arith.select %parallel_loop3A_2115, %broadcast_in_dim3A_3, %parallel_loop3A_1866 : vector<16xi1>, vector<16xf32>
      %parallel_loop3A_2117 = arith.constant 31 : i32
      %parallel_loop3A_2118 = vector.broadcast %parallel_loop3A_2117 : i32 to vector<16xi32>
      %parallel_loop3A_2119 = arith.cmpi eq, %parallel_loop3A_1963, %parallel_loop3A_2118 : vector<16xi32>
      %parallel_loop3A_2120 = arith.select %parallel_loop3A_2119, %broadcast_in_dim3A_3, %parallel_loop3A_1870 : vector<16xi1>, vector<16xf32>
      %parallel_loop3A_2121 = arith.cmpf ogt, %parallel_loop3A_2000, %parallel_loop3A_1996 : vector<16xf32>
      %parallel_loop3A_2122 = arith.select %parallel_loop3A_2121, %parallel_loop3A_2000, %parallel_loop3A_1996 : vector<16xi1>, vector<16xf32>
      %parallel_loop3A_2123 = arith.select %parallel_loop3A_2121, %parallel_loop3A_1060, %parallel_loop3A_1058 : vector<16xi1>, vector<16xi32>
      %parallel_loop3A_2124 = arith.cmpf ogt, %parallel_loop3A_2008, %parallel_loop3A_2004 : vector<16xf32>
      %parallel_loop3A_2125 = arith.select %parallel_loop3A_2124, %parallel_loop3A_2008, %parallel_loop3A_2004 : vector<16xi1>, vector<16xf32>
      %parallel_loop3A_2126 = arith.select %parallel_loop3A_2124, %parallel_loop3A_1064, %parallel_loop3A_1062 : vector<16xi1>, vector<16xi32>
      %parallel_loop3A_2127 = arith.cmpf ogt, %parallel_loop3A_2016, %parallel_loop3A_2012 : vector<16xf32>
      %parallel_loop3A_2128 = arith.select %parallel_loop3A_2127, %parallel_loop3A_2016, %parallel_loop3A_2012 : vector<16xi1>, vector<16xf32>
      %parallel_loop3A_2129 = arith.select %parallel_loop3A_2127, %parallel_loop3A_1068, %parallel_loop3A_1066 : vector<16xi1>, vector<16xi32>
      %parallel_loop3A_2130 = arith.cmpf ogt, %parallel_loop3A_2024, %parallel_loop3A_2020 : vector<16xf32>
      %parallel_loop3A_2131 = arith.select %parallel_loop3A_2130, %parallel_loop3A_2024, %parallel_loop3A_2020 : vector<16xi1>, vector<16xf32>
      %parallel_loop3A_2132 = arith.select %parallel_loop3A_2130, %parallel_loop3A_1072, %parallel_loop3A_1070 : vector<16xi1>, vector<16xi32>
      %parallel_loop3A_2133 = arith.cmpf ogt, %parallel_loop3A_2032, %parallel_loop3A_2028 : vector<16xf32>
      %parallel_loop3A_2134 = arith.select %parallel_loop3A_2133, %parallel_loop3A_2032, %parallel_loop3A_2028 : vector<16xi1>, vector<16xf32>
      %parallel_loop3A_2135 = arith.select %parallel_loop3A_2133, %parallel_loop3A_1076, %parallel_loop3A_1074 : vector<16xi1>, vector<16xi32>
      %parallel_loop3A_2136 = arith.cmpf ogt, %parallel_loop3A_2040, %parallel_loop3A_2036 : vector<16xf32>
      %parallel_loop3A_2137 = arith.select %parallel_loop3A_2136, %parallel_loop3A_2040, %parallel_loop3A_2036 : vector<16xi1>, vector<16xf32>
      %parallel_loop3A_2138 = arith.select %parallel_loop3A_2136, %parallel_loop3A_1080, %parallel_loop3A_1078 : vector<16xi1>, vector<16xi32>
      %parallel_loop3A_2139 = arith.cmpf ogt, %parallel_loop3A_2048, %parallel_loop3A_2044 : vector<16xf32>
      %parallel_loop3A_2140 = arith.select %parallel_loop3A_2139, %parallel_loop3A_2048, %parallel_loop3A_2044 : vector<16xi1>, vector<16xf32>
      %parallel_loop3A_2141 = arith.select %parallel_loop3A_2139, %parallel_loop3A_1084, %parallel_loop3A_1082 : vector<16xi1>, vector<16xi32>
      %parallel_loop3A_2142 = arith.cmpf ogt, %parallel_loop3A_2056, %parallel_loop3A_2052 : vector<16xf32>
      %parallel_loop3A_2143 = arith.select %parallel_loop3A_2142, %parallel_loop3A_2056, %parallel_loop3A_2052 : vector<16xi1>, vector<16xf32>
      %parallel_loop3A_2144 = arith.select %parallel_loop3A_2142, %parallel_loop3A_1088, %parallel_loop3A_1086 : vector<16xi1>, vector<16xi32>
      %parallel_loop3A_2145 = arith.cmpf ogt, %parallel_loop3A_2064, %parallel_loop3A_2060 : vector<16xf32>
      %parallel_loop3A_2146 = arith.select %parallel_loop3A_2145, %parallel_loop3A_2064, %parallel_loop3A_2060 : vector<16xi1>, vector<16xf32>
      %parallel_loop3A_2147 = arith.select %parallel_loop3A_2145, %parallel_loop3A_1092, %parallel_loop3A_1090 : vector<16xi1>, vector<16xi32>
      %parallel_loop3A_2148 = arith.cmpf ogt, %parallel_loop3A_2072, %parallel_loop3A_2068 : vector<16xf32>
      %parallel_loop3A_2149 = arith.select %parallel_loop3A_2148, %parallel_loop3A_2072, %parallel_loop3A_2068 : vector<16xi1>, vector<16xf32>
      %parallel_loop3A_2150 = arith.select %parallel_loop3A_2148, %parallel_loop3A_1096, %parallel_loop3A_1094 : vector<16xi1>, vector<16xi32>
      %parallel_loop3A_2151 = arith.cmpf ogt, %parallel_loop3A_2080, %parallel_loop3A_2076 : vector<16xf32>
      %parallel_loop3A_2152 = arith.select %parallel_loop3A_2151, %parallel_loop3A_2080, %parallel_loop3A_2076 : vector<16xi1>, vector<16xf32>
      %parallel_loop3A_2153 = arith.select %parallel_loop3A_2151, %parallel_loop3A_1100, %parallel_loop3A_1098 : vector<16xi1>, vector<16xi32>
      %parallel_loop3A_2154 = arith.cmpf ogt, %parallel_loop3A_2088, %parallel_loop3A_2084 : vector<16xf32>
      %parallel_loop3A_2155 = arith.select %parallel_loop3A_2154, %parallel_loop3A_2088, %parallel_loop3A_2084 : vector<16xi1>, vector<16xf32>
      %parallel_loop3A_2156 = arith.select %parallel_loop3A_2154, %parallel_loop3A_1104, %parallel_loop3A_1102 : vector<16xi1>, vector<16xi32>
      %parallel_loop3A_2157 = arith.cmpf ogt, %parallel_loop3A_2096, %parallel_loop3A_2092 : vector<16xf32>
      %parallel_loop3A_2158 = arith.select %parallel_loop3A_2157, %parallel_loop3A_2096, %parallel_loop3A_2092 : vector<16xi1>, vector<16xf32>
      %parallel_loop3A_2159 = arith.select %parallel_loop3A_2157, %parallel_loop3A_1108, %parallel_loop3A_1106 : vector<16xi1>, vector<16xi32>
      %parallel_loop3A_2160 = arith.cmpf ogt, %parallel_loop3A_2104, %parallel_loop3A_2100 : vector<16xf32>
      %parallel_loop3A_2161 = arith.select %parallel_loop3A_2160, %parallel_loop3A_2104, %parallel_loop3A_2100 : vector<16xi1>, vector<16xf32>
      %parallel_loop3A_2162 = arith.select %parallel_loop3A_2160, %parallel_loop3A_1112, %parallel_loop3A_1110 : vector<16xi1>, vector<16xi32>
      %parallel_loop3A_2163 = arith.cmpf ogt, %parallel_loop3A_2112, %parallel_loop3A_2108 : vector<16xf32>
      %parallel_loop3A_2164 = arith.select %parallel_loop3A_2163, %parallel_loop3A_2112, %parallel_loop3A_2108 : vector<16xi1>, vector<16xf32>
      %parallel_loop3A_2165 = arith.select %parallel_loop3A_2163, %parallel_loop3A_1116, %parallel_loop3A_1114 : vector<16xi1>, vector<16xi32>
      %parallel_loop3A_2166 = arith.cmpf ogt, %parallel_loop3A_2120, %parallel_loop3A_2116 : vector<16xf32>
      %parallel_loop3A_2167 = arith.select %parallel_loop3A_2166, %parallel_loop3A_2120, %parallel_loop3A_2116 : vector<16xi1>, vector<16xf32>
      %parallel_loop3A_2168 = arith.select %parallel_loop3A_2166, %parallel_loop3A_1120, %parallel_loop3A_1118 : vector<16xi1>, vector<16xi32>
      %parallel_loop3A_2169 = arith.cmpf ogt, %parallel_loop3A_2125, %parallel_loop3A_2122 : vector<16xf32>
      %parallel_loop3A_2170 = arith.select %parallel_loop3A_2169, %parallel_loop3A_2125, %parallel_loop3A_2122 : vector<16xi1>, vector<16xf32>
      %parallel_loop3A_2171 = arith.select %parallel_loop3A_2169, %parallel_loop3A_2126, %parallel_loop3A_2123 : vector<16xi1>, vector<16xi32>
      %parallel_loop3A_2172 = arith.cmpf ogt, %parallel_loop3A_2131, %parallel_loop3A_2128 : vector<16xf32>
      %parallel_loop3A_2173 = arith.select %parallel_loop3A_2172, %parallel_loop3A_2131, %parallel_loop3A_2128 : vector<16xi1>, vector<16xf32>
      %parallel_loop3A_2174 = arith.select %parallel_loop3A_2172, %parallel_loop3A_2132, %parallel_loop3A_2129 : vector<16xi1>, vector<16xi32>
      %parallel_loop3A_2175 = arith.cmpf ogt, %parallel_loop3A_2137, %parallel_loop3A_2134 : vector<16xf32>
      %parallel_loop3A_2176 = arith.select %parallel_loop3A_2175, %parallel_loop3A_2137, %parallel_loop3A_2134 : vector<16xi1>, vector<16xf32>
      %parallel_loop3A_2177 = arith.select %parallel_loop3A_2175, %parallel_loop3A_2138, %parallel_loop3A_2135 : vector<16xi1>, vector<16xi32>
      %parallel_loop3A_2178 = arith.cmpf ogt, %parallel_loop3A_2143, %parallel_loop3A_2140 : vector<16xf32>
      %parallel_loop3A_2179 = arith.select %parallel_loop3A_2178, %parallel_loop3A_2143, %parallel_loop3A_2140 : vector<16xi1>, vector<16xf32>
      %parallel_loop3A_2180 = arith.select %parallel_loop3A_2178, %parallel_loop3A_2144, %parallel_loop3A_2141 : vector<16xi1>, vector<16xi32>
      %parallel_loop3A_2181 = arith.cmpf ogt, %parallel_loop3A_2149, %parallel_loop3A_2146 : vector<16xf32>
      %parallel_loop3A_2182 = arith.select %parallel_loop3A_2181, %parallel_loop3A_2149, %parallel_loop3A_2146 : vector<16xi1>, vector<16xf32>
      %parallel_loop3A_2183 = arith.select %parallel_loop3A_2181, %parallel_loop3A_2150, %parallel_loop3A_2147 : vector<16xi1>, vector<16xi32>
      %parallel_loop3A_2184 = arith.cmpf ogt, %parallel_loop3A_2155, %parallel_loop3A_2152 : vector<16xf32>
      %parallel_loop3A_2185 = arith.select %parallel_loop3A_2184, %parallel_loop3A_2155, %parallel_loop3A_2152 : vector<16xi1>, vector<16xf32>
      %parallel_loop3A_2186 = arith.select %parallel_loop3A_2184, %parallel_loop3A_2156, %parallel_loop3A_2153 : vector<16xi1>, vector<16xi32>
      %parallel_loop3A_2187 = arith.cmpf ogt, %parallel_loop3A_2161, %parallel_loop3A_2158 : vector<16xf32>
      %parallel_loop3A_2188 = arith.select %parallel_loop3A_2187, %parallel_loop3A_2161, %parallel_loop3A_2158 : vector<16xi1>, vector<16xf32>
      %parallel_loop3A_2189 = arith.select %parallel_loop3A_2187, %parallel_loop3A_2162, %parallel_loop3A_2159 : vector<16xi1>, vector<16xi32>
      %parallel_loop3A_2190 = arith.cmpf ogt, %parallel_loop3A_2167, %parallel_loop3A_2164 : vector<16xf32>
      %parallel_loop3A_2191 = arith.select %parallel_loop3A_2190, %parallel_loop3A_2167, %parallel_loop3A_2164 : vector<16xi1>, vector<16xf32>
      %parallel_loop3A_2192 = arith.select %parallel_loop3A_2190, %parallel_loop3A_2168, %parallel_loop3A_2165 : vector<16xi1>, vector<16xi32>
      %parallel_loop3A_2193 = arith.cmpf ogt, %parallel_loop3A_2173, %parallel_loop3A_2170 : vector<16xf32>
      %parallel_loop3A_2194 = arith.select %parallel_loop3A_2193, %parallel_loop3A_2173, %parallel_loop3A_2170 : vector<16xi1>, vector<16xf32>
      %parallel_loop3A_2195 = arith.select %parallel_loop3A_2193, %parallel_loop3A_2174, %parallel_loop3A_2171 : vector<16xi1>, vector<16xi32>
      %parallel_loop3A_2196 = arith.cmpf ogt, %parallel_loop3A_2179, %parallel_loop3A_2176 : vector<16xf32>
      %parallel_loop3A_2197 = arith.select %parallel_loop3A_2196, %parallel_loop3A_2179, %parallel_loop3A_2176 : vector<16xi1>, vector<16xf32>
      %parallel_loop3A_2198 = arith.select %parallel_loop3A_2196, %parallel_loop3A_2180, %parallel_loop3A_2177 : vector<16xi1>, vector<16xi32>
      %parallel_loop3A_2199 = arith.cmpf ogt, %parallel_loop3A_2185, %parallel_loop3A_2182 : vector<16xf32>
      %parallel_loop3A_2200 = arith.select %parallel_loop3A_2199, %parallel_loop3A_2185, %parallel_loop3A_2182 : vector<16xi1>, vector<16xf32>
      %parallel_loop3A_2201 = arith.select %parallel_loop3A_2199, %parallel_loop3A_2186, %parallel_loop3A_2183 : vector<16xi1>, vector<16xi32>
      %parallel_loop3A_2202 = arith.cmpf ogt, %parallel_loop3A_2191, %parallel_loop3A_2188 : vector<16xf32>
      %parallel_loop3A_2203 = arith.select %parallel_loop3A_2202, %parallel_loop3A_2191, %parallel_loop3A_2188 : vector<16xi1>, vector<16xf32>
      %parallel_loop3A_2204 = arith.select %parallel_loop3A_2202, %parallel_loop3A_2192, %parallel_loop3A_2189 : vector<16xi1>, vector<16xi32>
      %parallel_loop3A_2205 = arith.cmpf ogt, %parallel_loop3A_2197, %parallel_loop3A_2194 : vector<16xf32>
      %parallel_loop3A_2206 = arith.select %parallel_loop3A_2205, %parallel_loop3A_2197, %parallel_loop3A_2194 : vector<16xi1>, vector<16xf32>
      %parallel_loop3A_2207 = arith.select %parallel_loop3A_2205, %parallel_loop3A_2198, %parallel_loop3A_2195 : vector<16xi1>, vector<16xi32>
      %parallel_loop3A_2208 = arith.cmpf ogt, %parallel_loop3A_2203, %parallel_loop3A_2200 : vector<16xf32>
      %parallel_loop3A_2209 = arith.select %parallel_loop3A_2208, %parallel_loop3A_2203, %parallel_loop3A_2200 : vector<16xi1>, vector<16xf32>
      %parallel_loop3A_2210 = arith.select %parallel_loop3A_2208, %parallel_loop3A_2204, %parallel_loop3A_2201 : vector<16xi1>, vector<16xi32>
      %parallel_loop3A_2211 = arith.cmpf ogt, %parallel_loop3A_2209, %parallel_loop3A_2206 : vector<16xf32>
      %parallel_loop3A_2212 = arith.select %parallel_loop3A_2211, %parallel_loop3A_2209, %parallel_loop3A_2206 : vector<16xi1>, vector<16xf32>
      %parallel_loop3A_2213 = arith.select %parallel_loop3A_2211, %parallel_loop3A_2210, %parallel_loop3A_2207 : vector<16xi1>, vector<16xi32>
      %parallel_loop3A_2214 = arith.constant 3 : i32
      %parallel_loop3A_2215 = vector.broadcast %parallel_loop3A_2214 : i32 to vector<16xi32>
      %parallel_loop3A_2216 = arith.shrsi %parallel_loop3A_2213, %parallel_loop3A_2215 : vector<16xi32>
      %parallel_loop3A_2217 = arith.constant 0 : i32
      %parallel_loop3A_2218 = vector.broadcast %parallel_loop3A_2217 : i32 to vector<16xi32>
      %parallel_loop3A_2219 = arith.cmpi eq, %parallel_loop3A_2216, %parallel_loop3A_2218 : vector<16xi32>
      %parallel_loop3A_2220 = arith.constant 1 : i32
      %parallel_loop3A_2221 = vector.broadcast %parallel_loop3A_2220 : i32 to vector<16xi32>
      %parallel_loop3A_2222 = arith.cmpi eq, %parallel_loop3A_2216, %parallel_loop3A_2221 : vector<16xi32>
      %parallel_loop3A_2223 = arith.constant 2 : i32
      %parallel_loop3A_2224 = vector.broadcast %parallel_loop3A_2223 : i32 to vector<16xi32>
      %parallel_loop3A_2225 = arith.cmpi eq, %parallel_loop3A_2216, %parallel_loop3A_2224 : vector<16xi32>
      %parallel_loop3A_2226 = arith.select %parallel_loop3A_2225, %parallel_loop3A_859, %parallel_loop3A_928 : vector<16xi1>, vector<16xi32>
      %parallel_loop3A_2227 = arith.select %parallel_loop3A_2222, %parallel_loop3A_790, %parallel_loop3A_2226 : vector<16xi1>, vector<16xi32>
      %parallel_loop3A_2228 = arith.select %parallel_loop3A_2219, %parallel_loop3A_721, %parallel_loop3A_2227 : vector<16xi1>, vector<16xi32>
      %parallel_loop3A_2229 = arith.constant 8 : i32
      %parallel_loop3A_2230 = vector.broadcast %parallel_loop3A_2229 : i32 to vector<16xi32>
      %parallel_loop3A_2231 = arith.muli %parallel_loop3A_2228, %parallel_loop3A_2230 : vector<16xi32>
      %parallel_loop3A_2232 = arith.constant 7 : i32
      %parallel_loop3A_2233 = vector.broadcast %parallel_loop3A_2232 : i32 to vector<16xi32>
      %parallel_loop3A_2234 = arith.andi %parallel_loop3A_2213, %parallel_loop3A_2233 : vector<16xi32>
      %parallel_loop3A_2235 = arith.addi %parallel_loop3A_2231, %parallel_loop3A_2234 : vector<16xi32>
      %parallel_loop3A_2236 = tpu.vector_load_idx %arg7[%parallel_loop3A_2235] : memref<64xf32, #tpu.memory_space<vmem>>[vector<16xi32>], vector<16xf32>,
      %parallel_loop3A_2237 = arith.constant 4 : i32
      %parallel_loop3A_2238 = arith.index_cast %parallel_loop3A_36 : i32 to index
      %parallel_loop3A_2239 = arith.index_cast %parallel_loop3A_2237 : i32 to index
      %parallel_loop3A_2240 = arith.index_cast %parallel_loop3A_54 : i32 to index
      %parallel_loop3A_2241 = tpu.vector_load %arg9[%parallel_loop3A_2238, %parallel_loop3A_2239, %parallel_loop3A_2240] {strides = array<i32>} : memref<4x8x128xi32, #tpu.memory_space<vmem>>, vector<16xi32>,
      tpu.vector_store %arg9[%parallel_loop3A_2238, %parallel_loop3A_2239, %parallel_loop3A_2240], %parallel_loop3A_2235 {strides = array<i32>} : memref<4x8x128xi32, #tpu.memory_space<vmem>>, vector<16xi32>,
      %parallel_loop3A_2242 = arith.subf %parallel_loop3A_2212, %parallel_loop3A_2236 : vector<16xf32>
      %parallel_loop3A_2243 = arith.constant 0 : i32
      %parallel_loop3A_2244 = vector.broadcast %parallel_loop3A_2243 : i32 to vector<16xi32>
      %parallel_loop3A_2245 = arith.cmpi eq, %parallel_loop3A_2213, %parallel_loop3A_2244 : vector<16xi32>
      %parallel_loop3A_2246 = arith.select %parallel_loop3A_2245, %broadcast_in_dim3A_3, %parallel_loop3A_1996 : vector<16xi1>, vector<16xf32>
      %parallel_loop3A_2247 = arith.constant 1 : i32
      %parallel_loop3A_2248 = vector.broadcast %parallel_loop3A_2247 : i32 to vector<16xi32>
      %parallel_loop3A_2249 = arith.cmpi eq, %parallel_loop3A_2213, %parallel_loop3A_2248 : vector<16xi32>
      %parallel_loop3A_2250 = arith.select %parallel_loop3A_2249, %broadcast_in_dim3A_3, %parallel_loop3A_2000 : vector<16xi1>, vector<16xf32>
      %parallel_loop3A_2251 = arith.constant 2 : i32
      %parallel_loop3A_2252 = vector.broadcast %parallel_loop3A_2251 : i32 to vector<16xi32>
      %parallel_loop3A_2253 = arith.cmpi eq, %parallel_loop3A_2213, %parallel_loop3A_2252 : vector<16xi32>
      %parallel_loop3A_2254 = arith.select %parallel_loop3A_2253, %broadcast_in_dim3A_3, %parallel_loop3A_2004 : vector<16xi1>, vector<16xf32>
      %parallel_loop3A_2255 = arith.constant 3 : i32
      %parallel_loop3A_2256 = vector.broadcast %parallel_loop3A_2255 : i32 to vector<16xi32>
      %parallel_loop3A_2257 = arith.cmpi eq, %parallel_loop3A_2213, %parallel_loop3A_2256 : vector<16xi32>
      %parallel_loop3A_2258 = arith.select %parallel_loop3A_2257, %broadcast_in_dim3A_3, %parallel_loop3A_2008 : vector<16xi1>, vector<16xf32>
      %parallel_loop3A_2259 = arith.constant 4 : i32
      %parallel_loop3A_2260 = vector.broadcast %parallel_loop3A_2259 : i32 to vector<16xi32>
      %parallel_loop3A_2261 = arith.cmpi eq, %parallel_loop3A_2213, %parallel_loop3A_2260 : vector<16xi32>
      %parallel_loop3A_2262 = arith.select %parallel_loop3A_2261, %broadcast_in_dim3A_3, %parallel_loop3A_2012 : vector<16xi1>, vector<16xf32>
      %parallel_loop3A_2263 = arith.constant 5 : i32
      %parallel_loop3A_2264 = vector.broadcast %parallel_loop3A_2263 : i32 to vector<16xi32>
      %parallel_loop3A_2265 = arith.cmpi eq, %parallel_loop3A_2213, %parallel_loop3A_2264 : vector<16xi32>
      %parallel_loop3A_2266 = arith.select %parallel_loop3A_2265, %broadcast_in_dim3A_3, %parallel_loop3A_2016 : vector<16xi1>, vector<16xf32>
      %parallel_loop3A_2267 = arith.constant 6 : i32
      %parallel_loop3A_2268 = vector.broadcast %parallel_loop3A_2267 : i32 to vector<16xi32>
      %parallel_loop3A_2269 = arith.cmpi eq, %parallel_loop3A_2213, %parallel_loop3A_2268 : vector<16xi32>
      %parallel_loop3A_2270 = arith.select %parallel_loop3A_2269, %broadcast_in_dim3A_3, %parallel_loop3A_2020 : vector<16xi1>, vector<16xf32>
      %parallel_loop3A_2271 = arith.constant 7 : i32
      %parallel_loop3A_2272 = vector.broadcast %parallel_loop3A_2271 : i32 to vector<16xi32>
      %parallel_loop3A_2273 = arith.cmpi eq, %parallel_loop3A_2213, %parallel_loop3A_2272 : vector<16xi32>
      %parallel_loop3A_2274 = arith.select %parallel_loop3A_2273, %broadcast_in_dim3A_3, %parallel_loop3A_2024 : vector<16xi1>, vector<16xf32>
      %parallel_loop3A_2275 = arith.constant 8 : i32
      %parallel_loop3A_2276 = vector.broadcast %parallel_loop3A_2275 : i32 to vector<16xi32>
      %parallel_loop3A_2277 = arith.cmpi eq, %parallel_loop3A_2213, %parallel_loop3A_2276 : vector<16xi32>
      %parallel_loop3A_2278 = arith.select %parallel_loop3A_2277, %broadcast_in_dim3A_3, %parallel_loop3A_2028 : vector<16xi1>, vector<16xf32>
      %parallel_loop3A_2279 = arith.constant 9 : i32
      %parallel_loop3A_2280 = vector.broadcast %parallel_loop3A_2279 : i32 to vector<16xi32>
      %parallel_loop3A_2281 = arith.cmpi eq, %parallel_loop3A_2213, %parallel_loop3A_2280 : vector<16xi32>
      %parallel_loop3A_2282 = arith.select %parallel_loop3A_2281, %broadcast_in_dim3A_3, %parallel_loop3A_2032 : vector<16xi1>, vector<16xf32>
      %parallel_loop3A_2283 = arith.constant 10 : i32
      %parallel_loop3A_2284 = vector.broadcast %parallel_loop3A_2283 : i32 to vector<16xi32>
      %parallel_loop3A_2285 = arith.cmpi eq, %parallel_loop3A_2213, %parallel_loop3A_2284 : vector<16xi32>
      %parallel_loop3A_2286 = arith.select %parallel_loop3A_2285, %broadcast_in_dim3A_3, %parallel_loop3A_2036 : vector<16xi1>, vector<16xf32>
      %parallel_loop3A_2287 = arith.constant 11 : i32
      %parallel_loop3A_2288 = vector.broadcast %parallel_loop3A_2287 : i32 to vector<16xi32>
      %parallel_loop3A_2289 = arith.cmpi eq, %parallel_loop3A_2213, %parallel_loop3A_2288 : vector<16xi32>
      %parallel_loop3A_2290 = arith.select %parallel_loop3A_2289, %broadcast_in_dim3A_3, %parallel_loop3A_2040 : vector<16xi1>, vector<16xf32>
      %parallel_loop3A_2291 = arith.constant 12 : i32
      %parallel_loop3A_2292 = vector.broadcast %parallel_loop3A_2291 : i32 to vector<16xi32>
      %parallel_loop3A_2293 = arith.cmpi eq, %parallel_loop3A_2213, %parallel_loop3A_2292 : vector<16xi32>
      %parallel_loop3A_2294 = arith.select %parallel_loop3A_2293, %broadcast_in_dim3A_3, %parallel_loop3A_2044 : vector<16xi1>, vector<16xf32>
      %parallel_loop3A_2295 = arith.constant 13 : i32
      %parallel_loop3A_2296 = vector.broadcast %parallel_loop3A_2295 : i32 to vector<16xi32>
      %parallel_loop3A_2297 = arith.cmpi eq, %parallel_loop3A_2213, %parallel_loop3A_2296 : vector<16xi32>
      %parallel_loop3A_2298 = arith.select %parallel_loop3A_2297, %broadcast_in_dim3A_3, %parallel_loop3A_2048 : vector<16xi1>, vector<16xf32>
      %parallel_loop3A_2299 = arith.constant 14 : i32
      %parallel_loop3A_2300 = vector.broadcast %parallel_loop3A_2299 : i32 to vector<16xi32>
      %parallel_loop3A_2301 = arith.cmpi eq, %parallel_loop3A_2213, %parallel_loop3A_2300 : vector<16xi32>
      %parallel_loop3A_2302 = arith.select %parallel_loop3A_2301, %broadcast_in_dim3A_3, %parallel_loop3A_2052 : vector<16xi1>, vector<16xf32>
      %parallel_loop3A_2303 = arith.constant 15 : i32
      %parallel_loop3A_2304 = vector.broadcast %parallel_loop3A_2303 : i32 to vector<16xi32>
      %parallel_loop3A_2305 = arith.cmpi eq, %parallel_loop3A_2213, %parallel_loop3A_2304 : vector<16xi32>
      %parallel_loop3A_2306 = arith.select %parallel_loop3A_2305, %broadcast_in_dim3A_3, %parallel_loop3A_2056 : vector<16xi1>, vector<16xf32>
      %parallel_loop3A_2307 = arith.constant 16 : i32
      %parallel_loop3A_2308 = vector.broadcast %parallel_loop3A_2307 : i32 to vector<16xi32>
      %parallel_loop3A_2309 = arith.cmpi eq, %parallel_loop3A_2213, %parallel_loop3A_2308 : vector<16xi32>
      %parallel_loop3A_2310 = arith.select %parallel_loop3A_2309, %broadcast_in_dim3A_3, %parallel_loop3A_2060 : vector<16xi1>, vector<16xf32>
      %parallel_loop3A_2311 = arith.constant 17 : i32
      %parallel_loop3A_2312 = vector.broadcast %parallel_loop3A_2311 : i32 to vector<16xi32>
      %parallel_loop3A_2313 = arith.cmpi eq, %parallel_loop3A_2213, %parallel_loop3A_2312 : vector<16xi32>
      %parallel_loop3A_2314 = arith.select %parallel_loop3A_2313, %broadcast_in_dim3A_3, %parallel_loop3A_2064 : vector<16xi1>, vector<16xf32>
      %parallel_loop3A_2315 = arith.constant 18 : i32
      %parallel_loop3A_2316 = vector.broadcast %parallel_loop3A_2315 : i32 to vector<16xi32>
      %parallel_loop3A_2317 = arith.cmpi eq, %parallel_loop3A_2213, %parallel_loop3A_2316 : vector<16xi32>
      %parallel_loop3A_2318 = arith.select %parallel_loop3A_2317, %broadcast_in_dim3A_3, %parallel_loop3A_2068 : vector<16xi1>, vector<16xf32>
      %parallel_loop3A_2319 = arith.constant 19 : i32
      %parallel_loop3A_2320 = vector.broadcast %parallel_loop3A_2319 : i32 to vector<16xi32>
      %parallel_loop3A_2321 = arith.cmpi eq, %parallel_loop3A_2213, %parallel_loop3A_2320 : vector<16xi32>
      %parallel_loop3A_2322 = arith.select %parallel_loop3A_2321, %broadcast_in_dim3A_3, %parallel_loop3A_2072 : vector<16xi1>, vector<16xf32>
      %parallel_loop3A_2323 = arith.constant 20 : i32
      %parallel_loop3A_2324 = vector.broadcast %parallel_loop3A_2323 : i32 to vector<16xi32>
      %parallel_loop3A_2325 = arith.cmpi eq, %parallel_loop3A_2213, %parallel_loop3A_2324 : vector<16xi32>
      %parallel_loop3A_2326 = arith.select %parallel_loop3A_2325, %broadcast_in_dim3A_3, %parallel_loop3A_2076 : vector<16xi1>, vector<16xf32>
      %parallel_loop3A_2327 = arith.constant 21 : i32
      %parallel_loop3A_2328 = vector.broadcast %parallel_loop3A_2327 : i32 to vector<16xi32>
      %parallel_loop3A_2329 = arith.cmpi eq, %parallel_loop3A_2213, %parallel_loop3A_2328 : vector<16xi32>
      %parallel_loop3A_2330 = arith.select %parallel_loop3A_2329, %broadcast_in_dim3A_3, %parallel_loop3A_2080 : vector<16xi1>, vector<16xf32>
      %parallel_loop3A_2331 = arith.constant 22 : i32
      %parallel_loop3A_2332 = vector.broadcast %parallel_loop3A_2331 : i32 to vector<16xi32>
      %parallel_loop3A_2333 = arith.cmpi eq, %parallel_loop3A_2213, %parallel_loop3A_2332 : vector<16xi32>
      %parallel_loop3A_2334 = arith.select %parallel_loop3A_2333, %broadcast_in_dim3A_3, %parallel_loop3A_2084 : vector<16xi1>, vector<16xf32>
      %parallel_loop3A_2335 = arith.constant 23 : i32
      %parallel_loop3A_2336 = vector.broadcast %parallel_loop3A_2335 : i32 to vector<16xi32>
      %parallel_loop3A_2337 = arith.cmpi eq, %parallel_loop3A_2213, %parallel_loop3A_2336 : vector<16xi32>
      %parallel_loop3A_2338 = arith.select %parallel_loop3A_2337, %broadcast_in_dim3A_3, %parallel_loop3A_2088 : vector<16xi1>, vector<16xf32>
      %parallel_loop3A_2339 = arith.constant 24 : i32
      %parallel_loop3A_2340 = vector.broadcast %parallel_loop3A_2339 : i32 to vector<16xi32>
      %parallel_loop3A_2341 = arith.cmpi eq, %parallel_loop3A_2213, %parallel_loop3A_2340 : vector<16xi32>
      %parallel_loop3A_2342 = arith.select %parallel_loop3A_2341, %broadcast_in_dim3A_3, %parallel_loop3A_2092 : vector<16xi1>, vector<16xf32>
      %parallel_loop3A_2343 = arith.constant 25 : i32
      %parallel_loop3A_2344 = vector.broadcast %parallel_loop3A_2343 : i32 to vector<16xi32>
      %parallel_loop3A_2345 = arith.cmpi eq, %parallel_loop3A_2213, %parallel_loop3A_2344 : vector<16xi32>
      %parallel_loop3A_2346 = arith.select %parallel_loop3A_2345, %broadcast_in_dim3A_3, %parallel_loop3A_2096 : vector<16xi1>, vector<16xf32>
      %parallel_loop3A_2347 = arith.constant 26 : i32
      %parallel_loop3A_2348 = vector.broadcast %parallel_loop3A_2347 : i32 to vector<16xi32>
      %parallel_loop3A_2349 = arith.cmpi eq, %parallel_loop3A_2213, %parallel_loop3A_2348 : vector<16xi32>
      %parallel_loop3A_2350 = arith.select %parallel_loop3A_2349, %broadcast_in_dim3A_3, %parallel_loop3A_2100 : vector<16xi1>, vector<16xf32>
      %parallel_loop3A_2351 = arith.constant 27 : i32
      %parallel_loop3A_2352 = vector.broadcast %parallel_loop3A_2351 : i32 to vector<16xi32>
      %parallel_loop3A_2353 = arith.cmpi eq, %parallel_loop3A_2213, %parallel_loop3A_2352 : vector<16xi32>
      %parallel_loop3A_2354 = arith.select %parallel_loop3A_2353, %broadcast_in_dim3A_3, %parallel_loop3A_2104 : vector<16xi1>, vector<16xf32>
      %parallel_loop3A_2355 = arith.constant 28 : i32
      %parallel_loop3A_2356 = vector.broadcast %parallel_loop3A_2355 : i32 to vector<16xi32>
      %parallel_loop3A_2357 = arith.cmpi eq, %parallel_loop3A_2213, %parallel_loop3A_2356 : vector<16xi32>
      %parallel_loop3A_2358 = arith.select %parallel_loop3A_2357, %broadcast_in_dim3A_3, %parallel_loop3A_2108 : vector<16xi1>, vector<16xf32>
      %parallel_loop3A_2359 = arith.constant 29 : i32
      %parallel_loop3A_2360 = vector.broadcast %parallel_loop3A_2359 : i32 to vector<16xi32>
      %parallel_loop3A_2361 = arith.cmpi eq, %parallel_loop3A_2213, %parallel_loop3A_2360 : vector<16xi32>
      %parallel_loop3A_2362 = arith.select %parallel_loop3A_2361, %broadcast_in_dim3A_3, %parallel_loop3A_2112 : vector<16xi1>, vector<16xf32>
      %parallel_loop3A_2363 = arith.constant 30 : i32
      %parallel_loop3A_2364 = vector.broadcast %parallel_loop3A_2363 : i32 to vector<16xi32>
      %parallel_loop3A_2365 = arith.cmpi eq, %parallel_loop3A_2213, %parallel_loop3A_2364 : vector<16xi32>
      %parallel_loop3A_2366 = arith.select %parallel_loop3A_2365, %broadcast_in_dim3A_3, %parallel_loop3A_2116 : vector<16xi1>, vector<16xf32>
      %parallel_loop3A_2367 = arith.constant 31 : i32
      %parallel_loop3A_2368 = vector.broadcast %parallel_loop3A_2367 : i32 to vector<16xi32>
      %parallel_loop3A_2369 = arith.cmpi eq, %parallel_loop3A_2213, %parallel_loop3A_2368 : vector<16xi32>
      %parallel_loop3A_2370 = arith.select %parallel_loop3A_2369, %broadcast_in_dim3A_3, %parallel_loop3A_2120 : vector<16xi1>, vector<16xf32>
      %parallel_loop3A_2371 = arith.cmpf ogt, %parallel_loop3A_2250, %parallel_loop3A_2246 : vector<16xf32>
      %parallel_loop3A_2372 = arith.select %parallel_loop3A_2371, %parallel_loop3A_2250, %parallel_loop3A_2246 : vector<16xi1>, vector<16xf32>
      %parallel_loop3A_2373 = arith.select %parallel_loop3A_2371, %parallel_loop3A_1060, %parallel_loop3A_1058 : vector<16xi1>, vector<16xi32>
      %parallel_loop3A_2374 = arith.cmpf ogt, %parallel_loop3A_2258, %parallel_loop3A_2254 : vector<16xf32>
      %parallel_loop3A_2375 = arith.select %parallel_loop3A_2374, %parallel_loop3A_2258, %parallel_loop3A_2254 : vector<16xi1>, vector<16xf32>
      %parallel_loop3A_2376 = arith.select %parallel_loop3A_2374, %parallel_loop3A_1064, %parallel_loop3A_1062 : vector<16xi1>, vector<16xi32>
      %parallel_loop3A_2377 = arith.cmpf ogt, %parallel_loop3A_2266, %parallel_loop3A_2262 : vector<16xf32>
      %parallel_loop3A_2378 = arith.select %parallel_loop3A_2377, %parallel_loop3A_2266, %parallel_loop3A_2262 : vector<16xi1>, vector<16xf32>
      %parallel_loop3A_2379 = arith.select %parallel_loop3A_2377, %parallel_loop3A_1068, %parallel_loop3A_1066 : vector<16xi1>, vector<16xi32>
      %parallel_loop3A_2380 = arith.cmpf ogt, %parallel_loop3A_2274, %parallel_loop3A_2270 : vector<16xf32>
      %parallel_loop3A_2381 = arith.select %parallel_loop3A_2380, %parallel_loop3A_2274, %parallel_loop3A_2270 : vector<16xi1>, vector<16xf32>
      %parallel_loop3A_2382 = arith.select %parallel_loop3A_2380, %parallel_loop3A_1072, %parallel_loop3A_1070 : vector<16xi1>, vector<16xi32>
      %parallel_loop3A_2383 = arith.cmpf ogt, %parallel_loop3A_2282, %parallel_loop3A_2278 : vector<16xf32>
      %parallel_loop3A_2384 = arith.select %parallel_loop3A_2383, %parallel_loop3A_2282, %parallel_loop3A_2278 : vector<16xi1>, vector<16xf32>
      %parallel_loop3A_2385 = arith.select %parallel_loop3A_2383, %parallel_loop3A_1076, %parallel_loop3A_1074 : vector<16xi1>, vector<16xi32>
      %parallel_loop3A_2386 = arith.cmpf ogt, %parallel_loop3A_2290, %parallel_loop3A_2286 : vector<16xf32>
      %parallel_loop3A_2387 = arith.select %parallel_loop3A_2386, %parallel_loop3A_2290, %parallel_loop3A_2286 : vector<16xi1>, vector<16xf32>
      %parallel_loop3A_2388 = arith.select %parallel_loop3A_2386, %parallel_loop3A_1080, %parallel_loop3A_1078 : vector<16xi1>, vector<16xi32>
      %parallel_loop3A_2389 = arith.cmpf ogt, %parallel_loop3A_2298, %parallel_loop3A_2294 : vector<16xf32>
      %parallel_loop3A_2390 = arith.select %parallel_loop3A_2389, %parallel_loop3A_2298, %parallel_loop3A_2294 : vector<16xi1>, vector<16xf32>
      %parallel_loop3A_2391 = arith.select %parallel_loop3A_2389, %parallel_loop3A_1084, %parallel_loop3A_1082 : vector<16xi1>, vector<16xi32>
      %parallel_loop3A_2392 = arith.cmpf ogt, %parallel_loop3A_2306, %parallel_loop3A_2302 : vector<16xf32>
      %parallel_loop3A_2393 = arith.select %parallel_loop3A_2392, %parallel_loop3A_2306, %parallel_loop3A_2302 : vector<16xi1>, vector<16xf32>
      %parallel_loop3A_2394 = arith.select %parallel_loop3A_2392, %parallel_loop3A_1088, %parallel_loop3A_1086 : vector<16xi1>, vector<16xi32>
      %parallel_loop3A_2395 = arith.cmpf ogt, %parallel_loop3A_2314, %parallel_loop3A_2310 : vector<16xf32>
      %parallel_loop3A_2396 = arith.select %parallel_loop3A_2395, %parallel_loop3A_2314, %parallel_loop3A_2310 : vector<16xi1>, vector<16xf32>
      %parallel_loop3A_2397 = arith.select %parallel_loop3A_2395, %parallel_loop3A_1092, %parallel_loop3A_1090 : vector<16xi1>, vector<16xi32>
      %parallel_loop3A_2398 = arith.cmpf ogt, %parallel_loop3A_2322, %parallel_loop3A_2318 : vector<16xf32>
      %parallel_loop3A_2399 = arith.select %parallel_loop3A_2398, %parallel_loop3A_2322, %parallel_loop3A_2318 : vector<16xi1>, vector<16xf32>
      %parallel_loop3A_2400 = arith.select %parallel_loop3A_2398, %parallel_loop3A_1096, %parallel_loop3A_1094 : vector<16xi1>, vector<16xi32>
      %parallel_loop3A_2401 = arith.cmpf ogt, %parallel_loop3A_2330, %parallel_loop3A_2326 : vector<16xf32>
      %parallel_loop3A_2402 = arith.select %parallel_loop3A_2401, %parallel_loop3A_2330, %parallel_loop3A_2326 : vector<16xi1>, vector<16xf32>
      %parallel_loop3A_2403 = arith.select %parallel_loop3A_2401, %parallel_loop3A_1100, %parallel_loop3A_1098 : vector<16xi1>, vector<16xi32>
      %parallel_loop3A_2404 = arith.cmpf ogt, %parallel_loop3A_2338, %parallel_loop3A_2334 : vector<16xf32>
      %parallel_loop3A_2405 = arith.select %parallel_loop3A_2404, %parallel_loop3A_2338, %parallel_loop3A_2334 : vector<16xi1>, vector<16xf32>
      %parallel_loop3A_2406 = arith.select %parallel_loop3A_2404, %parallel_loop3A_1104, %parallel_loop3A_1102 : vector<16xi1>, vector<16xi32>
      %parallel_loop3A_2407 = arith.cmpf ogt, %parallel_loop3A_2346, %parallel_loop3A_2342 : vector<16xf32>
      %parallel_loop3A_2408 = arith.select %parallel_loop3A_2407, %parallel_loop3A_2346, %parallel_loop3A_2342 : vector<16xi1>, vector<16xf32>
      %parallel_loop3A_2409 = arith.select %parallel_loop3A_2407, %parallel_loop3A_1108, %parallel_loop3A_1106 : vector<16xi1>, vector<16xi32>
      %parallel_loop3A_2410 = arith.cmpf ogt, %parallel_loop3A_2354, %parallel_loop3A_2350 : vector<16xf32>
      %parallel_loop3A_2411 = arith.select %parallel_loop3A_2410, %parallel_loop3A_2354, %parallel_loop3A_2350 : vector<16xi1>, vector<16xf32>
      %parallel_loop3A_2412 = arith.select %parallel_loop3A_2410, %parallel_loop3A_1112, %parallel_loop3A_1110 : vector<16xi1>, vector<16xi32>
      %parallel_loop3A_2413 = arith.cmpf ogt, %parallel_loop3A_2362, %parallel_loop3A_2358 : vector<16xf32>
      %parallel_loop3A_2414 = arith.select %parallel_loop3A_2413, %parallel_loop3A_2362, %parallel_loop3A_2358 : vector<16xi1>, vector<16xf32>
      %parallel_loop3A_2415 = arith.select %parallel_loop3A_2413, %parallel_loop3A_1116, %parallel_loop3A_1114 : vector<16xi1>, vector<16xi32>
      %parallel_loop3A_2416 = arith.cmpf ogt, %parallel_loop3A_2370, %parallel_loop3A_2366 : vector<16xf32>
      %parallel_loop3A_2417 = arith.select %parallel_loop3A_2416, %parallel_loop3A_2370, %parallel_loop3A_2366 : vector<16xi1>, vector<16xf32>
      %parallel_loop3A_2418 = arith.select %parallel_loop3A_2416, %parallel_loop3A_1120, %parallel_loop3A_1118 : vector<16xi1>, vector<16xi32>
      %parallel_loop3A_2419 = arith.cmpf ogt, %parallel_loop3A_2375, %parallel_loop3A_2372 : vector<16xf32>
      %parallel_loop3A_2420 = arith.select %parallel_loop3A_2419, %parallel_loop3A_2375, %parallel_loop3A_2372 : vector<16xi1>, vector<16xf32>
      %parallel_loop3A_2421 = arith.select %parallel_loop3A_2419, %parallel_loop3A_2376, %parallel_loop3A_2373 : vector<16xi1>, vector<16xi32>
      %parallel_loop3A_2422 = arith.cmpf ogt, %parallel_loop3A_2381, %parallel_loop3A_2378 : vector<16xf32>
      %parallel_loop3A_2423 = arith.select %parallel_loop3A_2422, %parallel_loop3A_2381, %parallel_loop3A_2378 : vector<16xi1>, vector<16xf32>
      %parallel_loop3A_2424 = arith.select %parallel_loop3A_2422, %parallel_loop3A_2382, %parallel_loop3A_2379 : vector<16xi1>, vector<16xi32>
      %parallel_loop3A_2425 = arith.cmpf ogt, %parallel_loop3A_2387, %parallel_loop3A_2384 : vector<16xf32>
      %parallel_loop3A_2426 = arith.select %parallel_loop3A_2425, %parallel_loop3A_2387, %parallel_loop3A_2384 : vector<16xi1>, vector<16xf32>
      %parallel_loop3A_2427 = arith.select %parallel_loop3A_2425, %parallel_loop3A_2388, %parallel_loop3A_2385 : vector<16xi1>, vector<16xi32>
      %parallel_loop3A_2428 = arith.cmpf ogt, %parallel_loop3A_2393, %parallel_loop3A_2390 : vector<16xf32>
      %parallel_loop3A_2429 = arith.select %parallel_loop3A_2428, %parallel_loop3A_2393, %parallel_loop3A_2390 : vector<16xi1>, vector<16xf32>
      %parallel_loop3A_2430 = arith.select %parallel_loop3A_2428, %parallel_loop3A_2394, %parallel_loop3A_2391 : vector<16xi1>, vector<16xi32>
      %parallel_loop3A_2431 = arith.cmpf ogt, %parallel_loop3A_2399, %parallel_loop3A_2396 : vector<16xf32>
      %parallel_loop3A_2432 = arith.select %parallel_loop3A_2431, %parallel_loop3A_2399, %parallel_loop3A_2396 : vector<16xi1>, vector<16xf32>
      %parallel_loop3A_2433 = arith.select %parallel_loop3A_2431, %parallel_loop3A_2400, %parallel_loop3A_2397 : vector<16xi1>, vector<16xi32>
      %parallel_loop3A_2434 = arith.cmpf ogt, %parallel_loop3A_2405, %parallel_loop3A_2402 : vector<16xf32>
      %parallel_loop3A_2435 = arith.select %parallel_loop3A_2434, %parallel_loop3A_2405, %parallel_loop3A_2402 : vector<16xi1>, vector<16xf32>
      %parallel_loop3A_2436 = arith.select %parallel_loop3A_2434, %parallel_loop3A_2406, %parallel_loop3A_2403 : vector<16xi1>, vector<16xi32>
      %parallel_loop3A_2437 = arith.cmpf ogt, %parallel_loop3A_2411, %parallel_loop3A_2408 : vector<16xf32>
      %parallel_loop3A_2438 = arith.select %parallel_loop3A_2437, %parallel_loop3A_2411, %parallel_loop3A_2408 : vector<16xi1>, vector<16xf32>
      %parallel_loop3A_2439 = arith.select %parallel_loop3A_2437, %parallel_loop3A_2412, %parallel_loop3A_2409 : vector<16xi1>, vector<16xi32>
      %parallel_loop3A_2440 = arith.cmpf ogt, %parallel_loop3A_2417, %parallel_loop3A_2414 : vector<16xf32>
      %parallel_loop3A_2441 = arith.select %parallel_loop3A_2440, %parallel_loop3A_2417, %parallel_loop3A_2414 : vector<16xi1>, vector<16xf32>
      %parallel_loop3A_2442 = arith.select %parallel_loop3A_2440, %parallel_loop3A_2418, %parallel_loop3A_2415 : vector<16xi1>, vector<16xi32>
      %parallel_loop3A_2443 = arith.cmpf ogt, %parallel_loop3A_2423, %parallel_loop3A_2420 : vector<16xf32>
      %parallel_loop3A_2444 = arith.select %parallel_loop3A_2443, %parallel_loop3A_2423, %parallel_loop3A_2420 : vector<16xi1>, vector<16xf32>
      %parallel_loop3A_2445 = arith.select %parallel_loop3A_2443, %parallel_loop3A_2424, %parallel_loop3A_2421 : vector<16xi1>, vector<16xi32>
      %parallel_loop3A_2446 = arith.cmpf ogt, %parallel_loop3A_2429, %parallel_loop3A_2426 : vector<16xf32>
      %parallel_loop3A_2447 = arith.select %parallel_loop3A_2446, %parallel_loop3A_2429, %parallel_loop3A_2426 : vector<16xi1>, vector<16xf32>
      %parallel_loop3A_2448 = arith.select %parallel_loop3A_2446, %parallel_loop3A_2430, %parallel_loop3A_2427 : vector<16xi1>, vector<16xi32>
      %parallel_loop3A_2449 = arith.cmpf ogt, %parallel_loop3A_2435, %parallel_loop3A_2432 : vector<16xf32>
      %parallel_loop3A_2450 = arith.select %parallel_loop3A_2449, %parallel_loop3A_2435, %parallel_loop3A_2432 : vector<16xi1>, vector<16xf32>
      %parallel_loop3A_2451 = arith.select %parallel_loop3A_2449, %parallel_loop3A_2436, %parallel_loop3A_2433 : vector<16xi1>, vector<16xi32>
      %parallel_loop3A_2452 = arith.cmpf ogt, %parallel_loop3A_2441, %parallel_loop3A_2438 : vector<16xf32>
      %parallel_loop3A_2453 = arith.select %parallel_loop3A_2452, %parallel_loop3A_2441, %parallel_loop3A_2438 : vector<16xi1>, vector<16xf32>
      %parallel_loop3A_2454 = arith.select %parallel_loop3A_2452, %parallel_loop3A_2442, %parallel_loop3A_2439 : vector<16xi1>, vector<16xi32>
      %parallel_loop3A_2455 = arith.cmpf ogt, %parallel_loop3A_2447, %parallel_loop3A_2444 : vector<16xf32>
      %parallel_loop3A_2456 = arith.select %parallel_loop3A_2455, %parallel_loop3A_2447, %parallel_loop3A_2444 : vector<16xi1>, vector<16xf32>
      %parallel_loop3A_2457 = arith.select %parallel_loop3A_2455, %parallel_loop3A_2448, %parallel_loop3A_2445 : vector<16xi1>, vector<16xi32>
      %parallel_loop3A_2458 = arith.cmpf ogt, %parallel_loop3A_2453, %parallel_loop3A_2450 : vector<16xf32>
      %parallel_loop3A_2459 = arith.select %parallel_loop3A_2458, %parallel_loop3A_2453, %parallel_loop3A_2450 : vector<16xi1>, vector<16xf32>
      %parallel_loop3A_2460 = arith.select %parallel_loop3A_2458, %parallel_loop3A_2454, %parallel_loop3A_2451 : vector<16xi1>, vector<16xi32>
      %parallel_loop3A_2461 = arith.cmpf ogt, %parallel_loop3A_2459, %parallel_loop3A_2456 : vector<16xf32>
      %parallel_loop3A_2462 = arith.select %parallel_loop3A_2461, %parallel_loop3A_2459, %parallel_loop3A_2456 : vector<16xi1>, vector<16xf32>
      %parallel_loop3A_2463 = arith.select %parallel_loop3A_2461, %parallel_loop3A_2460, %parallel_loop3A_2457 : vector<16xi1>, vector<16xi32>
      %parallel_loop3A_2464 = arith.constant 3 : i32
      %parallel_loop3A_2465 = vector.broadcast %parallel_loop3A_2464 : i32 to vector<16xi32>
      %parallel_loop3A_2466 = arith.shrsi %parallel_loop3A_2463, %parallel_loop3A_2465 : vector<16xi32>
      %parallel_loop3A_2467 = arith.constant 0 : i32
      %parallel_loop3A_2468 = vector.broadcast %parallel_loop3A_2467 : i32 to vector<16xi32>
      %parallel_loop3A_2469 = arith.cmpi eq, %parallel_loop3A_2466, %parallel_loop3A_2468 : vector<16xi32>
      %parallel_loop3A_2470 = arith.constant 1 : i32
      %parallel_loop3A_2471 = vector.broadcast %parallel_loop3A_2470 : i32 to vector<16xi32>
      %parallel_loop3A_2472 = arith.cmpi eq, %parallel_loop3A_2466, %parallel_loop3A_2471 : vector<16xi32>
      %parallel_loop3A_2473 = arith.constant 2 : i32
      %parallel_loop3A_2474 = vector.broadcast %parallel_loop3A_2473 : i32 to vector<16xi32>
      %parallel_loop3A_2475 = arith.cmpi eq, %parallel_loop3A_2466, %parallel_loop3A_2474 : vector<16xi32>
      %parallel_loop3A_2476 = arith.select %parallel_loop3A_2475, %parallel_loop3A_859, %parallel_loop3A_928 : vector<16xi1>, vector<16xi32>
      %parallel_loop3A_2477 = arith.select %parallel_loop3A_2472, %parallel_loop3A_790, %parallel_loop3A_2476 : vector<16xi1>, vector<16xi32>
      %parallel_loop3A_2478 = arith.select %parallel_loop3A_2469, %parallel_loop3A_721, %parallel_loop3A_2477 : vector<16xi1>, vector<16xi32>
      %parallel_loop3A_2479 = arith.constant 8 : i32
      %parallel_loop3A_2480 = vector.broadcast %parallel_loop3A_2479 : i32 to vector<16xi32>
      %parallel_loop3A_2481 = arith.muli %parallel_loop3A_2478, %parallel_loop3A_2480 : vector<16xi32>
      %parallel_loop3A_2482 = arith.constant 7 : i32
      %parallel_loop3A_2483 = vector.broadcast %parallel_loop3A_2482 : i32 to vector<16xi32>
      %parallel_loop3A_2484 = arith.andi %parallel_loop3A_2463, %parallel_loop3A_2483 : vector<16xi32>
      %parallel_loop3A_2485 = arith.addi %parallel_loop3A_2481, %parallel_loop3A_2484 : vector<16xi32>
      %parallel_loop3A_2486 = tpu.vector_load_idx %arg7[%parallel_loop3A_2485] : memref<64xf32, #tpu.memory_space<vmem>>[vector<16xi32>], vector<16xf32>,
      %parallel_loop3A_2487 = arith.constant 5 : i32
      %parallel_loop3A_2488 = arith.index_cast %parallel_loop3A_36 : i32 to index
      %parallel_loop3A_2489 = arith.index_cast %parallel_loop3A_2487 : i32 to index
      %parallel_loop3A_2490 = arith.index_cast %parallel_loop3A_54 : i32 to index
      %parallel_loop3A_2491 = tpu.vector_load %arg9[%parallel_loop3A_2488, %parallel_loop3A_2489, %parallel_loop3A_2490] {strides = array<i32>} : memref<4x8x128xi32, #tpu.memory_space<vmem>>, vector<16xi32>,
      tpu.vector_store %arg9[%parallel_loop3A_2488, %parallel_loop3A_2489, %parallel_loop3A_2490], %parallel_loop3A_2485 {strides = array<i32>} : memref<4x8x128xi32, #tpu.memory_space<vmem>>, vector<16xi32>,
      %parallel_loop3A_2492 = arith.subf %parallel_loop3A_2462, %parallel_loop3A_2486 : vector<16xf32>
      %parallel_loop3A_2493 = arith.constant 0 : i32
      %parallel_loop3A_2494 = vector.broadcast %parallel_loop3A_2493 : i32 to vector<16xi32>
      %parallel_loop3A_2495 = arith.cmpi eq, %parallel_loop3A_2463, %parallel_loop3A_2494 : vector<16xi32>
      %parallel_loop3A_2496 = arith.select %parallel_loop3A_2495, %broadcast_in_dim3A_3, %parallel_loop3A_2246 : vector<16xi1>, vector<16xf32>
      %parallel_loop3A_2497 = arith.constant 1 : i32
      %parallel_loop3A_2498 = vector.broadcast %parallel_loop3A_2497 : i32 to vector<16xi32>
      %parallel_loop3A_2499 = arith.cmpi eq, %parallel_loop3A_2463, %parallel_loop3A_2498 : vector<16xi32>
      %parallel_loop3A_2500 = arith.select %parallel_loop3A_2499, %broadcast_in_dim3A_3, %parallel_loop3A_2250 : vector<16xi1>, vector<16xf32>
      %parallel_loop3A_2501 = arith.constant 2 : i32
      %parallel_loop3A_2502 = vector.broadcast %parallel_loop3A_2501 : i32 to vector<16xi32>
      %parallel_loop3A_2503 = arith.cmpi eq, %parallel_loop3A_2463, %parallel_loop3A_2502 : vector<16xi32>
      %parallel_loop3A_2504 = arith.select %parallel_loop3A_2503, %broadcast_in_dim3A_3, %parallel_loop3A_2254 : vector<16xi1>, vector<16xf32>
      %parallel_loop3A_2505 = arith.constant 3 : i32
      %parallel_loop3A_2506 = vector.broadcast %parallel_loop3A_2505 : i32 to vector<16xi32>
      %parallel_loop3A_2507 = arith.cmpi eq, %parallel_loop3A_2463, %parallel_loop3A_2506 : vector<16xi32>
      %parallel_loop3A_2508 = arith.select %parallel_loop3A_2507, %broadcast_in_dim3A_3, %parallel_loop3A_2258 : vector<16xi1>, vector<16xf32>
      %parallel_loop3A_2509 = arith.constant 4 : i32
      %parallel_loop3A_2510 = vector.broadcast %parallel_loop3A_2509 : i32 to vector<16xi32>
      %parallel_loop3A_2511 = arith.cmpi eq, %parallel_loop3A_2463, %parallel_loop3A_2510 : vector<16xi32>
      %parallel_loop3A_2512 = arith.select %parallel_loop3A_2511, %broadcast_in_dim3A_3, %parallel_loop3A_2262 : vector<16xi1>, vector<16xf32>
      %parallel_loop3A_2513 = arith.constant 5 : i32
      %parallel_loop3A_2514 = vector.broadcast %parallel_loop3A_2513 : i32 to vector<16xi32>
      %parallel_loop3A_2515 = arith.cmpi eq, %parallel_loop3A_2463, %parallel_loop3A_2514 : vector<16xi32>
      %parallel_loop3A_2516 = arith.select %parallel_loop3A_2515, %broadcast_in_dim3A_3, %parallel_loop3A_2266 : vector<16xi1>, vector<16xf32>
      %parallel_loop3A_2517 = arith.constant 6 : i32
      %parallel_loop3A_2518 = vector.broadcast %parallel_loop3A_2517 : i32 to vector<16xi32>
      %parallel_loop3A_2519 = arith.cmpi eq, %parallel_loop3A_2463, %parallel_loop3A_2518 : vector<16xi32>
      %parallel_loop3A_2520 = arith.select %parallel_loop3A_2519, %broadcast_in_dim3A_3, %parallel_loop3A_2270 : vector<16xi1>, vector<16xf32>
      %parallel_loop3A_2521 = arith.constant 7 : i32
      %parallel_loop3A_2522 = vector.broadcast %parallel_loop3A_2521 : i32 to vector<16xi32>
      %parallel_loop3A_2523 = arith.cmpi eq, %parallel_loop3A_2463, %parallel_loop3A_2522 : vector<16xi32>
      %parallel_loop3A_2524 = arith.select %parallel_loop3A_2523, %broadcast_in_dim3A_3, %parallel_loop3A_2274 : vector<16xi1>, vector<16xf32>
      %parallel_loop3A_2525 = arith.constant 8 : i32
      %parallel_loop3A_2526 = vector.broadcast %parallel_loop3A_2525 : i32 to vector<16xi32>
      %parallel_loop3A_2527 = arith.cmpi eq, %parallel_loop3A_2463, %parallel_loop3A_2526 : vector<16xi32>
      %parallel_loop3A_2528 = arith.select %parallel_loop3A_2527, %broadcast_in_dim3A_3, %parallel_loop3A_2278 : vector<16xi1>, vector<16xf32>
      %parallel_loop3A_2529 = arith.constant 9 : i32
      %parallel_loop3A_2530 = vector.broadcast %parallel_loop3A_2529 : i32 to vector<16xi32>
      %parallel_loop3A_2531 = arith.cmpi eq, %parallel_loop3A_2463, %parallel_loop3A_2530 : vector<16xi32>
      %parallel_loop3A_2532 = arith.select %parallel_loop3A_2531, %broadcast_in_dim3A_3, %parallel_loop3A_2282 : vector<16xi1>, vector<16xf32>
      %parallel_loop3A_2533 = arith.constant 10 : i32
      %parallel_loop3A_2534 = vector.broadcast %parallel_loop3A_2533 : i32 to vector<16xi32>
      %parallel_loop3A_2535 = arith.cmpi eq, %parallel_loop3A_2463, %parallel_loop3A_2534 : vector<16xi32>
      %parallel_loop3A_2536 = arith.select %parallel_loop3A_2535, %broadcast_in_dim3A_3, %parallel_loop3A_2286 : vector<16xi1>, vector<16xf32>
      %parallel_loop3A_2537 = arith.constant 11 : i32
      %parallel_loop3A_2538 = vector.broadcast %parallel_loop3A_2537 : i32 to vector<16xi32>
      %parallel_loop3A_2539 = arith.cmpi eq, %parallel_loop3A_2463, %parallel_loop3A_2538 : vector<16xi32>
      %parallel_loop3A_2540 = arith.select %parallel_loop3A_2539, %broadcast_in_dim3A_3, %parallel_loop3A_2290 : vector<16xi1>, vector<16xf32>
      %parallel_loop3A_2541 = arith.constant 12 : i32
      %parallel_loop3A_2542 = vector.broadcast %parallel_loop3A_2541 : i32 to vector<16xi32>
      %parallel_loop3A_2543 = arith.cmpi eq, %parallel_loop3A_2463, %parallel_loop3A_2542 : vector<16xi32>
      %parallel_loop3A_2544 = arith.select %parallel_loop3A_2543, %broadcast_in_dim3A_3, %parallel_loop3A_2294 : vector<16xi1>, vector<16xf32>
      %parallel_loop3A_2545 = arith.constant 13 : i32
      %parallel_loop3A_2546 = vector.broadcast %parallel_loop3A_2545 : i32 to vector<16xi32>
      %parallel_loop3A_2547 = arith.cmpi eq, %parallel_loop3A_2463, %parallel_loop3A_2546 : vector<16xi32>
      %parallel_loop3A_2548 = arith.select %parallel_loop3A_2547, %broadcast_in_dim3A_3, %parallel_loop3A_2298 : vector<16xi1>, vector<16xf32>
      %parallel_loop3A_2549 = arith.constant 14 : i32
      %parallel_loop3A_2550 = vector.broadcast %parallel_loop3A_2549 : i32 to vector<16xi32>
      %parallel_loop3A_2551 = arith.cmpi eq, %parallel_loop3A_2463, %parallel_loop3A_2550 : vector<16xi32>
      %parallel_loop3A_2552 = arith.select %parallel_loop3A_2551, %broadcast_in_dim3A_3, %parallel_loop3A_2302 : vector<16xi1>, vector<16xf32>
      %parallel_loop3A_2553 = arith.constant 15 : i32
      %parallel_loop3A_2554 = vector.broadcast %parallel_loop3A_2553 : i32 to vector<16xi32>
      %parallel_loop3A_2555 = arith.cmpi eq, %parallel_loop3A_2463, %parallel_loop3A_2554 : vector<16xi32>
      %parallel_loop3A_2556 = arith.select %parallel_loop3A_2555, %broadcast_in_dim3A_3, %parallel_loop3A_2306 : vector<16xi1>, vector<16xf32>
      %parallel_loop3A_2557 = arith.constant 16 : i32
      %parallel_loop3A_2558 = vector.broadcast %parallel_loop3A_2557 : i32 to vector<16xi32>
      %parallel_loop3A_2559 = arith.cmpi eq, %parallel_loop3A_2463, %parallel_loop3A_2558 : vector<16xi32>
      %parallel_loop3A_2560 = arith.select %parallel_loop3A_2559, %broadcast_in_dim3A_3, %parallel_loop3A_2310 : vector<16xi1>, vector<16xf32>
      %parallel_loop3A_2561 = arith.constant 17 : i32
      %parallel_loop3A_2562 = vector.broadcast %parallel_loop3A_2561 : i32 to vector<16xi32>
      %parallel_loop3A_2563 = arith.cmpi eq, %parallel_loop3A_2463, %parallel_loop3A_2562 : vector<16xi32>
      %parallel_loop3A_2564 = arith.select %parallel_loop3A_2563, %broadcast_in_dim3A_3, %parallel_loop3A_2314 : vector<16xi1>, vector<16xf32>
      %parallel_loop3A_2565 = arith.constant 18 : i32
      %parallel_loop3A_2566 = vector.broadcast %parallel_loop3A_2565 : i32 to vector<16xi32>
      %parallel_loop3A_2567 = arith.cmpi eq, %parallel_loop3A_2463, %parallel_loop3A_2566 : vector<16xi32>
      %parallel_loop3A_2568 = arith.select %parallel_loop3A_2567, %broadcast_in_dim3A_3, %parallel_loop3A_2318 : vector<16xi1>, vector<16xf32>
      %parallel_loop3A_2569 = arith.constant 19 : i32
      %parallel_loop3A_2570 = vector.broadcast %parallel_loop3A_2569 : i32 to vector<16xi32>
      %parallel_loop3A_2571 = arith.cmpi eq, %parallel_loop3A_2463, %parallel_loop3A_2570 : vector<16xi32>
      %parallel_loop3A_2572 = arith.select %parallel_loop3A_2571, %broadcast_in_dim3A_3, %parallel_loop3A_2322 : vector<16xi1>, vector<16xf32>
      %parallel_loop3A_2573 = arith.constant 20 : i32
      %parallel_loop3A_2574 = vector.broadcast %parallel_loop3A_2573 : i32 to vector<16xi32>
      %parallel_loop3A_2575 = arith.cmpi eq, %parallel_loop3A_2463, %parallel_loop3A_2574 : vector<16xi32>
      %parallel_loop3A_2576 = arith.select %parallel_loop3A_2575, %broadcast_in_dim3A_3, %parallel_loop3A_2326 : vector<16xi1>, vector<16xf32>
      %parallel_loop3A_2577 = arith.constant 21 : i32
      %parallel_loop3A_2578 = vector.broadcast %parallel_loop3A_2577 : i32 to vector<16xi32>
      %parallel_loop3A_2579 = arith.cmpi eq, %parallel_loop3A_2463, %parallel_loop3A_2578 : vector<16xi32>
      %parallel_loop3A_2580 = arith.select %parallel_loop3A_2579, %broadcast_in_dim3A_3, %parallel_loop3A_2330 : vector<16xi1>, vector<16xf32>
      %parallel_loop3A_2581 = arith.constant 22 : i32
      %parallel_loop3A_2582 = vector.broadcast %parallel_loop3A_2581 : i32 to vector<16xi32>
      %parallel_loop3A_2583 = arith.cmpi eq, %parallel_loop3A_2463, %parallel_loop3A_2582 : vector<16xi32>
      %parallel_loop3A_2584 = arith.select %parallel_loop3A_2583, %broadcast_in_dim3A_3, %parallel_loop3A_2334 : vector<16xi1>, vector<16xf32>
      %parallel_loop3A_2585 = arith.constant 23 : i32
      %parallel_loop3A_2586 = vector.broadcast %parallel_loop3A_2585 : i32 to vector<16xi32>
      %parallel_loop3A_2587 = arith.cmpi eq, %parallel_loop3A_2463, %parallel_loop3A_2586 : vector<16xi32>
      %parallel_loop3A_2588 = arith.select %parallel_loop3A_2587, %broadcast_in_dim3A_3, %parallel_loop3A_2338 : vector<16xi1>, vector<16xf32>
      %parallel_loop3A_2589 = arith.constant 24 : i32
      %parallel_loop3A_2590 = vector.broadcast %parallel_loop3A_2589 : i32 to vector<16xi32>
      %parallel_loop3A_2591 = arith.cmpi eq, %parallel_loop3A_2463, %parallel_loop3A_2590 : vector<16xi32>
      %parallel_loop3A_2592 = arith.select %parallel_loop3A_2591, %broadcast_in_dim3A_3, %parallel_loop3A_2342 : vector<16xi1>, vector<16xf32>
      %parallel_loop3A_2593 = arith.constant 25 : i32
      %parallel_loop3A_2594 = vector.broadcast %parallel_loop3A_2593 : i32 to vector<16xi32>
      %parallel_loop3A_2595 = arith.cmpi eq, %parallel_loop3A_2463, %parallel_loop3A_2594 : vector<16xi32>
      %parallel_loop3A_2596 = arith.select %parallel_loop3A_2595, %broadcast_in_dim3A_3, %parallel_loop3A_2346 : vector<16xi1>, vector<16xf32>
      %parallel_loop3A_2597 = arith.constant 26 : i32
      %parallel_loop3A_2598 = vector.broadcast %parallel_loop3A_2597 : i32 to vector<16xi32>
      %parallel_loop3A_2599 = arith.cmpi eq, %parallel_loop3A_2463, %parallel_loop3A_2598 : vector<16xi32>
      %parallel_loop3A_2600 = arith.select %parallel_loop3A_2599, %broadcast_in_dim3A_3, %parallel_loop3A_2350 : vector<16xi1>, vector<16xf32>
      %parallel_loop3A_2601 = arith.constant 27 : i32
      %parallel_loop3A_2602 = vector.broadcast %parallel_loop3A_2601 : i32 to vector<16xi32>
      %parallel_loop3A_2603 = arith.cmpi eq, %parallel_loop3A_2463, %parallel_loop3A_2602 : vector<16xi32>
      %parallel_loop3A_2604 = arith.select %parallel_loop3A_2603, %broadcast_in_dim3A_3, %parallel_loop3A_2354 : vector<16xi1>, vector<16xf32>
      %parallel_loop3A_2605 = arith.constant 28 : i32
      %parallel_loop3A_2606 = vector.broadcast %parallel_loop3A_2605 : i32 to vector<16xi32>
      %parallel_loop3A_2607 = arith.cmpi eq, %parallel_loop3A_2463, %parallel_loop3A_2606 : vector<16xi32>
      %parallel_loop3A_2608 = arith.select %parallel_loop3A_2607, %broadcast_in_dim3A_3, %parallel_loop3A_2358 : vector<16xi1>, vector<16xf32>
      %parallel_loop3A_2609 = arith.constant 29 : i32
      %parallel_loop3A_2610 = vector.broadcast %parallel_loop3A_2609 : i32 to vector<16xi32>
      %parallel_loop3A_2611 = arith.cmpi eq, %parallel_loop3A_2463, %parallel_loop3A_2610 : vector<16xi32>
      %parallel_loop3A_2612 = arith.select %parallel_loop3A_2611, %broadcast_in_dim3A_3, %parallel_loop3A_2362 : vector<16xi1>, vector<16xf32>
      %parallel_loop3A_2613 = arith.constant 30 : i32
      %parallel_loop3A_2614 = vector.broadcast %parallel_loop3A_2613 : i32 to vector<16xi32>
      %parallel_loop3A_2615 = arith.cmpi eq, %parallel_loop3A_2463, %parallel_loop3A_2614 : vector<16xi32>
      %parallel_loop3A_2616 = arith.select %parallel_loop3A_2615, %broadcast_in_dim3A_3, %parallel_loop3A_2366 : vector<16xi1>, vector<16xf32>
      %parallel_loop3A_2617 = arith.constant 31 : i32
      %parallel_loop3A_2618 = vector.broadcast %parallel_loop3A_2617 : i32 to vector<16xi32>
      %parallel_loop3A_2619 = arith.cmpi eq, %parallel_loop3A_2463, %parallel_loop3A_2618 : vector<16xi32>
      %parallel_loop3A_2620 = arith.select %parallel_loop3A_2619, %broadcast_in_dim3A_3, %parallel_loop3A_2370 : vector<16xi1>, vector<16xf32>
      %parallel_loop3A_2621 = arith.cmpf ogt, %parallel_loop3A_2500, %parallel_loop3A_2496 : vector<16xf32>
      %parallel_loop3A_2622 = arith.select %parallel_loop3A_2621, %parallel_loop3A_2500, %parallel_loop3A_2496 : vector<16xi1>, vector<16xf32>
      %parallel_loop3A_2623 = arith.select %parallel_loop3A_2621, %parallel_loop3A_1060, %parallel_loop3A_1058 : vector<16xi1>, vector<16xi32>
      %parallel_loop3A_2624 = arith.cmpf ogt, %parallel_loop3A_2508, %parallel_loop3A_2504 : vector<16xf32>
      %parallel_loop3A_2625 = arith.select %parallel_loop3A_2624, %parallel_loop3A_2508, %parallel_loop3A_2504 : vector<16xi1>, vector<16xf32>
      %parallel_loop3A_2626 = arith.select %parallel_loop3A_2624, %parallel_loop3A_1064, %parallel_loop3A_1062 : vector<16xi1>, vector<16xi32>
      %parallel_loop3A_2627 = arith.cmpf ogt, %parallel_loop3A_2516, %parallel_loop3A_2512 : vector<16xf32>
      %parallel_loop3A_2628 = arith.select %parallel_loop3A_2627, %parallel_loop3A_2516, %parallel_loop3A_2512 : vector<16xi1>, vector<16xf32>
      %parallel_loop3A_2629 = arith.select %parallel_loop3A_2627, %parallel_loop3A_1068, %parallel_loop3A_1066 : vector<16xi1>, vector<16xi32>
      %parallel_loop3A_2630 = arith.cmpf ogt, %parallel_loop3A_2524, %parallel_loop3A_2520 : vector<16xf32>
      %parallel_loop3A_2631 = arith.select %parallel_loop3A_2630, %parallel_loop3A_2524, %parallel_loop3A_2520 : vector<16xi1>, vector<16xf32>
      %parallel_loop3A_2632 = arith.select %parallel_loop3A_2630, %parallel_loop3A_1072, %parallel_loop3A_1070 : vector<16xi1>, vector<16xi32>
      %parallel_loop3A_2633 = arith.cmpf ogt, %parallel_loop3A_2532, %parallel_loop3A_2528 : vector<16xf32>
      %parallel_loop3A_2634 = arith.select %parallel_loop3A_2633, %parallel_loop3A_2532, %parallel_loop3A_2528 : vector<16xi1>, vector<16xf32>
      %parallel_loop3A_2635 = arith.select %parallel_loop3A_2633, %parallel_loop3A_1076, %parallel_loop3A_1074 : vector<16xi1>, vector<16xi32>
      %parallel_loop3A_2636 = arith.cmpf ogt, %parallel_loop3A_2540, %parallel_loop3A_2536 : vector<16xf32>
      %parallel_loop3A_2637 = arith.select %parallel_loop3A_2636, %parallel_loop3A_2540, %parallel_loop3A_2536 : vector<16xi1>, vector<16xf32>
      %parallel_loop3A_2638 = arith.select %parallel_loop3A_2636, %parallel_loop3A_1080, %parallel_loop3A_1078 : vector<16xi1>, vector<16xi32>
      %parallel_loop3A_2639 = arith.cmpf ogt, %parallel_loop3A_2548, %parallel_loop3A_2544 : vector<16xf32>
      %parallel_loop3A_2640 = arith.select %parallel_loop3A_2639, %parallel_loop3A_2548, %parallel_loop3A_2544 : vector<16xi1>, vector<16xf32>
      %parallel_loop3A_2641 = arith.select %parallel_loop3A_2639, %parallel_loop3A_1084, %parallel_loop3A_1082 : vector<16xi1>, vector<16xi32>
      %parallel_loop3A_2642 = arith.cmpf ogt, %parallel_loop3A_2556, %parallel_loop3A_2552 : vector<16xf32>
      %parallel_loop3A_2643 = arith.select %parallel_loop3A_2642, %parallel_loop3A_2556, %parallel_loop3A_2552 : vector<16xi1>, vector<16xf32>
      %parallel_loop3A_2644 = arith.select %parallel_loop3A_2642, %parallel_loop3A_1088, %parallel_loop3A_1086 : vector<16xi1>, vector<16xi32>
      %parallel_loop3A_2645 = arith.cmpf ogt, %parallel_loop3A_2564, %parallel_loop3A_2560 : vector<16xf32>
      %parallel_loop3A_2646 = arith.select %parallel_loop3A_2645, %parallel_loop3A_2564, %parallel_loop3A_2560 : vector<16xi1>, vector<16xf32>
      %parallel_loop3A_2647 = arith.select %parallel_loop3A_2645, %parallel_loop3A_1092, %parallel_loop3A_1090 : vector<16xi1>, vector<16xi32>
      %parallel_loop3A_2648 = arith.cmpf ogt, %parallel_loop3A_2572, %parallel_loop3A_2568 : vector<16xf32>
      %parallel_loop3A_2649 = arith.select %parallel_loop3A_2648, %parallel_loop3A_2572, %parallel_loop3A_2568 : vector<16xi1>, vector<16xf32>
      %parallel_loop3A_2650 = arith.select %parallel_loop3A_2648, %parallel_loop3A_1096, %parallel_loop3A_1094 : vector<16xi1>, vector<16xi32>
      %parallel_loop3A_2651 = arith.cmpf ogt, %parallel_loop3A_2580, %parallel_loop3A_2576 : vector<16xf32>
      %parallel_loop3A_2652 = arith.select %parallel_loop3A_2651, %parallel_loop3A_2580, %parallel_loop3A_2576 : vector<16xi1>, vector<16xf32>
      %parallel_loop3A_2653 = arith.select %parallel_loop3A_2651, %parallel_loop3A_1100, %parallel_loop3A_1098 : vector<16xi1>, vector<16xi32>
      %parallel_loop3A_2654 = arith.cmpf ogt, %parallel_loop3A_2588, %parallel_loop3A_2584 : vector<16xf32>
      %parallel_loop3A_2655 = arith.select %parallel_loop3A_2654, %parallel_loop3A_2588, %parallel_loop3A_2584 : vector<16xi1>, vector<16xf32>
      %parallel_loop3A_2656 = arith.select %parallel_loop3A_2654, %parallel_loop3A_1104, %parallel_loop3A_1102 : vector<16xi1>, vector<16xi32>
      %parallel_loop3A_2657 = arith.cmpf ogt, %parallel_loop3A_2596, %parallel_loop3A_2592 : vector<16xf32>
      %parallel_loop3A_2658 = arith.select %parallel_loop3A_2657, %parallel_loop3A_2596, %parallel_loop3A_2592 : vector<16xi1>, vector<16xf32>
      %parallel_loop3A_2659 = arith.select %parallel_loop3A_2657, %parallel_loop3A_1108, %parallel_loop3A_1106 : vector<16xi1>, vector<16xi32>
      %parallel_loop3A_2660 = arith.cmpf ogt, %parallel_loop3A_2604, %parallel_loop3A_2600 : vector<16xf32>
      %parallel_loop3A_2661 = arith.select %parallel_loop3A_2660, %parallel_loop3A_2604, %parallel_loop3A_2600 : vector<16xi1>, vector<16xf32>
      %parallel_loop3A_2662 = arith.select %parallel_loop3A_2660, %parallel_loop3A_1112, %parallel_loop3A_1110 : vector<16xi1>, vector<16xi32>
      %parallel_loop3A_2663 = arith.cmpf ogt, %parallel_loop3A_2612, %parallel_loop3A_2608 : vector<16xf32>
      %parallel_loop3A_2664 = arith.select %parallel_loop3A_2663, %parallel_loop3A_2612, %parallel_loop3A_2608 : vector<16xi1>, vector<16xf32>
      %parallel_loop3A_2665 = arith.select %parallel_loop3A_2663, %parallel_loop3A_1116, %parallel_loop3A_1114 : vector<16xi1>, vector<16xi32>
      %parallel_loop3A_2666 = arith.cmpf ogt, %parallel_loop3A_2620, %parallel_loop3A_2616 : vector<16xf32>
      %parallel_loop3A_2667 = arith.select %parallel_loop3A_2666, %parallel_loop3A_2620, %parallel_loop3A_2616 : vector<16xi1>, vector<16xf32>
      %parallel_loop3A_2668 = arith.select %parallel_loop3A_2666, %parallel_loop3A_1120, %parallel_loop3A_1118 : vector<16xi1>, vector<16xi32>
      %parallel_loop3A_2669 = arith.cmpf ogt, %parallel_loop3A_2625, %parallel_loop3A_2622 : vector<16xf32>
      %parallel_loop3A_2670 = arith.select %parallel_loop3A_2669, %parallel_loop3A_2625, %parallel_loop3A_2622 : vector<16xi1>, vector<16xf32>
      %parallel_loop3A_2671 = arith.select %parallel_loop3A_2669, %parallel_loop3A_2626, %parallel_loop3A_2623 : vector<16xi1>, vector<16xi32>
      %parallel_loop3A_2672 = arith.cmpf ogt, %parallel_loop3A_2631, %parallel_loop3A_2628 : vector<16xf32>
      %parallel_loop3A_2673 = arith.select %parallel_loop3A_2672, %parallel_loop3A_2631, %parallel_loop3A_2628 : vector<16xi1>, vector<16xf32>
      %parallel_loop3A_2674 = arith.select %parallel_loop3A_2672, %parallel_loop3A_2632, %parallel_loop3A_2629 : vector<16xi1>, vector<16xi32>
      %parallel_loop3A_2675 = arith.cmpf ogt, %parallel_loop3A_2637, %parallel_loop3A_2634 : vector<16xf32>
      %parallel_loop3A_2676 = arith.select %parallel_loop3A_2675, %parallel_loop3A_2637, %parallel_loop3A_2634 : vector<16xi1>, vector<16xf32>
      %parallel_loop3A_2677 = arith.select %parallel_loop3A_2675, %parallel_loop3A_2638, %parallel_loop3A_2635 : vector<16xi1>, vector<16xi32>
      %parallel_loop3A_2678 = arith.cmpf ogt, %parallel_loop3A_2643, %parallel_loop3A_2640 : vector<16xf32>
      %parallel_loop3A_2679 = arith.select %parallel_loop3A_2678, %parallel_loop3A_2643, %parallel_loop3A_2640 : vector<16xi1>, vector<16xf32>
      %parallel_loop3A_2680 = arith.select %parallel_loop3A_2678, %parallel_loop3A_2644, %parallel_loop3A_2641 : vector<16xi1>, vector<16xi32>
      %parallel_loop3A_2681 = arith.cmpf ogt, %parallel_loop3A_2649, %parallel_loop3A_2646 : vector<16xf32>
      %parallel_loop3A_2682 = arith.select %parallel_loop3A_2681, %parallel_loop3A_2649, %parallel_loop3A_2646 : vector<16xi1>, vector<16xf32>
      %parallel_loop3A_2683 = arith.select %parallel_loop3A_2681, %parallel_loop3A_2650, %parallel_loop3A_2647 : vector<16xi1>, vector<16xi32>
      %parallel_loop3A_2684 = arith.cmpf ogt, %parallel_loop3A_2655, %parallel_loop3A_2652 : vector<16xf32>
      %parallel_loop3A_2685 = arith.select %parallel_loop3A_2684, %parallel_loop3A_2655, %parallel_loop3A_2652 : vector<16xi1>, vector<16xf32>
      %parallel_loop3A_2686 = arith.select %parallel_loop3A_2684, %parallel_loop3A_2656, %parallel_loop3A_2653 : vector<16xi1>, vector<16xi32>
      %parallel_loop3A_2687 = arith.cmpf ogt, %parallel_loop3A_2661, %parallel_loop3A_2658 : vector<16xf32>
      %parallel_loop3A_2688 = arith.select %parallel_loop3A_2687, %parallel_loop3A_2661, %parallel_loop3A_2658 : vector<16xi1>, vector<16xf32>
      %parallel_loop3A_2689 = arith.select %parallel_loop3A_2687, %parallel_loop3A_2662, %parallel_loop3A_2659 : vector<16xi1>, vector<16xi32>
      %parallel_loop3A_2690 = arith.cmpf ogt, %parallel_loop3A_2667, %parallel_loop3A_2664 : vector<16xf32>
      %parallel_loop3A_2691 = arith.select %parallel_loop3A_2690, %parallel_loop3A_2667, %parallel_loop3A_2664 : vector<16xi1>, vector<16xf32>
      %parallel_loop3A_2692 = arith.select %parallel_loop3A_2690, %parallel_loop3A_2668, %parallel_loop3A_2665 : vector<16xi1>, vector<16xi32>
      %parallel_loop3A_2693 = arith.cmpf ogt, %parallel_loop3A_2673, %parallel_loop3A_2670 : vector<16xf32>
      %parallel_loop3A_2694 = arith.select %parallel_loop3A_2693, %parallel_loop3A_2673, %parallel_loop3A_2670 : vector<16xi1>, vector<16xf32>
      %parallel_loop3A_2695 = arith.select %parallel_loop3A_2693, %parallel_loop3A_2674, %parallel_loop3A_2671 : vector<16xi1>, vector<16xi32>
      %parallel_loop3A_2696 = arith.cmpf ogt, %parallel_loop3A_2679, %parallel_loop3A_2676 : vector<16xf32>
      %parallel_loop3A_2697 = arith.select %parallel_loop3A_2696, %parallel_loop3A_2679, %parallel_loop3A_2676 : vector<16xi1>, vector<16xf32>
      %parallel_loop3A_2698 = arith.select %parallel_loop3A_2696, %parallel_loop3A_2680, %parallel_loop3A_2677 : vector<16xi1>, vector<16xi32>
      %parallel_loop3A_2699 = arith.cmpf ogt, %parallel_loop3A_2685, %parallel_loop3A_2682 : vector<16xf32>
      %parallel_loop3A_2700 = arith.select %parallel_loop3A_2699, %parallel_loop3A_2685, %parallel_loop3A_2682 : vector<16xi1>, vector<16xf32>
      %parallel_loop3A_2701 = arith.select %parallel_loop3A_2699, %parallel_loop3A_2686, %parallel_loop3A_2683 : vector<16xi1>, vector<16xi32>
      %parallel_loop3A_2702 = arith.cmpf ogt, %parallel_loop3A_2691, %parallel_loop3A_2688 : vector<16xf32>
      %parallel_loop3A_2703 = arith.select %parallel_loop3A_2702, %parallel_loop3A_2691, %parallel_loop3A_2688 : vector<16xi1>, vector<16xf32>
      %parallel_loop3A_2704 = arith.select %parallel_loop3A_2702, %parallel_loop3A_2692, %parallel_loop3A_2689 : vector<16xi1>, vector<16xi32>
      %parallel_loop3A_2705 = arith.cmpf ogt, %parallel_loop3A_2697, %parallel_loop3A_2694 : vector<16xf32>
      %parallel_loop3A_2706 = arith.select %parallel_loop3A_2705, %parallel_loop3A_2697, %parallel_loop3A_2694 : vector<16xi1>, vector<16xf32>
      %parallel_loop3A_2707 = arith.select %parallel_loop3A_2705, %parallel_loop3A_2698, %parallel_loop3A_2695 : vector<16xi1>, vector<16xi32>
      %parallel_loop3A_2708 = arith.cmpf ogt, %parallel_loop3A_2703, %parallel_loop3A_2700 : vector<16xf32>
      %parallel_loop3A_2709 = arith.select %parallel_loop3A_2708, %parallel_loop3A_2703, %parallel_loop3A_2700 : vector<16xi1>, vector<16xf32>
      %parallel_loop3A_2710 = arith.select %parallel_loop3A_2708, %parallel_loop3A_2704, %parallel_loop3A_2701 : vector<16xi1>, vector<16xi32>
      %parallel_loop3A_2711 = arith.cmpf ogt, %parallel_loop3A_2709, %parallel_loop3A_2706 : vector<16xf32>
      %parallel_loop3A_2712 = arith.select %parallel_loop3A_2711, %parallel_loop3A_2709, %parallel_loop3A_2706 : vector<16xi1>, vector<16xf32>
      %parallel_loop3A_2713 = arith.select %parallel_loop3A_2711, %parallel_loop3A_2710, %parallel_loop3A_2707 : vector<16xi1>, vector<16xi32>
      %parallel_loop3A_2714 = arith.constant 3 : i32
      %parallel_loop3A_2715 = vector.broadcast %parallel_loop3A_2714 : i32 to vector<16xi32>
      %parallel_loop3A_2716 = arith.shrsi %parallel_loop3A_2713, %parallel_loop3A_2715 : vector<16xi32>
      %parallel_loop3A_2717 = arith.constant 0 : i32
      %parallel_loop3A_2718 = vector.broadcast %parallel_loop3A_2717 : i32 to vector<16xi32>
      %parallel_loop3A_2719 = arith.cmpi eq, %parallel_loop3A_2716, %parallel_loop3A_2718 : vector<16xi32>
      %parallel_loop3A_2720 = arith.constant 1 : i32
      %parallel_loop3A_2721 = vector.broadcast %parallel_loop3A_2720 : i32 to vector<16xi32>
      %parallel_loop3A_2722 = arith.cmpi eq, %parallel_loop3A_2716, %parallel_loop3A_2721 : vector<16xi32>
      %parallel_loop3A_2723 = arith.constant 2 : i32
      %parallel_loop3A_2724 = vector.broadcast %parallel_loop3A_2723 : i32 to vector<16xi32>
      %parallel_loop3A_2725 = arith.cmpi eq, %parallel_loop3A_2716, %parallel_loop3A_2724 : vector<16xi32>
      %parallel_loop3A_2726 = arith.select %parallel_loop3A_2725, %parallel_loop3A_859, %parallel_loop3A_928 : vector<16xi1>, vector<16xi32>
      %parallel_loop3A_2727 = arith.select %parallel_loop3A_2722, %parallel_loop3A_790, %parallel_loop3A_2726 : vector<16xi1>, vector<16xi32>
      %parallel_loop3A_2728 = arith.select %parallel_loop3A_2719, %parallel_loop3A_721, %parallel_loop3A_2727 : vector<16xi1>, vector<16xi32>
      %parallel_loop3A_2729 = arith.constant 8 : i32
      %parallel_loop3A_2730 = vector.broadcast %parallel_loop3A_2729 : i32 to vector<16xi32>
      %parallel_loop3A_2731 = arith.muli %parallel_loop3A_2728, %parallel_loop3A_2730 : vector<16xi32>
      %parallel_loop3A_2732 = arith.constant 7 : i32
      %parallel_loop3A_2733 = vector.broadcast %parallel_loop3A_2732 : i32 to vector<16xi32>
      %parallel_loop3A_2734 = arith.andi %parallel_loop3A_2713, %parallel_loop3A_2733 : vector<16xi32>
      %parallel_loop3A_2735 = arith.addi %parallel_loop3A_2731, %parallel_loop3A_2734 : vector<16xi32>
      %parallel_loop3A_2736 = tpu.vector_load_idx %arg7[%parallel_loop3A_2735] : memref<64xf32, #tpu.memory_space<vmem>>[vector<16xi32>], vector<16xf32>,
      %parallel_loop3A_2737 = arith.constant 6 : i32
      %parallel_loop3A_2738 = arith.index_cast %parallel_loop3A_36 : i32 to index
      %parallel_loop3A_2739 = arith.index_cast %parallel_loop3A_2737 : i32 to index
      %parallel_loop3A_2740 = arith.index_cast %parallel_loop3A_54 : i32 to index
      %parallel_loop3A_2741 = tpu.vector_load %arg9[%parallel_loop3A_2738, %parallel_loop3A_2739, %parallel_loop3A_2740] {strides = array<i32>} : memref<4x8x128xi32, #tpu.memory_space<vmem>>, vector<16xi32>,
      tpu.vector_store %arg9[%parallel_loop3A_2738, %parallel_loop3A_2739, %parallel_loop3A_2740], %parallel_loop3A_2735 {strides = array<i32>} : memref<4x8x128xi32, #tpu.memory_space<vmem>>, vector<16xi32>,
      %parallel_loop3A_2742 = arith.subf %parallel_loop3A_2712, %parallel_loop3A_2736 : vector<16xf32>
      %parallel_loop3A_2743 = arith.constant 0 : i32
      %parallel_loop3A_2744 = vector.broadcast %parallel_loop3A_2743 : i32 to vector<16xi32>
      %parallel_loop3A_2745 = arith.cmpi eq, %parallel_loop3A_2713, %parallel_loop3A_2744 : vector<16xi32>
      %parallel_loop3A_2746 = arith.select %parallel_loop3A_2745, %broadcast_in_dim3A_3, %parallel_loop3A_2496 : vector<16xi1>, vector<16xf32>
      %parallel_loop3A_2747 = arith.constant 1 : i32
      %parallel_loop3A_2748 = vector.broadcast %parallel_loop3A_2747 : i32 to vector<16xi32>
      %parallel_loop3A_2749 = arith.cmpi eq, %parallel_loop3A_2713, %parallel_loop3A_2748 : vector<16xi32>
      %parallel_loop3A_2750 = arith.select %parallel_loop3A_2749, %broadcast_in_dim3A_3, %parallel_loop3A_2500 : vector<16xi1>, vector<16xf32>
      %parallel_loop3A_2751 = arith.constant 2 : i32
      %parallel_loop3A_2752 = vector.broadcast %parallel_loop3A_2751 : i32 to vector<16xi32>
      %parallel_loop3A_2753 = arith.cmpi eq, %parallel_loop3A_2713, %parallel_loop3A_2752 : vector<16xi32>
      %parallel_loop3A_2754 = arith.select %parallel_loop3A_2753, %broadcast_in_dim3A_3, %parallel_loop3A_2504 : vector<16xi1>, vector<16xf32>
      %parallel_loop3A_2755 = arith.constant 3 : i32
      %parallel_loop3A_2756 = vector.broadcast %parallel_loop3A_2755 : i32 to vector<16xi32>
      %parallel_loop3A_2757 = arith.cmpi eq, %parallel_loop3A_2713, %parallel_loop3A_2756 : vector<16xi32>
      %parallel_loop3A_2758 = arith.select %parallel_loop3A_2757, %broadcast_in_dim3A_3, %parallel_loop3A_2508 : vector<16xi1>, vector<16xf32>
      %parallel_loop3A_2759 = arith.constant 4 : i32
      %parallel_loop3A_2760 = vector.broadcast %parallel_loop3A_2759 : i32 to vector<16xi32>
      %parallel_loop3A_2761 = arith.cmpi eq, %parallel_loop3A_2713, %parallel_loop3A_2760 : vector<16xi32>
      %parallel_loop3A_2762 = arith.select %parallel_loop3A_2761, %broadcast_in_dim3A_3, %parallel_loop3A_2512 : vector<16xi1>, vector<16xf32>
      %parallel_loop3A_2763 = arith.constant 5 : i32
      %parallel_loop3A_2764 = vector.broadcast %parallel_loop3A_2763 : i32 to vector<16xi32>
      %parallel_loop3A_2765 = arith.cmpi eq, %parallel_loop3A_2713, %parallel_loop3A_2764 : vector<16xi32>
      %parallel_loop3A_2766 = arith.select %parallel_loop3A_2765, %broadcast_in_dim3A_3, %parallel_loop3A_2516 : vector<16xi1>, vector<16xf32>
      %parallel_loop3A_2767 = arith.constant 6 : i32
      %parallel_loop3A_2768 = vector.broadcast %parallel_loop3A_2767 : i32 to vector<16xi32>
      %parallel_loop3A_2769 = arith.cmpi eq, %parallel_loop3A_2713, %parallel_loop3A_2768 : vector<16xi32>
      %parallel_loop3A_2770 = arith.select %parallel_loop3A_2769, %broadcast_in_dim3A_3, %parallel_loop3A_2520 : vector<16xi1>, vector<16xf32>
      %parallel_loop3A_2771 = arith.constant 7 : i32
      %parallel_loop3A_2772 = vector.broadcast %parallel_loop3A_2771 : i32 to vector<16xi32>
      %parallel_loop3A_2773 = arith.cmpi eq, %parallel_loop3A_2713, %parallel_loop3A_2772 : vector<16xi32>
      %parallel_loop3A_2774 = arith.select %parallel_loop3A_2773, %broadcast_in_dim3A_3, %parallel_loop3A_2524 : vector<16xi1>, vector<16xf32>
      %parallel_loop3A_2775 = arith.constant 8 : i32
      %parallel_loop3A_2776 = vector.broadcast %parallel_loop3A_2775 : i32 to vector<16xi32>
      %parallel_loop3A_2777 = arith.cmpi eq, %parallel_loop3A_2713, %parallel_loop3A_2776 : vector<16xi32>
      %parallel_loop3A_2778 = arith.select %parallel_loop3A_2777, %broadcast_in_dim3A_3, %parallel_loop3A_2528 : vector<16xi1>, vector<16xf32>
      %parallel_loop3A_2779 = arith.constant 9 : i32
      %parallel_loop3A_2780 = vector.broadcast %parallel_loop3A_2779 : i32 to vector<16xi32>
      %parallel_loop3A_2781 = arith.cmpi eq, %parallel_loop3A_2713, %parallel_loop3A_2780 : vector<16xi32>
      %parallel_loop3A_2782 = arith.select %parallel_loop3A_2781, %broadcast_in_dim3A_3, %parallel_loop3A_2532 : vector<16xi1>, vector<16xf32>
      %parallel_loop3A_2783 = arith.constant 10 : i32
      %parallel_loop3A_2784 = vector.broadcast %parallel_loop3A_2783 : i32 to vector<16xi32>
      %parallel_loop3A_2785 = arith.cmpi eq, %parallel_loop3A_2713, %parallel_loop3A_2784 : vector<16xi32>
      %parallel_loop3A_2786 = arith.select %parallel_loop3A_2785, %broadcast_in_dim3A_3, %parallel_loop3A_2536 : vector<16xi1>, vector<16xf32>
      %parallel_loop3A_2787 = arith.constant 11 : i32
      %parallel_loop3A_2788 = vector.broadcast %parallel_loop3A_2787 : i32 to vector<16xi32>
      %parallel_loop3A_2789 = arith.cmpi eq, %parallel_loop3A_2713, %parallel_loop3A_2788 : vector<16xi32>
      %parallel_loop3A_2790 = arith.select %parallel_loop3A_2789, %broadcast_in_dim3A_3, %parallel_loop3A_2540 : vector<16xi1>, vector<16xf32>
      %parallel_loop3A_2791 = arith.constant 12 : i32
      %parallel_loop3A_2792 = vector.broadcast %parallel_loop3A_2791 : i32 to vector<16xi32>
      %parallel_loop3A_2793 = arith.cmpi eq, %parallel_loop3A_2713, %parallel_loop3A_2792 : vector<16xi32>
      %parallel_loop3A_2794 = arith.select %parallel_loop3A_2793, %broadcast_in_dim3A_3, %parallel_loop3A_2544 : vector<16xi1>, vector<16xf32>
      %parallel_loop3A_2795 = arith.constant 13 : i32
      %parallel_loop3A_2796 = vector.broadcast %parallel_loop3A_2795 : i32 to vector<16xi32>
      %parallel_loop3A_2797 = arith.cmpi eq, %parallel_loop3A_2713, %parallel_loop3A_2796 : vector<16xi32>
      %parallel_loop3A_2798 = arith.select %parallel_loop3A_2797, %broadcast_in_dim3A_3, %parallel_loop3A_2548 : vector<16xi1>, vector<16xf32>
      %parallel_loop3A_2799 = arith.constant 14 : i32
      %parallel_loop3A_2800 = vector.broadcast %parallel_loop3A_2799 : i32 to vector<16xi32>
      %parallel_loop3A_2801 = arith.cmpi eq, %parallel_loop3A_2713, %parallel_loop3A_2800 : vector<16xi32>
      %parallel_loop3A_2802 = arith.select %parallel_loop3A_2801, %broadcast_in_dim3A_3, %parallel_loop3A_2552 : vector<16xi1>, vector<16xf32>
      %parallel_loop3A_2803 = arith.constant 15 : i32
      %parallel_loop3A_2804 = vector.broadcast %parallel_loop3A_2803 : i32 to vector<16xi32>
      %parallel_loop3A_2805 = arith.cmpi eq, %parallel_loop3A_2713, %parallel_loop3A_2804 : vector<16xi32>
      %parallel_loop3A_2806 = arith.select %parallel_loop3A_2805, %broadcast_in_dim3A_3, %parallel_loop3A_2556 : vector<16xi1>, vector<16xf32>
      %parallel_loop3A_2807 = arith.constant 16 : i32
      %parallel_loop3A_2808 = vector.broadcast %parallel_loop3A_2807 : i32 to vector<16xi32>
      %parallel_loop3A_2809 = arith.cmpi eq, %parallel_loop3A_2713, %parallel_loop3A_2808 : vector<16xi32>
      %parallel_loop3A_2810 = arith.select %parallel_loop3A_2809, %broadcast_in_dim3A_3, %parallel_loop3A_2560 : vector<16xi1>, vector<16xf32>
      %parallel_loop3A_2811 = arith.constant 17 : i32
      %parallel_loop3A_2812 = vector.broadcast %parallel_loop3A_2811 : i32 to vector<16xi32>
      %parallel_loop3A_2813 = arith.cmpi eq, %parallel_loop3A_2713, %parallel_loop3A_2812 : vector<16xi32>
      %parallel_loop3A_2814 = arith.select %parallel_loop3A_2813, %broadcast_in_dim3A_3, %parallel_loop3A_2564 : vector<16xi1>, vector<16xf32>
      %parallel_loop3A_2815 = arith.constant 18 : i32
      %parallel_loop3A_2816 = vector.broadcast %parallel_loop3A_2815 : i32 to vector<16xi32>
      %parallel_loop3A_2817 = arith.cmpi eq, %parallel_loop3A_2713, %parallel_loop3A_2816 : vector<16xi32>
      %parallel_loop3A_2818 = arith.select %parallel_loop3A_2817, %broadcast_in_dim3A_3, %parallel_loop3A_2568 : vector<16xi1>, vector<16xf32>
      %parallel_loop3A_2819 = arith.constant 19 : i32
      %parallel_loop3A_2820 = vector.broadcast %parallel_loop3A_2819 : i32 to vector<16xi32>
      %parallel_loop3A_2821 = arith.cmpi eq, %parallel_loop3A_2713, %parallel_loop3A_2820 : vector<16xi32>
      %parallel_loop3A_2822 = arith.select %parallel_loop3A_2821, %broadcast_in_dim3A_3, %parallel_loop3A_2572 : vector<16xi1>, vector<16xf32>
      %parallel_loop3A_2823 = arith.constant 20 : i32
      %parallel_loop3A_2824 = vector.broadcast %parallel_loop3A_2823 : i32 to vector<16xi32>
      %parallel_loop3A_2825 = arith.cmpi eq, %parallel_loop3A_2713, %parallel_loop3A_2824 : vector<16xi32>
      %parallel_loop3A_2826 = arith.select %parallel_loop3A_2825, %broadcast_in_dim3A_3, %parallel_loop3A_2576 : vector<16xi1>, vector<16xf32>
      %parallel_loop3A_2827 = arith.constant 21 : i32
      %parallel_loop3A_2828 = vector.broadcast %parallel_loop3A_2827 : i32 to vector<16xi32>
      %parallel_loop3A_2829 = arith.cmpi eq, %parallel_loop3A_2713, %parallel_loop3A_2828 : vector<16xi32>
      %parallel_loop3A_2830 = arith.select %parallel_loop3A_2829, %broadcast_in_dim3A_3, %parallel_loop3A_2580 : vector<16xi1>, vector<16xf32>
      %parallel_loop3A_2831 = arith.constant 22 : i32
      %parallel_loop3A_2832 = vector.broadcast %parallel_loop3A_2831 : i32 to vector<16xi32>
      %parallel_loop3A_2833 = arith.cmpi eq, %parallel_loop3A_2713, %parallel_loop3A_2832 : vector<16xi32>
      %parallel_loop3A_2834 = arith.select %parallel_loop3A_2833, %broadcast_in_dim3A_3, %parallel_loop3A_2584 : vector<16xi1>, vector<16xf32>
      %parallel_loop3A_2835 = arith.constant 23 : i32
      %parallel_loop3A_2836 = vector.broadcast %parallel_loop3A_2835 : i32 to vector<16xi32>
      %parallel_loop3A_2837 = arith.cmpi eq, %parallel_loop3A_2713, %parallel_loop3A_2836 : vector<16xi32>
      %parallel_loop3A_2838 = arith.select %parallel_loop3A_2837, %broadcast_in_dim3A_3, %parallel_loop3A_2588 : vector<16xi1>, vector<16xf32>
      %parallel_loop3A_2839 = arith.constant 24 : i32
      %parallel_loop3A_2840 = vector.broadcast %parallel_loop3A_2839 : i32 to vector<16xi32>
      %parallel_loop3A_2841 = arith.cmpi eq, %parallel_loop3A_2713, %parallel_loop3A_2840 : vector<16xi32>
      %parallel_loop3A_2842 = arith.select %parallel_loop3A_2841, %broadcast_in_dim3A_3, %parallel_loop3A_2592 : vector<16xi1>, vector<16xf32>
      %parallel_loop3A_2843 = arith.constant 25 : i32
      %parallel_loop3A_2844 = vector.broadcast %parallel_loop3A_2843 : i32 to vector<16xi32>
      %parallel_loop3A_2845 = arith.cmpi eq, %parallel_loop3A_2713, %parallel_loop3A_2844 : vector<16xi32>
      %parallel_loop3A_2846 = arith.select %parallel_loop3A_2845, %broadcast_in_dim3A_3, %parallel_loop3A_2596 : vector<16xi1>, vector<16xf32>
      %parallel_loop3A_2847 = arith.constant 26 : i32
      %parallel_loop3A_2848 = vector.broadcast %parallel_loop3A_2847 : i32 to vector<16xi32>
      %parallel_loop3A_2849 = arith.cmpi eq, %parallel_loop3A_2713, %parallel_loop3A_2848 : vector<16xi32>
      %parallel_loop3A_2850 = arith.select %parallel_loop3A_2849, %broadcast_in_dim3A_3, %parallel_loop3A_2600 : vector<16xi1>, vector<16xf32>
      %parallel_loop3A_2851 = arith.constant 27 : i32
      %parallel_loop3A_2852 = vector.broadcast %parallel_loop3A_2851 : i32 to vector<16xi32>
      %parallel_loop3A_2853 = arith.cmpi eq, %parallel_loop3A_2713, %parallel_loop3A_2852 : vector<16xi32>
      %parallel_loop3A_2854 = arith.select %parallel_loop3A_2853, %broadcast_in_dim3A_3, %parallel_loop3A_2604 : vector<16xi1>, vector<16xf32>
      %parallel_loop3A_2855 = arith.constant 28 : i32
      %parallel_loop3A_2856 = vector.broadcast %parallel_loop3A_2855 : i32 to vector<16xi32>
      %parallel_loop3A_2857 = arith.cmpi eq, %parallel_loop3A_2713, %parallel_loop3A_2856 : vector<16xi32>
      %parallel_loop3A_2858 = arith.select %parallel_loop3A_2857, %broadcast_in_dim3A_3, %parallel_loop3A_2608 : vector<16xi1>, vector<16xf32>
      %parallel_loop3A_2859 = arith.constant 29 : i32
      %parallel_loop3A_2860 = vector.broadcast %parallel_loop3A_2859 : i32 to vector<16xi32>
      %parallel_loop3A_2861 = arith.cmpi eq, %parallel_loop3A_2713, %parallel_loop3A_2860 : vector<16xi32>
      %parallel_loop3A_2862 = arith.select %parallel_loop3A_2861, %broadcast_in_dim3A_3, %parallel_loop3A_2612 : vector<16xi1>, vector<16xf32>
      %parallel_loop3A_2863 = arith.constant 30 : i32
      %parallel_loop3A_2864 = vector.broadcast %parallel_loop3A_2863 : i32 to vector<16xi32>
      %parallel_loop3A_2865 = arith.cmpi eq, %parallel_loop3A_2713, %parallel_loop3A_2864 : vector<16xi32>
      %parallel_loop3A_2866 = arith.select %parallel_loop3A_2865, %broadcast_in_dim3A_3, %parallel_loop3A_2616 : vector<16xi1>, vector<16xf32>
      %parallel_loop3A_2867 = arith.constant 31 : i32
      %parallel_loop3A_2868 = vector.broadcast %parallel_loop3A_2867 : i32 to vector<16xi32>
      %parallel_loop3A_2869 = arith.cmpi eq, %parallel_loop3A_2713, %parallel_loop3A_2868 : vector<16xi32>
      %parallel_loop3A_2870 = arith.select %parallel_loop3A_2869, %broadcast_in_dim3A_3, %parallel_loop3A_2620 : vector<16xi1>, vector<16xf32>
      %parallel_loop3A_2871 = arith.cmpf ogt, %parallel_loop3A_2750, %parallel_loop3A_2746 : vector<16xf32>
      %parallel_loop3A_2872 = arith.select %parallel_loop3A_2871, %parallel_loop3A_2750, %parallel_loop3A_2746 : vector<16xi1>, vector<16xf32>
      %parallel_loop3A_2873 = arith.select %parallel_loop3A_2871, %parallel_loop3A_1060, %parallel_loop3A_1058 : vector<16xi1>, vector<16xi32>
      %parallel_loop3A_2874 = arith.cmpf ogt, %parallel_loop3A_2758, %parallel_loop3A_2754 : vector<16xf32>
      %parallel_loop3A_2875 = arith.select %parallel_loop3A_2874, %parallel_loop3A_2758, %parallel_loop3A_2754 : vector<16xi1>, vector<16xf32>
      %parallel_loop3A_2876 = arith.select %parallel_loop3A_2874, %parallel_loop3A_1064, %parallel_loop3A_1062 : vector<16xi1>, vector<16xi32>
      %parallel_loop3A_2877 = arith.cmpf ogt, %parallel_loop3A_2766, %parallel_loop3A_2762 : vector<16xf32>
      %parallel_loop3A_2878 = arith.select %parallel_loop3A_2877, %parallel_loop3A_2766, %parallel_loop3A_2762 : vector<16xi1>, vector<16xf32>
      %parallel_loop3A_2879 = arith.select %parallel_loop3A_2877, %parallel_loop3A_1068, %parallel_loop3A_1066 : vector<16xi1>, vector<16xi32>
      %parallel_loop3A_2880 = arith.cmpf ogt, %parallel_loop3A_2774, %parallel_loop3A_2770 : vector<16xf32>
      %parallel_loop3A_2881 = arith.select %parallel_loop3A_2880, %parallel_loop3A_2774, %parallel_loop3A_2770 : vector<16xi1>, vector<16xf32>
      %parallel_loop3A_2882 = arith.select %parallel_loop3A_2880, %parallel_loop3A_1072, %parallel_loop3A_1070 : vector<16xi1>, vector<16xi32>
      %parallel_loop3A_2883 = arith.cmpf ogt, %parallel_loop3A_2782, %parallel_loop3A_2778 : vector<16xf32>
      %parallel_loop3A_2884 = arith.select %parallel_loop3A_2883, %parallel_loop3A_2782, %parallel_loop3A_2778 : vector<16xi1>, vector<16xf32>
      %parallel_loop3A_2885 = arith.select %parallel_loop3A_2883, %parallel_loop3A_1076, %parallel_loop3A_1074 : vector<16xi1>, vector<16xi32>
      %parallel_loop3A_2886 = arith.cmpf ogt, %parallel_loop3A_2790, %parallel_loop3A_2786 : vector<16xf32>
      %parallel_loop3A_2887 = arith.select %parallel_loop3A_2886, %parallel_loop3A_2790, %parallel_loop3A_2786 : vector<16xi1>, vector<16xf32>
      %parallel_loop3A_2888 = arith.select %parallel_loop3A_2886, %parallel_loop3A_1080, %parallel_loop3A_1078 : vector<16xi1>, vector<16xi32>
      %parallel_loop3A_2889 = arith.cmpf ogt, %parallel_loop3A_2798, %parallel_loop3A_2794 : vector<16xf32>
      %parallel_loop3A_2890 = arith.select %parallel_loop3A_2889, %parallel_loop3A_2798, %parallel_loop3A_2794 : vector<16xi1>, vector<16xf32>
      %parallel_loop3A_2891 = arith.select %parallel_loop3A_2889, %parallel_loop3A_1084, %parallel_loop3A_1082 : vector<16xi1>, vector<16xi32>
      %parallel_loop3A_2892 = arith.cmpf ogt, %parallel_loop3A_2806, %parallel_loop3A_2802 : vector<16xf32>
      %parallel_loop3A_2893 = arith.select %parallel_loop3A_2892, %parallel_loop3A_2806, %parallel_loop3A_2802 : vector<16xi1>, vector<16xf32>
      %parallel_loop3A_2894 = arith.select %parallel_loop3A_2892, %parallel_loop3A_1088, %parallel_loop3A_1086 : vector<16xi1>, vector<16xi32>
      %parallel_loop3A_2895 = arith.cmpf ogt, %parallel_loop3A_2814, %parallel_loop3A_2810 : vector<16xf32>
      %parallel_loop3A_2896 = arith.select %parallel_loop3A_2895, %parallel_loop3A_2814, %parallel_loop3A_2810 : vector<16xi1>, vector<16xf32>
      %parallel_loop3A_2897 = arith.select %parallel_loop3A_2895, %parallel_loop3A_1092, %parallel_loop3A_1090 : vector<16xi1>, vector<16xi32>
      %parallel_loop3A_2898 = arith.cmpf ogt, %parallel_loop3A_2822, %parallel_loop3A_2818 : vector<16xf32>
      %parallel_loop3A_2899 = arith.select %parallel_loop3A_2898, %parallel_loop3A_2822, %parallel_loop3A_2818 : vector<16xi1>, vector<16xf32>
      %parallel_loop3A_2900 = arith.select %parallel_loop3A_2898, %parallel_loop3A_1096, %parallel_loop3A_1094 : vector<16xi1>, vector<16xi32>
      %parallel_loop3A_2901 = arith.cmpf ogt, %parallel_loop3A_2830, %parallel_loop3A_2826 : vector<16xf32>
      %parallel_loop3A_2902 = arith.select %parallel_loop3A_2901, %parallel_loop3A_2830, %parallel_loop3A_2826 : vector<16xi1>, vector<16xf32>
      %parallel_loop3A_2903 = arith.select %parallel_loop3A_2901, %parallel_loop3A_1100, %parallel_loop3A_1098 : vector<16xi1>, vector<16xi32>
      %parallel_loop3A_2904 = arith.cmpf ogt, %parallel_loop3A_2838, %parallel_loop3A_2834 : vector<16xf32>
      %parallel_loop3A_2905 = arith.select %parallel_loop3A_2904, %parallel_loop3A_2838, %parallel_loop3A_2834 : vector<16xi1>, vector<16xf32>
      %parallel_loop3A_2906 = arith.select %parallel_loop3A_2904, %parallel_loop3A_1104, %parallel_loop3A_1102 : vector<16xi1>, vector<16xi32>
      %parallel_loop3A_2907 = arith.cmpf ogt, %parallel_loop3A_2846, %parallel_loop3A_2842 : vector<16xf32>
      %parallel_loop3A_2908 = arith.select %parallel_loop3A_2907, %parallel_loop3A_2846, %parallel_loop3A_2842 : vector<16xi1>, vector<16xf32>
      %parallel_loop3A_2909 = arith.select %parallel_loop3A_2907, %parallel_loop3A_1108, %parallel_loop3A_1106 : vector<16xi1>, vector<16xi32>
      %parallel_loop3A_2910 = arith.cmpf ogt, %parallel_loop3A_2854, %parallel_loop3A_2850 : vector<16xf32>
      %parallel_loop3A_2911 = arith.select %parallel_loop3A_2910, %parallel_loop3A_2854, %parallel_loop3A_2850 : vector<16xi1>, vector<16xf32>
      %parallel_loop3A_2912 = arith.select %parallel_loop3A_2910, %parallel_loop3A_1112, %parallel_loop3A_1110 : vector<16xi1>, vector<16xi32>
      %parallel_loop3A_2913 = arith.cmpf ogt, %parallel_loop3A_2862, %parallel_loop3A_2858 : vector<16xf32>
      %parallel_loop3A_2914 = arith.select %parallel_loop3A_2913, %parallel_loop3A_2862, %parallel_loop3A_2858 : vector<16xi1>, vector<16xf32>
      %parallel_loop3A_2915 = arith.select %parallel_loop3A_2913, %parallel_loop3A_1116, %parallel_loop3A_1114 : vector<16xi1>, vector<16xi32>
      %parallel_loop3A_2916 = arith.cmpf ogt, %parallel_loop3A_2870, %parallel_loop3A_2866 : vector<16xf32>
      %parallel_loop3A_2917 = arith.select %parallel_loop3A_2916, %parallel_loop3A_2870, %parallel_loop3A_2866 : vector<16xi1>, vector<16xf32>
      %parallel_loop3A_2918 = arith.select %parallel_loop3A_2916, %parallel_loop3A_1120, %parallel_loop3A_1118 : vector<16xi1>, vector<16xi32>
      %parallel_loop3A_2919 = arith.cmpf ogt, %parallel_loop3A_2875, %parallel_loop3A_2872 : vector<16xf32>
      %parallel_loop3A_2920 = arith.select %parallel_loop3A_2919, %parallel_loop3A_2875, %parallel_loop3A_2872 : vector<16xi1>, vector<16xf32>
      %parallel_loop3A_2921 = arith.select %parallel_loop3A_2919, %parallel_loop3A_2876, %parallel_loop3A_2873 : vector<16xi1>, vector<16xi32>
      %parallel_loop3A_2922 = arith.cmpf ogt, %parallel_loop3A_2881, %parallel_loop3A_2878 : vector<16xf32>
      %parallel_loop3A_2923 = arith.select %parallel_loop3A_2922, %parallel_loop3A_2881, %parallel_loop3A_2878 : vector<16xi1>, vector<16xf32>
      %parallel_loop3A_2924 = arith.select %parallel_loop3A_2922, %parallel_loop3A_2882, %parallel_loop3A_2879 : vector<16xi1>, vector<16xi32>
      %parallel_loop3A_2925 = arith.cmpf ogt, %parallel_loop3A_2887, %parallel_loop3A_2884 : vector<16xf32>
      %parallel_loop3A_2926 = arith.select %parallel_loop3A_2925, %parallel_loop3A_2887, %parallel_loop3A_2884 : vector<16xi1>, vector<16xf32>
      %parallel_loop3A_2927 = arith.select %parallel_loop3A_2925, %parallel_loop3A_2888, %parallel_loop3A_2885 : vector<16xi1>, vector<16xi32>
      %parallel_loop3A_2928 = arith.cmpf ogt, %parallel_loop3A_2893, %parallel_loop3A_2890 : vector<16xf32>
      %parallel_loop3A_2929 = arith.select %parallel_loop3A_2928, %parallel_loop3A_2893, %parallel_loop3A_2890 : vector<16xi1>, vector<16xf32>
      %parallel_loop3A_2930 = arith.select %parallel_loop3A_2928, %parallel_loop3A_2894, %parallel_loop3A_2891 : vector<16xi1>, vector<16xi32>
      %parallel_loop3A_2931 = arith.cmpf ogt, %parallel_loop3A_2899, %parallel_loop3A_2896 : vector<16xf32>
      %parallel_loop3A_2932 = arith.select %parallel_loop3A_2931, %parallel_loop3A_2899, %parallel_loop3A_2896 : vector<16xi1>, vector<16xf32>
      %parallel_loop3A_2933 = arith.select %parallel_loop3A_2931, %parallel_loop3A_2900, %parallel_loop3A_2897 : vector<16xi1>, vector<16xi32>
      %parallel_loop3A_2934 = arith.cmpf ogt, %parallel_loop3A_2905, %parallel_loop3A_2902 : vector<16xf32>
      %parallel_loop3A_2935 = arith.select %parallel_loop3A_2934, %parallel_loop3A_2905, %parallel_loop3A_2902 : vector<16xi1>, vector<16xf32>
      %parallel_loop3A_2936 = arith.select %parallel_loop3A_2934, %parallel_loop3A_2906, %parallel_loop3A_2903 : vector<16xi1>, vector<16xi32>
      %parallel_loop3A_2937 = arith.cmpf ogt, %parallel_loop3A_2911, %parallel_loop3A_2908 : vector<16xf32>
      %parallel_loop3A_2938 = arith.select %parallel_loop3A_2937, %parallel_loop3A_2911, %parallel_loop3A_2908 : vector<16xi1>, vector<16xf32>
      %parallel_loop3A_2939 = arith.select %parallel_loop3A_2937, %parallel_loop3A_2912, %parallel_loop3A_2909 : vector<16xi1>, vector<16xi32>
      %parallel_loop3A_2940 = arith.cmpf ogt, %parallel_loop3A_2917, %parallel_loop3A_2914 : vector<16xf32>
      %parallel_loop3A_2941 = arith.select %parallel_loop3A_2940, %parallel_loop3A_2917, %parallel_loop3A_2914 : vector<16xi1>, vector<16xf32>
      %parallel_loop3A_2942 = arith.select %parallel_loop3A_2940, %parallel_loop3A_2918, %parallel_loop3A_2915 : vector<16xi1>, vector<16xi32>
      %parallel_loop3A_2943 = arith.cmpf ogt, %parallel_loop3A_2923, %parallel_loop3A_2920 : vector<16xf32>
      %parallel_loop3A_2944 = arith.select %parallel_loop3A_2943, %parallel_loop3A_2923, %parallel_loop3A_2920 : vector<16xi1>, vector<16xf32>
      %parallel_loop3A_2945 = arith.select %parallel_loop3A_2943, %parallel_loop3A_2924, %parallel_loop3A_2921 : vector<16xi1>, vector<16xi32>
      %parallel_loop3A_2946 = arith.cmpf ogt, %parallel_loop3A_2929, %parallel_loop3A_2926 : vector<16xf32>
      %parallel_loop3A_2947 = arith.select %parallel_loop3A_2946, %parallel_loop3A_2929, %parallel_loop3A_2926 : vector<16xi1>, vector<16xf32>
      %parallel_loop3A_2948 = arith.select %parallel_loop3A_2946, %parallel_loop3A_2930, %parallel_loop3A_2927 : vector<16xi1>, vector<16xi32>
      %parallel_loop3A_2949 = arith.cmpf ogt, %parallel_loop3A_2935, %parallel_loop3A_2932 : vector<16xf32>
      %parallel_loop3A_2950 = arith.select %parallel_loop3A_2949, %parallel_loop3A_2935, %parallel_loop3A_2932 : vector<16xi1>, vector<16xf32>
      %parallel_loop3A_2951 = arith.select %parallel_loop3A_2949, %parallel_loop3A_2936, %parallel_loop3A_2933 : vector<16xi1>, vector<16xi32>
      %parallel_loop3A_2952 = arith.cmpf ogt, %parallel_loop3A_2941, %parallel_loop3A_2938 : vector<16xf32>
      %parallel_loop3A_2953 = arith.select %parallel_loop3A_2952, %parallel_loop3A_2941, %parallel_loop3A_2938 : vector<16xi1>, vector<16xf32>
      %parallel_loop3A_2954 = arith.select %parallel_loop3A_2952, %parallel_loop3A_2942, %parallel_loop3A_2939 : vector<16xi1>, vector<16xi32>
      %parallel_loop3A_2955 = arith.cmpf ogt, %parallel_loop3A_2947, %parallel_loop3A_2944 : vector<16xf32>
      %parallel_loop3A_2956 = arith.select %parallel_loop3A_2955, %parallel_loop3A_2947, %parallel_loop3A_2944 : vector<16xi1>, vector<16xf32>
      %parallel_loop3A_2957 = arith.select %parallel_loop3A_2955, %parallel_loop3A_2948, %parallel_loop3A_2945 : vector<16xi1>, vector<16xi32>
      %parallel_loop3A_2958 = arith.cmpf ogt, %parallel_loop3A_2953, %parallel_loop3A_2950 : vector<16xf32>
      %parallel_loop3A_2959 = arith.select %parallel_loop3A_2958, %parallel_loop3A_2953, %parallel_loop3A_2950 : vector<16xi1>, vector<16xf32>
      %parallel_loop3A_2960 = arith.select %parallel_loop3A_2958, %parallel_loop3A_2954, %parallel_loop3A_2951 : vector<16xi1>, vector<16xi32>
      %parallel_loop3A_2961 = arith.cmpf ogt, %parallel_loop3A_2959, %parallel_loop3A_2956 : vector<16xf32>
      %parallel_loop3A_2962 = arith.select %parallel_loop3A_2961, %parallel_loop3A_2959, %parallel_loop3A_2956 : vector<16xi1>, vector<16xf32>
      %parallel_loop3A_2963 = arith.select %parallel_loop3A_2961, %parallel_loop3A_2960, %parallel_loop3A_2957 : vector<16xi1>, vector<16xi32>
      %parallel_loop3A_2964 = arith.constant 3 : i32
      %parallel_loop3A_2965 = vector.broadcast %parallel_loop3A_2964 : i32 to vector<16xi32>
      %parallel_loop3A_2966 = arith.shrsi %parallel_loop3A_2963, %parallel_loop3A_2965 : vector<16xi32>
      %parallel_loop3A_2967 = arith.constant 0 : i32
      %parallel_loop3A_2968 = vector.broadcast %parallel_loop3A_2967 : i32 to vector<16xi32>
      %parallel_loop3A_2969 = arith.cmpi eq, %parallel_loop3A_2966, %parallel_loop3A_2968 : vector<16xi32>
      %parallel_loop3A_2970 = arith.constant 1 : i32
      %parallel_loop3A_2971 = vector.broadcast %parallel_loop3A_2970 : i32 to vector<16xi32>
      %parallel_loop3A_2972 = arith.cmpi eq, %parallel_loop3A_2966, %parallel_loop3A_2971 : vector<16xi32>
      %parallel_loop3A_2973 = arith.constant 2 : i32
      %parallel_loop3A_2974 = vector.broadcast %parallel_loop3A_2973 : i32 to vector<16xi32>
      %parallel_loop3A_2975 = arith.cmpi eq, %parallel_loop3A_2966, %parallel_loop3A_2974 : vector<16xi32>
      %parallel_loop3A_2976 = arith.select %parallel_loop3A_2975, %parallel_loop3A_859, %parallel_loop3A_928 : vector<16xi1>, vector<16xi32>
      %parallel_loop3A_2977 = arith.select %parallel_loop3A_2972, %parallel_loop3A_790, %parallel_loop3A_2976 : vector<16xi1>, vector<16xi32>
      %parallel_loop3A_2978 = arith.select %parallel_loop3A_2969, %parallel_loop3A_721, %parallel_loop3A_2977 : vector<16xi1>, vector<16xi32>
      %parallel_loop3A_2979 = arith.constant 8 : i32
      %parallel_loop3A_2980 = vector.broadcast %parallel_loop3A_2979 : i32 to vector<16xi32>
      %parallel_loop3A_2981 = arith.muli %parallel_loop3A_2978, %parallel_loop3A_2980 : vector<16xi32>
      %parallel_loop3A_2982 = arith.constant 7 : i32
      %parallel_loop3A_2983 = vector.broadcast %parallel_loop3A_2982 : i32 to vector<16xi32>
      %parallel_loop3A_2984 = arith.andi %parallel_loop3A_2963, %parallel_loop3A_2983 : vector<16xi32>
      %parallel_loop3A_2985 = arith.addi %parallel_loop3A_2981, %parallel_loop3A_2984 : vector<16xi32>
      %parallel_loop3A_2986 = tpu.vector_load_idx %arg7[%parallel_loop3A_2985] : memref<64xf32, #tpu.memory_space<vmem>>[vector<16xi32>], vector<16xf32>,
      %parallel_loop3A_2987 = arith.constant 7 : i32
      %parallel_loop3A_2988 = arith.index_cast %parallel_loop3A_36 : i32 to index
      %parallel_loop3A_2989 = arith.index_cast %parallel_loop3A_2987 : i32 to index
      %parallel_loop3A_2990 = arith.index_cast %parallel_loop3A_54 : i32 to index
      %parallel_loop3A_2991 = tpu.vector_load %arg9[%parallel_loop3A_2988, %parallel_loop3A_2989, %parallel_loop3A_2990] {strides = array<i32>} : memref<4x8x128xi32, #tpu.memory_space<vmem>>, vector<16xi32>,
      tpu.vector_store %arg9[%parallel_loop3A_2988, %parallel_loop3A_2989, %parallel_loop3A_2990], %parallel_loop3A_2985 {strides = array<i32>} : memref<4x8x128xi32, #tpu.memory_space<vmem>>, vector<16xi32>,
      %parallel_loop3A_2992 = arith.subf %parallel_loop3A_2962, %parallel_loop3A_2986 : vector<16xf32>
      %parallel_loop3A_2993 = arith.addf %parallel_loop3A_1242, %parallel_loop3A_1492 : vector<16xf32>
      %parallel_loop3A_2994 = arith.addf %parallel_loop3A_1742, %parallel_loop3A_1992 : vector<16xf32>
      %parallel_loop3A_2995 = arith.addf %parallel_loop3A_2993, %parallel_loop3A_2994 : vector<16xf32>
      %parallel_loop3A_2996 = arith.addf %parallel_loop3A_2242, %parallel_loop3A_2492 : vector<16xf32>
      %parallel_loop3A_2997 = arith.addf %parallel_loop3A_2742, %parallel_loop3A_2992 : vector<16xf32>
      %parallel_loop3A_2998 = arith.addf %parallel_loop3A_2996, %parallel_loop3A_2997 : vector<16xf32>
      %parallel_loop3A_2999 = arith.addf %parallel_loop3A_2995, %parallel_loop3A_2998 : vector<16xf32>
      %parallel_loop3A_3000 = arith.constant 9.99999968E-21 : f32
      %parallel_loop3A_3001 = vector.broadcast %parallel_loop3A_3000 : f32 to vector<16xf32>
      %parallel_loop3A_3002 = arith.addf %parallel_loop3A_2999, %parallel_loop3A_3001 : vector<16xf32>
      %parallel_loop3A_3003 = arith.constant 2.500000e+00 : f32
      %parallel_loop3A_3004 = vector.broadcast %parallel_loop3A_3003 : f32 to vector<16xf32>
      %parallel_loop3A_3005 = arith.divf %parallel_loop3A_3004, %parallel_loop3A_3002 : vector<16xf32>
      %parallel_loop3A_3006 = arith.mulf %parallel_loop3A_1242, %parallel_loop3A_3005 : vector<16xf32>
      %parallel_loop3A_3007 = arith.constant 0 : i32
      %parallel_loop3A_3008 = arith.index_cast %parallel_loop3A_36 : i32 to index
      %parallel_loop3A_3009 = arith.index_cast %parallel_loop3A_3007 : i32 to index
      %parallel_loop3A_3010 = arith.index_cast %parallel_loop3A_54 : i32 to index
      %parallel_loop3A_3011 = tpu.vector_load %arg8[%parallel_loop3A_3008, %parallel_loop3A_3009, %parallel_loop3A_3010] {strides = array<i32>} : memref<4x8x128xf32, #tpu.memory_space<vmem>>, vector<16xf32>,
      tpu.vector_store %arg8[%parallel_loop3A_3008, %parallel_loop3A_3009, %parallel_loop3A_3010], %parallel_loop3A_3006 {strides = array<i32>} : memref<4x8x128xf32, #tpu.memory_space<vmem>>, vector<16xf32>,
      %parallel_loop3A_3012 = arith.mulf %parallel_loop3A_1492, %parallel_loop3A_3005 : vector<16xf32>
      %parallel_loop3A_3013 = arith.constant 1 : i32
      %parallel_loop3A_3014 = arith.index_cast %parallel_loop3A_36 : i32 to index
      %parallel_loop3A_3015 = arith.index_cast %parallel_loop3A_3013 : i32 to index
      %parallel_loop3A_3016 = arith.index_cast %parallel_loop3A_54 : i32 to index
      %parallel_loop3A_3017 = tpu.vector_load %arg8[%parallel_loop3A_3014, %parallel_loop3A_3015, %parallel_loop3A_3016] {strides = array<i32>} : memref<4x8x128xf32, #tpu.memory_space<vmem>>, vector<16xf32>,
      tpu.vector_store %arg8[%parallel_loop3A_3014, %parallel_loop3A_3015, %parallel_loop3A_3016], %parallel_loop3A_3012 {strides = array<i32>} : memref<4x8x128xf32, #tpu.memory_space<vmem>>, vector<16xf32>,
      %parallel_loop3A_3018 = arith.mulf %parallel_loop3A_1742, %parallel_loop3A_3005 : vector<16xf32>
      %parallel_loop3A_3019 = arith.constant 2 : i32
      %parallel_loop3A_3020 = arith.index_cast %parallel_loop3A_36 : i32 to index
      %parallel_loop3A_3021 = arith.index_cast %parallel_loop3A_3019 : i32 to index
      %parallel_loop3A_3022 = arith.index_cast %parallel_loop3A_54 : i32 to index
      %parallel_loop3A_3023 = tpu.vector_load %arg8[%parallel_loop3A_3020, %parallel_loop3A_3021, %parallel_loop3A_3022] {strides = array<i32>} : memref<4x8x128xf32, #tpu.memory_space<vmem>>, vector<16xf32>,
      tpu.vector_store %arg8[%parallel_loop3A_3020, %parallel_loop3A_3021, %parallel_loop3A_3022], %parallel_loop3A_3018 {strides = array<i32>} : memref<4x8x128xf32, #tpu.memory_space<vmem>>, vector<16xf32>,
      %parallel_loop3A_3024 = arith.mulf %parallel_loop3A_1992, %parallel_loop3A_3005 : vector<16xf32>
      %parallel_loop3A_3025 = arith.constant 3 : i32
      %parallel_loop3A_3026 = arith.index_cast %parallel_loop3A_36 : i32 to index
      %parallel_loop3A_3027 = arith.index_cast %parallel_loop3A_3025 : i32 to index
      %parallel_loop3A_3028 = arith.index_cast %parallel_loop3A_54 : i32 to index
      %parallel_loop3A_3029 = tpu.vector_load %arg8[%parallel_loop3A_3026, %parallel_loop3A_3027, %parallel_loop3A_3028] {strides = array<i32>} : memref<4x8x128xf32, #tpu.memory_space<vmem>>, vector<16xf32>,
      tpu.vector_store %arg8[%parallel_loop3A_3026, %parallel_loop3A_3027, %parallel_loop3A_3028], %parallel_loop3A_3024 {strides = array<i32>} : memref<4x8x128xf32, #tpu.memory_space<vmem>>, vector<16xf32>,
      %parallel_loop3A_3030 = arith.mulf %parallel_loop3A_2242, %parallel_loop3A_3005 : vector<16xf32>
      %parallel_loop3A_3031 = arith.constant 4 : i32
      %parallel_loop3A_3032 = arith.index_cast %parallel_loop3A_36 : i32 to index
      %parallel_loop3A_3033 = arith.index_cast %parallel_loop3A_3031 : i32 to index
      %parallel_loop3A_3034 = arith.index_cast %parallel_loop3A_54 : i32 to index
      %parallel_loop3A_3035 = tpu.vector_load %arg8[%parallel_loop3A_3032, %parallel_loop3A_3033, %parallel_loop3A_3034] {strides = array<i32>} : memref<4x8x128xf32, #tpu.memory_space<vmem>>, vector<16xf32>,
      tpu.vector_store %arg8[%parallel_loop3A_3032, %parallel_loop3A_3033, %parallel_loop3A_3034], %parallel_loop3A_3030 {strides = array<i32>} : memref<4x8x128xf32, #tpu.memory_space<vmem>>, vector<16xf32>,
      %parallel_loop3A_3036 = arith.mulf %parallel_loop3A_2492, %parallel_loop3A_3005 : vector<16xf32>
      %parallel_loop3A_3037 = arith.constant 5 : i32
      %parallel_loop3A_3038 = arith.index_cast %parallel_loop3A_36 : i32 to index
      %parallel_loop3A_3039 = arith.index_cast %parallel_loop3A_3037 : i32 to index
      %parallel_loop3A_3040 = arith.index_cast %parallel_loop3A_54 : i32 to index
      %parallel_loop3A_3041 = tpu.vector_load %arg8[%parallel_loop3A_3038, %parallel_loop3A_3039, %parallel_loop3A_3040] {strides = array<i32>} : memref<4x8x128xf32, #tpu.memory_space<vmem>>, vector<16xf32>,
      tpu.vector_store %arg8[%parallel_loop3A_3038, %parallel_loop3A_3039, %parallel_loop3A_3040], %parallel_loop3A_3036 {strides = array<i32>} : memref<4x8x128xf32, #tpu.memory_space<vmem>>, vector<16xf32>,
      %parallel_loop3A_3042 = arith.mulf %parallel_loop3A_2742, %parallel_loop3A_3005 : vector<16xf32>
      %parallel_loop3A_3043 = arith.constant 6 : i32
      %parallel_loop3A_3044 = arith.index_cast %parallel_loop3A_36 : i32 to index
      %parallel_loop3A_3045 = arith.index_cast %parallel_loop3A_3043 : i32 to index
      %parallel_loop3A_3046 = arith.index_cast %parallel_loop3A_54 : i32 to index
      %parallel_loop3A_3047 = tpu.vector_load %arg8[%parallel_loop3A_3044, %parallel_loop3A_3045, %parallel_loop3A_3046] {strides = array<i32>} : memref<4x8x128xf32, #tpu.memory_space<vmem>>, vector<16xf32>,
      tpu.vector_store %arg8[%parallel_loop3A_3044, %parallel_loop3A_3045, %parallel_loop3A_3046], %parallel_loop3A_3042 {strides = array<i32>} : memref<4x8x128xf32, #tpu.memory_space<vmem>>, vector<16xf32>,
      %parallel_loop3A_3048 = arith.mulf %parallel_loop3A_2992, %parallel_loop3A_3005 : vector<16xf32>
      %parallel_loop3A_3049 = arith.constant 7 : i32
      %parallel_loop3A_3050 = arith.index_cast %parallel_loop3A_36 : i32 to index
      %parallel_loop3A_3051 = arith.index_cast %parallel_loop3A_3049 : i32 to index
      %parallel_loop3A_3052 = arith.index_cast %parallel_loop3A_54 : i32 to index
      %parallel_loop3A_3053 = tpu.vector_load %arg8[%parallel_loop3A_3050, %parallel_loop3A_3051, %parallel_loop3A_3052] {strides = array<i32>} : memref<4x8x128xf32, #tpu.memory_space<vmem>>, vector<16xf32>,
      tpu.vector_store %arg8[%parallel_loop3A_3050, %parallel_loop3A_3051, %parallel_loop3A_3052], %parallel_loop3A_3048 {strides = array<i32>} : memref<4x8x128xf32, #tpu.memory_space<vmem>>, vector<16xf32>,
    } {sc.loop_unroll_factor = 2 : i64, sc.parallel_access}
    %mul3A_6 = arith.constant 4 : i32
    %mul3A_7 = arith.muli %add3A, %mul3A_6 : i32
    "tpu.region"() ({
      %run_scoped3A = tpu.sem_alloc : memref<!tpu.dma_semaphore, #tpu.memory_space<semaphore_mem>>
      %dma_start3A = arith.constant 0 : i32
      %dma_start3A_10 = arith.constant 0 : i32
      %dma_start3A_11 = tpu.memref_slice %arg4[%mul3A_7, %dma_start3A, %dma_start3A_10] : memref<128x8x128xi32, #tpu.memory_space<hbm>> -> memref<4x8x128xi32, #tpu.memory_space<hbm>>
      %dma_start3A_12 = arith.constant 0 : i32
      %dma_start3A_13 = arith.constant 0 : i32
      %dma_start3A_14 = tpu.memref_slice %arg4[%mul3A_7, %dma_start3A_12, %dma_start3A_13] : memref<128x8x128xi32, #tpu.memory_space<hbm>> -> memref<4x8x128xi32, #tpu.memory_space<hbm>>
      tpu.enqueue_dma source(%arg9 : memref<4x8x128xi32, #tpu.memory_space<vmem>>) target(%dma_start3A_14 : memref<4x8x128xi32, #tpu.memory_space<hbm>>) target_semaphore(%run_scoped3A : memref<!tpu.dma_semaphore, #tpu.memory_space<semaphore_mem>>)
      %dma_wait3A = arith.constant 0 : i32
      %dma_wait3A_15 = arith.constant 0 : i32
      %dma_wait3A_16 = tpu.memref_slice %arg4[%mul3A_7, %dma_wait3A, %dma_wait3A_15] : memref<128x8x128xi32, #tpu.memory_space<hbm>> -> memref<4x8x128xi32, #tpu.memory_space<hbm>>
      %dma_wait3A_17 = arith.constant 0 : i32
      %dma_wait3A_18 = arith.constant 0 : i32
      %dma_wait3A_19 = tpu.memref_slice %arg4[%mul3A_7, %dma_wait3A_17, %dma_wait3A_18] : memref<128x8x128xi32, #tpu.memory_space<hbm>> -> memref<4x8x128xi32, #tpu.memory_space<hbm>>
      tpu.wait_dma2 semaphore(%run_scoped3A : memref<!tpu.dma_semaphore, #tpu.memory_space<semaphore_mem>>) src(%arg9 : memref<4x8x128xi32, #tpu.memory_space<vmem>>) dst(%dma_wait3A_19 : memref<4x8x128xi32, #tpu.memory_space<hbm>>)
      tpu.yield
    }) : () -> ()
    %mul3A_8 = arith.constant 4 : i32
    %mul3A_9 = arith.muli %add3A, %mul3A_8 : i32
    "tpu.region"() ({
      %run_scoped3A = tpu.sem_alloc : memref<!tpu.dma_semaphore, #tpu.memory_space<semaphore_mem>>
      %dma_start3A = arith.constant 0 : i32
      %dma_start3A_10 = arith.constant 0 : i32
      %dma_start3A_11 = tpu.memref_slice %arg5[%mul3A_9, %dma_start3A, %dma_start3A_10] : memref<128x8x128xf32, #tpu.memory_space<hbm>> -> memref<4x8x128xf32, #tpu.memory_space<hbm>>
      %dma_start3A_12 = arith.constant 0 : i32
      %dma_start3A_13 = arith.constant 0 : i32
      %dma_start3A_14 = tpu.memref_slice %arg5[%mul3A_9, %dma_start3A_12, %dma_start3A_13] : memref<128x8x128xf32, #tpu.memory_space<hbm>> -> memref<4x8x128xf32, #tpu.memory_space<hbm>>
      tpu.enqueue_dma source(%arg8 : memref<4x8x128xf32, #tpu.memory_space<vmem>>) target(%dma_start3A_14 : memref<4x8x128xf32, #tpu.memory_space<hbm>>) target_semaphore(%run_scoped3A : memref<!tpu.dma_semaphore, #tpu.memory_space<semaphore_mem>>)
      %dma_wait3A = arith.constant 0 : i32
      %dma_wait3A_15 = arith.constant 0 : i32
      %dma_wait3A_16 = tpu.memref_slice %arg5[%mul3A_9, %dma_wait3A, %dma_wait3A_15] : memref<128x8x128xf32, #tpu.memory_space<hbm>> -> memref<4x8x128xf32, #tpu.memory_space<hbm>>
      %dma_wait3A_17 = arith.constant 0 : i32
      %dma_wait3A_18 = arith.constant 0 : i32
      %dma_wait3A_19 = tpu.memref_slice %arg5[%mul3A_9, %dma_wait3A_17, %dma_wait3A_18] : memref<128x8x128xf32, #tpu.memory_space<hbm>> -> memref<4x8x128xf32, #tpu.memory_space<hbm>>
      tpu.wait_dma2 semaphore(%run_scoped3A : memref<!tpu.dma_semaphore, #tpu.memory_space<semaphore_mem>>) src(%arg8 : memref<4x8x128xf32, #tpu.memory_space<vmem>>) dst(%dma_wait3A_19 : memref<4x8x128xf32, #tpu.memory_space<hbm>>)
      tpu.yield
    }) : () -> ()
    return
  }
}

module attributes {stable_mosaic.version = 14 : i64} {
  func.func @_tc_scores_body(%arg0: i32, %arg1: memref<512x4096xf32, #tpu.memory_space<vmem>>, %arg2: memref<64x4096xf32, #tpu.memory_space<vmem>>, %arg3: memref<64x1xf32, #tpu.memory_space<vmem>>, %arg4: memref<1x8x4x8x128xf32, #tpu.memory_space<vmem>>) attributes {dimension_semantics = [#tpu.dimension_semantics<arbitrary>], iteration_bounds = array<i64: 32>, scalar_prefetch = 0 : i64, scratch_operands = 0 : i64, tpu.core_type = #tpu.core_type<tc>, window_params = [{transform_indices = @transform_0, window_bounds = array<i64: 512, 4096>}, {pipeline_mode = #tpu.pipeline_mode<synchronous>, transform_indices = @transform_1, window_bounds = array<i64: 64, 4096>}, {pipeline_mode = #tpu.pipeline_mode<synchronous>, transform_indices = @transform_2, window_bounds = array<i64: 64, 1>}, {transform_indices = @transform_3, window_bounds = array<i64: 1, 8, 4, 8, 128>}]} {
    %get3A = arith.constant 0 : index
    %get3A_0 = arith.constant 0 : index
    %get3A_1 = vector.load %arg2[%get3A, %get3A_0] : memref<64x4096xf32, #tpu.memory_space<vmem>>, vector<64x4096xf32>
    %get3A_2 = arith.constant 0 : index
    %get3A_3 = arith.constant 0 : index
    %get3A_4 = vector.load %arg1[%get3A_2, %get3A_3] : memref<512x4096xf32, #tpu.memory_space<vmem>>, vector<512x4096xf32>
    %dot_general3A = arith.constant dense<0.000000e+00> : vector<64x512xf32>
    %dot_general3A_5 = tpu.matmul %get3A_1, %get3A_4, %dot_general3A {dimension_numbers = #tpu.dot_dimension_numbers<[1], [1], [0], [0], [0, 0, 1, 0], [], []>, transpose_lhs_hint = false} : vector<64x4096xf32>, vector<512x4096xf32>, vector<64x512xf32> -> vector<64x512xf32>
    %neg3A = arith.constant 0.000000e+00 : f32
    %neg3A_6 = vector.broadcast %neg3A : f32 to vector<64x512xf32>
    %neg3A_7 = arith.subf %neg3A_6, %dot_general3A_5 : vector<64x512xf32>
    %exp3A = math.exp %neg3A_7 : vector<64x512xf32>
    %add3A = arith.constant 1.000000e+00 : f32
    %add3A_8 = vector.broadcast %add3A : f32 to vector<64x512xf32>
    %add3A_9 = arith.addf %add3A_8, %exp3A : vector<64x512xf32>
    %div3A = arith.constant 1.000000e+00 : f32
    %div3A_10 = vector.broadcast %div3A : f32 to vector<64x512xf32>
    %div3A_11 = arith.divf %div3A_10, %add3A_9 : vector<64x512xf32>
    %get3A_12 = arith.constant 0 : index
    %get3A_13 = arith.constant 0 : index
    %get3A_14 = vector.load %arg3[%get3A_12, %get3A_13] : memref<64x1xf32, #tpu.memory_space<vmem>>, vector<64x1xf32>
    %add3A_15 = vector.broadcast %get3A_14 : vector<64x1xf32> to vector<64x512xf32>
    %add3A_16 = arith.addf %div3A_11, %add3A_15 : vector<64x512xf32>
    %slice3A = vector.extract_strided_slice %add3A_16 {offsets = [0, 0], sizes = [64, 128], strides = [1, 1]} : vector<64x512xf32> to vector<64x128xf32>
    %reshape3A = vector.shape_cast %slice3A : vector<64x128xf32> to vector<8x8x128xf32>
    %swap3A = arith.constant 0 : index
    %swap3A_17 = arith.constant 0 : index
    %swap3A_18 = arith.constant 0 : index
    %swap3A_19 = arith.constant 0 : index
    %swap3A_20 = arith.constant 0 : index
    %swap3A_21 = vector.load %arg4[%swap3A, %swap3A_17, %swap3A_18, %swap3A_19, %swap3A_20] : memref<1x8x4x8x128xf32, #tpu.memory_space<vmem>>, vector<1x8x1x8x128xf32>
    %swap3A_22 = vector.shape_cast %swap3A_21 : vector<1x8x1x8x128xf32> to vector<8x8x128xf32>
    %swap3A_23 = vector.shape_cast %reshape3A : vector<8x8x128xf32> to vector<1x8x1x8x128xf32>
    tpu.vector_store %arg4[%swap3A, %swap3A_17, %swap3A_18, %swap3A_19, %swap3A_20], %swap3A_23 {strides = array<i32>} : memref<1x8x4x8x128xf32, #tpu.memory_space<vmem>>, vector<1x8x1x8x128xf32>,
    %slice3A_24 = vector.extract_strided_slice %add3A_16 {offsets = [0, 128], sizes = [64, 128], strides = [1, 1]} : vector<64x512xf32> to vector<64x128xf32>
    %reshape3A_25 = vector.shape_cast %slice3A_24 : vector<64x128xf32> to vector<8x8x128xf32>
    %swap3A_26 = arith.constant 0 : index
    %swap3A_27 = arith.constant 0 : index
    %swap3A_28 = arith.constant 1 : index
    %swap3A_29 = arith.constant 0 : index
    %swap3A_30 = arith.constant 0 : index
    %swap3A_31 = vector.load %arg4[%swap3A_26, %swap3A_27, %swap3A_28, %swap3A_29, %swap3A_30] : memref<1x8x4x8x128xf32, #tpu.memory_space<vmem>>, vector<1x8x1x8x128xf32>
    %swap3A_32 = vector.shape_cast %swap3A_31 : vector<1x8x1x8x128xf32> to vector<8x8x128xf32>
    %swap3A_33 = vector.shape_cast %reshape3A_25 : vector<8x8x128xf32> to vector<1x8x1x8x128xf32>
    tpu.vector_store %arg4[%swap3A_26, %swap3A_27, %swap3A_28, %swap3A_29, %swap3A_30], %swap3A_33 {strides = array<i32>} : memref<1x8x4x8x128xf32, #tpu.memory_space<vmem>>, vector<1x8x1x8x128xf32>,
    %slice3A_34 = vector.extract_strided_slice %add3A_16 {offsets = [0, 256], sizes = [64, 128], strides = [1, 1]} : vector<64x512xf32> to vector<64x128xf32>
    %reshape3A_35 = vector.shape_cast %slice3A_34 : vector<64x128xf32> to vector<8x8x128xf32>
    %swap3A_36 = arith.constant 0 : index
    %swap3A_37 = arith.constant 0 : index
    %swap3A_38 = arith.constant 2 : index
    %swap3A_39 = arith.constant 0 : index
    %swap3A_40 = arith.constant 0 : index
    %swap3A_41 = vector.load %arg4[%swap3A_36, %swap3A_37, %swap3A_38, %swap3A_39, %swap3A_40] : memref<1x8x4x8x128xf32, #tpu.memory_space<vmem>>, vector<1x8x1x8x128xf32>
    %swap3A_42 = vector.shape_cast %swap3A_41 : vector<1x8x1x8x128xf32> to vector<8x8x128xf32>
    %swap3A_43 = vector.shape_cast %reshape3A_35 : vector<8x8x128xf32> to vector<1x8x1x8x128xf32>
    tpu.vector_store %arg4[%swap3A_36, %swap3A_37, %swap3A_38, %swap3A_39, %swap3A_40], %swap3A_43 {strides = array<i32>} : memref<1x8x4x8x128xf32, #tpu.memory_space<vmem>>, vector<1x8x1x8x128xf32>,
    %slice3A_44 = vector.extract_strided_slice %add3A_16 {offsets = [0, 384], sizes = [64, 128], strides = [1, 1]} : vector<64x512xf32> to vector<64x128xf32>
    %reshape3A_45 = vector.shape_cast %slice3A_44 : vector<64x128xf32> to vector<8x8x128xf32>
    %swap3A_46 = arith.constant 0 : index
    %swap3A_47 = arith.constant 0 : index
    %swap3A_48 = arith.constant 3 : index
    %swap3A_49 = arith.constant 0 : index
    %swap3A_50 = arith.constant 0 : index
    %swap3A_51 = vector.load %arg4[%swap3A_46, %swap3A_47, %swap3A_48, %swap3A_49, %swap3A_50] : memref<1x8x4x8x128xf32, #tpu.memory_space<vmem>>, vector<1x8x1x8x128xf32>
    %swap3A_52 = vector.shape_cast %swap3A_51 : vector<1x8x1x8x128xf32> to vector<8x8x128xf32>
    %swap3A_53 = vector.shape_cast %reshape3A_45 : vector<8x8x128xf32> to vector<1x8x1x8x128xf32>
    tpu.vector_store %arg4[%swap3A_46, %swap3A_47, %swap3A_48, %swap3A_49, %swap3A_50], %swap3A_53 {strides = array<i32>} : memref<1x8x4x8x128xf32, #tpu.memory_space<vmem>>, vector<1x8x1x8x128xf32>,
    return
  }
  func.func @transform_0(%arg0: i32) -> (i32, i32) {
    %c0_i32 = arith.constant 0 : i32
    %c0_i32_0 = arith.constant 0 : i32
    return %arg0, %c0_i32 : i32, i32
  }
  func.func @transform_1(%arg0: i32) -> (i32, i32) {
    %c0_i32 = arith.constant 0 : i32
    %c0_i32_0 = arith.constant 0 : i32
    %c0_i32_1 = arith.constant 0 : i32
    return %c0_i32, %c0_i32_0 : i32, i32
  }
  func.func @transform_2(%arg0: i32) -> (i32, i32) {
    %c0_i32 = arith.constant 0 : i32
    %c0_i32_0 = arith.constant 0 : i32
    %c0_i32_1 = arith.constant 0 : i32
    return %c0_i32, %c0_i32_0 : i32, i32
  }
  func.func @transform_3(%arg0: i32) -> (i32, i32, i32, i32, i32) {
    %c0_i32 = arith.constant 0 : i32
    %c0_i32_0 = arith.constant 0 : i32
    %c0_i32_1 = arith.constant 0 : i32
    %c0_i32_2 = arith.constant 0 : i32
    %c0_i32_3 = arith.constant 0 : i32
    return %arg0, %c0_i32, %c0_i32_0, %c0_i32_1, %c0_i32_2 : i32, i32, i32, i32, i32
  }
}

</mosaic_0001>

<sc_bundles>
// kernel: kernel.4.cloned.1.call-start
scs
__scs_entry_jumppad:
0x0: {  	(pc) =	sbr.rel $0x88, $3  }
0x1: {  	(tag) =	ssettag $0x0;
	lr =	simm.s32 $0x1  }
0x2: {  	[smem:$0x3F9E] =	sst lr;
	_ =	strace $0xD0000000  }
0x3: {  	_ = 	snop  }
0x4: {  	_ = 	snop  }
0x5: {  	_ = 	snop  }
0x6: {  	_ = 	snop  }
0x7: {  	_ = 	snop  }
__scs_overlays_trampoline_lowered:
0x8: {  	[smem:$0x3FAD] =	sst s0  }
0x9: {  	[smem:$0x3FAE] =	sst s1  }
0xa: {  	[smem:$0x3FAF] =	sst s2  }
0xb: {  	[smem:$0x3FB0] =	sst s3  }
0xc: {  	[smem:$0x3FB1] =	sst s4  }
0xd: {  	[smem:$0x3FB2] =	sst s5  }
0xe: {  	[smem:$0x3FB3] =	sst s6  }
0xf: {  	[smem:$0x3FB4] =	sst s7  }
0x10: {  	[smem:$0x3FB5] =	sst s8  }
0x11: {  	[smem:$0x3FB6] =	sst s9;
	s0 =	simm.s32 @!p0 $0x0  }
0x12: {  	s1 =	sld [smem:$0x3F9C];
	s0 =	simm.s32 @p0 $0x1  }
0x13: {  	[smem:$0x3FB7] =	sst s0;
	s0 =	simm.s32 @!p1 $0x0  }
0x14: {  	s2 =	sld [smem:$0x3F9B];
	s0 =	simm.s32 @p1 $0x1  }
0x15: {  	[smem:$0x3FB8] =	sst s0;
	s0 =	simm.s32 @!p2 $0x0  }
0x16: {  	s3 =	sld [smem:$0x3FDB];
	s0 =	simm.s32 @p2 $0x1  }
0x17: {  	s4 =	simm.s32 $0x1BF5;
	[smem:$0x3FBA] =	sst s0  }
0x18: {  	s0 =	sld [smem:$0x3F9D];
	_ =	swait.ge [sflag:s4], $0x0  }
0x19: {  	s7 =	sld [smem:$0x3F9E]  }
0x1a: {  	s8 =	sadd.s32 $0xFFFFE003, lr  }
0x1b: {  	s9 =	sadd.s32 $0xFFFFFEF7, lr;
	s5 =	simm.s32 $0xFFFFFFFF;
	p2 =	slt.u32 s8, $0xFFFFF086  }
0x1c: {  	p1 =	slt.u32 s9, $0xF7A;
	s5 =	simm.s32 @!p2 $0x0  }
0x1d: {  	s5 =	simm.s32 @p1 $0x1;
	p0 =	seq.s32 s7, s2  }
0x1e: {  	s7 =	smul.u32 @!p0 $0xF7A, s2;
	p2 =	seq.s32 @!p0 s5, $0x0  }
0x1f: {  	s9 =	smul.u32 $0xF7A, s1;
	s8 =	simm.s32 @!p0 $0x1BF5;
	p2 =	por !p2, p0  }
0x20: {  	[sflag:s8] =	ssyncset.s32 @!p0 $0xFFFFF086;
	s6 =	sadd.s32 @!p0 s3, s7;
	s7 =	simm.s32 @!p0 $0x108  }
0x21: {  	s3 =	sadd.s32 s3, s9;
	s6 =	sadd.s32 @!p0 $0x88, s6;
	s7 =	simm.s32 @p2 $0x1082  }
0x22: {  	[simem:s7], [sflag:s8] =	dma.local @!p0 [hbm:s6], $0xF7A  }
0x23: {  	s9 =	sor.u32 $0xD0000000, s2;
	s6 =	simm.s32 $0x108;
	_ =	swait.ge @!p0 [sflag:s8], $0x0  }
0x24: {  	s3 =	sadd.s32 $0x88, s3;
	s6 =	simm.s32 @!p1 $0x1082;
	[sflag:s4] =	ssyncset.s32 $0xFFFFF086  }
0x25: {  	[simem:s6], [sflag:s4] =	dma.local [hbm:s3], $0xF7A  }
0x26: {  	[smem:$0x3F9E] =	sst s1;
	(tag) =	ssettag s2;
	_ =	strace s9  }
0x27: {  	s1 =	sld [smem:$0x3FAE]  }
0x28: {  	s2 =	sld [smem:$0x3FAF]  }
0x29: {  	s4 =	sld [smem:$0x3FB1]  }
0x2a: {  	p0 =	seq.s32 s5, $0x0;
	s5 =	sld [smem:$0x3FB2]  }
0x2b: {  	s6 =	sld [smem:$0x3FB3]  }
0x2c: {  	s7 =	sld [smem:$0x3FB4]  }
0x2d: {  	s3 =	simm.s32 $0x108;
	s8 =	sld [smem:$0x3FB5]  }
0x2e: {  	s3 =	simm.s32 @!p0 $0x1082;
	s9 =	sld [smem:$0x3FB6]  }
0x2f: {  	lr =	sadd.s32 s0, s3;
	s0 =	sld [smem:$0x3FAD]  }
0x30: {  	s3 =	sld [smem:$0x3FB0]  }
0x31: {  	[smem:$0x3FB9] =	sst s10  }
0x32: {  	s10 =	sld [smem:$0x3FB7];
	_ =	sdelay $0x3  }
0x33: {  	p0 =	seq.s32 s10, $0x1;
	s10 =	sld [smem:$0x3FB9];
	_ =	sdelay $0x3  }
0x34: {  	[smem:$0x3FB9] =	sst s10  }
0x35: {  	s10 =	sld [smem:$0x3FB8];
	_ =	sdelay $0x3  }
0x36: {  	p1 =	seq.s32 s10, $0x1;
	s10 =	sld [smem:$0x3FB9];
	_ =	sdelay $0x3  }
0x37: {  	[smem:$0x3FB9] =	sst s10  }
0x38: {  	s10 =	sld [smem:$0x3FBA]  }
0x39: {  	_ = 	snop;
	(pc) =	sbr.ind lr, $3  }
0x3a: {  	_ = 	snop  }
0x3b: {  	_ = 	snop  }
0x3c: {  	p2 =	seq.s32 s10, $0x1;
	s10 =	sld [smem:$0x3FB9]  }
0x3d: {  	_ =	shalt  }
0x3e: {  	_ =	shalt  }
0x3f: {  	_ =	shalt  }
0x40: {  	_ =	shalt  }
0x41: {  	_ =	shalt  }
0x42: {  	_ =	shalt  }
0x43: {  	_ =	shalt  }
0x44: {  	_ =	shalt  }
0x45: {  	_ =	shalt  }
0x46: {  	_ =	shalt  }
0x47: {  	_ =	shalt  }
0x48: {  	_ =	shalt  }
0x49: {  	_ =	shalt  }
0x4a: {  	_ =	shalt  }
0x4b: {  	_ =	shalt  }
0x4c: {  	_ =	shalt  }
0x4d: {  	_ =	shalt  }
0x4e: {  	_ =	shalt  }
0x4f: {  	_ =	shalt  }
0x50: {  	_ =	shalt  }
0x51: {  	_ =	shalt  }
0x52: {  	_ =	shalt  }
0x53: {  	_ =	shalt  }
0x54: {  	_ =	shalt  }
0x55: {  	_ =	shalt  }
0x56: {  	_ =	shalt  }
0x57: {  	_ =	shalt  }
0x58: {  	_ =	shalt  }
0x59: {  	_ =	shalt  }
0x5a: {  	_ =	shalt  }
0x5b: {  	_ =	shalt  }
0x5c: {  	_ =	shalt  }
0x5d: {  	_ =	shalt  }
0x5e: {  	_ =	shalt  }
0x5f: {  	_ =	shalt  }
0x60: {  	_ =	shalt  }
0x61: {  	_ =	shalt  }
0x62: {  	_ =	shalt  }
0x63: {  	_ =	shalt  }
0x64: {  	_ =	shalt  }
0x65: {  	_ =	shalt  }
0x66: {  	_ =	shalt  }
0x67: {  	_ =	shalt  }
0x68: {  	_ =	shalt  }
0x69: {  	_ =	shalt  }
0x6a: {  	_ =	shalt  }
0x6b: {  	_ =	shalt  }
0x6c: {  	_ =	shalt  }
0x6d: {  	_ =	shalt  }
0x6e: {  	_ =	shalt  }
0x6f: {  	_ =	shalt  }
0x70: {  	_ =	shalt  }
0x71: {  	_ =	shalt  }
0x72: {  	_ =	shalt  }
0x73: {  	_ =	shalt  }
0x74: {  	_ =	shalt  }
0x75: {  	_ =	shalt  }
0x76: {  	_ =	shalt  }
0x77: {  	_ =	shalt  }
0x78: {  	_ =	shalt  }
0x79: {  	_ =	shalt  }
0x7a: {  	_ =	shalt  }
0x7b: {  	_ =	shalt  }
0x7c: {  	_ =	shalt  }
0x7d: {  	_ =	shalt  }
0x7e: {  	_ =	shalt  }
0x7f: {  	_ =	shalt  }
0x80: {  	_ =	shalt  }
0x81: {  	_ =	shalt  }
0x82: {  	_ =	shalt  }
0x83: {  	_ =	shalt  }
0x84: {  	_ =	shalt  }
0x85: {  	_ =	shalt  }
0x86: {  	_ =	shalt  }
0x87: {  	_ =	shalt  }
.Lfunc_end0:
.L_simem_size_0:
called_computation_lowered:
.L_overlay_start_0:
0x88: {  	s2 =	sld [smem:$0x3FD9]  }
0x89: {  	s3 =	sld [smem:$0x3FFE];
	_ =	sdelay $0x1  }
0x8a: {  	s1 =	srdreg.scid  }
0x8b: {  	s0 =	sand.u32 $0x1, s1  }
0x8c: {  	s14 =	sshll.u32 s0, $0xA;
	s2 =	sadd.s32 s3, s2  }
0x8d: {  	s2 =	sadd.s32 s2, s14  }
0x8e: {  	[smem:$0x3FC5] =	sst s2  }
0x8f: {  	_ = 	snop  }
0x90: {  	s2 =	sld [smem:$0x3FD0];
	_ =	sdelay $0x2  }
0x91: {  	s4 =	simm.s32 $0xA;
	s5 =	simm.s32 $0x10;
	s15 =	sld [smem:$0x3FC7]  }
0x92: {  	[smem:s5], [sflag:s4] =	dma.local [hbm:s2], $0x1  }
0x93: {  	_ =	swait.eq [sflag:s4], $0x1  }
0x94: {  	[sflag:s4] =	ssyncset.done $0x0  }
0x95: {  	s16 =	sld [smem:$0x10];
	[sflag:s4] =	ssyncadd.s32 $0xFFFFFFFF  }
0x96: {  	s17 =	sld [smem:$0x11];
	(tm) =	ssettm $0x1  }
0x97: {  	s18 =	sld [smem:$0x3FFB];
	_ =	sdelay $0x3  }
0x98: {  	_ =	strace s18  }
0x99: {  	s5 =	sld [smem:$0x3FFC];
	_ =	sdelay $0x3  }
0x9a: {  	_ =	strace s5  }
0x9b: {  	s5 =	sld [smem:$0x3FFD];
	_ =	sdelay $0x3  }
0x9c: {  	_ =	strace s5  }
0x9d: {  	_ =	strace $0x8FFFFFFF  }
0x9e: {  	s19 =	sld [smem:$0x3FDB];
	_ =	sdelay $0x1  }
0x9f: {  	s6 =	simm.s32 $_scs_section_size  }
0xa0: {  	s7 =	simm.s32 $_size__tile_overlayer_lowered;
	s8 =	simm.s32 $_tile_overlayer_lowered  }
0xa1: {  	s22 =	simm.s32 $0x1BFF;
	s21 =	sshll.u32 s8, $0x1;
	s5 =	sadd.s32 s6, s19  }
0xa2: {  	s9 =	simm.s32 $0x0;
	s20 =	sshll.u32 s7, $0x1;
	s7 =	sadd.s32 s21, s5  }
0xa3: {  	[timem:s9], [sflag:s22] =	dma.local [hbm:s7], s20  }
0xa4: {  	_ =	swait.ge [sflag:s22], s20  }
0xa5: {  	s6 =	ssub.s32 $0x0, s20;
	[sflag:s22] =	ssyncset.done $0x0  }
0xa6: {  	[sflag:s22] =	ssyncadd.s32 s6;
	_ =	sdelay $0x1  }
0xa7: {  	s23 =	simm.s32 $0x1B8B  }
0xa8: {  	_ =	swait.ge [sflag:s23], $0x1  }
0xa9: {  	[sflag:s23] =	ssyncset.done $0x0  }
0xaa: {  	s25 =	simm.s32 $0x1B8E;
	s24 =	sld [smem:$0x3FFE];
	[sflag:s23] =	ssyncadd.s32 $0xFFFFFFFF  }
0xab: {  	s26 =	simm.s32 $execute0_lowered;
	[smem:$0x3FD2] =	sst s25  }
0xac: {  	s7 =	sshll.u32 s26, $0x1;
	_ =	strace $0x80000046;
	[dreg:$0x1] =	wrdreg $0xFFFFFFFF  }
0xad: {  	s28 =	simm.s32 $_size_execute0_lowered;
	s5 =	sadd.s32 s5, s7;
	[dreg:$0x0] =	wrdreg $0x0  }
0xae: {  	s7 =	sshll.u32 s28, $0x1;
	[dreg:$0x2] =	wrdreg s5  }
0xaf: {  	[dreg:$0x3] =	wrdreg s7  }
0xb0: {  	[dreg:$0x4] =	wrdreg $0xC0  }
0xb1: {  	_ =	task [dreg:s9], $0x5FFFF  }
0xb2: {  	[dreg:$0x1] =	wrdreg $0xFFFFFFFF  }
0xb3: {  	[dreg:$0x0] =	wrdreg $0x60  }
0xb4: {  	[dreg:$0x2] =	wrdreg s24  }
0xb5: {  	[dreg:$0x3] =	wrdreg s15  }
0xb6: {  	[dreg:$0x4] =	wrdreg s16  }
0xb7: {  	[dreg:$0x5] =	wrdreg s17  }
0xb8: {  	[dreg:$0x6] =	wrdreg $0x9  }
0xb9: {  	_ =	task.clear_ibuf [dreg:s9], $0x7FFFF;
	_ =	strace $0x90000046  }
0xba: {  	s29 =	simm.s32 $0x9;
	_ =	strace $0x80000048  }
0xbb: {  	_ =	swait.ge [sflag:s29], $0x1  }
0xbc: {  	[sflag:s29] =	ssyncadd.s32 $0xFFFFFFFF  }
0xbd: {  	_ =	strace $0x90000048  }
0xbe: {  	_ =	sfence  }
0xbf: {  	s30 =	sld [smem:$0x0];
	_ =	sdelay $0x2  }
0xc0: {  	s31 =	sshll.u32 s1, $0xD;
	s1 =	sshrl.u32 s1, $0x2  }
0xc1: {  	s3 =	sand.u32 $0x4000, s31;
	s1 =	sadd.s32 s1, s30  }
0xc2: {  	s0 =	sor.u32 s3, s0;
	s1 =	sshll.u32 s1, $0x11  }
0xc3: {  	s0 =	sor.u32 s1, s0  }
0xc4: {  	s0 =	sadd.s32 $0x8F2B, s0  }
0xc5: {  	[sflag:s0] =	ssyncadd.remote.s32 $0x1  }
0xc6: {  	_ =	sfence.sel $0xFFFF  }
0xc7: {  	[dreg:$0x0] =	wrdreg $0xFFFFFFFF;
	(pc) =	sbr.abs _section_cstart, $3  }
0xc8: {  	[dreg:$0x1] =	wrdreg $0xFFFFFFFF  }
0xc9: {  	_ =	task.clear_ibuf [dreg:s9], $0x2FFFF;
	_ =	strace $0x9FFFFFFF  }
0xca: {  	(tm) =	ssettm $0x7FFFFFFF  }
0xcb: {  	_ =	shalt  }
tec
execute0_lowered:
.L_overlay_start_1:
0x0: {  	(tag) =	ssettag $0x1  }
0x1: {  	s0 =	rddreg [dreg:$0x0]  }
0x2: {  	s1 =	rddreg [dreg:$0x2]  }
0x3: {  	s4 =	srdreg.scid;
	s5 =	stileid.u32;
	s3 =	simm.s32 $0x0;
	v20 =	vlaneseq.u32  }
0x4: {  	s4 =	sand.u32 $0x1, s4;
	s5 =	sshll.u32 s5, $0x1;
	[smem:$0x7FF] =	sst s3;
	v21 =	vor.u32 $0x80, v20  }
0x5: {  	s2 =	rddreg [dreg:$0x3];
	v22 =	vor.u32 $0x100, v20;
	s5 =	sor.u32 s4, s5;
	_ =	strace $0x80000047;
	[tilespmem:$0x1FF90] =	vst v21  }
0x6: {  	v23 =	vor.u32 $0x180, v20;
	s4 =	ssub.s32 $0x2, s4;
	[tilespmem:$0x1FFA0] =	vst v22;
	s6 =	sshll.u32 s5, $0xC;
	s5 =	sshll.u32 s5, $0x9  }
0x7: {  	v30 =	vimm.s32 $0x0;
	v24 =	vor.u32 $0x200, v20;
	[tilespmem:$0x1FFB0] =	vst v23;
	s7 =	sshrl.u32 s4, $0x1;
	s29 =	sadd.s32 s1, s5  }
0x8: {  	v33 =	vimm.s32 $0x2;
	v31 =	vimm.s32 $0x4;
	v25 =	vor.u32 $0x280, v20;
	[tilespmem:$0x1FFC0] =	vst v24;
	s0 =	sadd.s32 s6, s0;
	s30 =	sadd.s32 s2, s5;
	[dreg:$0x6] =	wrdreg s29  }
0x9: {  	v32 =	vimm.s32 $0x6;
	v39 =	vimm.s32 $0xC;
	v27 =	vor.u32 $0x300, v20;
	[tilespmem:$0x1FFD0] =	vst v25;
	s4 =	ssub.s32 s4, s7;
	s0 =	sadd.s32 $0xC00, s0;
	[dreg:$0x7] =	wrdreg s30  }
0xa: {  	v37 =	vimm.s32 $0x8;
	v38 =	vimm.s32 $0xA;
	s9 =	simm.s32 $0x8000;
	v28 =	vor.u32 $0x380, v20;
	[tilespmem:$0x1FFE0] =	vst v27;
	s31 =	smax.u32 s4, $0x1;
	[dreg:$0x5] =	wrdreg s0  }
0xb: {  	v40 =	vimm.s32 $0xE;
	v41 =	vimm.s32 $0x10;
	v42 =	vimm.s32 $0x12;
	[tilespmem:$0x1FFF0] =	vst v28;
	s1 =	simm.s32 $0x1;
	s2 =	simm.s32 $0x0;
	[dreg:$0x8] =	wrdreg s31  }
.LBB2_1:
0xc: {  	[dreg:$0x9] =	wrdreg s2  }
0xd: {  	s0 =	rddreg [dreg:$0x5]  }
0xe: {  	[tilespmem:s3], [sflag:$0x1] =	stream.linear.gather [hbm4b:s0+s3], $0x8000, $0x38;
	[tilespmem:$0xA040] =	vst v63  }
0xf: {  	_ =	swait.ge [sflag:s1], $0x8000  }
0x10: {  	[sflag:s1] =	ssyncset.done $0x0  }
0x11: {  	[sflag:s1] =	ssyncadd.s32 $0xFFFF8000  }
0x12: {  	s30 =	rddreg [dreg:$0x1]  }
0x13: {  	[tilespmem:s9], [sflag:$0x1] =	stream.linear.gather [hbm4b:s30+s3], $0x40, $0x38;
	[tilespmem:$0xA040] =	vst v63  }
0x14: {  	_ =	swait.ge [sflag:s1], $0x40  }
0x15: {  	s13 =	simm.s32 $0xFFFFFFFE;
	[sflag:s1] =	ssyncset.done $0x0  }
0x16: {  	s14 =	simm.s32 $0x0;
	s31 =	simm.s32 $0x0;
	[sflag:s1] =	ssyncadd.s32 $0xFFFFFFC0  }
.LBB2_2:
0x17: {  	s13 =	sadd.s32 $0x2, s13  }
0x18: {  	s1 =	sshll.u32 s13, $0x7  }
0x19: {  	s0 =	sand.u32 $0x60, s14;
	s19 =	sand.u32 $0xFFFFFC00, s1  }
0x1a: {  	s16 =	sor.u32 s0, s19  }
0x1b: {  	v0 =	vld [tilespmem:s16+$0x0]  }
0x1c: {  	v1 =	vld [tilespmem:s16+$0x80]  }
0x1d: {  	s12 =	sshll.u32 s31, $0x7;
	v2 =	vld [tilespmem:s16+$0x100]  }
0x1e: {  	s1 =	sand.u32 $0xFFFFFC00, s12;
	v4 =	vld [tilespmem:s16+$0x200]  }
0x1f: {  	s1 =	sadd.s32 s1, s14;
	v5 =	vld [tilespmem:s16+$0x280]  }
0x20: {  	s2 =	sor.u32 $0x180, s1;
	v6 =	vld [tilespmem:s16+$0x300]  }
0x21: {  	s4 =	sadd.s32 $0x1080, s19;
	s15 =	sor.u32 $0x380, s1;
	v3 =	vld [tilespmem:s2+$0x0]  }
0x22: {  	s7 =	sadd.s32 $0x1100, s19;
	s18 =	sor.u32 s0, s4;
	v7 =	vld [tilespmem:s15+$0x0]  }
0x23: {  	s8 =	sadd.s32 $0x1180, s19;
	s20 =	sor.u32 s0, s7;
	v9 =	vld [tilespmem:s18+$0x0]  }
0x24: {  	s11 =	sadd.s32 $0x1200, s19;
	s21 =	sor.u32 s0, s8;
	v10 =	vld [tilespmem:s20+$0x0]  }
0x25: {  	s1 =	sadd.s32 $0x1000, s19;
	s22 =	sor.u32 s0, s11;
	v11 =	vld [tilespmem:s21+$0x0]  }
0x26: {  	s24 =	sadd.s32 $0x1300, s19;
	s17 =	sor.u32 s0, s1;
	v12 =	vld [tilespmem:s22+$0x0]  }
0x27: {  	s29 =	sadd.s32 $0x1380, s19;
	s5 =	sadd.s32 $0x2000, s19;
	s25 =	sor.u32 s0, s24;
	v8 =	vld [tilespmem:s17+$0x0]  }
0x28: {  	s30 =	sadd.s32 $0x2080, s19;
	s6 =	sadd.s32 $0x2100, s19;
	s26 =	sor.u32 s0, s29;
	v15 =	vld [tilespmem:s25+$0x0]  }
0x29: {  	[dreg:$0xc] =	wrdreg s5;
	s28 =	sor.u32 s0, s5;
	s5 =	sor.u32 s0, s30;
	v26 =	vor.u32 s0, v25;
	v36 =	vld [tilespmem:s26+$0x0];
	v14 =	vmax.f32 v0, v1  }
0x2a: {  	s12 =	sadd.s32 $0x2180, s19;
	[dreg:$0xe] =	wrdreg s30;
	s10 =	sor.u32 s0, s6;
	v45 =	vld [tilespmem:s5+$0x0];
	v0 =	vmin.f32 v0, v1;
	v35 =	vmin.f32 v14, v2;
	v2 =	vmax.f32 v14, v2  }
0x2b: {  	s30 =	sadd.s32 $0x3000, s19;
	[dreg:$0xa] =	wrdreg s15;
	v16 =	vld [tilespmem:s10+$0x0];
	s15 =	sor.u32 s0, s12;
	v0 =	vmax.f32 v0, v35;
	v43 =	vmin.f32 v2, v3;
	v2 =	vmax.f32 v2, v3  }
0x2c: {  	[dreg:$0xf] =	wrdreg s6;
	s6 =	sadd.s32 $0x3080, s19;
	s5 =	sor.u32 s0, s30;
	v17 =	vld [tilespmem:s15+$0x0];
	v49 =	vmax.f32 v8, v9;
	v50 =	vmin.f32 v8, v9;
	v0 =	vmax.f32 v0, v43  }
0x2d: {  	[dreg:$0x10] =	wrdreg s12;
	s20 =	sadd.s32 $0x1280, s19;
	s10 =	sor.u32 s0, s6;
	v57 =	vld [tilespmem:s5+$0x0];
	v44 =	vmin.f32 v2, v4;
	v2 =	vmax.f32 v2, v4;
	v51 =	vmin.f32 v49, v10  }
0x2e: {  	[dreg:$0x15] =	wrdreg s30;
	s23 =	sor.u32 s0, s20;
	v59 =	vld [tilespmem:s10+$0x0];
	v0 =	vmax.f32 v0, v44;
	v46 =	vmin.f32 v2, v5;
	v2 =	vmax.f32 v2, v5  }
0x2f: {  	s21 =	sadd.s32 $0x2280, s19;
	s26 =	sadd.s32 $0x2380, s19;
	[dreg:$0x16] =	wrdreg s6;
	v13 =	vld [tilespmem:s23+$0x0];
	v5 =	vmax.f32 v49, v10;
	v0 =	vmax.f32 v0, v46;
	v47 =	vmin.f32 v2, v6  }
0x30: {  	s12 =	sadd.s32 $0x3100, s19;
	s30 =	sadd.s32 $0x3380, s19;
	s22 =	sor.u32 s0, s21;
	v3 =	vld [tilespmem:s28+$0x0];
	v2 =	vmax.f32 v2, v6;
	v6 =	vmax.f32 v50, v51;
	v53 =	vmin.f32 v5, v11  }
0x31: {  	s17 =	sadd.s32 $0x2200, s19;
	[dreg:$0x12] =	wrdreg s21;
	s15 =	sor.u32 s0, s12;
	v52 =	vld [tilespmem:s22+$0x0];
	v5 =	vmax.f32 v5, v11;
	v0 =	vmax.f32 v0, v47;
	v48 =	vmin.f32 v2, v7  }
0x32: {  	[dreg:$0x14] =	wrdreg s26;
	s18 =	sor.u32 s0, s17;
	s23 =	sadd.s32 $0x2300, s19;
	v62 =	vld [tilespmem:s15+$0x0];
	v6 =	vmax.f32 v6, v53;
	v55 =	vmin.f32 v5, v12;
	v5 =	vmax.f32 v5, v12  }
0x33: {  	[dreg:$0x11] =	wrdreg s17;
	s17 =	sadd.s32 $0x3180, s19;
	v18 =	vld [tilespmem:s18+$0x0];
	s25 =	sor.u32 s0, s23;
	v2 =	vmax.f32 v2, v7;
	v12 =	vmin.f32 v57, v59;
	v6 =	vmax.f32 v6, v55  }
0x34: {  	[dreg:$0x17] =	wrdreg s12;
	s21 =	sadd.s32 $0x3200, s19;
	s18 =	sor.u32 s0, s17;
	v54 =	vld [tilespmem:s25+$0x0];
	v56 =	vmin.f32 v5, v13;
	v5 =	vmax.f32 v5, v13;
	v0 =	vmax.f32 v0, v48  }
0x35: {  	s22 =	sor.u32 s0, s21;
	[dreg:$0x13] =	wrdreg s23;
	s23 =	sadd.s32 $0x3280, s19;
	v63 =	vld [tilespmem:s18+$0x0];
	v44 =	vmin.f32 v3, v45;
	v6 =	vmax.f32 v6, v56;
	v58 =	vmin.f32 v5, v15  }
0x36: {  	s6 =	sadd.s32 $0x4000, s19;
	[dreg:$0x1c] =	wrdreg s30;
	s25 =	sor.u32 s0, s23;
	v35 =	vld [tilespmem:s22+$0x0];
	v5 =	vmax.f32 v5, v15;
	v56 =	vmax.f32 v57, v59;
	v60 =	vmax.f32 v6, v58  }
0x37: {  	s5 =	sor.u32 s0, s30;
	s10 =	sor.u32 s0, s6;
	s28 =	sor.u32 s0, s26;
	v43 =	vld [tilespmem:s25+$0x0];
	v61 =	vmin.f32 v5, v36;
	v34 =	vmax.f32 v5, v36;
	v5 =	vadd.f32 v0, v2  }
0x38: {  	s30 =	sadd.s32 $0x4300, s19;
	[dreg:$0x19] =	wrdreg s21;
	s26 =	sadd.s32 $0x3300, s19;
	v11 =	vld [tilespmem:s28+$0x0];
	v36 =	vmax.f32 v3, v45;
	v57 =	vmin.f32 v56, v62;
	v8 =	vmax.f32 v56, v62  }
0x39: {  	s12 =	sadd.s32 $0x4080, s19;
	[smem:$0x7F3] =	sst s30;
	s28 =	sor.u32 s0, s26;
	v50 =	vld [tilespmem:s10+$0x0];
	v1 =	vmax.f32 v60, v61;
	v45 =	vmin.f32 v36, v16;
	v0 =	vmax.f32 v36, v16  }
0x3a: {  	s15 =	sor.u32 s0, s12;
	[dreg:$0x1a] =	wrdreg s23;
	s23 =	sadd.s32 $0x4200, s19;
	v46 =	vld [tilespmem:s28+$0x0];
	v12 =	vmax.f32 v12, v57;
	v59 =	vmin.f32 v8, v63;
	v8 =	vmax.f32 v8, v63  }
0x3b: {  	s21 =	sadd.s32 $0x4180, s19;
	[dreg:$0x18] =	wrdreg s17;
	s25 =	sor.u32 s0, s23;
	v48 =	vld [tilespmem:s5+$0x0];
	v6 =	vadd.f32 v1, v34;
	v2 =	vmax.f32 v44, v45;
	v47 =	vmin.f32 v0, v17  }
0x3c: {  	s17 =	sadd.s32 $0x4100, s19;
	[smem:$0x7F0] =	sst s21;
	s5 =	sor.u32 s0, s30;
	v58 =	vld [tilespmem:s25+$0x0];
	v0 =	vmax.f32 v0, v17;
	v12 =	vmax.f32 v12, v59;
	v61 =	vmin.f32 v8, v35  }
0x3d: {  	s22 =	sor.u32 s0, s21;
	s21 =	sadd.s32 $0x5100, s19;
	s30 =	sadd.s32 $0x5280, s19;
	v62 =	vld [tilespmem:s5+$0x0];
	v7 =	vmax.f32 v8, v35;
	v2 =	vmax.f32 v2, v47;
	v49 =	vmin.f32 v0, v18  }
0x3e: {  	[smem:$0x7FA] =	sst s30;
	s5 =	sor.u32 s0, s30;
	s30 =	sadd.s32 $0x6080, s19;
	v0 =	vmax.f32 v0, v18;
	v18 =	vld [tilespmem:s22+$0x0];
	v12 =	vmax.f32 v12, v61;
	v63 =	vmin.f32 v7, v43  }
0x3f: {  	[smem:$0x7F7] =	sst s21;
	v1 =	vmax.f32 v7, v43;
	s22 =	sor.u32 s0, s21;
	s21 =	sor.u32 s0, s30;
	v51 =	vmin.f32 v0, v52;
	v0 =	vmax.f32 v0, v52;
	v52 =	vld [tilespmem:s15+$0x0]  }
0x40: {  	[dreg:$0x1e] =	wrdreg s12;
	s12 =	sadd.s32 $0x5000, s19;
	s18 =	sor.u32 s0, s17;
	v2 =	vmax.f32 v2, v49;
	v12 =	vmax.f32 v12, v63;
	v34 =	vmin.f32 v1, v46;
	v59 =	vld [tilespmem:s21+$0x0]  }
0x41: {  	[dreg:$0x1f] =	wrdreg s17;
	s17 =	sadd.s32 $0x5080, s19;
	v1 =	vmax.f32 v1, v46;
	s15 =	sor.u32 s0, s12;
	v53 =	vmin.f32 v0, v54;
	v0 =	vmax.f32 v0, v54;
	v54 =	vld [tilespmem:s18+$0x0]  }
0x42: {  	[smem:$0x7F6] =	sst s17;
	v2 =	vmax.f32 v2, v51;
	v19 =	vld [tilespmem:s15+$0x0];
	v35 =	vmax.f32 v12, v34;
	v4 =	vmin.f32 v1, v48;
	s18 =	sor.u32 s0, s17;
	s17 =	sadd.s32 $0x6000, s19  }
0x43: {  	[dreg:$0x1b] =	wrdreg s26;
	s26 =	sadd.s32 $0x4280, s19;
	v1 =	vmax.f32 v1, v48;
	v2 =	vmax.f32 v2, v53;
	v55 =	vmin.f32 v0, v11;
	v36 =	vld [tilespmem:s18+$0x0];
	s18 =	sor.u32 s0, s17  }
0x44: {  	[dreg:$0x1d] =	wrdreg s6;
	s6 =	sadd.s32 $0x4380, s19;
	s28 =	sor.u32 s0, s26;
	v0 =	vmax.f32 v0, v11;
	v3 =	vmax.f32 v35, v4;
	v2 =	vmax.f32 v2, v55;
	v56 =	vld [tilespmem:s18+$0x0]  }
0x45: {  	[smem:$0x7F1] =	sst s23;
	s23 =	sadd.s32 $0x5180, s19;
	s10 =	sor.u32 s0, s6;
	v60 =	vld [tilespmem:s28+$0x0];
	v4 =	vadd.f32 v2, v0;
	v0 =	vadd.f32 v3, v1;
	v44 =	vmax.f32 v50, v52  }
0x46: {  	[smem:$0x7F2] =	sst s26;
	s26 =	sadd.s32 $0x5200, s19;
	s25 =	sor.u32 s0, s23;
	v43 =	vld [tilespmem:s22+$0x0];
	v46 =	vmin.f32 v50, v52;
	v47 =	vmin.f32 v44, v54;
	v1 =	vmax.f32 v44, v54  }
0x47: {  	[smem:$0x7F9] =	sst s26;
	s28 =	sor.u32 s0, s26;
	s26 =	sadd.s32 $0x6180, s19;
	v45 =	vld [tilespmem:s25+$0x0];
	v3 =	vmax.f32 v46, v47;
	v49 =	vmin.f32 v1, v18;
	v1 =	vmax.f32 v1, v18  }
0x48: {  	[smem:$0x7F8] =	sst s23;
	s23 =	sor.u32 s0, s26;
	v7 =	vld [tilespmem:s10+$0x0];
	v12 =	vmin.f32 v19, v36;
	v3 =	vmax.f32 v3, v49;
	v51 =	vmin.f32 v1, v58  }
0x49: {  	v61 =	vld [tilespmem:s23+$0x0];
	v1 =	vmax.f32 v1, v58;
	v58 =	vmax.f32 v19, v36;
	v8 =	vmin.f32 v56, v59  }
0x4a: {  	[smem:$0x7F4] =	sst s6;
	s6 =	sadd.s32 $0x5300, s19;
	v48 =	vld [tilespmem:s28+$0x0];
	v3 =	vmax.f32 v3, v51;
	v53 =	vmin.f32 v1, v60;
	v1 =	vmax.f32 v1, v60  }
0x4b: {  	[smem:$0x7F5] =	sst s12;
	s10 =	sor.u32 s0, s6;
	s12 =	sadd.s32 $0x5380, s19;
	v50 =	vld [tilespmem:s5+$0x0];
	v18 =	vmin.f32 v58, v43;
	v11 =	vmax.f32 v58, v43;
	v3 =	vmax.f32 v3, v53  }
0x4c: {  	s15 =	sor.u32 s0, s12;
	s28 =	sadd.s32 $0x6100, s19;
	v52 =	vld [tilespmem:s10+$0x0];
	v55 =	vmin.f32 v1, v62;
	v1 =	vmax.f32 v1, v62;
	v12 =	vmax.f32 v12, v18  }
0x4d: {  	s23 =	sadd.s32 $0x6280, s19;
	s22 =	sor.u32 s0, s28;
	v54 =	vld [tilespmem:s15+$0x0];
	v18 =	vmin.f32 v11, v45;
	v2 =	vmax.f32 v11, v45;
	v45 =	vmax.f32 v56, v59  }
0x4e: {  	[smem:$0x7FB] =	sst s6;
	s6 =	sor.u32 s0, s23;
	s21 =	sadd.s32 $0x6300, s19;
	v60 =	vld [tilespmem:s22+$0x0];
	v3 =	vmax.f32 v3, v55;
	v57 =	vmin.f32 v1, v7;
	v12 =	vmax.f32 v12, v18  }
0x4f: {  	s25 =	sadd.s32 $0x6200, s19;
	v63 =	vld [tilespmem:s6+$0x0];
	s10 =	sor.u32 s0, s21;
	v18 =	vmin.f32 v2, v48;
	v2 =	vmax.f32 v2, v48;
	v1 =	vmax.f32 v1, v7  }
0x50: {  	s6 =	sadd.s32 $0x7000, s19;
	s5 =	sor.u32 s0, s25;
	v34 =	vld [tilespmem:s10+$0x0];
	v12 =	vmax.f32 v12, v18;
	v18 =	vmin.f32 v2, v50;
	v2 =	vmax.f32 v2, v50  }
0x51: {  	[smem:$0x7FD] =	sst s17;
	s17 =	sor.u32 s0, s6;
	v62 =	vld [tilespmem:s5+$0x0];
	s5 =	sadd.s32 $0x7080, s19;
	v3 =	vmax.f32 v3, v57;
	v12 =	vmax.f32 v12, v18;
	v18 =	vmin.f32 v2, v52  }
0x52: {  	[dreg:$0xb] =	wrdreg s2;
	s2 =	sadd.s32 $0x7100, s19;
	v44 =	vld [tilespmem:s17+$0x0];
	s10 =	sor.u32 s0, s5;
	v2 =	vmax.f32 v2, v52;
	v1 =	vadd.f32 v3, v1;
	v35 =	vmax.f32 v12, v18  }
0x53: {  	[smem:$0x7FC] =	sst s12;
	s12 =	sadd.s32 $0x6380, s19;
	s18 =	sor.u32 s0, s2;
	v46 =	vld [tilespmem:s10+$0x0];
	v36 =	vmin.f32 v2, v54;
	v2 =	vmax.f32 v2, v54;
	v47 =	vmin.f32 v45, v60  }
0x54: {  	s15 =	sor.u32 s0, s12;
	s17 =	sadd.s32 $0x7180, s19;
	v48 =	vld [tilespmem:s18+$0x0];
	v3 =	vmax.f32 v45, v60;
	v43 =	vmax.f32 v35, v36;
	v8 =	vmax.f32 v8, v47  }
0x55: {  	[dreg:$0xd] =	wrdreg s12;
	s12 =	sadd.s32 $0x7200, s19;
	s22 =	sor.u32 s0, s17;
	v18 =	vld [tilespmem:s15+$0x0];
	v49 =	vmin.f32 v3, v61;
	v3 =	vmax.f32 v3, v61;
	v2 =	vadd.f32 v43, v2  }
0x56: {  	s18 =	sor.u32 s0, s12;
	v50 =	vld [tilespmem:s22+$0x0];
	s10 =	sadd.s32 $0x7280, s19;
	v8 =	vmax.f32 v8, v49;
	v51 =	vmin.f32 v3, v62;
	v3 =	vmax.f32 v3, v62  }
0x57: {  	s22 =	sadd.s32 $0x7300, s19;
	v52 =	vld [tilespmem:s18+$0x0];
	s15 =	sor.u32 s0, s10;
	v8 =	vmax.f32 v8, v51;
	v53 =	vmin.f32 v3, v63;
	v3 =	vmax.f32 v3, v63  }
0x58: {  	s18 =	sadd.s32 $0x7380, s19;
	v54 =	vld [tilespmem:s15+$0x0];
	s15 =	sor.u32 s0, s22;
	v58 =	vmax.f32 v44, v46;
	v7 =	vmin.f32 v44, v46;
	v8 =	vmax.f32 v8, v53  }
0x59: {  	v56 =	vld [tilespmem:s15+$0x0];
	s15 =	sor.u32 s0, s18;
	v55 =	vmin.f32 v3, v34;
	v3 =	vmax.f32 v3, v34;
	v60 =	vmin.f32 v58, v48  }
0x5a: {  	v59 =	vld [tilespmem:s15+$0x0];
	v15 =	vmax.f32 v58, v48;
	v8 =	vmax.f32 v8, v55;
	v57 =	vmin.f32 v3, v18  }
0x5b: {  	v7 =	vmax.f32 v7, v60;
	v61 =	vmin.f32 v15, v50;
	v11 =	vmax.f32 v15, v50  }
0x5c: {  	v7 =	vmax.f32 v7, v61;
	v62 =	vmin.f32 v11, v52;
	v10 =	vmax.f32 v11, v52  }
0x5d: {  	v7 =	vmax.f32 v7, v62;
	v63 =	vmin.f32 v10, v54;
	v10 =	vmax.f32 v10, v54  }
0x5e: {  	v7 =	vmax.f32 v7, v63;
	v15 =	vmin.f32 v10, v56;
	v10 =	vmax.f32 v10, v56  }
0x5f: {  	v3 =	vmax.f32 v3, v18;
	v7 =	vmax.f32 v7, v15;
	v16 =	vmin.f32 v10, v59  }
0x60: {  	v8 =	vmax.f32 v8, v57;
	v34 =	vmax.f32 v10, v59;
	v7 =	vmax.f32 v7, v16  }
0x61: {  	vm0 =	vgt.f32 v6, v5;
	v3 =	vadd.f32 v8, v3;
	v7 =	vadd.f32 v7, v34  }
0x62: {  	vm5 =	vgt.f32 v0, v4;
	v35 =	vsel vm0, v6, v5;
	v36 =	vsel vm0, $0x1, v30  }
0x63: {  	v43 =	vsel vm5, v0, v4;
	vm1 =	vgt.f32 v2, v1;
	vm2 =	vgt.f32 v7, v3  }
0x64: {  	v44 =	vsel vm5, $0x3, v33;
	v45 =	vsel vm1, v2, v1;
	v46 =	vsel vm2, v7, v3  }
0x65: {  	vm6 =	vgt.f32 v43, v35;
	v47 =	vsel vm1, $0x5, v31;
	vm7 =	vgt.f32 v46, v45  }
0x66: {  	v8 =	vsel vm6, v43, v35;
	v48 =	vsel vm2, $0x7, v32;
	v49 =	vsel vm7, v46, v45  }
0x67: {  	v9 =	vsel vm6, v44, v36;
	v50 =	vsel vm7, v48, v47;
	vm8 =	vgt.f32 v49, v8  }
0x68: {  	v14 =	vor.u32 s0, v20;
	v19 =	vor.u32 s0, v24;
	v51 =	vsel vm8, v50, v9  }
0x69: {  	vm0 =	veq.s32 v51, $0x0;
	vm9 =	veq.s32 v51, $0x1;
	vm10 =	veq.s32 v51, $0x2  }
0x6a: {  	vm11 =	veq.s32 v51, $0x3;
	vm12 =	veq.s32 v51, $0x4;
	vm13 =	veq.s32 v51, $0x5  }
0x6b: {  	vm14 =	veq.s32 v51, $0x6;
	vm15 =	veq.s32 v51, $0x7;
	v50 =	vshll.u32 v51, $0xC  }
0x6c: {  	v5 =	vsel vm0, $0xFF800000, v5;
	v6 =	vsel vm9, $0xFF800000, v6;
	v4 =	vsel vm10, $0xFF800000, v4  }
0x6d: {  	v0 =	vsel vm11, $0xFF800000, v0;
	v1 =	vsel vm12, $0xFF800000, v1;
	v2 =	vsel vm13, $0xFF800000, v2  }
0x6e: {  	v3 =	vsel vm14, $0xFF800000, v3;
	v7 =	vsel vm15, $0xFF800000, v7;
	vm4 =	vgt.f32 v6, v5  }
0x6f: {  	vm5 =	vgt.f32 v0, v4;
	vm6 =	vgt.f32 v2, v1;
	vm7 =	vgt.f32 v7, v3  }
0x70: {  	v52 =	vsel vm4, v6, v5;
	v53 =	vsel vm4, $0x1, v30;
	v54 =	vsel vm5, v0, v4  }
0x71: {  	v55 =	vsel vm5, $0x3, v33;
	v56 =	vsel vm6, v2, v1;
	v57 =	vsel vm7, v7, v3  }
0x72: {  	v58 =	vsel vm6, $0x5, v31;
	vm8 =	vgt.f32 v54, v52;
	vm9 =	vgt.f32 v57, v56  }
0x73: {  	v59 =	vsel vm7, $0x7, v32;
	v8 =	vsel vm8, v54, v52;
	v60 =	vsel vm9, v57, v56  }
0x74: {  	v9 =	vsel vm8, v55, v53;
	v61 =	vsel vm9, v59, v58;
	v52 =	vadd.s32 s19, v50  }
0x75: {  	v54 =	vor.u32 s0, v21;
	v57 =	vor.u32 s0, v22;
	v59 =	vor.u32 s0, v23  }
0x76: {  	vm10 =	vgt.f32 v60, v8;
	v53 =	vor.u32 v52, v14;
	v56 =	vor.u32 v52, v54  }
0x77: {  	v58 =	vor.u32 v52, v57;
	v18 =	vor.u32 v52, v19;
	v29 =	vsel vm10, v61, v9  }
0x78: {  	v20 =	vor.u32 v52, v26;
	v61 =	vimm.s32 $0x1C;
	vm0 =	veq.s32 v29, $0x0  }
0x79: {  	vm11 =	veq.s32 v29, $0x1;
	vm12 =	veq.s32 v29, $0x2;
	vm13 =	veq.s32 v29, $0x3  }
0x7a: {  	vm14 =	veq.s32 v29, $0x4;
	vm15 =	veq.s32 v29, $0x5;
	vm4 =	veq.s32 v29, $0x6  }
0x7b: {  	vm5 =	veq.s32 v29, $0x7;
	v5 =	vsel vm0, $0xFF800000, v5;
	v6 =	vsel vm11, $0xFF800000, v6  }
0x7c: {  	v4 =	vsel vm12, $0xFF800000, v4;
	v0 =	vsel vm13, $0xFF800000, v0;
	v1 =	vsel vm14, $0xFF800000, v1  }
0x7d: {  	v2 =	vsel vm15, $0xFF800000, v2;
	v3 =	vsel vm4, $0xFF800000, v3;
	v8 =	vsel vm5, $0xFF800000, v7  }
0x7e: {  	vm6 =	vgt.f32 v6, v5;
	vm7 =	vgt.f32 v0, v4;
	vm8 =	vgt.f32 v2, v1  }
0x7f: {  	vm9 =	vgt.f32 v8, v3;
	v62 =	vsel vm6, v6, v5;
	v63 =	vsel vm6, $0x1, v30  }
0x80: {  	v34 =	vsel vm7, v0, v4;
	v35 =	vsel vm7, $0x3, v33;
	v36 =	vsel vm8, v2, v1  }
0x81: {  	v43 =	vsel vm9, v8, v3;
	v44 =	vsel vm8, $0x5, v31;
	vm10 =	vgt.f32 v34, v62  }
0x82: {  	v45 =	vsel vm9, $0x7, v32;
	vm11 =	vgt.f32 v43, v36;
	v7 =	vsel vm10, v34, v62  }
0x83: {  	v46 =	vsel vm11, v43, v36;
	v9 =	vsel vm10, v35, v63;
	v47 =	vsel vm11, v45, v44  }
0x84: {  	v35 =	vor.u32 v52, v59;
	v44 =	vshll.u32 v29, $0xC;
	v62 =	vimm.s32 $0x18  }
0x85: {  	vm12 =	vgt.f32 v46, v7;
	v23 =	vadd.s32 s19, v44;
	v46 =	vimm.s32 $0x4  }
0x86: {  	v63 =	vsel vm12, v47, v9;
	v45 =	vor.u32 v23, v14;
	v47 =	vor.u32 v23, v26  }
0x87: {  	v36 =	vld [tilespmem:$0x1FFE0];
	vm0 =	veq.s32 v63, $0x0;
	vm13 =	veq.s32 v63, $0x1;
	vm14 =	veq.s32 v63, $0x2  }
0x88: {  	v43 =	vld [tilespmem:$0x1FFF0];
	vm15 =	veq.s32 v63, $0x3;
	vm4 =	veq.s32 v63, $0x4;
	vm5 =	veq.s32 v63, $0x5  }
0x89: {  	vm6 =	veq.s32 v63, $0x6;
	vm7 =	veq.s32 v63, $0x7;
	v48 =	vsel vm0, $0xFF800000, v5  }
0x8a: {  	[tilespmem:$0x1FDF0] =	vst v51;
	v49 =	vsel vm13, $0xFF800000, v6;
	v51 =	vsel vm14, $0xFF800000, v4;
	v55 =	vsel vm15, $0xFF800000, v0  }
0x8b: {  	v1 =	vsel vm4, $0xFF800000, v1;
	v2 =	vsel vm5, $0xFF800000, v2;
	v24 =	vsel vm7, $0xFF800000, v8;
	v8 =	vld.idx.msk [tilespmem:v18+s3+$0x0], $0xffff  }
0x8c: {  	v3 =	vsel vm6, $0xFF800000, v3;
	v18 =	vor.u32 v23, v54;
	v4 =	vld.idx.msk [tilespmem:v20+s3+$0x0], $0xffff;
	v20 =	vor.u32 v23, v57  }
0x8d: {  	v6 =	vld.idx.msk [tilespmem:v58+s3+$0x0], $0xffff;
	v58 =	vimm.s32 $0x4;
	v27 =	vor.u32 s0, v36;
	v28 =	vor.u32 s0, v43  }
0x8e: {  	vm8 =	vgt.f32 v49, v48;
	vm9 =	vgt.f32 v55, v51;
	v21 =	vor.u32 v52, v27  }
0x8f: {  	v60 =	vld.idx.msk [tilespmem:v53+s3+$0x0], $0xffff;
	vm10 =	vgt.f32 v2, v1;
	vm11 =	vgt.f32 v24, v3;
	v22 =	vor.u32 v52, v28  }
0x90: {  	[tilespmem:$0x1FDE0] =	vst v29;
	v5 =	vld.idx.msk [tilespmem:v56+s3+$0x0], $0xffff;
	v25 =	vsel vm8, v49, v48;
	v29 =	vsel vm8, $0x1, v30;
	v30 =	vsel vm9, v55, v51  }
0x91: {  	v7 =	vld.idx.msk [tilespmem:v35+s3+$0x0], $0xffff;
	v31 =	vsel vm9, $0x3, v33;
	v1 =	vsel vm10, v2, v1;
	v2 =	vsel vm10, $0x5, v46  }
0x92: {  	v48 =	vor.u32 v23, v27;
	v24 =	vsel vm11, v24, v3;
	v49 =	vimm.s32 $0x6;
	v12 =	vld.idx.msk [tilespmem:v18+s3+$0x0], $0xffff  }
0x93: {  	v35 =	vsel vm11, $0x7, v49;
	v18 =	vshll.u32 v63, $0xC;
	v9 =	vld.idx.msk [tilespmem:v21+s3+$0x0], $0xffff;
	v21 =	vor.u32 v23, v59  }
0x94: {  	vm13 =	vgt.f32 v24, v1;
	v34 =	vadd.s32 s19, v18;
	v10 =	vld.idx.msk [tilespmem:v22+s3+$0x0], $0xffff;
	v22 =	vor.u32 v23, v19  }
0x95: {  	v11 =	vld.idx.msk [tilespmem:v45+s3+$0x0], $0xffff;
	vm12 =	vgt.f32 v30, v25;
	v1 =	vsel vm13, v24, v1;
	v52 =	vor.u32 v34, v27  }
0x96: {  	v2 =	vsel vm13, v35, v2;
	v13 =	vld.idx.msk [tilespmem:v20+s3+$0x0], $0xffff;
	vm15 =	vgt.f32 v5, v60;
	vm5 =	vgt.f32 v4, v8  }
0x97: {  	v20 =	vld.idx.msk [tilespmem:v47+s3+$0x0], $0xffff;
	vm4 =	vgt.f32 v7, v6;
	v44 =	vsel vm5, v4, v8;
	v23 =	vor.u32 v23, v28  }
0x98: {  	v45 =	vsel vm5, $0x5, v58;
	v36 =	vor.u32 v34, v14;
	v18 =	vld.idx.msk [tilespmem:v21+s3+$0x0], $0xffff;
	v21 =	vsel vm12, v30, v25  }
0x99: {  	v51 =	vor.u32 v34, v19;
	v3 =	vld.idx.msk [tilespmem:v22+s3+$0x0], $0xffff;
	v22 =	vsel vm12, v31, v29;
	vm14 =	vgt.f32 v1, v21  }
0x9a: {  	v50 =	vor.u32 v34, v59;
	v25 =	vor.u32 v34, v54;
	v33 =	vld.idx.msk [tilespmem:v52+s3+$0x0], $0xffff;
	v0 =	vsel vm14, v2, v22  }
0x9b: {  	vm7 =	vgt.f32 v12, v11;
	v29 =	vor.u32 v34, v57;
	v21 =	vld.idx.msk [tilespmem:v48+s3+$0x0], $0xffff;
	v30 =	vshll.u32 v0, $0xC  }
0x9c: {  	v47 =	vsel vm7, $0x9, v37;
	v31 =	vor.u32 v34, v26;
	v22 =	vld.idx.msk [tilespmem:v23+s3+$0x0], $0xffff;
	v53 =	vadd.s32 s19, v30  }
0x9d: {  	v34 =	vor.u32 v34, v28;
	vm6 =	vgt.f32 v10, v9;
	v23 =	vld.idx.msk [tilespmem:v36+s3+$0x0], $0xffff;
	v14 =	vor.u32 v53, v14  }
0x9e: {  	v30 =	vld.idx.msk [tilespmem:v51+s3+$0x0], $0xffff;
	v15 =	vor.u32 v53, v54;
	v16 =	vor.u32 v53, v57;
	v54 =	vor.u32 v53, v59  }
0x9f: {  	v24 =	vld.idx.msk [tilespmem:v25+s3+$0x0], $0xffff;
	v55 =	vor.u32 v53, v19;
	v19 =	vor.u32 v53, v26;
	v56 =	vor.u32 v53, v27  }
0xa0: {  	v25 =	vld.idx.msk [tilespmem:v29+s3+$0x0], $0xffff;
	v26 =	vor.u32 v53, v28;
	v27 =	vsel vm15, v5, v60;
	v28 =	vimm.s32 $0x0  }
0xa1: {  	v32 =	vld.idx.msk [tilespmem:v31+s3+$0x0], $0xffff;
	v31 =	vsel vm4, v7, v6;
	v57 =	vimm.s32 $0x2;
	v59 =	vimm.s32 $0x6  }
0xa2: {  	v29 =	vld.idx.msk [tilespmem:v50+s3+$0x0], $0xffff;
	vm8 =	vgt.f32 v18, v13;
	vm9 =	vgt.f32 v20, v3;
	v53 =	vimm.s32 $0x14  }
0xa3: {  	v34 =	vld.idx.msk [tilespmem:v34+s3+$0x0], $0xffff;
	v28 =	vsel vm15, $0x1, v28;
	v43 =	vsel vm4, $0x3, v57;
	v46 =	vsel vm6, $0x7, v59  }
0xa4: {  	v48 =	vsel vm8, $0xB, v38;
	v1 =	vsel vm9, v20, v3;
	vm10 =	vgt.f32 v22, v21  }
0xa5: {  	v49 =	vsel vm9, $0xD, v39;
	v59 =	vimm.s32 $0x1A;
	v17 =	vsel vm10, v22, v21;
	v35 =	vld.idx.msk [tilespmem:v14+s3+$0x0], $0xffff  }
0xa6: {  	v50 =	vsel vm10, $0xF, v40;
	vm10 =	vgt.f32 v17, v1;
	v14 =	vsel vm6, v10, v9;
	v36 =	vld.idx.msk [tilespmem:v15+s3+$0x0], $0xffff  }
0xa7: {  	v15 =	vsel vm7, v12, v11;
	v37 =	vld.idx.msk [tilespmem:v16+s3+$0x0], $0xffff;
	v16 =	vsel vm8, v18, v13;
	vm11 =	vgt.f32 v24, v23  }
0xa8: {  	vm12 =	vgt.f32 v29, v25;
	vm13 =	vgt.f32 v32, v30;
	vm14 =	vgt.f32 v34, v33  }
0xa9: {  	v39 =	vld.idx.msk [tilespmem:v55+s3+$0x0], $0xffff;
	v55 =	vimm.s32 $0x16;
	vm6 =	vgt.f32 v31, v27;
	v1 =	vsel vm10, v17, v1  }
0xaa: {  	v40 =	vld.idx.msk [tilespmem:v19+s3+$0x0], $0xffff;
	v17 =	vsel vm10, v50, v49;
	v19 =	vsel vm11, v24, v23;
	v51 =	vsel vm11, $0x11, v41  }
0xab: {  	v2 =	vsel vm12, v29, v25;
	v52 =	vsel vm12, $0x13, v42;
	v42 =	vld.idx.msk [tilespmem:v26+s3+$0x0], $0xffff;
	v26 =	vsel vm13, v32, v30  }
0xac: {  	v38 =	vld.idx.msk [tilespmem:v54+s3+$0x0], $0xffff;
	v53 =	vsel vm13, $0x15, v53;
	v54 =	vsel vm14, v34, v33;
	v55 =	vsel vm14, $0x17, v55  }
0xad: {  	v27 =	vsel vm6, v31, v27;
	v28 =	vsel vm6, v43, v28;
	vm8 =	vgt.f32 v14, v44  }
0xae: {  	vm9 =	vgt.f32 v16, v15;
	v14 =	vsel vm8, v14, v44;
	v45 =	vsel vm8, v46, v45  }
0xaf: {  	v15 =	vsel vm9, v16, v15;
	v16 =	vsel vm9, v48, v47;
	vm11 =	vgt.f32 v2, v19  }
0xb0: {  	v41 =	vld.idx.msk [tilespmem:v56+s3+$0x0], $0xffff;
	vm12 =	vgt.f32 v54, v26;
	v2 =	vsel vm11, v2, v19;
	v19 =	vsel vm11, v52, v51  }
0xb1: {  	v26 =	vsel vm12, v54, v26;
	v55 =	vsel vm12, v55, v53;
	v52 =	vimm.s32 $0x0  }
0xb2: {  	v53 =	vimm.s32 $0x2;
	v54 =	vimm.s32 $0x6;
	vm15 =	vgt.f32 v36, v35  }
0xb3: {  	vm4 =	vgt.f32 v38, v37;
	vm5 =	vgt.f32 v40, v39;
	v56 =	vsel vm15, v36, v35  }
0xb4: {  	v57 =	vsel vm15, $0x19, v62;
	v58 =	vsel vm4, v38, v37;
	v59 =	vsel vm4, $0x1B, v59  }
0xb5: {  	v31 =	vsel vm5, v40, v39;
	vm7 =	vgt.f32 v42, v41;
	v43 =	vsel vm5, $0x1D, v61  }
0xb6: {  	v61 =	vimm.s32 $0x1E;
	vm15 =	vgt.f32 v14, v27;
	vm4 =	vgt.f32 v1, v15  }
0xb7: {  	vm5 =	vgt.f32 v26, v2;
	v44 =	vsel vm7, v42, v41;
	v46 =	vsel vm7, $0x1F, v61  }
0xb8: {  	vm13 =	vgt.f32 v58, v56;
	v14 =	vsel vm15, v14, v27;
	v27 =	vsel vm15, v45, v28  }
0xb9: {  	v1 =	vsel vm4, v1, v15;
	v45 =	vsel vm4, v17, v16;
	vm14 =	vgt.f32 v44, v31  }
0xba: {  	v2 =	vsel vm5, v26, v2;
	v58 =	vsel vm13, v58, v56;
	v31 =	vsel vm14, v44, v31  }
0xbb: {  	v48 =	vsel vm5, v55, v19;
	v55 =	vimm.s32 $0x8;
	vm6 =	vgt.f32 v31, v58  }
0xbc: {  	v61 =	vsel vm13, v59, v57;
	v43 =	vsel vm14, v46, v43;
	v46 =	vsel vm6, v31, v58  }
0xbd: {  	vm7 =	vgt.f32 v1, v14;
	v56 =	vimm.s32 $0xA;
	vm8 =	vgt.f32 v46, v2  }
0xbe: {  	v28 =	vsel vm7, v1, v14;
	v19 =	vsel vm6, v43, v61;
	v1 =	vsel vm8, v46, v2  }
0xbf: {  	v50 =	vsel vm7, v45, v27;
	v51 =	vsel vm8, v19, v48;
	vm1 =	vgt.f32 v1, v28  }
0xc0: {  	v57 =	vimm.s32 $0xC;
	v59 =	vimm.s32 $0x10;
	v2 =	vsel vm1, v51, v50  }
0xc1: {  	v58 =	vimm.s32 $0xE;
	v26 =	vshrl.u32 v2, $0x3;
	vm10 =	veq.s32 v2, $0x0  }
0xc2: {  	vm3 =	veq.s32 v2, $0x1;
	vm11 =	veq.s32 v2, $0x2;
	vm12 =	veq.s32 v2, $0x3  }
0xc3: {  	vm13 =	veq.s32 v2, $0x4;
	vm14 =	veq.s32 v2, $0x5;
	vm15 =	veq.s32 v2, $0x6  }
0xc4: {  	vm6 =	veq.s32 v2, $0x7;
	vm7 =	veq.s32 v2, $0x8;
	vm8 =	veq.s32 v2, $0x9  }
0xc5: {  	vm5 =	veq.s32 v2, $0x11;
	vm2 =	veq.s32 v26, $0x1;
	vm9 =	veq.s32 v26, $0x2  }
0xc6: {  	v15 =	vsel vm10, $0xFF800000, v60;
	v5 =	vsel vm3, $0xFF800000, v5;
	v6 =	vsel vm11, $0xFF800000, v6  }
0xc7: {  	v16 =	vsel vm12, $0xFF800000, v7;
	v8 =	vsel vm13, $0xFF800000, v8;
	v17 =	vsel vm14, $0xFF800000, v4  }
0xc8: {  	v9 =	vsel vm15, $0xFF800000, v9;
	v10 =	vsel vm6, $0xFF800000, v10;
	v11 =	vsel vm7, $0xFF800000, v11  }
0xc9: {  	v12 =	vsel vm8, $0xFF800000, v12;
	vm10 =	veq.s32 v2, $0xB;
	vm11 =	veq.s32 v2, $0xC  }
0xca: {  	vm12 =	veq.s32 v2, $0xD;
	vm13 =	veq.s32 v2, $0xE;
	vm14 =	veq.s32 v2, $0xF  }
0xcb: {  	vm15 =	veq.s32 v2, $0x10;
	v24 =	vsel vm5, $0xFF800000, v24;
	vm6 =	veq.s32 v2, $0x12  }
0xcc: {  	vm7 =	veq.s32 v2, $0x13;
	vm8 =	veq.s32 v2, $0x14;
	v60 =	vimm.s32 $0x12  }
0xcd: {  	v61 =	vsel vm9, v63, v0;
	vm9 =	veq.s32 v2, $0xA;
	v18 =	vsel vm10, $0xFF800000, v18  }
0xce: {  	v19 =	vsel vm11, $0xFF800000, v3;
	v20 =	vsel vm12, $0xFF800000, v20;
	v21 =	vsel vm13, $0xFF800000, v21  }
0xcf: {  	v22 =	vsel vm14, $0xFF800000, v22;
	v23 =	vsel vm15, $0xFF800000, v23;
	v27 =	vsel vm6, $0xFF800000, v25  }
0xd0: {  	v29 =	vsel vm7, $0xFF800000, v29;
	v31 =	vsel vm8, $0xFF800000, v30;
	vm10 =	veq.s32 v2, $0x16  }
0xd1: {  	vm11 =	veq.s32 v2, $0x17;
	vm12 =	veq.s32 v2, $0x18;
	vm13 =	veq.s32 v2, $0x19  }
0xd2: {  	vm14 =	veq.s32 v2, $0x1A;
	vm15 =	veq.s32 v2, $0x1B;
	vm6 =	veq.s32 v2, $0x1C  }
0xd3: {  	vm7 =	veq.s32 v2, $0x1D;
	vm8 =	veq.s32 v2, $0x1E;
	v30 =	vimm.s32 $0x4  }
0xd4: {  	v13 =	vsel vm9, $0xFF800000, v13;
	vm9 =	veq.s32 v2, $0x15;
	v33 =	vsel vm10, $0xFF800000, v33  }
0xd5: {  	v34 =	vsel vm11, $0xFF800000, v34;
	v35 =	vsel vm12, $0xFF800000, v35;
	v36 =	vsel vm13, $0xFF800000, v36  }
0xd6: {  	v37 =	vsel vm14, $0xFF800000, v37;
	v38 =	vsel vm15, $0xFF800000, v38;
	v39 =	vsel vm6, $0xFF800000, v39  }
0xd7: {  	v40 =	vsel vm7, $0xFF800000, v40;
	v41 =	vsel vm8, $0xFF800000, v41;
	vm10 =	vgt.f32 v5, v15  }
0xd8: {  	vm11 =	vgt.f32 v16, v6;
	vm12 =	vgt.f32 v17, v8;
	vm13 =	vgt.f32 v10, v9  }
0xd9: {  	vm14 =	vgt.f32 v12, v11;
	vm4 =	vgt.f32 v20, v19;
	vm5 =	vgt.f32 v22, v21  }
0xda: {  	vm6 =	vgt.f32 v24, v23;
	vm7 =	vgt.f32 v29, v27;
	v32 =	vsel vm9, $0xFF800000, v32  }
0xdb: {  	[tilespmem:$0x1FDD0] =	vst v0;
	v14 =	vmovc v0;
	vm9 =	veq.s32 v2, $0x1F;
	v0 =	vsel vm10, v5, v15;
	v3 =	vsel vm10, $0x1, v52  }
0xdc: {  	v4 =	vsel vm11, v16, v6;
	v7 =	vsel vm11, $0x3, v53;
	v25 =	vsel vm12, v17, v8  }
0xdd: {  	v30 =	vsel vm12, $0x5, v30;
	v43 =	vsel vm13, v10, v9;
	v44 =	vsel vm13, $0x7, v54  }
0xde: {  	v45 =	vsel vm14, v12, v11;
	v46 =	vsel vm14, $0x9, v55;
	vm15 =	vgt.f32 v18, v13  }
0xdf: {  	v49 =	vsel vm4, v20, v19;
	v50 =	vsel vm4, $0xD, v57;
	v51 =	vsel vm5, v22, v21  }
0xe0: {  	v52 =	vsel vm5, $0xF, v58;
	v53 =	vsel vm6, v24, v23;
	v54 =	vsel vm6, $0x11, v59  }
0xe1: {  	v55 =	vsel vm7, v29, v27;
	vm10 =	vgt.f32 v36, v35;
	vm12 =	vgt.f32 v38, v37  }
0xe2: {  	vm14 =	vgt.f32 v40, v39;
	v42 =	vsel vm9, $0xFF800000, v42;
	v47 =	vsel vm15, v18, v13  }
0xe3: {  	v48 =	vsel vm15, $0xB, v56;
	v56 =	vsel vm7, $0x13, v60;
	vm8 =	vgt.f32 v32, v31  }
0xe4: {  	vm9 =	vgt.f32 v34, v33;
	vm4 =	vgt.f32 v4, v0;
	v60 =	vimm.s32 $0x14  }
0xe5: {  	vm11 =	vgt.f32 v43, v25;
	vm15 =	vgt.f32 v51, v49;
	v57 =	vsel vm8, v32, v31  }
0xe6: {  	v58 =	vsel vm8, $0x15, v60;
	v59 =	vsel vm9, v34, v33;
	v0 =	vsel vm4, v4, v0  }
0xe7: {  	v60 =	vimm.s32 $0x16;
	v3 =	vsel vm4, v7, v3;
	v7 =	vsel vm10, v36, v35  }
0xe8: {  	v25 =	vsel vm11, v43, v25;
	v43 =	vsel vm10, $0x19, v62;
	vm13 =	vgt.f32 v47, v45  }
0xe9: {  	v30 =	vsel vm11, v44, v30;
	v44 =	vsel vm12, v38, v37;
	v49 =	vsel vm15, v51, v49  }
0xea: {  	v62 =	vimm.s32 $0x1C;
	vm8 =	vgt.f32 v42, v41;
	v50 =	vsel vm15, v52, v50  }
0xeb: {  	v4 =	vsel vm9, $0x17, v60;
	v45 =	vsel vm13, v47, v45;
	v60 =	vimm.s32 $0x1A  }
0xec: {  	v46 =	vsel vm13, v48, v46;
	v48 =	vsel vm14, v40, v39;
	v51 =	vsel vm14, $0x1D, v62  }
0xed: {  	vm9 =	vgt.f32 v55, v53;
	v52 =	vsel vm8, v42, v41;
	vm10 =	vgt.f32 v59, v57  }
0xee: {  	vm11 =	vgt.f32 v44, v7;
	vm13 =	vgt.f32 v25, v0;
	v47 =	vsel vm12, $0x1B, v60  }
0xef: {  	v53 =	vsel vm9, v55, v53;
	v60 =	vimm.s32 $0x1E;
	v54 =	vsel vm9, v56, v54  }
0xf0: {  	v62 =	vsel vm10, v59, v57;
	v4 =	vsel vm10, v4, v58;
	v7 =	vsel vm11, v44, v7  }
0xf1: {  	vm12 =	vgt.f32 v52, v48;
	v0 =	vsel vm13, v25, v0;
	v3 =	vsel vm13, v30, v3  }
0xf2: {  	vm14 =	vgt.f32 v49, v45;
	v55 =	vsel vm8, $0x1F, v60;
	v43 =	vsel vm11, v47, v43  }
0xf3: {  	v48 =	vsel vm12, v52, v48;
	v25 =	vsel vm14, v49, v45;
	vm15 =	vgt.f32 v62, v53  }
0xf4: {  	vm11 =	veq.s32 v26, $0x0;
	v52 =	vsel vm12, v55, v51;
	vm8 =	vgt.f32 v48, v7  }
0xf5: {  	v26 =	vld [tilespmem:$0x1FDE0];
	v55 =	vsel vm14, v50, v46;
	v56 =	vsel vm15, v62, v53;
	v7 =	vsel vm8, v48, v7  }
0xf6: {  	v4 =	vsel vm15, v4, v54;
	vm9 =	vgt.f32 v25, v0;
	vm10 =	vgt.f32 v7, v56  }
0xf7: {  	v43 =	vsel vm8, v52, v43;
	v25 =	vsel vm9, v25, v0;
	v30 =	vsel vm10, v7, v56  }
0xf8: {  	v57 =	vsel vm9, v55, v3;
	v58 =	vsel vm10, v43, v4;
	vm0 =	vgt.f32 v30, v25  }
0xf9: {  	v60 =	vsel vm1, v1, v28;
	v28 =	vimm.s32 $0xE;
	v7 =	vsel vm0, v58, v57  }
0xfa: {  	v4 =	vand.u32 $0x7, v2;
	v59 =	vsel vm2, v26, v61;
	v62 =	vshrl.u32 v7, $0x3  }
0xfb: {  	vm14 =	veq.s32 v7, $0x0;
	vm15 =	veq.s32 v7, $0x1;
	vm5 =	veq.s32 v7, $0x2  }
0xfc: {  	vm6 =	veq.s32 v7, $0x3;
	vm7 =	veq.s32 v7, $0x4;
	vm8 =	veq.s32 v7, $0x5  }
0xfd: {  	vm9 =	veq.s32 v7, $0x6;
	vm10 =	veq.s32 v7, $0x7;
	vm12 =	veq.s32 v62, $0x2  }
0xfe: {  	vm2 =	veq.s32 v62, $0x0;
	vm13 =	veq.s32 v62, $0x1;
	v1 =	vsel vm14, $0xFF800000, v15  }
0xff: {  	v2 =	vsel vm15, $0xFF800000, v5;
	v15 =	vsel vm6, $0xFF800000, v16;
	v16 =	vsel vm7, $0xFF800000, v8  }
0x100: {  	v17 =	vsel vm8, $0xFF800000, v17;
	v43 =	vsel vm9, $0xFF800000, v9;
	v44 =	vsel vm10, $0xFF800000, v10  }
0x101: {  	vm14 =	veq.s32 v7, $0xB;
	vm15 =	veq.s32 v7, $0xC;
	vm6 =	veq.s32 v7, $0xD  }
0x102: {  	vm7 =	veq.s32 v7, $0xE;
	vm8 =	veq.s32 v7, $0xF;
	vm9 =	veq.s32 v7, $0x10  }
0x103: {  	vm10 =	veq.s32 v7, $0x11;
	v14 =	vsel vm12, v63, v14;
	vm12 =	veq.s32 v7, $0x9  }
0x104: {  	v48 =	vsel vm14, $0xFF800000, v18;
	v49 =	vsel vm15, $0xFF800000, v19;
	v50 =	vsel vm6, $0xFF800000, v20  }
0x105: {  	[tilespmem:$0x1FCD0] =	vst v25;
	v25 =	vld [tilespmem:$0x1FDF0];
	v51 =	vsel vm7, $0xFF800000, v21;
	v52 =	vsel vm8, $0xFF800000, v22;
	v53 =	vsel vm9, $0xFF800000, v23  }
0x106: {  	v54 =	vsel vm10, $0xFF800000, v24;
	vm14 =	veq.s32 v7, $0x15;
	vm15 =	veq.s32 v7, $0x16  }
0x107: {  	vm6 =	veq.s32 v7, $0x18;
	vm7 =	veq.s32 v7, $0x19;
	vm8 =	veq.s32 v7, $0x1A  }
0x108: {  	vm9 =	veq.s32 v7, $0x1B;
	vm10 =	veq.s32 v7, $0x1C;
	vm4 =	vgt.f32 v17, v16  }
0x109: {  	v19 =	vimm.s32 $0x6;
	v21 =	vimm.s32 $0x8;
	v23 =	vimm.s32 $0xA  }
0x10a: {  	v61 =	vsel vm11, v25, v59;
	vm11 =	veq.s32 v7, $0x8;
	v46 =	vsel vm12, $0xFF800000, v12  }
0x10b: {  	vm12 =	veq.s32 v7, $0x13;
	v58 =	vsel vm14, $0xFF800000, v32;
	v59 =	vsel vm15, $0xFF800000, v33  }
0x10c: {  	[tilespmem:$0x1FDC0] =	vst v63;
	v62 =	vsel vm7, $0xFF800000, v36;
	v63 =	vsel vm8, $0xFF800000, v37;
	v3 =	vsel vm9, $0xFF800000, v38  }
0x10d: {  	vm14 =	vgt.f32 v2, v1;
	v37 =	vimm.s32 $0x0;
	vm8 =	vgt.f32 v50, v49  }
0x10e: {  	vm9 =	vgt.f32 v52, v51;
	v36 =	vimm.s32 $0x12;
	v0 =	vshll.u32 v61, $0x3  }
0x10f: {  	v45 =	vsel vm11, $0xFF800000, v11;
	vm11 =	veq.s32 v7, $0x12;
	v56 =	vsel vm12, $0xFF800000, v29  }
0x110: {  	v61 =	vsel vm6, $0xFF800000, v35;
	vm12 =	veq.s32 v7, $0x1E;
	v8 =	vsel vm14, v2, v1  }
0x111: {  	v9 =	vsel vm14, $0x1, v37;
	v24 =	vsel vm8, v50, v49;
	v28 =	vsel vm9, $0xF, v28  }
0x112: {  	[tilespmem:$0x1FCA0] =	vst v0;
	v0 =	vsel vm13, v26, v14;
	v14 =	vsel vm5, $0xFF800000, v6;
	vm13 =	veq.s32 v7, $0xA  }
0x113: {  	v55 =	vsel vm11, $0xFF800000, v27;
	vm5 =	veq.s32 v7, $0x17;
	vm11 =	veq.s32 v7, $0x1D  }
0x114: {  	v5 =	vsel vm12, $0xFF800000, v41;
	v41 =	vimm.s32 $0x4;
	vm6 =	vgt.f32 v46, v45  }
0x115: {  	[tilespmem:$0x1FE80] =	vst v60;
	v26 =	vimm.s32 $0xC;
	v27 =	vsel vm9, v52, v51;
	v47 =	vsel vm13, $0xFF800000, v13  }
0x116: {  	[tilespmem:$0x1FCC0] =	vst v0;
	vm13 =	veq.s32 v7, $0x14;
	v60 =	vsel vm5, $0xFF800000, v34;
	v0 =	vsel vm10, $0xFF800000, v39  }
0x117: {  	[tilespmem:$0x1FCB0] =	vst v4;
	v4 =	vsel vm11, $0xFF800000, v40;
	vm15 =	vgt.f32 v15, v14;
	v39 =	vimm.s32 $0x2  }
0x118: {  	v40 =	vsel vm4, v17, v16;
	v13 =	vsel vm4, $0x5, v41;
	vm5 =	vgt.f32 v44, v43  }
0x119: {  	v20 =	vsel vm6, v46, v45;
	v21 =	vsel vm6, $0x9, v21;
	v26 =	vsel vm8, $0xD, v26  }
0x11a: {  	vm10 =	vgt.f32 v54, v53;
	vm11 =	vgt.f32 v56, v55;
	vm8 =	vgt.f32 v62, v61  }
0x11b: {  	v57 =	vsel vm13, $0xFF800000, v31;
	vm13 =	veq.s32 v7, $0x1F;
	v38 =	vsel vm15, v15, v14  }
0x11c: {  	v11 =	vsel vm15, $0x3, v39;
	v18 =	vsel vm5, v44, v43;
	v19 =	vsel vm5, $0x7, v19  }
0x11d: {  	vm7 =	vgt.f32 v48, v47;
	v29 =	vsel vm10, v54, v53;
	v31 =	vimm.s32 $0x10  }
0x11e: {  	v33 =	vsel vm11, $0x13, v36;
	vm14 =	vgt.f32 v60, v59;
	v7 =	vand.u32 $0x7, v7  }
0x11f: {  	v6 =	vsel vm13, $0xFF800000, v42;
	v22 =	vsel vm7, v48, v47;
	v23 =	vsel vm7, $0xB, v23  }
0x120: {  	v31 =	vsel vm10, $0x11, v31;
	v42 =	vsel vm11, v56, v55;
	vm12 =	vgt.f32 v58, v57  }
0x121: {  	vm13 =	vgt.f32 v38, v8;
	vm15 =	vgt.f32 v18, v40;
	v39 =	vsel vm14, v60, v59  }
0x122: {  	vm10 =	vgt.f32 v3, v63;
	vm11 =	vgt.f32 v27, v24;
	v37 =	vsel vm12, v58, v57  }
0x123: {  	v8 =	vsel vm13, v38, v8;
	v38 =	vimm.s32 $0x14;
	v9 =	vsel vm13, v11, v9  }
0x124: {  	v12 =	vsel vm15, v18, v40;
	v18 =	vimm.s32 $0x16;
	vm9 =	vgt.f32 v22, v20  }
0x125: {  	v13 =	vsel vm15, v19, v13;
	v19 =	vsel vm8, v62, v61;
	v24 =	vsel vm11, v27, v24  }
0x126: {  	v27 =	vimm.s32 $0x1A;
	vm13 =	vgt.f32 v42, v29;
	v26 =	vsel vm11, v28, v26  }
0x127: {  	v40 =	vimm.s32 $0x1C;
	v10 =	vsel vm12, $0x15, v38;
	v18 =	vsel vm14, $0x17, v18  }
0x128: {  	v20 =	vsel vm9, v22, v20;
	v22 =	vimm.s32 $0x18;
	v21 =	vsel vm9, v23, v21  }
0x129: {  	v23 =	vsel vm10, v3, v63;
	v27 =	vsel vm10, $0x1B, v27;
	vm12 =	vgt.f32 v4, v0  }
0x12a: {  	v29 =	vsel vm13, v42, v29;
	vm14 =	vgt.f32 v6, v5;
	vm15 =	vgt.f32 v39, v37  }
0x12b: {  	v31 =	vsel vm13, v33, v31;
	v42 =	vimm.s32 $0x1E;
	v22 =	vsel vm8, $0x19, v22  }
0x12c: {  	v28 =	vsel vm12, v4, v0;
	v32 =	vsel vm12, $0x1D, v40;
	v41 =	vsel vm14, v6, v5  }
0x12d: {  	v11 =	vsel vm15, v39, v37;
	v34 =	vsel vm14, $0x1F, v42;
	v10 =	vsel vm15, v18, v10  }
0x12e: {  	vm6 =	vgt.f32 v23, v19;
	vm8 =	vgt.f32 v12, v8;
	vm9 =	vgt.f32 v24, v20  }
0x12f: {  	v38 =	vld [tilespmem:$0x1FCA0];
	v18 =	vsel vm6, v23, v19;
	v19 =	vsel vm6, v27, v22;
	vm7 =	vgt.f32 v41, v28  }
0x130: {  	v39 =	vld [tilespmem:$0x1FCB0];
	v8 =	vsel vm8, v12, v8;
	v9 =	vsel vm8, v13, v9;
	vm10 =	vgt.f32 v11, v29  }
0x131: {  	v40 =	vld [tilespmem:$0x1FCC0];
	v35 =	vsel vm9, v26, v21;
	v22 =	vsel vm7, v41, v28;
	v23 =	vsel vm7, v34, v32  }
0x132: {  	v34 =	vsel vm9, v24, v20;
	v11 =	vsel vm10, v11, v29;
	v41 =	vld [tilespmem:$0x1FCD0];
	vm11 =	vgt.f32 v22, v18  }
0x133: {  	v10 =	vsel vm10, v10, v31;
	vm12 =	vgt.f32 v34, v8;
	v18 =	vsel vm11, v22, v18  }
0x134: {  	v19 =	vsel vm11, v23, v19;
	v12 =	vsel vm12, v34, v8;
	vm13 =	vgt.f32 v18, v11  }
0x135: {  	v28 =	vsel vm13, v18, v11;
	v37 =	vsel vm13, v19, v10;
	v10 =	vor.u32 v39, v38  }
0x136: {  	v36 =	vsel vm12, v35, v9;
	vm1 =	vgt.f32 v28, v12;
	[tilespmem:$0x1FE10] =	vst v10;
	v10 =	vsel vm2, v25, v40  }
0x137: {  	v9 =	vsel vm0, v30, v41;
	v8 =	vsel vm1, v37, v36;
	v42 =	vshll.u32 v10, $0x3  }
0x138: {  	[tilespmem:$0x1FE90] =	vst v9;
	v9 =	vshrl.u32 v8, $0x3;
	vm15 =	veq.s32 v8, $0x0;
	vm6 =	veq.s32 v8, $0x1  }
0x139: {  	vm7 =	veq.s32 v8, $0x2;
	vm8 =	veq.s32 v8, $0x3;
	vm9 =	veq.s32 v8, $0x4  }
0x13a: {  	vm10 =	veq.s32 v8, $0x5;
	vm11 =	veq.s32 v8, $0x6;
	vm12 =	veq.s32 v8, $0x7  }
0x13b: {  	vm13 =	veq.s32 v8, $0x8;
	vm5 =	veq.s32 v8, $0xB;
	vm2 =	veq.s32 v9, $0x1  }
0x13c: {  	[tilespmem:$0x1FCF0] =	vst v7;
	vm14 =	veq.s32 v9, $0x2;
	v7 =	vsel vm15, $0xFF800000, v1;
	v1 =	vsel vm6, $0xFF800000, v2  }
0x13d: {  	[tilespmem:$0x1FD00] =	vst v12;
	v10 =	vsel vm7, $0xFF800000, v14;
	v11 =	vsel vm8, $0xFF800000, v15;
	v12 =	vsel vm9, $0xFF800000, v16  }
0x13e: {  	v13 =	vsel vm10, $0xFF800000, v17;
	v14 =	vsel vm11, $0xFF800000, v43;
	v15 =	vsel vm12, $0xFF800000, v44  }
0x13f: {  	v16 =	vsel vm13, $0xFF800000, v45;
	vm15 =	veq.s32 v8, $0xA;
	v19 =	vsel vm5, $0xFF800000, v48  }
0x140: {  	vm6 =	veq.s32 v8, $0xC;
	vm7 =	veq.s32 v8, $0xD;
	vm8 =	veq.s32 v8, $0xE  }
0x141: {  	vm9 =	veq.s32 v8, $0xF;
	vm10 =	veq.s32 v8, $0x10;
	vm11 =	veq.s32 v8, $0x11  }
0x142: {  	vm12 =	veq.s32 v8, $0x12;
	vm13 =	veq.s32 v8, $0x13;
	v18 =	vsel vm15, $0xFF800000, v47  }
0x143: {  	v20 =	vsel vm6, $0xFF800000, v49;
	v21 =	vsel vm7, $0xFF800000, v50;
	v22 =	vsel vm8, $0xFF800000, v51  }
0x144: {  	v26 =	vld [tilespmem:$0x1FDD0];
	v23 =	vsel vm9, $0xFF800000, v52;
	v24 =	vsel vm10, $0xFF800000, v53;
	v27 =	vsel vm11, $0xFF800000, v54  }
0x145: {  	v25 =	vld [tilespmem:$0x1FDC0];
	v29 =	vsel vm12, $0xFF800000, v55;
	v31 =	vsel vm13, $0xFF800000, v56;
	vm15 =	veq.s32 v8, $0x15  }
0x146: {  	vm6 =	veq.s32 v8, $0x16;
	vm7 =	veq.s32 v8, $0x17;
	vm8 =	veq.s32 v8, $0x18  }
0x147: {  	vm9 =	veq.s32 v8, $0x19;
	vm10 =	veq.s32 v8, $0x1A;
	vm11 =	veq.s32 v8, $0x1B  }
0x148: {  	vm12 =	veq.s32 v8, $0x1C;
	vm13 =	veq.s32 v8, $0x1D;
	vm5 =	vgt.f32 v1, v7  }
0x149: {  	v54 =	vimm.s32 $0x4;
	v55 =	vimm.s32 $0x6;
	v56 =	vimm.s32 $0x8  }
0x14a: {  	v30 =	vsel vm14, v25, v26;
	vm14 =	veq.s32 v8, $0x9;
	v33 =	vsel vm15, $0xFF800000, v58  }
0x14b: {  	v34 =	vsel vm6, $0xFF800000, v59;
	v35 =	vsel vm7, $0xFF800000, v60;
	v36 =	vsel vm8, $0xFF800000, v61  }
0x14c: {  	v37 =	vsel vm9, $0xFF800000, v62;
	v38 =	vsel vm10, $0xFF800000, v63;
	v39 =	vsel vm11, $0xFF800000, v3  }
0x14d: {  	v40 =	vsel vm12, $0xFF800000, v0;
	v41 =	vsel vm13, $0xFF800000, v4;
	vm15 =	veq.s32 v8, $0x1F  }
0x14e: {  	v0 =	vsel vm5, v1, v7;
	v60 =	vimm.s32 $0x0;
	vm6 =	vgt.f32 v11, v10  }
0x14f: {  	v62 =	vimm.s32 $0x2;
	vm7 =	vgt.f32 v13, v12;
	vm8 =	vgt.f32 v15, v14  }
0x150: {  	vm10 =	vgt.f32 v19, v18;
	vm11 =	vgt.f32 v21, v20;
	v58 =	vimm.s32 $0xC  }
0x151: {  	vm12 =	vgt.f32 v23, v22;
	v59 =	vimm.s32 $0xE;
	vm13 =	vgt.f32 v27, v24  }
0x152: {  	v17 =	vsel vm14, $0xFF800000, v46;
	vm14 =	veq.s32 v8, $0x14;
	v43 =	vsel vm15, $0xFF800000, v6  }
0x153: {  	v2 =	vsel vm5, $0x1, v60;
	v61 =	vsel vm6, v11, v10;
	v4 =	vsel vm6, $0x3, v62  }
0x154: {  	v63 =	vsel vm7, v13, v12;
	v6 =	vsel vm7, $0x5, v54;
	v44 =	vsel vm8, v15, v14  }
0x155: {  	v45 =	vsel vm8, $0x7, v55;
	v48 =	vsel vm10, v19, v18;
	v50 =	vsel vm11, v21, v20  }
0x156: {  	v51 =	vsel vm11, $0xD, v58;
	v52 =	vsel vm12, v23, v22;
	v53 =	vsel vm12, $0xF, v59  }
0x157: {  	v54 =	vsel vm13, v27, v24;
	v60 =	vimm.s32 $0x10;
	v62 =	vimm.s32 $0x12  }
0x158: {  	vm12 =	vgt.f32 v37, v36;
	v58 =	vimm.s32 $0x16;
	v32 =	vsel vm14, $0xFF800000, v57  }
0x159: {  	vm14 =	veq.s32 v8, $0x1E;
	vm9 =	vgt.f32 v17, v16;
	v57 =	vimm.s32 $0xA  }
0x15a: {  	vm15 =	vgt.f32 v61, v0;
	v55 =	vsel vm13, $0x11, v60;
	vm13 =	vgt.f32 v52, v50  }
0x15b: {  	[tilespmem:$0x1FCE0] =	vst v42;
	v59 =	vsel vm12, v37, v36;
	v60 =	vimm.s32 $0x18;
	v42 =	vsel vm14, $0xFF800000, v5  }
0x15c: {  	v46 =	vsel vm9, v17, v16;
	v47 =	vsel vm9, $0x9, v56;
	v49 =	vsel vm10, $0xB, v57  }
0x15d: {  	vm14 =	vgt.f32 v31, v29;
	v0 =	vsel vm15, v61, v0;
	vm8 =	vgt.f32 v33, v32  }
0x15e: {  	v2 =	vsel vm15, v4, v2;
	vm9 =	vgt.f32 v44, v63;
	vm10 =	vgt.f32 v35, v34  }
0x15f: {  	v56 =	vimm.s32 $0x14;
	v50 =	vsel vm13, v52, v50;
	v51 =	vsel vm13, v53, v51  }
0x160: {  	v53 =	vsel vm12, $0x19, v60;
	v61 =	vsel vm14, v31, v29;
	v4 =	vsel vm14, $0x13, v62  }
0x161: {  	v5 =	vsel vm9, v44, v63;
	v63 =	vsel vm8, v33, v32;
	v6 =	vsel vm9, v45, v6  }
0x162: {  	vm11 =	vgt.f32 v48, v46;
	v45 =	vsel vm8, $0x15, v56;
	v57 =	vsel vm10, v35, v34  }
0x163: {  	vm14 =	vgt.f32 v39, v38;
	vm8 =	vgt.f32 v41, v40;
	v62 =	vimm.s32 $0x1A  }
0x164: {  	v56 =	vimm.s32 $0x1C;
	v46 =	vsel vm11, v48, v46;
	v47 =	vsel vm11, v49, v47  }
0x165: {  	v49 =	vsel vm10, $0x17, v58;
	vm15 =	vgt.f32 v61, v54;
	vm9 =	vgt.f32 v57, v63  }
0x166: {  	vm10 =	vgt.f32 v43, v42;
	v58 =	vimm.s32 $0x1E;
	vm13 =	vgt.f32 v5, v0  }
0x167: {  	v3 =	vsel vm15, v61, v54;
	v61 =	vsel vm14, v39, v38;
	v4 =	vsel vm15, v4, v55  }
0x168: {  	v55 =	vsel vm14, $0x1B, v62;
	v44 =	vsel vm9, v57, v63;
	v63 =	vsel vm8, v41, v40  }
0x169: {  	v45 =	vsel vm9, v49, v45;
	v49 =	vsel vm8, $0x1D, v56;
	v57 =	vsel vm10, v43, v42  }
0x16a: {  	v0 =	vsel vm13, v5, v0;
	v2 =	vsel vm13, v6, v2;
	vm14 =	vgt.f32 v50, v46  }
0x16b: {  	vm11 =	vgt.f32 v61, v59;
	vm12 =	vgt.f32 v57, v63;
	vm15 =	vgt.f32 v44, v3  }
0x16c: {  	v60 =	vsel vm14, v51, v47;
	v51 =	vand.u32 $0x7, v8;
	v52 =	vsel vm11, v61, v59  }
0x16d: {  	v47 =	vld [tilespmem:$0x1FCF0];
	v53 =	vsel vm11, v55, v53;
	v55 =	vsel vm10, $0x1F, v58;
	v48 =	vsel vm12, v57, v63  }
0x16e: {  	v59 =	vsel vm14, v50, v46;
	v3 =	vsel vm15, v44, v3;
	v45 =	vsel vm15, v45, v4;
	v57 =	vld [tilespmem:$0x1FDE0]  }
0x16f: {  	vm11 =	veq.s32 v9, $0x0;
	v46 =	vld [tilespmem:$0x1FCE0];
	v58 =	vimm.s32 $0x0;
	vm8 =	vgt.f32 v48, v52  }
0x170: {  	v50 =	vld [tilespmem:$0x1FD00];
	v49 =	vsel vm12, v55, v49;
	vm9 =	vgt.f32 v59, v0;
	v61 =	vsel vm8, v48, v52  }
0x171: {  	v54 =	vld [tilespmem:$0x1FDF0];
	v62 =	vsel vm8, v49, v53;
	v4 =	vsel vm9, v59, v0;
	v2 =	vsel vm9, v60, v2  }
0x172: {  	v59 =	vimm.s32 $0x2;
	v60 =	vimm.s32 $0x4;
	vm10 =	vgt.f32 v61, v3  }
0x173: {  	v0 =	vsel vm10, v61, v3;
	v63 =	vsel vm10, v62, v45;
	v61 =	vimm.s32 $0x6  }
0x174: {  	v62 =	vimm.s32 $0x8;
	vm0 =	vgt.f32 v0, v4;
	v9 =	vsel vm2, v57, v30  }
0x175: {  	v5 =	vsel vm1, v28, v50;
	v44 =	vsel vm0, v63, v2;
	v2 =	vor.u32 v47, v46  }
0x176: {  	v48 =	vsel vm11, v54, v9;
	v0 =	vsel vm0, v0, v4;
	v49 =	vshrl.u32 v44, $0x3  }
0x177: {  	[tilespmem:$0x1FE20] =	vst v2;
	v2 =	vshll.u32 v48, $0x3;
	vm15 =	veq.s32 v44, $0x0;
	vm4 =	veq.s32 v44, $0x1  }
0x178: {  	vm5 =	veq.s32 v44, $0x2;
	vm6 =	veq.s32 v44, $0x3;
	vm7 =	veq.s32 v44, $0x4  }
0x179: {  	vm8 =	veq.s32 v44, $0x5;
	vm9 =	veq.s32 v44, $0x6;
	vm10 =	veq.s32 v44, $0x7  }
0x17a: {  	vm11 =	veq.s32 v44, $0x8;
	vm12 =	veq.s32 v49, $0x2;
	vm13 =	veq.s32 v49, $0x1  }
0x17b: {  	v2 =	vor.u32 v51, v2;
	vm14 =	veq.s32 v49, $0x0;
	v3 =	vsel vm15, $0xFF800000, v7  }
0x17c: {  	v1 =	vsel vm4, $0xFF800000, v1;
	v45 =	vsel vm5, $0xFF800000, v10;
	v46 =	vsel vm8, $0xFF800000, v13  }
0x17d: {  	[tilespmem:$0x1FEA0] =	vst v5;
	v5 =	vsel vm10, $0xFF800000, v15;
	v15 =	vsel vm11, $0xFF800000, v16;
	vm15 =	veq.s32 v44, $0xC  }
0x17e: {  	vm4 =	veq.s32 v44, $0xD;
	vm5 =	veq.s32 v44, $0xE;
	vm8 =	veq.s32 v44, $0x11  }
0x17f: {  	vm10 =	veq.s32 v44, $0x13;
	vm11 =	veq.s32 v44, $0x14;
	v52 =	vsel vm12, v25, v26  }
0x180: {  	v56 =	vmovc v26;
	v55 =	vmovc v25;
	[tilespmem:$0x1FE30] =	vst v2;
	v25 =	vsel vm6, $0xFF800000, v11;
	v2 =	vsel vm7, $0xFF800000, v12;
	v26 =	vsel vm9, $0xFF800000, v14  }
0x181: {  	vm12 =	veq.s32 v44, $0x9;
	v30 =	vsel vm15, $0xFF800000, v20;
	v7 =	vsel vm4, $0xFF800000, v21  }
0x182: {  	vm6 =	veq.s32 v44, $0xF;
	vm7 =	veq.s32 v44, $0x10;
	vm9 =	veq.s32 v44, $0x12  }
0x183: {  	v9 =	vsel vm10, $0xFF800000, v31;
	vm15 =	veq.s32 v44, $0x18;
	vm4 =	veq.s32 v44, $0x19  }
0x184: {  	vm10 =	veq.s32 v44, $0x1F;
	v53 =	vsel vm13, v57, v52;
	vm13 =	veq.s32 v44, $0xA  }
0x185: {  	v28 =	vsel vm12, $0xFF800000, v17;
	v17 =	vsel vm5, $0xFF800000, v22;
	v23 =	vsel vm6, $0xFF800000, v23  }
0x186: {  	v8 =	vsel vm7, $0xFF800000, v24;
	v24 =	vsel vm9, $0xFF800000, v29;
	vm12 =	veq.s32 v44, $0x15  }
0x187: {  	v29 =	vsel vm15, $0xFF800000, v36;
	v11 =	vsel vm4, $0xFF800000, v37;
	vm5 =	veq.s32 v44, $0x1A  }
0x188: {  	vm6 =	veq.s32 v44, $0x1B;
	vm7 =	veq.s32 v44, $0x1C;
	vm9 =	veq.s32 v44, $0x1E  }
0x189: {  	v13 =	vsel vm10, $0xFF800000, v43;
	v52 =	vimm.s32 $0xA;
	v47 =	vsel vm14, v54, v53  }
0x18a: {  	v6 =	vsel vm13, $0xFF800000, v18;
	vm14 =	veq.s32 v44, $0xB;
	v18 =	vsel vm8, $0xFF800000, v27  }
0x18b: {  	vm13 =	veq.s32 v44, $0x16;
	v27 =	vsel vm12, $0xFF800000, v33;
	v21 =	vsel vm5, $0xFF800000, v38  }
0x18c: {  	v31 =	vsel vm6, $0xFF800000, v39;
	v12 =	vsel vm7, $0xFF800000, v40;
	vm8 =	veq.s32 v44, $0x1D  }
0x18d: {  	vm12 =	vgt.f32 v25, v45;
	vm15 =	vgt.f32 v28, v15;
	vm5 =	vgt.f32 v7, v30  }
0x18e: {  	v53 =	vimm.s32 $0xC;
	vm6 =	vgt.f32 v23, v17;
	v16 =	vsel vm14, $0xFF800000, v19  }
0x18f: {  	v19 =	vsel vm11, $0xFF800000, v32;
	v10 =	vsel vm13, $0xFF800000, v34;
	vm14 =	veq.s32 v44, $0x17  }
0x190: {  	v22 =	vsel vm8, $0xFF800000, v41;
	v32 =	vsel vm9, $0xFF800000, v42;
	vm11 =	vgt.f32 v1, v3  }
0x191: {  	v34 =	vsel vm12, v25, v45;
	vm13 =	vgt.f32 v46, v2;
	v40 =	vsel vm15, v28, v15  }
0x192: {  	v41 =	vsel vm15, $0x9, v62;
	v48 =	vsel vm5, v7, v30;
	v49 =	vsel vm5, $0xD, v53  }
0x193: {  	v50 =	vsel vm6, v23, v17;
	vm7 =	vgt.f32 v18, v8;
	vm8 =	vgt.f32 v9, v24  }
0x194: {  	v20 =	vsel vm14, $0xFF800000, v35;
	v14 =	vsel vm11, v1, v3;
	v33 =	vsel vm11, $0x1, v58  }
0x195: {  	v35 =	vsel vm12, $0x3, v59;
	v36 =	vsel vm13, v46, v2;
	v37 =	vsel vm13, $0x5, v60  }
0x196: {  	vm14 =	vgt.f32 v5, v26;
	vm4 =	vgt.f32 v16, v6;
	v58 =	vimm.s32 $0xE  }
0x197: {  	v59 =	vimm.s32 $0x10;
	vm10 =	vgt.f32 v27, v19;
	v60 =	vimm.s32 $0x12  }
0x198: {  	vm15 =	vgt.f32 v50, v48;
	v38 =	vsel vm14, v5, v26;
	v39 =	vsel vm14, $0x7, v61  }
0x199: {  	v63 =	vsel vm4, v16, v6;
	v43 =	vsel vm4, $0xB, v52;
	v51 =	vsel vm6, $0xF, v58  }
0x19a: {  	v52 =	vsel vm7, v18, v8;
	vm9 =	vgt.f32 v34, v14;
	v53 =	vsel vm7, $0x11, v59  }
0x19b: {  	vm12 =	vgt.f32 v20, v10;
	v61 =	vimm.s32 $0x14;
	vm14 =	vgt.f32 v11, v29  }
0x19c: {  	v48 =	vsel vm15, v50, v48;
	vm6 =	vgt.f32 v31, v21;
	v59 =	vimm.s32 $0x18  }
0x19d: {  	v14 =	vsel vm9, v34, v14;
	v34 =	vsel vm8, v9, v24;
	v33 =	vsel vm9, v35, v33  }
0x19e: {  	vm11 =	vgt.f32 v38, v36;
	v35 =	vsel vm8, $0x13, v60;
	vm13 =	vgt.f32 v63, v40  }
0x19f: {  	v62 =	vsel vm12, v20, v10;
	v58 =	vsel vm14, v11, v29;
	v49 =	vsel vm15, v51, v49  }
0x1a0: {  	v51 =	vsel vm14, $0x19, v59;
	v60 =	vsel vm6, v31, v21;
	vm8 =	vgt.f32 v22, v12  }
0x1a1: {  	v59 =	vimm.s32 $0x1E;
	v36 =	vsel vm11, v38, v36;
	v38 =	vsel vm10, v27, v19  }
0x1a2: {  	v37 =	vsel vm11, v39, v37;
	v39 =	vsel vm10, $0x15, v61;
	v40 =	vsel vm13, v63, v40  }
0x1a3: {  	v41 =	vsel vm13, v43, v41;
	v63 =	vimm.s32 $0x16;
	vm7 =	vgt.f32 v34, v52  }
0x1a4: {  	v61 =	vimm.s32 $0x1A;
	vm10 =	vgt.f32 v13, v32;
	vm11 =	vgt.f32 v60, v58  }
0x1a5: {  	v43 =	vsel vm12, $0x17, v63;
	v34 =	vsel vm7, v34, v52;
	v35 =	vsel vm7, v35, v53  }
0x1a6: {  	vm9 =	vgt.f32 v62, v38;
	v53 =	vsel vm6, $0x1B, v61;
	v63 =	vimm.s32 $0x1C  }
0x1a7: {  	v50 =	vsel vm11, v60, v58;
	v58 =	vsel vm10, v13, v32;
	vm13 =	vgt.f32 v36, v14  }
0x1a8: {  	vm14 =	vgt.f32 v48, v40;
	v38 =	vsel vm9, v62, v38;
	v62 =	vsel vm8, v22, v12  }
0x1a9: {  	v39 =	vsel vm9, v43, v39;
	v43 =	vsel vm8, $0x1D, v63;
	v51 =	vsel vm11, v53, v51  }
0x1aa: {  	v53 =	vsel vm10, $0x1F, v59;
	v14 =	vsel vm13, v36, v14;
	v33 =	vsel vm13, v37, v33  }
0x1ab: {  	v60 =	vsel vm14, v48, v40;
	v61 =	vsel vm14, v49, v41;
	vm12 =	vgt.f32 v58, v62  }
0x1ac: {  	vm15 =	vgt.f32 v38, v34;
	vm7 =	vgt.f32 v60, v14;
	v42 =	vsel vm12, v58, v62  }
0x1ad: {  	v43 =	vsel vm12, v53, v43;
	v34 =	vsel vm15, v38, v34;
	v35 =	vsel vm15, v39, v35  }
0x1ae: {  	v36 =	vsel vm7, v60, v14;
	v41 =	vsel vm7, v61, v33;
	vm6 =	vgt.f32 v42, v50  }
0x1af: {  	v53 =	vimm.s32 $0x2;
	v60 =	vimm.s32 $0xC;
	v62 =	vsel vm6, v42, v50  }
0x1b0: {  	v63 =	vsel vm6, v43, v51;
	v43 =	vshll.u32 v47, $0x3;
	vm8 =	vgt.f32 v62, v34  }
0x1b1: {  	v47 =	vand.u32 $0x7, v44;
	v51 =	vimm.s32 $0x0;
	v34 =	vsel vm8, v62, v34  }
0x1b2: {  	v48 =	vor.u32 v47, v43;
	v42 =	vsel vm8, v63, v35;
	vm9 =	vgt.f32 v34, v36  }
0x1b3: {  	v62 =	vimm.s32 $0xE;
	v14 =	vsel vm9, v42, v41;
	v50 =	vsel vm9, v34, v36  }
0x1b4: {  	v49 =	vshrl.u32 v14, $0x3;
	vm11 =	veq.s32 v14, $0x0;
	vm12 =	veq.s32 v14, $0x1  }
0x1b5: {  	vm13 =	veq.s32 v14, $0x2;
	vm14 =	veq.s32 v14, $0x3;
	vm15 =	veq.s32 v14, $0x4  }
0x1b6: {  	vm6 =	veq.s32 v14, $0x5;
	vm7 =	veq.s32 v14, $0x6;
	vm8 =	veq.s32 v14, $0x7  }
0x1b7: {  	vm9 =	veq.s32 v14, $0x8;
	vm5 =	veq.s32 v14, $0xF;
	vm0 =	veq.s32 v49, $0x0  }
0x1b8: {  	[tilespmem:$0x1FEB0] =	vst v0;
	vm10 =	veq.s32 v49, $0x2;
	vm1 =	veq.s32 v49, $0x1;
	v0 =	vsel vm11, $0xFF800000, v3  }
0x1b9: {  	v35 =	vsel vm12, $0xFF800000, v1;
	v33 =	vsel vm13, $0xFF800000, v45;
	v3 =	vsel vm14, $0xFF800000, v25  }
0x1ba: {  	v36 =	vsel vm15, $0xFF800000, v2;
	v34 =	vsel vm6, $0xFF800000, v46;
	v4 =	vsel vm7, $0xFF800000, v26  }
0x1bb: {  	v39 =	vsel vm8, $0xFF800000, v5;
	v15 =	vsel vm9, $0xFF800000, v15;
	vm11 =	veq.s32 v14, $0xA  }
0x1bc: {  	vm12 =	veq.s32 v14, $0xB;
	vm13 =	veq.s32 v14, $0xC;
	vm14 =	veq.s32 v14, $0xD  }
0x1bd: {  	vm15 =	veq.s32 v14, $0xE;
	vm6 =	veq.s32 v14, $0x10;
	vm7 =	veq.s32 v14, $0x11  }
0x1be: {  	vm8 =	veq.s32 v14, $0x12;
	vm9 =	veq.s32 v14, $0x13;
	v37 =	vsel vm10, v55, v56  }
0x1bf: {  	vm10 =	veq.s32 v14, $0x9;
	v40 =	vsel vm11, $0xFF800000, v6;
	v16 =	vsel vm12, $0xFF800000, v16  }
0x1c0: {  	v6 =	vsel vm13, $0xFF800000, v30;
	v41 =	vsel vm14, $0xFF800000, v7;
	v17 =	vsel vm15, $0xFF800000, v17  }
0x1c1: {  	v7 =	vsel vm5, $0xFF800000, v23;
	v23 =	vsel vm6, $0xFF800000, v8;
	v18 =	vsel vm7, $0xFF800000, v18  }
0x1c2: {  	v8 =	vsel vm8, $0xFF800000, v24;
	v42 =	vsel vm9, $0xFF800000, v9;
	vm11 =	veq.s32 v14, $0x15  }
0x1c3: {  	vm12 =	veq.s32 v14, $0x16;
	vm13 =	veq.s32 v14, $0x17;
	vm14 =	veq.s32 v14, $0x18  }
0x1c4: {  	vm15 =	veq.s32 v14, $0x19;
	vm6 =	veq.s32 v14, $0x1A;
	vm7 =	veq.s32 v14, $0x1B  }
0x1c5: {  	vm8 =	veq.s32 v14, $0x1C;
	vm9 =	veq.s32 v14, $0x1D;
	v5 =	vsel vm10, $0xFF800000, v28  }
0x1c6: {  	vm10 =	veq.s32 v14, $0x14;
	v9 =	vsel vm11, $0xFF800000, v27;
	v43 =	vsel vm12, $0xFF800000, v10  }
0x1c7: {  	v28 =	vsel vm13, $0xFF800000, v20;
	v10 =	vsel vm14, $0xFF800000, v29;
	v44 =	vsel vm15, $0xFF800000, v11  }
0x1c8: {  	v30 =	vsel vm6, $0xFF800000, v21;
	v25 =	vsel vm7, $0xFF800000, v31;
	v45 =	vsel vm8, $0xFF800000, v12  }
0x1c9: {  	v38 =	vsel vm9, $0xFF800000, v22;
	vm11 =	veq.s32 v14, $0x1F;
	vm12 =	vgt.f32 v35, v0  }
0x1ca: {  	vm13 =	vgt.f32 v3, v33;
	vm14 =	vgt.f32 v34, v36;
	vm15 =	vgt.f32 v39, v4  }
0x1cb: {  	v21 =	vimm.s32 $0x6;
	vm7 =	vgt.f32 v16, v40;
	v27 =	vimm.s32 $0x8  }
0x1cc: {  	vm8 =	vgt.f32 v41, v6;
	v31 =	vimm.s32 $0xA;
	vm9 =	vgt.f32 v7, v17  }
0x1cd: {  	v37 =	vsel vm1, v57, v37;
	v24 =	vsel vm10, $0xFF800000, v19;
	vm10 =	veq.s32 v14, $0x1E  }
0x1ce: {  	v46 =	vsel vm11, $0xFF800000, v13;
	v1 =	vsel vm12, v35, v0;
	v2 =	vsel vm12, $0x1, v51  }
0x1cf: {  	v52 =	vsel vm13, v3, v33;
	v12 =	vsel vm13, $0x3, v53;
	v58 =	vsel vm14, v34, v36  }
0x1d0: {  	v19 =	vimm.s32 $0x4;
	v20 =	vsel vm15, v39, v4;
	vm6 =	vgt.f32 v5, v15  }
0x1d1: {  	v21 =	vsel vm15, $0x7, v21;
	v29 =	vsel vm7, v16, v40;
	v31 =	vsel vm7, $0xB, v31  }
0x1d2: {  	v59 =	vsel vm8, v41, v6;
	v47 =	vsel vm8, $0xD, v60;
	v61 =	vsel vm9, v7, v17  }
0x1d3: {  	v49 =	vsel vm9, $0xF, v62;
	vm12 =	vgt.f32 v42, v8;
	vm8 =	vgt.f32 v44, v10  }
0x1d4: {  	v60 =	vimm.s32 $0x18;
	v37 =	vsel vm0, v54, v37;
	v26 =	vsel vm10, $0xFF800000, v32  }
0x1d5: {  	v19 =	vsel vm14, $0x5, v19;
	v22 =	vsel vm6, v5, v15;
	v27 =	vsel vm6, $0x9, v27  }
0x1d6: {  	vm10 =	vgt.f32 v18, v23;
	vm11 =	vgt.f32 v52, v1;
	v53 =	vsel vm12, v42, v8  }
0x1d7: {  	vm13 =	vgt.f32 v20, v58;
	vm14 =	vgt.f32 v9, v24;
	vm6 =	vgt.f32 v28, v43  }
0x1d8: {  	[tilespmem:$0x1FEC0] =	vst v50;
	vm7 =	vgt.f32 v61, v59;
	v50 =	vsel vm8, $0x19, v60;
	v63 =	vsel vm10, v18, v23  }
0x1d9: {  	v1 =	vsel vm11, v52, v1;
	v52 =	vimm.s32 $0x10;
	v2 =	vsel vm11, v12, v2  }
0x1da: {  	v13 =	vsel vm13, v20, v58;
	v20 =	vimm.s32 $0x12;
	v19 =	vsel vm13, v21, v19  }
0x1db: {  	v21 =	vsel vm14, v9, v24;
	vm15 =	vgt.f32 v29, v22;
	v32 =	vsel vm7, v61, v59  }
0x1dc: {  	v58 =	vimm.s32 $0x16;
	v47 =	vsel vm7, v49, v47;
	v59 =	vsel vm8, v44, v10  }
0x1dd: {  	vm13 =	vgt.f32 v46, v26;
	v11 =	vsel vm10, $0x11, v52;
	v20 =	vsel vm12, $0x13, v20  }
0x1de: {  	v22 =	vsel vm15, v29, v22;
	v29 =	vimm.s32 $0x14;
	v27 =	vsel vm15, v31, v27  }
0x1df: {  	[tilespmem:$0x1FE40] =	vst v48;
	v31 =	vsel vm6, v28, v43;
	v48 =	vsel vm6, $0x17, v58;
	vm9 =	vgt.f32 v53, v63  }
0x1e0: {  	vm10 =	vgt.f32 v25, v30;
	vm12 =	vgt.f32 v38, v45;
	v62 =	vsel vm13, v46, v26  }
0x1e1: {  	v52 =	vimm.s32 $0x1E;
	vm5 =	vgt.f32 v13, v1;
	v29 =	vsel vm14, $0x15, v29  }
0x1e2: {  	v12 =	vsel vm9, v53, v63;
	v11 =	vsel vm9, v20, v11;
	v20 =	vsel vm10, v25, v30  }
0x1e3: {  	vm11 =	vgt.f32 v31, v21;
	v61 =	vsel vm12, v38, v45;
	v63 =	vimm.s32 $0x1C  }
0x1e4: {  	v49 =	vsel vm13, $0x1F, v52;
	v1 =	vsel vm5, v13, v1;
	v53 =	vsel vm5, v19, v2  }
0x1e5: {  	vm6 =	vgt.f32 v32, v22;
	v21 =	vsel vm11, v31, v21;
	v31 =	vimm.s32 $0x1A  }
0x1e6: {  	v29 =	vsel vm11, v48, v29;
	vm14 =	vgt.f32 v20, v59;
	vm15 =	vgt.f32 v62, v61  }
0x1e7: {  	v58 =	vsel vm6, v32, v22;
	v19 =	vsel vm6, v47, v27;
	v31 =	vsel vm10, $0x1B, v31  }
0x1e8: {  	v20 =	vsel vm14, v20, v59;
	v48 =	vsel vm15, v62, v61;
	vm7 =	vgt.f32 v21, v12  }
0x1e9: {  	vm9 =	vgt.f32 v58, v1;
	v31 =	vsel vm14, v31, v50;
	vm8 =	vgt.f32 v48, v20  }
0x1ea: {  	v50 =	vsel vm12, $0x1D, v63;
	v12 =	vsel vm7, v21, v12;
	v20 =	vsel vm8, v48, v20  }
0x1eb: {  	v11 =	vsel vm7, v29, v11;
	v49 =	vsel vm15, v49, v50;
	vm10 =	vgt.f32 v20, v12  }
0x1ec: {  	v1 =	vsel vm9, v58, v1;
	v21 =	vsel vm8, v49, v31;
	v2 =	vsel vm10, v20, v12  }
0x1ed: {  	v59 =	vsel vm9, v19, v53;
	v11 =	vsel vm10, v21, v11;
	vm0 =	vgt.f32 v2, v1  }
0x1ee: {  	v14 =	vand.u32 $0x7, v14;
	v60 =	vshll.u32 v37, $0x3;
	v37 =	vsel vm0, v11, v59  }
0x1ef: {  	v61 =	vor.u32 v14, v60;
	v1 =	vsel vm0, v2, v1;
	vm11 =	veq.s32 v37, $0x0  }
0x1f0: {  	vm12 =	veq.s32 v37, $0x1;
	vm13 =	veq.s32 v37, $0x2;
	vm14 =	veq.s32 v37, $0x3  }
0x1f1: {  	vm15 =	veq.s32 v37, $0x4;
	vm4 =	veq.s32 v37, $0x5;
	vm5 =	veq.s32 v37, $0x6  }
0x1f2: {  	vm6 =	veq.s32 v37, $0x7;
	vm7 =	veq.s32 v37, $0x8;
	vm8 =	veq.s32 v37, $0x9  }
0x1f3: {  	vm9 =	veq.s32 v37, $0xA;
	vm10 =	veq.s32 v37, $0xB;
	v27 =	vsel vm11, $0xFF800000, v0  }
0x1f4: {  	v11 =	vsel vm12, $0xFF800000, v35;
	v0 =	vsel vm13, $0xFF800000, v33;
	v29 =	vsel vm14, $0xFF800000, v3  }
0x1f5: {  	v12 =	vsel vm15, $0xFF800000, v36;
	v19 =	vsel vm4, $0xFF800000, v34;
	v31 =	vsel vm5, $0xFF800000, v4  }
0x1f6: {  	v13 =	vsel vm6, $0xFF800000, v39;
	v20 =	vsel vm7, $0xFF800000, v15;
	v32 =	vsel vm8, $0xFF800000, v5  }
0x1f7: {  	v14 =	vsel vm9, $0xFF800000, v40;
	v21 =	vsel vm10, $0xFF800000, v16;
	vm11 =	veq.s32 v37, $0xC  }
0x1f8: {  	vm12 =	veq.s32 v37, $0xD;
	vm13 =	veq.s32 v37, $0xE;
	vm14 =	veq.s32 v37, $0xF  }
0x1f9: {  	vm15 =	veq.s32 v37, $0x10;
	vm4 =	veq.s32 v37, $0x11;
	vm5 =	veq.s32 v37, $0x12  }
0x1fa: {  	vm6 =	veq.s32 v37, $0x13;
	vm7 =	veq.s32 v37, $0x14;
	vm8 =	veq.s32 v37, $0x15  }
0x1fb: {  	vm9 =	veq.s32 v37, $0x16;
	vm10 =	veq.s32 v37, $0x17;
	v33 =	vsel vm11, $0xFF800000, v6  }
0x1fc: {  	v15 =	vsel vm12, $0xFF800000, v41;
	v22 =	vsel vm13, $0xFF800000, v17;
	v34 =	vsel vm14, $0xFF800000, v7  }
0x1fd: {  	v16 =	vsel vm15, $0xFF800000, v23;
	v23 =	vsel vm4, $0xFF800000, v18;
	v35 =	vsel vm5, $0xFF800000, v8  }
0x1fe: {  	v17 =	vsel vm6, $0xFF800000, v42;
	v24 =	vsel vm7, $0xFF800000, v24;
	v36 =	vsel vm8, $0xFF800000, v9  }
0x1ff: {  	v9 =	vsel vm9, $0xFF800000, v43;
	v18 =	vsel vm10, $0xFF800000, v28;
	vm11 =	veq.s32 v37, $0x18  }
0x200: {  	vm12 =	veq.s32 v37, $0x19;
	vm13 =	veq.s32 v37, $0x1A;
	vm14 =	veq.s32 v37, $0x1B  }
0x201: {  	vm15 =	veq.s32 v37, $0x1C;
	vm4 =	veq.s32 v37, $0x1D;
	vm5 =	veq.s32 v37, $0x1E  }
0x202: {  	vm6 =	veq.s32 v37, $0x1F;
	vm7 =	vgt.f32 v11, v27;
	vm8 =	vgt.f32 v29, v0  }
0x203: {  	vm9 =	vgt.f32 v19, v12;
	vm10 =	vgt.f32 v13, v31;
	v10 =	vsel vm11, $0xFF800000, v10  }
0x204: {  	v6 =	vsel vm12, $0xFF800000, v44;
	v8 =	vsel vm13, $0xFF800000, v30;
	v7 =	vsel vm14, $0xFF800000, v25  }
0x205: {  	v4 =	vsel vm15, $0xFF800000, v45;
	v5 =	vsel vm4, $0xFF800000, v38;
	v53 =	vsel vm5, $0xFF800000, v26  }
0x206: {  	v46 =	vsel vm6, $0xFF800000, v46;
	v3 =	vsel vm7, v11, v27;
	v25 =	vimm.s32 $0x0  }
0x207: {  	v28 =	vsel vm8, v29, v0;
	v26 =	vimm.s32 $0x2;
	v38 =	vsel vm9, v19, v12  }
0x208: {  	v62 =	vsel vm10, v13, v31;
	vm11 =	vgt.f32 v32, v20;
	vm12 =	vgt.f32 v21, v14  }
0x209: {  	vm13 =	vgt.f32 v15, v33;
	vm14 =	vgt.f32 v34, v22;
	vm6 =	vgt.f32 v23, v16  }
0x20a: {  	v25 =	vsel vm7, $0x1, v25;
	v30 =	vsel vm8, $0x3, v26;
	v26 =	vimm.s32 $0x4  }
0x20b: {  	v42 =	vsel vm11, v32, v20;
	v52 =	vsel vm12, v21, v14;
	v59 =	vsel vm13, v15, v33  }
0x20c: {  	[tilespmem:$0x1FE50] =	vst v61;
	vm15 =	vgt.f32 v28, v3;
	v61 =	vsel vm14, v34, v22;
	vm7 =	vgt.f32 v62, v38  }
0x20d: {  	vm8 =	vgt.f32 v17, v35;
	v39 =	vsel vm9, $0x5, v26;
	v26 =	vimm.s32 $0x6  }
0x20e: {  	v3 =	vsel vm15, v28, v3;
	v25 =	vsel vm15, v30, v25;
	v30 =	vsel vm6, v23, v16  }
0x20f: {  	v38 =	vsel vm7, v62, v38;
	vm9 =	vgt.f32 v52, v42;
	vm15 =	vgt.f32 v7, v8  }
0x210: {  	v63 =	vsel vm10, $0x7, v26;
	v26 =	vimm.s32 $0x8;
	v42 =	vsel vm9, v52, v42  }
0x211: {  	vm10 =	vgt.f32 v36, v24;
	v43 =	vsel vm11, $0x9, v26;
	v26 =	vimm.s32 $0xA  }
0x212: {  	v39 =	vsel vm7, v63, v39;
	v63 =	vsel vm8, v17, v35;
	vm11 =	vgt.f32 v61, v59  }
0x213: {  	v58 =	vsel vm12, $0xB, v26;
	v26 =	vimm.s32 $0xC;
	v47 =	vsel vm11, v61, v59  }
0x214: {  	vm12 =	vgt.f32 v18, v9;
	v60 =	vsel vm13, $0xD, v26;
	v26 =	vimm.s32 $0xE  }
0x215: {  	v43 =	vsel vm9, v58, v43;
	v58 =	vsel vm10, v36, v24;
	vm13 =	vgt.f32 v6, v10  }
0x216: {  	vm9 =	vgt.f32 v5, v4;
	v28 =	vsel vm14, $0xF, v26;
	v26 =	vimm.s32 $0x10  }
0x217: {  	vm14 =	vgt.f32 v63, v30;
	v61 =	vsel vm13, v6, v10;
	v62 =	vsel vm6, $0x11, v26  }
0x218: {  	v26 =	vimm.s32 $0x12;
	v28 =	vsel vm11, v28, v60;
	v60 =	vsel vm12, v18, v9  }
0x219: {  	v30 =	vsel vm14, v63, v30;
	v52 =	vsel vm8, $0x13, v26;
	v26 =	vimm.s32 $0x14  }
0x21a: {  	vm7 =	vgt.f32 v60, v58;
	v59 =	vsel vm10, $0x15, v26;
	v40 =	vsel vm14, v52, v62  }
0x21b: {  	v62 =	vsel vm15, v7, v8;
	v45 =	vsel vm7, v60, v58;
	v26 =	vimm.s32 $0x16  }
0x21c: {  	vm10 =	vgt.f32 v46, v53;
	v63 =	vsel vm12, $0x17, v26;
	vm8 =	vgt.f32 v62, v61  }
0x21d: {  	v26 =	vimm.s32 $0x18;
	v60 =	vsel vm10, v46, v53;
	vm12 =	vgt.f32 v38, v3  }
0x21e: {  	vm14 =	vgt.f32 v45, v30;
	v48 =	vsel vm7, v63, v59;
	v52 =	vsel vm13, $0x19, v26  }
0x21f: {  	v41 =	vsel vm8, v62, v61;
	v26 =	vimm.s32 $0x1A;
	v59 =	vsel vm9, v5, v4  }
0x220: {  	v3 =	vsel vm12, v38, v3;
	v25 =	vsel vm12, v39, v25;
	vm13 =	vgt.f32 v47, v42  }
0x221: {  	v30 =	vsel vm14, v45, v30;
	v58 =	vsel vm15, $0x1B, v26;
	vm11 =	vgt.f32 v60, v59  }
0x222: {  	v26 =	vimm.s32 $0x1C;
	v47 =	vsel vm13, v47, v42;
	v28 =	vsel vm13, v28, v43  }
0x223: {  	v40 =	vsel vm14, v48, v40;
	v44 =	vsel vm8, v58, v52;
	v61 =	vsel vm9, $0x1D, v26  }
0x224: {  	v26 =	vimm.s32 $0x1E;
	v49 =	vsel vm11, v60, v59;
	vm4 =	vgt.f32 v47, v3  }
0x225: {  	v52 =	vshrl.u32 v37, $0x3;
	v62 =	vsel vm10, $0x1F, v26;
	vm15 =	vgt.f32 v49, v41  }
0x226: {  	v3 =	vsel vm4, v47, v3;
	v25 =	vsel vm4, v28, v25;
	vm7 =	veq.s32 v52, $0x0  }
0x227: {  	vm8 =	veq.s32 v52, $0x2;
	vm9 =	veq.s32 v52, $0x1;
	v49 =	vsel vm15, v49, v41  }
0x228: {  	v63 =	vsel vm11, v62, v61;
	v59 =	vsel vm8, v55, v56;
	vm5 =	vgt.f32 v49, v30  }
0x229: {  	[tilespmem:$0x1FED0] =	vst v1;
	v51 =	vsel vm15, v63, v44;
	v1 =	vsel vm9, v57, v59;
	v30 =	vsel vm5, v49, v30  }
0x22a: {  	v28 =	vsel vm5, v51, v40;
	v1 =	vsel vm7, v54, v1;
	vm6 =	vgt.f32 v30, v3  }
0x22b: {  	v1 =	vshll.u32 v1, $0x3;
	v58 =	vsel vm6, v28, v25;
	v3 =	vsel vm6, v30, v3  }
0x22c: {  	v25 =	vshrl.u32 v58, $0x3;
	vm13 =	veq.s32 v58, $0x0;
	vm14 =	veq.s32 v58, $0x1  }
0x22d: {  	vm15 =	veq.s32 v58, $0x2;
	vm4 =	veq.s32 v58, $0x3;
	vm5 =	veq.s32 v58, $0x4  }
0x22e: {  	vm6 =	veq.s32 v58, $0x5;
	vm7 =	veq.s32 v58, $0x6;
	vm8 =	veq.s32 v58, $0x7  }
0x22f: {  	vm9 =	veq.s32 v58, $0x8;
	vm0 =	veq.s32 v58, $0x1F;
	vm10 =	veq.s32 v25, $0x2  }
0x230: {  	vm11 =	veq.s32 v25, $0x1;
	vm12 =	veq.s32 v25, $0x0;
	v61 =	vsel vm13, $0xFF800000, v27  }
0x231: {  	v62 =	vsel vm14, $0xFF800000, v11;
	v0 =	vsel vm15, $0xFF800000, v0;
	v63 =	vsel vm4, $0xFF800000, v29  }
0x232: {  	v12 =	vsel vm5, $0xFF800000, v12;
	v19 =	vsel vm6, $0xFF800000, v19;
	v13 =	vsel vm8, $0xFF800000, v13  }
0x233: {  	v20 =	vsel vm9, $0xFF800000, v20;
	vm13 =	veq.s32 v58, $0xC;
	vm14 =	veq.s32 v58, $0xD  }
0x234: {  	vm15 =	veq.s32 v58, $0xE;
	vm4 =	veq.s32 v58, $0xF;
	vm5 =	veq.s32 v58, $0x10  }
0x235: {  	vm6 =	veq.s32 v58, $0x11;
	vm8 =	veq.s32 v58, $0x13;
	vm9 =	veq.s32 v58, $0x14  }
0x236: {  	v11 =	vimm.s32 $0x2;
	v28 =	vsel vm10, v55, v56;
	vm10 =	veq.s32 v58, $0x9  }
0x237: {  	v15 =	vsel vm14, $0xFF800000, v15;
	v22 =	vsel vm15, $0xFF800000, v22;
	v29 =	vsel vm4, $0xFF800000, v34  }
0x238: {  	v16 =	vsel vm5, $0xFF800000, v16;
	v23 =	vsel vm6, $0xFF800000, v23;
	v17 =	vsel vm8, $0xFF800000, v17  }
0x239: {  	v24 =	vsel vm9, $0xFF800000, v24;
	vm14 =	veq.s32 v58, $0x19;
	vm15 =	veq.s32 v58, $0x1A  }
0x23a: {  	vm4 =	veq.s32 v58, $0x1B;
	vm5 =	veq.s32 v58, $0x1C;
	vm6 =	veq.s32 v58, $0x1D  }
0x23b: {  	v25 =	vsel vm11, v57, v28;
	v28 =	vand.u32 $0x7, v37;
	v27 =	vsel vm10, $0xFF800000, v32  }
0x23c: {  	vm11 =	veq.s32 v58, $0xA;
	vm10 =	veq.s32 v58, $0x15;
	v34 =	vsel vm14, $0xFF800000, v6  }
0x23d: {  	v8 =	vsel vm15, $0xFF800000, v8;
	v6 =	vsel vm5, $0xFF800000, v4;
	v42 =	vsel vm6, $0xFF800000, v5  }
0x23e: {  	vm8 =	vgt.f32 v29, v22;
	vm6 =	vgt.f32 v23, v16;
	v25 =	vsel vm12, v54, v25  }
0x23f: {  	v1 =	vor.u32 v28, v1;
	vm12 =	veq.s32 v58, $0xB;
	v14 =	vsel vm11, $0xFF800000, v14  }
0x240: {  	v28 =	vsel vm13, $0xFF800000, v33;
	vm11 =	veq.s32 v58, $0x16;
	vm13 =	veq.s32 v58, $0x18  }
0x241: {  	s0 =	sor.u32 $0x10, s0;
	v51 =	vsel vm8, v29, v22;
	v60 =	vshll.u32 v25, $0x3;
	v25 =	vand.u32 $0x7, v58  }
0x242: {  	s24 =	sor.u32 s0, s24;
	v21 =	vsel vm12, $0xFF800000, v21;
	vm12 =	veq.s32 v58, $0x17;
	v9 =	vsel vm11, $0xFF800000, v9  }
0x243: {  	s1 =	sor.u32 s0, s1;
	v2 =	vld [tilespmem:s24+$0x0];
	v10 =	vsel vm13, $0xFF800000, v10;
	vm11 =	vgt.f32 v63, v0;
	vm13 =	vgt.f32 v27, v20  }
0x244: {  	s8 =	sor.u32 s0, s8;
	v32 =	vld [tilespmem:s1+$0x0];
	[tilespmem:$0x1FE60] =	vst v1;
	v1 =	vor.u32 v25, v60;
	v25 =	vsel vm7, $0xFF800000, v31;
	vm7 =	veq.s32 v58, $0x12  }
0x245: {  	s15 =	sor.u32 s0, s11;
	v37 =	vld [tilespmem:s8+$0x0];
	v31 =	vsel vm10, $0xFF800000, v36;
	v18 =	vsel vm12, $0xFF800000, v18;
	v36 =	vsel vm4, $0xFF800000, v7  }
0x246: {  	s4 =	sor.u32 s0, s4;
	v4 =	vld [tilespmem:s15+$0x0];
	vm10 =	veq.s32 v58, $0x1E;
	v7 =	vimm.s32 $0x0;
	vm12 =	vgt.f32 v19, v12  }
0x247: {  	s20 =	sor.u32 s0, s20;
	v33 =	vld [tilespmem:s4+$0x0];
	v56 =	vsel vm11, $0x3, v11;
	v45 =	vsel vm13, v27, v20;
	vm2 =	vgt.f32 v34, v10  }
0x248: {  	vm4 =	vgt.f32 v42, v6;
	[tilespmem:$0x1FE70] =	vst v1;
	v30 =	vsel vm7, $0xFF800000, v35;
	vm7 =	vgt.f32 v62, v61;
	v1 =	vld [tilespmem:s20+$0x0];
	s20 =	sor.u32 s19, s0  }
0x249: {  	v44 =	vsel vm12, v19, v12;
	v12 =	vimm.s32 $0x4;
	vm1 =	vgt.f32 v31, v24;
	v38 =	vld [tilespmem:s20+$0x0]  }
0x24a: {  	vm5 =	vgt.f32 v18, v9;
	vm3 =	vgt.f32 v36, v8;
	v55 =	vsel vm2, v34, v10;
	v39 =	vld [tilespmem:s20+$0x80]  }
0x24b: {  	s7 =	sor.u32 s0, s7;
	v54 =	vsel vm7, v62, v61;
	v43 =	vsel vm7, $0x1, v7;
	v7 =	vsel vm11, v63, v0;
	v40 =	vld [tilespmem:s20+$0x100]  }
0x24c: {  	v35 =	vld [tilespmem:s7+$0x0];
	v5 =	vsel vm12, $0x5, v12;
	vm12 =	vgt.f32 v13, v25;
	vm11 =	vgt.f32 v21, v14  }
0x24d: {  	vm7 =	vgt.f32 v15, v28;
	v61 =	vsel vm6, v23, v16;
	vm9 =	vgt.f32 v17, v30;
	v41 =	vld [tilespmem:s20+$0x180]  }
0x24e: {  	s29 =	sor.u32 s0, s29;
	v47 =	vsel vm1, v31, v24;
	v48 =	vld [tilespmem:s20+$0x200];
	v49 =	vsel vm5, v18, v9;
	v58 =	vsel vm3, v36, v8  }
0x24f: {  	s11 =	rddreg [dreg:$0x10];
	v0 =	vld [tilespmem:s29+$0x0];
	v57 =	vsel vm12, v13, v25;
	v60 =	vsel vm11, v21, v14;
	v62 =	vmax.f32 v38, v39  }
0x250: {  	s24 =	rddreg [dreg:$0x12];
	[tilespmem:$0x1FEE0] =	vst v3;
	v50 =	vld [tilespmem:s20+$0x280];
	v20 =	vmin.f32 v32, v33;
	v11 =	vmin.f32 v38, v39;
	v3 =	vmin.f32 v62, v40  }
0x251: {  	s4 =	rddreg [dreg:$0xc];
	v63 =	vld [tilespmem:s20+$0x300];
	v8 =	vmax.f32 v62, v40;
	v62 =	vmax.f32 v32, v33;
	v11 =	vmax.f32 v11, v3  }
0x252: {  	s1 =	sor.u32 s0, s4;
	s7 =	rddreg [dreg:$0xe];
	v34 =	vld [tilespmem:s20+$0x380];
	v36 =	vmin.f32 v8, v41;
	v8 =	vmax.f32 v8, v41;
	v21 =	vmin.f32 v62, v35  }
0x253: {  	s8 =	rddreg [dreg:$0xf];
	v16 =	vld [tilespmem:s1+$0x0];
	s1 =	sor.u32 s0, s7;
	v12 =	vmax.f32 v62, v35;
	v11 =	vmax.f32 v11, v36;
	v39 =	vmin.f32 v8, v48  }
0x254: {  	s15 =	rddreg [dreg:$0x11];
	v38 =	vld [tilespmem:s1+$0x0];
	s1 =	sor.u32 s0, s8;
	v8 =	vmax.f32 v8, v48;
	v20 =	vmax.f32 v20, v21;
	v21 =	vmin.f32 v12, v37  }
0x255: {  	s4 =	rddreg [dreg:$0x14];
	v40 =	vld [tilespmem:s1+$0x0];
	s1 =	sor.u32 s0, s11;
	v12 =	vmax.f32 v12, v37;
	v11 =	vmax.f32 v11, v39;
	v41 =	vmin.f32 v8, v50  }
0x256: {  	s29 =	rddreg [dreg:$0x13];
	[tilespmem:$0x1FD10] =	vst v47;
	v47 =	vld [tilespmem:s1+$0x0];
	s1 =	sor.u32 s0, s15;
	v8 =	vmax.f32 v8, v50;
	v20 =	vmax.f32 v20, v21;
	v21 =	vmin.f32 v12, v4  }
0x257: {  	s7 =	rddreg [dreg:$0x15];
	[tilespmem:$0x1FD20] =	vst v49;
	v50 =	vld [tilespmem:s1+$0x0];
	s1 =	sor.u32 s0, s24;
	v4 =	vmax.f32 v12, v4;
	v48 =	vmax.f32 v11, v41;
	v49 =	vmin.f32 v8, v63  }
0x258: {  	s8 =	rddreg [dreg:$0x16];
	v8 =	vmax.f32 v8, v63;
	v18 =	vld [tilespmem:s1+$0x0];
	s1 =	sor.u32 s0, s29;
	v20 =	vmax.f32 v20, v21;
	v21 =	vmin.f32 v4, v1  }
0x259: {  	s11 =	rddreg [dreg:$0x17];
	v1 =	vmax.f32 v4, v1;
	v35 =	vmax.f32 v16, v38;
	v37 =	vmin.f32 v16, v38;
	v22 =	vld [tilespmem:s1+$0x0];
	s1 =	sor.u32 s0, s4  }
0x25a: {  	[tilespmem:$0x1FD30] =	vst v58;
	s15 =	rddreg [dreg:$0x18];
	v9 =	vmax.f32 v48, v49;
	v58 =	vmin.f32 v8, v34;
	v20 =	vmax.f32 v20, v21;
	v23 =	vld [tilespmem:s1+$0x0];
	s1 =	sor.u32 s0, s7  }
0x25b: {  	s24 =	rddreg [dreg:$0x19];
	v21 =	vmin.f32 v1, v2;
	v1 =	vmax.f32 v1, v2;
	v8 =	vmax.f32 v8, v34;
	v12 =	vld [tilespmem:s1+$0x0];
	s1 =	sor.u32 s0, s8  }
0x25c: {  	s29 =	rddreg [dreg:$0x1a];
	v38 =	vmin.f32 v35, v40;
	v33 =	vmax.f32 v20, v21;
	v20 =	vmin.f32 v1, v0;
	v63 =	vld [tilespmem:s1+$0x0];
	s1 =	sor.u32 s0, s11  }
0x25d: {  	s4 =	rddreg [dreg:$0x1b];
	v9 =	vmax.f32 v9, v58;
	v0 =	vmax.f32 v1, v0;
	v11 =	vmax.f32 v33, v20;
	v32 =	vld [tilespmem:s1+$0x0];
	s1 =	sor.u32 s0, s15  }
0x25e: {  	s7 =	rddreg [dreg:$0x1c];
	v8 =	vadd.f32 v9, v8;
	v9 =	vadd.f32 v11, v0;
	v0 =	vmax.f32 v35, v40;
	v21 =	vld [tilespmem:s1+$0x0];
	s1 =	sor.u32 s0, s24  }
0x25f: {  	v52 =	vsel vm7, v15, v28;
	v13 =	vmax.f32 v37, v38;
	s8 =	rddreg [dreg:$0x1d];
	v40 =	vmin.f32 v0, v47;
	v34 =	vld [tilespmem:s1+$0x0];
	s1 =	sor.u32 s0, s29  }
0x260: {  	v59 =	vsel vm9, v17, v30;
	s11 =	rddreg [dreg:$0x1e];
	v0 =	vmax.f32 v0, v47;
	v13 =	vmax.f32 v13, v40;
	v36 =	vld [tilespmem:s1+$0x0];
	s1 =	sor.u32 s0, s4  }
0x261: {  	s15 =	rddreg [dreg:$0x1f];
	v47 =	vmin.f32 v0, v50;
	v0 =	vmax.f32 v0, v50;
	vm14 =	vgt.f32 v9, v8;
	v39 =	vld [tilespmem:s1+$0x0];
	s1 =	sor.u32 s0, s7  }
0x262: {  	s24 =	sld [smem:$0x7F0];
	v13 =	vmax.f32 v13, v47;
	v49 =	vmin.f32 v0, v18;
	v0 =	vmax.f32 v0, v18;
	v41 =	vld [tilespmem:s1+$0x0];
	s1 =	sor.u32 s0, s8  }
0x263: {  	s29 =	sld [smem:$0x7F1];
	v13 =	vmax.f32 v13, v49;
	v58 =	vmin.f32 v0, v22;
	v0 =	vmax.f32 v0, v22;
	v48 =	vld [tilespmem:s1+$0x0];
	s1 =	sor.u32 s0, s11  }
0x264: {  	s4 =	sld [smem:$0x7F2];
	v13 =	vmax.f32 v13, v58;
	v62 =	vmin.f32 v0, v23;
	v20 =	vmax.f32 v12, v63;
	v50 =	vld [tilespmem:s1+$0x0];
	s1 =	sor.u32 s0, s15  }
0x265: {  	v4 =	vmin.f32 v12, v63;
	s7 =	sld [smem:$0x7F3];
	v63 =	vmin.f32 v20, v32;
	v2 =	vmax.f32 v20, v32;
	v18 =	vld [tilespmem:s1+$0x0];
	s1 =	sor.u32 s0, s24  }
0x266: {  	s8 =	sld [smem:$0x7F4];
	v4 =	vmax.f32 v4, v63;
	v32 =	vmin.f32 v2, v21;
	v2 =	vmax.f32 v2, v21;
	v22 =	vld [tilespmem:s1+$0x0];
	s1 =	sor.u32 s0, s29  }
0x267: {  	s11 =	sld [smem:$0x7F5];
	v4 =	vmax.f32 v4, v32;
	v33 =	vmin.f32 v2, v34;
	v1 =	vmax.f32 v2, v34;
	v20 =	vld [tilespmem:s1+$0x0];
	s1 =	sor.u32 s0, s4  }
0x268: {  	s15 =	sld [smem:$0x7F6];
	v4 =	vmax.f32 v4, v33;
	v35 =	vmin.f32 v1, v36;
	v1 =	vmax.f32 v1, v36;
	v21 =	vld [tilespmem:s1+$0x0];
	s1 =	sor.u32 s0, s7  }
0x269: {  	s24 =	sld [smem:$0x7F7];
	v4 =	vmax.f32 v4, v35;
	v36 =	vmin.f32 v1, v39;
	v1 =	vmax.f32 v1, v39;
	v34 =	vld [tilespmem:s1+$0x0];
	s1 =	sor.u32 s0, s8  }
0x26a: {  	v0 =	vmax.f32 v0, v23;
	v4 =	vmax.f32 v4, v36;
	v38 =	vmin.f32 v1, v41;
	v11 =	vld [tilespmem:s1+$0x0];
	s1 =	sor.u32 s0, s11  }
0x26b: {  	v13 =	vmax.f32 v13, v62;
	v1 =	vmax.f32 v1, v41;
	v4 =	vmax.f32 v4, v38;
	v37 =	vld [tilespmem:s1+$0x0];
	s1 =	sor.u32 s0, s15  }
0x26c: {  	v13 =	vadd.f32 v13, v0;
	s29 =	sld [smem:$0x7F8];
	v0 =	vadd.f32 v4, v1;
	v41 =	vmax.f32 v48, v50;
	v39 =	vld [tilespmem:s1+$0x0];
	s1 =	sor.u32 s0, s24  }
0x26d: {  	s4 =	sld [smem:$0x7F9];
	v10 =	vmin.f32 v48, v50;
	v48 =	vmin.f32 v41, v18;
	v1 =	vmax.f32 v41, v18;
	s24 =	sor.u32 s0, s30;
	v40 =	vld [tilespmem:s1+$0x0]  }
0x26e: {  	s7 =	sld [smem:$0x7FA];
	v10 =	vmax.f32 v10, v48;
	v50 =	vmin.f32 v1, v22;
	v1 =	vmax.f32 v1, v22;
	s30 =	sor.u32 s0, s26;
	v23 =	vld [tilespmem:s24+$0x0]  }
0x26f: {  	s8 =	sld [smem:$0x7FB];
	v10 =	vmax.f32 v10, v50;
	v58 =	vmin.f32 v1, v20;
	v1 =	vmax.f32 v1, v20;
	s1 =	sor.u32 s0, s29;
	v36 =	vld [tilespmem:s30+$0x0]  }
0x270: {  	s11 =	sld [smem:$0x7FC];
	v10 =	vmax.f32 v10, v58;
	v62 =	vmin.f32 v1, v21;
	v1 =	vmax.f32 v1, v21;
	v47 =	vld [tilespmem:s1+$0x0];
	s1 =	sor.u32 s0, s4  }
0x271: {  	v10 =	vmax.f32 v10, v62;
	v63 =	vmin.f32 v1, v34;
	v1 =	vmax.f32 v1, v34;
	v49 =	vld [tilespmem:s1+$0x0];
	s1 =	sor.u32 s0, s7  }
0x272: {  	s15 =	sld [smem:$0x7FD];
	v10 =	vmax.f32 v10, v63;
	v33 =	vmin.f32 v1, v11;
	v1 =	vmax.f32 v1, v11;
	v18 =	vld [tilespmem:s1+$0x0];
	s1 =	sor.u32 s0, s8  }
0x273: {  	v10 =	vmax.f32 v10, v33;
	v20 =	vld [tilespmem:s1+$0x0];
	s1 =	sor.u32 s0, s11;
	v22 =	vmax.f32 v37, v39;
	v14 =	vmin.f32 v37, v39  }
0x274: {  	s29 =	sor.u32 s0, s28;
	v1 =	vadd.f32 v10, v1;
	v21 =	vld [tilespmem:s1+$0x0];
	v34 =	vmin.f32 v22, v40;
	v12 =	vmax.f32 v22, v40  }
0x275: {  	s1 =	sor.u32 s0, s15;
	v22 =	vld [tilespmem:s29+$0x0];
	v14 =	vmax.f32 v14, v34;
	v35 =	vmin.f32 v12, v47;
	v4 =	vmax.f32 v12, v47  }
0x276: {  	s11 =	sor.u32 s0, s6;
	v32 =	vld [tilespmem:s1+$0x0];
	v14 =	vmax.f32 v14, v35;
	v37 =	vmin.f32 v4, v49;
	v4 =	vmax.f32 v4, v49  }
0x277: {  	s15 =	sor.u32 s0, s5;
	v47 =	vld [tilespmem:s11+$0x0];
	v35 =	vlaneseq.u32;
	v14 =	vmax.f32 v14, v37;
	v39 =	vmin.f32 v4, v18  }
0x278: {  	s4 =	sor.u32 s0, s25;
	v49 =	vld [tilespmem:s15+$0x0];
	v4 =	vmax.f32 v4, v18;
	v11 =	vor.u32 s0, v35;
	v35 =	vimm.s32 $0x2  }
0x279: {  	v38 =	vld [tilespmem:s4+$0x0];
	s8 =	sor.u32 s0, s21;
	s21 =	sor.u32 s0, s2;
	v14 =	vmax.f32 v14, v39;
	v40 =	vmin.f32 v4, v20;
	v4 =	vmax.f32 v4, v20  }
0x27a: {  	s7 =	sor.u32 s0, s23;
	v58 =	vld [tilespmem:s21+$0x0];
	v14 =	vmax.f32 v14, v40;
	v41 =	vmin.f32 v4, v21;
	v4 =	vmax.f32 v4, v21  }
0x27b: {  	v18 =	vld [tilespmem:s7+$0x0];
	v48 =	vmax.f32 v14, v41;
	v50 =	vmax.f32 v32, v23;
	v2 =	vmin.f32 v32, v23  }
0x27c: {  	v39 =	vld [tilespmem:$0x1FFC0];
	v15 =	vadd.f32 v48, v4;
	v62 =	vmin.f32 v50, v22;
	v4 =	vmax.f32 v50, v22  }
0x27d: {  	v20 =	vld [tilespmem:s8+$0x0];
	v33 =	vmax.f32 v47, v49;
	v14 =	vmin.f32 v47, v49;
	v50 =	vimm.s32 $0x6  }
0x27e: {  	v40 =	vld [tilespmem:$0x1FFD0];
	v2 =	vmax.f32 v2, v62;
	v63 =	vmin.f32 v4, v36;
	v4 =	vmax.f32 v4, v36  }
0x27f: {  	v41 =	vld [tilespmem:$0x1FFE0];
	v34 =	vmin.f32 v33, v58;
	v23 =	vmax.f32 v33, v58;
	v33 =	vsel vm14, v9, v8  }
0x280: {  	v37 =	vld [tilespmem:$0x1FFA0];
	v2 =	vmax.f32 v2, v63;
	v12 =	vmin.f32 v4, v38;
	v4 =	vmax.f32 v4, v38  }
0x281: {  	v47 =	vld [tilespmem:$0x1FFF0];
	v27 =	vor.u32 s0, v39;
	v14 =	vmax.f32 v14, v34;
	v63 =	vimm.s32 $0x8  }
0x282: {  	s23 =	sor.u32 s0, s17;
	v36 =	vld [tilespmem:$0x1FF90];
	v34 =	vimm.s32 $0x0;
	v2 =	vmax.f32 v2, v12;
	v32 =	vmin.f32 v4, v18  }
0x283: {  	v17 =	vmax.f32 v4, v18;
	v18 =	vld [tilespmem:s23+$0x0];
	v31 =	vor.u32 s0, v40;
	v2 =	vmax.f32 v2, v32  }
0x284: {  	s24 =	sor.u32 s0, s12;
	v38 =	vld [tilespmem:$0x1FFB0];
	v4 =	vmin.f32 v17, v20;
	v10 =	vor.u32 s0, v41;
	v17 =	vmax.f32 v17, v20  }
0x285: {  	s25 =	sor.u32 s0, s10;
	v21 =	vld [tilespmem:s24+$0x0];
	v20 =	vsel vm13, $0x9, v63;
	v32 =	vimm.s32 $0xA;
	v63 =	vsel vm4, v42, v6  }
0x286: {  	s26 =	rddreg [dreg:$0xd];
	s28 =	sor.u32 s0, s22;
	v22 =	vld [tilespmem:s25+$0x0];
	v2 =	vmax.f32 v2, v4;
	v4 =	vor.u32 s0, v37;
	v62 =	vor.u32 s0, v47  }
0x287: {  	v28 =	vld [tilespmem:s28+$0x0];
	s1 =	sor.u32 s0, s26;
	v16 =	vsel vm11, $0xB, v32;
	vm11 =	vgt.f32 v0, v13;
	v37 =	vimm.s32 $0x6  }
0x288: {  	v25 =	vld [tilespmem:s1+$0x0];
	v12 =	vor.u32 s0, v36;
	v36 =	vimm.s32 $0x4;
	v48 =	vmin.f32 v23, v18  }
0x289: {  	v24 =	vor.u32 s0, v38;
	s0 =	sor.u32 s0, s18;
	v18 =	vmax.f32 v23, v18;
	v14 =	vmax.f32 v14, v48  }
0x28a: {  	v23 =	vld [tilespmem:s0+$0x0];
	v49 =	vmin.f32 v18, v21;
	v18 =	vmax.f32 v18, v21;
	v21 =	vsel vm12, $0x7, v50  }
0x28b: {  	v14 =	vmax.f32 v14, v49;
	v58 =	vmin.f32 v18, v22;
	v18 =	vmax.f32 v18, v22  }
0x28c: {  	vm12 =	vgt.f32 v15, v1;
	v14 =	vmax.f32 v14, v58;
	v22 =	vmin.f32 v18, v28  }
0x28d: {  	v18 =	vmax.f32 v18, v28;
	v28 =	vmin.f32 v17, v25;
	v17 =	vmax.f32 v17, v25  }
0x28e: {  	v2 =	vmax.f32 v2, v28;
	v14 =	vmax.f32 v14, v22;
	v28 =	vsel vm11, $0x3, v35  }
0x28f: {  	v35 =	vimm.s32 $0x4;
	v22 =	vmin.f32 v18, v23;
	v18 =	vmax.f32 v18, v23  }
0x290: {  	v2 =	vadd.f32 v2, v17;
	v23 =	vsel vm12, v15, v1;
	v14 =	vmax.f32 v14, v22  }
0x291: {  	v22 =	vsel vm11, v0, v13;
	vm11 =	vgt.f32 v7, v54;
	v14 =	vadd.f32 v14, v18  }
0x292: {  	v18 =	vsel vm14, $0x1, v34;
	vm14 =	vgt.f32 v22, v33;
	v38 =	vsel vm11, v7, v54  }
0x293: {  	v34 =	vimm.s32 $0x2;
	v17 =	vsel vm14, v22, v33;
	vm13 =	vgt.f32 v14, v2  }
0x294: {  	v22 =	vsel vm12, $0x5, v36;
	v18 =	vsel vm14, v28, v18;
	v25 =	vsel vm13, v14, v2  }
0x295: {  	[tilespmem:$0x1FD40] =	vst v38;
	v36 =	vimm.s32 $0x6;
	v38 =	vsel vm11, v56, v43;
	vm15 =	vgt.f32 v25, v23  }
0x296: {  	vm11 =	vgt.f32 v57, v44;
	v23 =	vsel vm15, v25, v23;
	v25 =	vsel vm13, $0x7, v37  }
0x297: {  	v43 =	vimm.s32 $0x2;
	v22 =	vsel vm15, v25, v22;
	vm12 =	vgt.f32 v23, v17  }
0x298: {  	v54 =	vsel vm11, v57, v44;
	v56 =	vsel vm11, v21, v5;
	v50 =	vsel vm12, v22, v18  }
0x299: {  	v17 =	vimm.s32 $0x0;
	vm12 =	veq.s32 v50, $0x0;
	vm13 =	veq.s32 v50, $0x1  }
0x29a: {  	v39 =	vsel vm12, $0xFF800000, v8;
	v40 =	vsel vm13, $0xFF800000, v9;
	vm12 =	veq.s32 v50, $0x2  }
0x29b: {  	vm13 =	veq.s32 v50, $0x4;
	v41 =	vsel vm12, $0xFF800000, v13;
	vm12 =	veq.s32 v50, $0x3  }
0x29c: {  	v1 =	vsel vm13, $0xFF800000, v1;
	v0 =	vsel vm12, $0xFF800000, v0;
	vm12 =	veq.s32 v50, $0x5  }
0x29d: {  	vm13 =	veq.s32 v50, $0x7;
	v42 =	vsel vm12, $0xFF800000, v15;
	vm12 =	veq.s32 v50, $0x6  }
0x29e: {  	v47 =	vsel vm13, $0xFF800000, v14;
	v2 =	vsel vm12, $0xFF800000, v2;
	vm12 =	vgt.f32 v40, v39  }
0x29f: {  	vm13 =	vgt.f32 v42, v1;
	v58 =	vsel vm12, v40, v39;
	v32 =	vsel vm12, $0x1, v17  }
0x2a0: {  	vm12 =	vgt.f32 v0, v41;
	vm14 =	vgt.f32 v47, v2;
	v22 =	vsel vm13, v42, v1  }
0x2a1: {  	v25 =	vsel vm13, $0x5, v35;
	v33 =	vsel vm12, v0, v41;
	v23 =	vsel vm14, v47, v2  }
0x2a2: {  	v18 =	vsel vm12, $0x3, v34;
	vm12 =	vgt.f32 v33, v58;
	vm13 =	vgt.f32 v23, v22  }
0x2a3: {  	v37 =	vsel vm14, $0x7, v36;
	v14 =	vsel vm12, v33, v58;
	v22 =	vsel vm13, v23, v22  }
0x2a4: {  	v15 =	vsel vm12, v18, v32;
	v17 =	vsel vm13, v37, v25;
	vm12 =	vgt.f32 v22, v14  }
0x2a5: {  	v44 =	vimm.s32 $0x4;
	[tilespmem:$0x1FD60] =	vst v56;
	v56 =	vimm.s32 $0x4;
	v49 =	vsel vm12, v17, v15  }
0x2a6: {  	v34 =	vshll.u32 v50, $0xC;
	vm12 =	veq.s32 v49, $0x0;
	vm13 =	veq.s32 v49, $0x1  }
0x2a7: {  	v6 =	vsel vm12, $0xFF800000, v39;
	v7 =	vsel vm13, $0xFF800000, v40;
	vm12 =	veq.s32 v49, $0x2  }
0x2a8: {  	vm13 =	veq.s32 v49, $0x4;
	v40 =	vimm.s32 $0x0;
	v8 =	vsel vm12, $0xFF800000, v41  }
0x2a9: {  	vm12 =	veq.s32 v49, $0x3;
	v1 =	vsel vm13, $0xFF800000, v1;
	vm13 =	veq.s32 v49, $0x7  }
0x2aa: {  	v0 =	vsel vm12, $0xFF800000, v0;
	vm12 =	veq.s32 v49, $0x5;
	v13 =	vsel vm13, $0xFF800000, v47  }
0x2ab: {  	v47 =	vimm.s32 $0x6;
	v9 =	vsel vm12, $0xFF800000, v42;
	vm12 =	veq.s32 v49, $0x6  }
0x2ac: {  	v2 =	vsel vm12, $0xFF800000, v2;
	vm12 =	vgt.f32 v7, v6;
	vm13 =	vgt.f32 v9, v1  }
0x2ad: {  	v39 =	vsel vm12, v7, v6;
	v41 =	vsel vm12, $0x1, v40;
	vm12 =	vgt.f32 v0, v8  }
0x2ae: {  	vm14 =	vgt.f32 v13, v2;
	v22 =	vsel vm13, v9, v1;
	v25 =	vsel vm13, $0x5, v44  }
0x2af: {  	v42 =	vsel vm12, v0, v8;
	v18 =	vsel vm12, $0x3, v43;
	v23 =	vsel vm14, v13, v2  }
0x2b0: {  	v28 =	vsel vm14, $0x7, v47;
	vm14 =	vgt.f32 v60, v45;
	v43 =	vimm.s32 $0x2  }
0x2b1: {  	vm12 =	vgt.f32 v42, v39;
	vm13 =	vgt.f32 v23, v22;
	v57 =	vsel vm14, v60, v45  }
0x2b2: {  	v58 =	vsel vm14, v16, v20;
	v14 =	vsel vm12, v42, v39;
	v48 =	vsel vm13, v23, v22  }
0x2b3: {  	v15 =	vsel vm12, v18, v41;
	v18 =	vsel vm13, v28, v25;
	vm12 =	vgt.f32 v48, v14  }
0x2b4: {  	v42 =	vimm.s32 $0x0;
	v48 =	vshll.u32 v49, $0xC;
	v47 =	vsel vm12, v18, v15  }
0x2b5: {  	v22 =	vadd.s32 s19, v48;
	vm15 =	veq.s32 v47, $0x0;
	vm11 =	veq.s32 v47, $0x1  }
0x2b6: {  	vm12 =	veq.s32 v47, $0x2;
	vm13 =	veq.s32 v47, $0x4;
	vm14 =	veq.s32 v47, $0x5  }
0x2b7: {  	[tilespmem:$0x1FD80] =	vst v58;
	v58 =	vor.u32 v22, v11;
	v60 =	vsel vm15, $0xFF800000, v6;
	v32 =	vsel vm11, $0xFF800000, v7  }
0x2b8: {  	v33 =	vsel vm12, $0xFF800000, v8;
	vm12 =	veq.s32 v47, $0x3;
	v1 =	vsel vm13, $0xFF800000, v1  }
0x2b9: {  	v8 =	vadd.s32 s19, v34;
	v9 =	vsel vm14, $0xFF800000, v9;
	vm15 =	veq.s32 v47, $0x6  }
0x2ba: {  	v0 =	vsel vm12, $0xFF800000, v0;
	v35 =	vor.u32 v8, v11;
	v2 =	vsel vm15, $0xFF800000, v2  }
0x2bb: {  	vm12 =	veq.s32 v47, $0x7;
	v36 =	vor.u32 v8, v12;
	vm11 =	vgt.f32 v32, v60  }
0x2bc: {  	[tilespmem:$0x1FD50] =	vst v38;
	v37 =	vor.u32 v8, v4;
	v38 =	vor.u32 v8, v24;
	v20 =	vor.u32 v8, v27  }
0x2bd: {  	vm13 =	vgt.f32 v9, v1;
	v44 =	vor.u32 v8, v31;
	v45 =	vor.u32 v8, v10  }
0x2be: {  	v8 =	vor.u32 v8, v62;
	v13 =	vsel vm12, $0xFF800000, v13;
	v6 =	vsel vm11, v32, v60  }
0x2bf: {  	vm12 =	vgt.f32 v0, v33;
	v18 =	vsel vm11, $0x1, v42;
	v1 =	vsel vm13, v9, v1;
	v41 =	vld.idx.msk [tilespmem:v35+s3+$0x0], $0xffff  }
0x2c0: {  	[tilespmem:$0x1FD70] =	vst v57;
	v57 =	vsel vm13, $0x5, v56;
	v60 =	vor.u32 v22, v12;
	v42 =	vimm.s32 $0x6;
	v26 =	vld.idx.msk [tilespmem:v36+s3+$0x0], $0xffff  }
0x2c1: {  	v56 =	vor.u32 v22, v31;
	v7 =	vsel vm12, v0, v33;
	v21 =	vsel vm12, $0x3, v43;
	v16 =	vld.idx.msk [tilespmem:v37+s3+$0x0], $0xffff  }
0x2c2: {  	vm11 =	vgt.f32 v13, v2;
	v43 =	vor.u32 v22, v24;
	vm12 =	vgt.f32 v7, v6;
	v39 =	vld.idx.msk [tilespmem:v20+s3+$0x0], $0xffff  }
0x2c3: {  	v2 =	vsel vm11, v13, v2;
	v6 =	vsel vm12, v7, v6;
	v40 =	vsel vm12, v21, v18;
	v37 =	vld.idx.msk [tilespmem:v44+s3+$0x0], $0xffff  }
0x2c4: {  	vm12 =	vgt.f32 v2, v1;
	v18 =	vor.u32 v22, v4;
	v20 =	vsel vm11, $0x7, v42;
	v14 =	vld.idx.msk [tilespmem:v45+s3+$0x0], $0xffff  }
0x2c5: {  	v1 =	vsel vm12, v2, v1;
	v45 =	vor.u32 v22, v27;
	v35 =	vld.idx.msk [tilespmem:v58+s3+$0x0], $0xffff;
	v58 =	vor.u32 v22, v10  }
0x2c6: {  	v25 =	vld.idx.msk [tilespmem:v8+s3+$0x0], $0xffff;
	v44 =	vsel vm12, v20, v57;
	vm14 =	vgt.f32 v1, v6;
	v57 =	vshll.u32 v47, $0xC  }
0x2c7: {  	v34 =	vld.idx.msk [tilespmem:v60+s3+$0x0], $0xffff;
	v60 =	vor.u32 v22, v62;
	v48 =	vsel vm14, v44, v40;
	v8 =	vadd.s32 s19, v57  }
0x2c8: {  	v19 =	vld.idx.msk [tilespmem:v38+s3+$0x0], $0xffff;
	v57 =	vimm.s32 $0x0;
	v9 =	vshll.u32 v48, $0xC;
	v36 =	vor.u32 v8, v11  }
0x2c9: {  	v13 =	vld.idx.msk [tilespmem:v56+s3+$0x0], $0xffff;
	v40 =	vor.u32 v8, v12;
	v22 =	vor.u32 v8, v24;
	v23 =	vor.u32 v8, v27  }
0x2ca: {  	v29 =	vld.idx.msk [tilespmem:v43+s3+$0x0], $0xffff;
	[tilespmem:$0x1FE00] =	vst v48;
	v28 =	vor.u32 v8, v31;
	v30 =	vor.u32 v8, v10;
	v9 =	vadd.s32 s19, v9  }
0x2cb: {  	v6 =	vor.u32 v8, v62;
	v38 =	vld.idx.msk [tilespmem:v18+s3+$0x0], $0xffff;
	v18 =	vor.u32 v8, v4;
	v11 =	vor.u32 v9, v11  }
0x2cc: {  	v32 =	vld.idx.msk [tilespmem:v45+s3+$0x0], $0xffff;
	v33 =	vor.u32 v9, v12;
	v4 =	vor.u32 v9, v4;
	v7 =	vor.u32 v9, v24  }
0x2cd: {  	v20 =	vld.idx.msk [tilespmem:v58+s3+$0x0], $0xffff;
	v27 =	vor.u32 v9, v27;
	v31 =	vor.u32 v9, v31;
	vm11 =	vgt.f32 v26, v41  }
0x2ce: {  	vm12 =	vgt.f32 v19, v16;
	v42 =	vor.u32 v9, v62;
	v21 =	vld.idx.msk [tilespmem:v60+s3+$0x0], $0xffff;
	v48 =	vsel vm11, v26, v41  }
0x2cf: {  	v56 =	vsel vm12, v19, v16;
	v58 =	vsel vm11, $0x1, v57;
	v60 =	vimm.s32 $0x2;
	v44 =	vld.idx.msk [tilespmem:v36+s3+$0x0], $0xffff  }
0x2d0: {  	vm11 =	vgt.f32 v37, v39;
	v57 =	vimm.s32 $0x8;
	vm13 =	vgt.f32 v56, v48;
	v43 =	vld.idx.msk [tilespmem:v40+s3+$0x0], $0xffff  }
0x2d1: {  	v0 =	vsel vm12, $0x3, v60;
	vm12 =	vgt.f32 v25, v14;
	v3 =	vsel vm11, v37, v39;
	v12 =	vld.idx.msk [tilespmem:v22+s3+$0x0], $0xffff  }
0x2d2: {  	v60 =	vimm.s32 $0xA;
	v36 =	vor.u32 v9, v10;
	v45 =	vsel vm13, v56, v48;
	v40 =	vld.idx.msk [tilespmem:v23+s3+$0x0], $0xffff  }
0x2d3: {  	v62 =	vsel vm13, v0, v58;
	vm13 =	vgt.f32 v34, v35;
	v5 =	vsel vm12, v25, v14;
	v56 =	vld.idx.msk [tilespmem:v28+s3+$0x0], $0xffff  }
0x2d4: {  	v15 =	vld.idx.msk [tilespmem:v30+s3+$0x0], $0xffff;
	v9 =	vimm.s32 $0x4;
	v10 =	vimm.s32 $0x6;
	vm14 =	vgt.f32 v29, v38  }
0x2d5: {  	v22 =	vld.idx.msk [tilespmem:v6+s3+$0x0], $0xffff;
	vm15 =	vgt.f32 v5, v3;
	v17 =	vsel vm13, v34, v35;
	v9 =	vsel vm11, $0x5, v9  }
0x2d6: {  	v8 =	vld.idx.msk [tilespmem:v18+s3+$0x0], $0xffff;
	v48 =	vsel vm12, $0x7, v10;
	v58 =	vsel vm13, $0x9, v57;
	v18 =	vsel vm14, v29, v38  }
0x2d7: {  	v28 =	vsel vm15, v5, v3;
	v23 =	vsel vm14, $0xB, v60;
	v30 =	vsel vm15, v48, v9;
	v10 =	vld.idx.msk [tilespmem:v11+s3+$0x0], $0xffff  }
0x2d8: {  	v11 =	vld.idx.msk [tilespmem:v4+s3+$0x0], $0xffff;
	v4 =	vimm.s32 $0xC;
	v60 =	vimm.s32 $0x12;
	vm11 =	vgt.f32 v18, v17  }
0x2d9: {  	vm12 =	vgt.f32 v21, v20;
	v6 =	vsel vm11, v18, v17;
	v5 =	vsel vm11, v23, v58  }
0x2da: {  	vm11 =	vgt.f32 v13, v32;
	v3 =	vsel vm12, v21, v20;
	v17 =	vimm.s32 $0xE  }
0x2db: {  	v9 =	vld.idx.msk [tilespmem:v33+s3+$0x0], $0xffff;
	v58 =	vimm.s32 $0x10;
	vm13 =	vgt.f32 v43, v44;
	v2 =	vsel vm11, v13, v32  }
0x2dc: {  	v24 =	vld.idx.msk [tilespmem:v7+s3+$0x0], $0xffff;
	v4 =	vsel vm11, $0xD, v4;
	v57 =	vsel vm12, $0xF, v17;
	vm12 =	vgt.f32 v22, v15  }
0x2dd: {  	vm14 =	vgt.f32 v12, v8;
	vm15 =	vgt.f32 v3, v2;
	v7 =	vsel vm13, v43, v44  }
0x2de: {  	v17 =	vld.idx.msk [tilespmem:v31+s3+$0x0], $0xffff;
	v23 =	vsel vm13, $0x11, v58;
	v31 =	vsel vm12, v22, v15;
	v58 =	vimm.s32 $0x14  }
0x2df: {  	v48 =	vld.idx.msk [tilespmem:v27+s3+$0x0], $0xffff;
	v18 =	vsel vm14, v12, v8;
	v33 =	vsel vm15, v3, v2;
	v27 =	vsel vm14, $0x13, v60  }
0x2e0: {  	v3 =	vsel vm15, v57, v4;
	vm13 =	vgt.f32 v9, v10;
	v60 =	vimm.s32 $0x16  }
0x2e1: {  	vm14 =	vgt.f32 v24, v11;
	vm11 =	vgt.f32 v18, v7;
	v0 =	vsel vm12, $0x17, v60  }
0x2e2: {  	v60 =	vimm.s32 $0x1A;
	v7 =	vsel vm11, v18, v7;
	v27 =	vsel vm11, v27, v23;
	v18 =	vld.idx.msk [tilespmem:v36+s3+$0x0], $0xffff  }
0x2e3: {  	vm11 =	vgt.f32 v56, v40;
	v23 =	vld.idx.msk [tilespmem:v42+s3+$0x0], $0xffff;
	v36 =	vsel vm13, v9, v10;
	v42 =	vsel vm14, v24, v11  }
0x2e4: {  	v1 =	vsel vm14, $0x1B, v60;
	vm14 =	vgt.f32 v28, v45;
	v57 =	vsel vm11, v56, v40  }
0x2e5: {  	v4 =	vsel vm11, $0x15, v58;
	vm11 =	vgt.f32 v42, v36;
	v28 =	vsel vm14, v28, v45  }
0x2e6: {  	v30 =	vsel vm14, v30, v62;
	v62 =	vimm.s32 $0xE;
	v45 =	vimm.s32 $0x14  }
0x2e7: {  	vm15 =	vgt.f32 v31, v57;
	v36 =	vsel vm11, v42, v36;
	v42 =	vsel vm10, $0xFF800000, v53  }
0x2e8: {  	v53 =	vimm.s32 $0x0;
	v31 =	vsel vm15, v31, v57;
	v57 =	vimm.s32 $0x18  }
0x2e9: {  	v0 =	vsel vm15, v0, v4;
	vm15 =	vgt.f32 v33, v6;
	v58 =	vsel vm13, $0x19, v57  }
0x2ea: {  	v57 =	vsel vm0, $0xFF800000, v46;
	vm13 =	vgt.f32 v51, v52;
	v6 =	vsel vm15, v33, v6  }
0x2eb: {  	v3 =	vsel vm15, v3, v5;
	v5 =	vimm.s32 $0x12;
	v1 =	vsel vm11, v1, v58  }
0x2ec: {  	vm11 =	vgt.f32 v17, v48;
	vm12 =	vgt.f32 v23, v18;
	vm10 =	vgt.f32 v57, v42  }
0x2ed: {  	v51 =	vsel vm13, v51, v52;
	v58 =	vsel vm11, v17, v48;
	v60 =	vsel vm12, v23, v18  }
0x2ee: {  	vm15 =	vgt.f32 v6, v28;
	v42 =	vsel vm10, v57, v42;
	vm0 =	vgt.f32 v60, v58  }
0x2ef: {  	v57 =	vimm.s32 $0x1C;
	v2 =	vsel vm0, v60, v58;
	v60 =	vimm.s32 $0x1E  }
0x2f0: {  	v3 =	vsel vm15, v3, v30;
	v58 =	vsel vm11, $0x1D, v57;
	v4 =	vsel vm12, $0x1F, v60  }
0x2f1: {  	vm12 =	vgt.f32 v31, v7;
	vm14 =	vgt.f32 v2, v36;
	v60 =	vimm.s32 $0xC  }
0x2f2: {  	v46 =	vsel vm0, v4, v58;
	v57 =	vsel vm12, v31, v7;
	v0 =	vsel vm12, v0, v27  }
0x2f3: {  	v2 =	vsel vm14, v2, v36;
	v58 =	vsel vm15, v6, v28;
	v4 =	vimm.s32 $0x10  }
0x2f4: {  	v1 =	vsel vm14, v46, v1;
	vm12 =	vgt.f32 v2, v57;
	vm14 =	vgt.f32 v59, v61  }
0x2f5: {  	v46 =	vimm.s32 $0x16;
	v2 =	vsel vm12, v2, v57;
	v0 =	vsel vm12, v1, v0  }
0x2f6: {  	v1 =	vsel vm7, $0xD, v60;
	[tilespmem:$0x1FF10] =	vst v2;
	vm0 =	vgt.f32 v2, v58;
	v2 =	vsel vm8, $0xF, v62  }
0x2f7: {  	v6 =	vld [tilespmem:$0x1FD10];
	[tilespmem:$0x1FF00] =	vst v58;
	v57 =	vimm.s32 $0x2;
	v58 =	vsel vm14, v59, v61;
	v60 =	vsel vm13, v2, v1  }
0x2f8: {  	v7 =	vld [tilespmem:$0x1FD20];
	v52 =	vsel vm0, v0, v3;
	v0 =	vsel vm6, $0x11, v4;
	v1 =	vsel vm9, $0x13, v5  }
0x2f9: {  	v2 =	vsel vm1, $0x15, v45;
	v3 =	vsel vm5, $0x17, v46;
	vm15 =	veq.s32 v52, $0x0  }
0x2fa: {  	v0 =	vsel vm14, v1, v0;
	vm12 =	veq.s32 v52, $0x1;
	vm13 =	veq.s32 v52, $0x2  }
0x2fb: {  	vm14 =	veq.s32 v52, $0x3;
	vm6 =	veq.s32 v52, $0x7;
	vm9 =	veq.s32 v52, $0xB  }
0x2fc: {  	v41 =	vsel vm15, $0xFF800000, v41;
	v27 =	vsel vm12, $0xFF800000, v26;
	v16 =	vsel vm13, $0xFF800000, v16  }
0x2fd: {  	v31 =	vsel vm14, $0xFF800000, v19;
	vm15 =	vgt.f32 v7, v6;
	vm13 =	veq.s32 v52, $0x4  }
0x2fe: {  	vm14 =	veq.s32 v52, $0x5;
	v28 =	vsel vm9, $0xFF800000, v29;
	vm9 =	veq.s32 v52, $0x16  }
0x2ff: {  	vm7 =	vgt.f32 v27, v41;
	vm8 =	vgt.f32 v31, v16;
	v62 =	vsel vm15, v7, v6  }
0x300: {  	v2 =	vsel vm15, v3, v2;
	vm15 =	veq.s32 v52, $0x6;
	v19 =	vsel vm14, $0xFF800000, v37  }
0x301: {  	v7 =	vimm.s32 $0x4;
	vm14 =	veq.s32 v52, $0x9;
	v33 =	vsel vm7, v27, v41  }
0x302: {  	[tilespmem:$0x1FD90] =	vst v0;
	v36 =	vsel vm8, v31, v16;
	v0 =	vsel vm15, $0xFF800000, v14;
	v1 =	vsel vm7, $0x1, v53  }
0x303: {  	[tilespmem:$0x1FDA0] =	vst v2;
	v2 =	vsel vm8, $0x3, v57;
	v14 =	vimm.s32 $0x6;
	vm15 =	veq.s32 v52, $0xA  }
0x304: {  	v30 =	vsel vm14, $0xFF800000, v34;
	vm14 =	veq.s32 v52, $0xF;
	v34 =	vimm.s32 $0xA  }
0x305: {  	vm7 =	veq.s32 v52, $0x1C;
	vm8 =	veq.s32 v52, $0x1D;
	vm12 =	vgt.f32 v36, v33  }
0x306: {  	v26 =	vsel vm15, $0xFF800000, v38;
	v38 =	vsel vm14, $0xFF800000, v21;
	v6 =	vsel vm12, v36, v33  }
0x307: {  	v33 =	vsel vm13, $0xFF800000, v39;
	v36 =	vsel vm6, $0xFF800000, v25;
	v45 =	vsel vm12, v2, v1  }
0x308: {  	vm12 =	veq.s32 v52, $0x8;
	vm15 =	vgt.f32 v28, v26;
	vm11 =	vgt.f32 v19, v33  }
0x309: {  	vm5 =	vgt.f32 v36, v0;
	v25 =	vsel vm12, $0xFF800000, v35;
	vm12 =	veq.s32 v52, $0xD  }
0x30a: {  	v46 =	vsel vm15, v28, v26;
	v35 =	vsel vm15, $0xB, v34;
	vm15 =	veq.s32 v52, $0x10  }
0x30b: {  	v59 =	vsel vm11, v19, v33;
	v61 =	vsel vm5, v36, v0;
	v3 =	vsel vm11, $0x5, v7  }
0x30c: {  	v37 =	vsel vm5, $0x7, v14;
	vm11 =	veq.s32 v52, $0xC;
	v29 =	vsel vm12, $0xFF800000, v13  }
0x30d: {  	vm5 =	vgt.f32 v30, v25;
	v14 =	vimm.s32 $0x8;
	v21 =	vsel vm15, $0xFF800000, v44  }
0x30e: {  	vm15 =	veq.s32 v52, $0x15;
	v44 =	vimm.s32 $0x10;
	vm13 =	vgt.f32 v61, v59  }
0x30f: {  	v32 =	vsel vm11, $0xFF800000, v32;
	v39 =	vsel vm5, v30, v25;
	vm11 =	veq.s32 v52, $0x11  }
0x310: {  	v53 =	vsel vm13, v61, v59;
	v59 =	vsel vm13, v37, v3;
	vm13 =	veq.s32 v52, $0xE  }
0x311: {  	vm1 =	vgt.f32 v29, v32;
	v3 =	vsel vm5, $0x9, v14;
	v37 =	vimm.s32 $0xC  }
0x312: {  	v34 =	vsel vm11, $0xFF800000, v43;
	vm11 =	veq.s32 v52, $0x17;
	v20 =	vsel vm13, $0xFF800000, v20  }
0x313: {  	vm13 =	vgt.f32 v46, v39;
	v57 =	vsel vm1, v29, v32;
	v1 =	vsel vm1, $0xD, v37  }
0x314: {  	v14 =	vsel vm11, $0xFF800000, v22;
	vm1 =	vgt.f32 v34, v21;
	v22 =	vimm.s32 $0x12  }
0x315: {  	vm11 =	veq.s32 v52, $0x1F;
	vm12 =	vgt.f32 v38, v20;
	v61 =	vsel vm13, v46, v39  }
0x316: {  	v7 =	vsel vm13, v35, v3;
	v39 =	vimm.s32 $0xE;
	vm13 =	veq.s32 v52, $0x13  }
0x317: {  	v3 =	vsel vm15, $0xFF800000, v56;
	v46 =	vsel vm1, v34, v21;
	v13 =	vsel vm12, v38, v20  }
0x318: {  	v2 =	vsel vm12, $0xF, v39;
	vm12 =	veq.s32 v52, $0x12;
	v35 =	vsel vm13, $0xFF800000, v12  }
0x319: {  	v12 =	vsel vm8, $0xFF800000, v17;
	vm8 =	vgt.f32 v53, v6;
	v17 =	vimm.s32 $0x1A  }
0x31a: {  	vm14 =	vgt.f32 v13, v57;
	v39 =	vsel vm12, $0xFF800000, v8;
	v6 =	vsel vm8, v53, v6  }
0x31b: {  	v5 =	vsel vm14, v13, v57;
	v4 =	vsel vm14, v2, v1;
	vm14 =	veq.s32 v52, $0x14  }
0x31c: {  	v13 =	vsel vm9, $0xFF800000, v15;
	vm12 =	vgt.f32 v35, v39;
	v15 =	vsel vm1, $0x11, v44  }
0x31d: {  	vm9 =	veq.s32 v52, $0x1E;
	v37 =	vsel vm14, $0xFF800000, v40;
	vm13 =	vgt.f32 v14, v13  }
0x31e: {  	v56 =	vsel vm12, v35, v39;
	v22 =	vsel vm12, $0x13, v22;
	vm12 =	veq.s32 v52, $0x18  }
0x31f: {  	v43 =	vsel vm9, $0xFF800000, v18;
	v18 =	vimm.s32 $0x18;
	vm9 =	vgt.f32 v5, v61  }
0x320: {  	vm6 =	vgt.f32 v3, v37;
	vm14 =	vgt.f32 v56, v46;
	v40 =	vsel vm13, v14, v13  }
0x321: {  	v5 =	vsel vm9, v5, v61;
	v4 =	vsel vm9, v4, v7;
	v57 =	vsel vm6, v3, v37  }
0x322: {  	v44 =	vsel vm14, v56, v46;
	v15 =	vsel vm14, v22, v15;
	v46 =	vimm.s32 $0x14  }
0x323: {  	v56 =	vimm.s32 $0x16;
	vm14 =	veq.s32 v52, $0x1A;
	vm15 =	vgt.f32 v40, v57  }
0x324: {  	v1 =	vsel vm6, $0x15, v46;
	v2 =	vsel vm13, $0x17, v56;
	vm13 =	veq.s32 v52, $0x19  }
0x325: {  	v8 =	vsel vm15, v40, v57;
	v22 =	vsel vm15, v2, v1;
	v40 =	vsel vm12, $0xFF800000, v10  }
0x326: {  	v56 =	vsel vm13, $0xFF800000, v9;
	vm15 =	veq.s32 v52, $0x1B;
	v2 =	vsel vm14, $0xFF800000, v11  }
0x327: {  	v10 =	vsel vm7, $0xFF800000, v48;
	v11 =	vsel vm11, $0xFF800000, v23;
	v23 =	vimm.s32 $0x1A  }
0x328: {  	v1 =	vsel vm15, $0xFF800000, v24;
	vm1 =	vgt.f32 v56, v40;
	vm13 =	vgt.f32 v12, v10  }
0x329: {  	v61 =	vld [tilespmem:$0x1FD30];
	vm14 =	vgt.f32 v11, v43;
	vm11 =	vgt.f32 v8, v44;
	vm12 =	vgt.f32 v1, v2  }
0x32a: {  	v9 =	vsel vm1, v56, v40;
	v18 =	vsel vm1, $0x19, v18;
	v57 =	vsel vm12, v1, v2  }
0x32b: {  	v24 =	vsel vm13, v12, v10;
	v46 =	vsel vm14, v11, v43;
	vm15 =	vgt.f32 v57, v9  }
0x32c: {  	v23 =	vsel vm12, $0x1B, v23;
	vm5 =	vgt.f32 v46, v24;
	v9 =	vsel vm15, v57, v9  }
0x32d: {  	v57 =	vsel vm15, v23, v18;
	v18 =	vsel vm5, v46, v24;
	v23 =	vimm.s32 $0x1C  }
0x32e: {  	v24 =	vimm.s32 $0x1E;
	v46 =	vsel vm11, v22, v15;
	vm15 =	vgt.f32 v61, v55  }
0x32f: {  	v15 =	vimm.s32 $0x18;
	v23 =	vsel vm13, $0x1D, v23;
	v24 =	vsel vm14, $0x1F, v24  }
0x330: {  	vm12 =	vgt.f32 v18, v9;
	vm13 =	vgt.f32 v5, v6;
	v23 =	vsel vm5, v24, v23  }
0x331: {  	v24 =	vsel vm8, v59, v45;
	v45 =	vsel vm11, v8, v44;
	v9 =	vsel vm12, v18, v9  }
0x332: {  	v6 =	vsel vm13, v5, v6;
	vm5 =	vgt.f32 v42, v63;
	v5 =	vsel vm3, $0x1B, v17  }
0x333: {  	v59 =	vimm.s32 $0x4;
	v44 =	vimm.s32 $0x8;
	v48 =	vsel vm12, v23, v57  }
0x334: {  	vm14 =	vgt.f32 v9, v45;
	v4 =	vsel vm13, v4, v24;
	v57 =	vsel vm15, v61, v55  }
0x335: {  	v63 =	vsel vm5, v42, v63;
	v55 =	vimm.s32 $0x2;
	v7 =	vsel vm14, v9, v45  }
0x336: {  	v61 =	vimm.s32 $0x6;
	v53 =	vsel vm14, v48, v46;
	vm1 =	vgt.f32 v7, v6  }
0x337: {  	v46 =	vimm.s32 $0x0;
	v53 =	vsel vm1, v53, v4;
	v4 =	vsel vm2, $0x19, v15  }
0x338: {  	v45 =	vimm.s32 $0xA;
	vm9 =	veq.s32 v53, $0x0;
	v4 =	vsel vm15, v5, v4  }
0x339: {  	vm11 =	veq.s32 v53, $0x1;
	vm12 =	veq.s32 v53, $0x2;
	vm13 =	veq.s32 v53, $0x3  }
0x33a: {  	vm14 =	veq.s32 v53, $0x4;
	vm15 =	veq.s32 v53, $0x5;
	v8 =	vsel vm9, $0xFF800000, v41  }
0x33b: {  	v15 =	vsel vm11, $0xFF800000, v27;
	v16 =	vsel vm12, $0xFF800000, v16;
	v17 =	vsel vm13, $0xFF800000, v31  }
0x33c: {  	vm9 =	veq.s32 v53, $0x6;
	v18 =	vsel vm14, $0xFF800000, v33;
	v19 =	vsel vm15, $0xFF800000, v19  }
0x33d: {  	vm11 =	veq.s32 v53, $0x7;
	v22 =	vsel vm9, $0xFF800000, v0;
	vm12 =	vgt.f32 v15, v8  }
0x33e: {  	vm13 =	vgt.f32 v17, v16;
	v23 =	vsel vm11, $0xFF800000, v36;
	vm2 =	vgt.f32 v19, v18  }
0x33f: {  	vm9 =	veq.s32 v53, $0xC;
	vm11 =	veq.s32 v53, $0xD;
	v33 =	vsel vm12, v15, v8  }
0x340: {  	v36 =	vsel vm13, v17, v16;
	vm7 =	vgt.f32 v23, v22;
	v41 =	vsel vm2, v19, v18  }
0x341: {  	v48 =	vsel vm12, $0x1, v46;
	v24 =	vsel vm13, $0x3, v55;
	vm12 =	veq.s32 v53, $0x8  }
0x342: {  	vm13 =	veq.s32 v53, $0x9;
	v0 =	vsel vm2, $0x5, v59;
	v29 =	vsel vm11, $0xFF800000, v29  }
0x343: {  	v55 =	vimm.s32 $0xC;
	vm14 =	vgt.f32 v36, v33;
	v42 =	vsel vm7, v23, v22  }
0x344: {  	vm11 =	veq.s32 v53, $0x13;
	v5 =	vsel vm14, v36, v33;
	vm15 =	vgt.f32 v42, v41  }
0x345: {  	v46 =	vsel vm14, v24, v48;
	v24 =	vsel vm7, $0x7, v61;
	vm14 =	veq.s32 v53, $0xA  }
0x346: {  	v61 =	vimm.s32 $0xE;
	v36 =	vsel vm11, $0xFF800000, v35;
	vm11 =	veq.s32 v53, $0x17  }
0x347: {  	[tilespmem:$0x1FF30] =	vst v6;
	v6 =	vsel vm15, v42, v41;
	v42 =	vsel vm15, v24, v0;
	v24 =	vsel vm12, $0xFF800000, v25  }
0x348: {  	v25 =	vsel vm13, $0xFF800000, v30;
	vm15 =	veq.s32 v53, $0xB;
	v26 =	vsel vm14, $0xFF800000, v26  }
0x349: {  	vm12 =	veq.s32 v53, $0xE;
	vm13 =	veq.s32 v53, $0xF;
	v27 =	vsel vm15, $0xFF800000, v28  }
0x34a: {  	v28 =	vsel vm9, $0xFF800000, v32;
	v30 =	vsel vm12, $0xFF800000, v20;
	v31 =	vsel vm13, $0xFF800000, v38  }
0x34b: {  	vm2 =	vgt.f32 v25, v24;
	vm9 =	veq.s32 v53, $0x12;
	vm3 =	vgt.f32 v27, v26  }
0x34c: {  	[tilespmem:$0x1FF20] =	vst v7;
	vm14 =	vgt.f32 v29, v28;
	vm15 =	vgt.f32 v31, v30;
	v7 =	vsel vm2, v25, v24  }
0x34d: {  	v0 =	vsel vm2, $0x9, v44;
	v20 =	vsel vm3, v27, v26;
	v32 =	vsel vm14, v29, v28  }
0x34e: {  	v9 =	vsel vm15, v31, v30;
	v48 =	vsel vm3, $0xB, v45;
	v59 =	vsel vm14, $0xD, v55  }
0x34f: {  	vm14 =	veq.s32 v53, $0x10;
	v55 =	vimm.s32 $0x10;
	vm12 =	vgt.f32 v20, v7  }
0x350: {  	vm13 =	vgt.f32 v9, v32;
	v20 =	vsel vm12, v20, v7;
	v7 =	vsel vm15, $0xF, v61  }
0x351: {  	v44 =	vsel vm12, v48, v0;
	v45 =	vsel vm13, v9, v32;
	vm15 =	veq.s32 v53, $0x11  }
0x352: {  	v32 =	vsel vm14, $0xFF800000, v21;
	vm12 =	veq.s32 v53, $0x14;
	vm14 =	veq.s32 v53, $0x16  }
0x353: {  	v61 =	vimm.s32 $0x12;
	v59 =	vsel vm13, v7, v59;
	v33 =	vsel vm15, $0xFF800000, v34  }
0x354: {  	v34 =	vsel vm9, $0xFF800000, v39;
	vm13 =	veq.s32 v53, $0x15;
	v37 =	vsel vm12, $0xFF800000, v37  }
0x355: {  	v13 =	vsel vm14, $0xFF800000, v13;
	v39 =	vsel vm11, $0xFF800000, v14;
	vm9 =	veq.s32 v53, $0x1A  }
0x356: {  	vm6 =	vgt.f32 v45, v20;
	v38 =	vsel vm13, $0xFF800000, v3;
	vm3 =	vgt.f32 v33, v32  }
0x357: {  	vm15 =	vgt.f32 v36, v34;
	vm8 =	vgt.f32 v39, v13;
	vm13 =	veq.s32 v53, $0x18  }
0x358: {  	v9 =	vsel vm3, v33, v32;
	v35 =	vsel vm15, v36, v34;
	vm7 =	vgt.f32 v38, v37  }
0x359: {  	v14 =	vsel vm8, v39, v13;
	v21 =	vsel vm3, $0x11, v55;
	v7 =	vsel vm15, $0x13, v61  }
0x35a: {  	v40 =	vsel vm13, $0xFF800000, v40;
	vm15 =	veq.s32 v53, $0x19;
	vm13 =	veq.s32 v53, $0x1C  }
0x35b: {  	vm12 =	vgt.f32 v35, v9;
	v48 =	vsel vm7, v38, v37;
	v41 =	vsel vm15, $0xFF800000, v56  }
0x35c: {  	v56 =	vsel vm9, $0xFF800000, v2;
	vm15 =	veq.s32 v53, $0x1E;
	v3 =	vsel vm12, v35, v9  }
0x35d: {  	vm14 =	vgt.f32 v14, v48;
	v35 =	vsel vm12, v7, v21;
	vm12 =	veq.s32 v53, $0x1B  }
0x35e: {  	vm2 =	vgt.f32 v41, v40;
	v9 =	vimm.s32 $0x14;
	v7 =	vsel vm13, $0xFF800000, v10  }
0x35f: {  	v61 =	vsel vm15, $0xFF800000, v43;
	vm15 =	vgt.f32 v6, v5;
	v14 =	vsel vm14, v14, v48  }
0x360: {  	v21 =	vsel vm12, $0xFF800000, v1;
	v0 =	vsel vm7, $0x15, v9;
	v48 =	vimm.s32 $0x16  }
0x361: {  	v55 =	vsel vm2, v41, v40;
	vm12 =	veq.s32 v53, $0x1F;
	vm3 =	vgt.f32 v21, v56  }
0x362: {  	v1 =	vsel vm8, $0x17, v48;
	v48 =	vimm.s32 $0x18;
	v9 =	vsel vm3, v21, v56  }
0x363: {  	[tilespmem:$0x1FDB0] =	vst v4;
	v4 =	vsel vm14, v1, v0;
	vm14 =	veq.s32 v53, $0x1D;
	vm7 =	vgt.f32 v9, v55  }
0x364: {  	v10 =	vsel vm14, $0xFF800000, v12;
	v12 =	vimm.s32 $0x1A;
	v2 =	vsel vm7, v9, v55  }
0x365: {  	v9 =	vsel vm12, $0xFF800000, v11;
	vm13 =	vgt.f32 v10, v7;
	v55 =	vsel vm2, $0x19, v48  }
0x366: {  	v43 =	vsel vm3, $0x1B, v12;
	v48 =	vimm.s32 $0x1C;
	vm8 =	vgt.f32 v9, v61  }
0x367: {  	v11 =	vsel vm7, v43, v55;
	v12 =	vsel vm13, v10, v7;
	v55 =	vsel vm13, $0x1D, v48  }
0x368: {  	v48 =	vimm.s32 $0x1E;
	vm7 =	vgt.f32 v14, v3;
	v43 =	vsel vm8, v9, v61  }
0x369: {  	v0 =	vsel vm8, $0x1F, v48;
	v3 =	vsel vm7, v14, v3;
	vm14 =	vgt.f32 v43, v12  }
0x36a: {  	v4 =	vsel vm7, v4, v35;
	v35 =	vld [tilespmem:$0x1FD70];
	v12 =	vsel vm14, v43, v12;
	v0 =	vsel vm14, v0, v55  }
0x36b: {  	v55 =	vsel vm15, v6, v5;
	v43 =	vsel vm15, v42, v46;
	v46 =	vsel vm6, v45, v20  }
0x36c: {  	v20 =	vsel vm6, v59, v44;
	v59 =	vld [tilespmem:$0x1FD40];
	vm8 =	vgt.f32 v12, v2;
	vm9 =	vgt.f32 v46, v55  }
0x36d: {  	v14 =	vld [tilespmem:$0x1FD60];
	v2 =	vsel vm8, v12, v2;
	v0 =	vsel vm8, v0, v11;
	v6 =	vsel vm9, v46, v55  }
0x36e: {  	v48 =	vsel vm9, v20, v43;
	v11 =	vimm.s32 $0x1E;
	v12 =	vld [tilespmem:$0x1FD50];
	vm11 =	vgt.f32 v2, v3  }
0x36f: {  	v43 =	vld [tilespmem:$0x1FD80];
	v46 =	vimm.s32 $0x0;
	vm13 =	vgt.f32 v51, v35;
	v2 =	vsel vm11, v2, v3  }
0x370: {  	v0 =	vsel vm11, v0, v4;
	v3 =	vsel vm10, $0x1F, v11;
	v20 =	vsel vm13, v51, v35  }
0x371: {  	[tilespmem:$0x1FF40] =	vst v6;
	vm12 =	vgt.f32 v54, v59;
	vm2 =	vgt.f32 v2, v6;
	v6 =	vimm.s32 $0x1C  }
0x372: {  	[tilespmem:$0x1FF50] =	vst v2;
	v2 =	vsel vm4, $0x1D, v6;
	v42 =	vsel vm12, v54, v59;
	v54 =	vsel vm2, v0, v48  }
0x373: {  	v55 =	vsel vm5, v3, v2;
	v59 =	vsel vm12, v14, v12;
	vm14 =	veq.s32 v54, $0x0  }
0x374: {  	v48 =	vsel vm13, v60, v43;
	vm15 =	veq.s32 v54, $0x1;
	vm8 =	veq.s32 v54, $0x2  }
0x375: {  	vm9 =	veq.s32 v54, $0x3;
	vm10 =	veq.s32 v54, $0x4;
	vm11 =	veq.s32 v54, $0x5  }
0x376: {  	vm12 =	veq.s32 v54, $0x6;
	vm13 =	veq.s32 v54, $0x7;
	v43 =	vimm.s32 $0x2  }
0x377: {  	v11 =	vsel vm14, $0xFF800000, v8;
	v12 =	vsel vm15, $0xFF800000, v15;
	v15 =	vsel vm8, $0xFF800000, v16  }
0x378: {  	v16 =	vsel vm9, $0xFF800000, v17;
	v5 =	vsel vm10, $0xFF800000, v18;
	v6 =	vsel vm11, $0xFF800000, v19  }
0x379: {  	v35 =	vsel vm12, $0xFF800000, v22;
	v60 =	vsel vm13, $0xFF800000, v23;
	vm9 =	veq.s32 v54, $0xA  }
0x37a: {  	vm10 =	veq.s32 v54, $0xB;
	vm11 =	veq.s32 v54, $0xC;
	v17 =	vimm.s32 $0x8  }
0x37b: {  	vm8 =	veq.s32 v54, $0x11;
	vm14 =	vgt.f32 v12, v11;
	vm15 =	vgt.f32 v16, v15  }
0x37c: {  	vm3 =	vgt.f32 v6, v5;
	vm6 =	vgt.f32 v60, v35;
	v23 =	vsel vm9, $0xFF800000, v26  }
0x37d: {  	v28 =	vsel vm11, $0xFF800000, v28;
	vm9 =	veq.s32 v54, $0x12;
	vm11 =	veq.s32 v54, $0x14  }
0x37e: {  	v44 =	vsel vm14, v12, v11;
	v45 =	vsel vm15, v16, v15;
	v2 =	vsel vm3, v6, v5  }
0x37f: {  	v8 =	vsel vm6, v60, v35;
	v51 =	vsel vm14, $0x1, v46;
	vm14 =	veq.s32 v54, $0x8  }
0x380: {  	vm12 =	vgt.f32 v45, v44;
	vm13 =	vgt.f32 v8, v2;
	v22 =	vsel vm14, $0xFF800000, v24  }
0x381: {  	v24 =	vsel vm10, $0xFF800000, v27;
	vm14 =	veq.s32 v54, $0xF;
	vm10 =	veq.s32 v54, $0x13  }
0x382: {  	v4 =	vsel vm12, v45, v44;
	v44 =	vsel vm15, $0x3, v43;
	v3 =	vsel vm13, v8, v2  }
0x383: {  	vm15 =	veq.s32 v54, $0x9;
	v45 =	vimm.s32 $0x4;
	vm4 =	vgt.f32 v24, v23  }
0x384: {  	v44 =	vsel vm12, v44, v51;
	v46 =	vsel vm3, $0x5, v45;
	v51 =	vimm.s32 $0x6  }
0x385: {  	v14 =	vsel vm15, $0xFF800000, v25;
	vm12 =	veq.s32 v54, $0xD;
	v18 =	vsel vm4, v24, v23  }
0x386: {  	v2 =	vsel vm6, $0x7, v51;
	v27 =	vsel vm12, $0xFF800000, v29;
	vm3 =	vgt.f32 v14, v22  }
0x387: {  	v51 =	vimm.s32 $0xC;
	v43 =	vsel vm13, v2, v46;
	vm13 =	veq.s32 v54, $0xE  }
0x388: {  	vm15 =	vgt.f32 v27, v28;
	v8 =	vsel vm3, v14, v22;
	v17 =	vsel vm3, $0x9, v17  }
0x389: {  	v46 =	vimm.s32 $0xA;
	v29 =	vsel vm13, $0xFF800000, v30;
	v30 =	vsel vm14, $0xFF800000, v31  }
0x38a: {  	vm13 =	vgt.f32 v18, v8;
	v19 =	vsel vm15, v27, v28;
	v26 =	vsel vm15, $0xD, v51  }
0x38b: {  	vm15 =	veq.s32 v54, $0x10;
	vm12 =	vgt.f32 v30, v29;
	v45 =	vsel vm13, v18, v8  }
0x38c: {  	v18 =	vsel vm4, $0xB, v46;
	v8 =	vimm.s32 $0xE;
	v25 =	vsel vm12, v30, v29  }
0x38d: {  	v31 =	vsel vm12, $0xF, v8;
	v46 =	vsel vm13, v18, v17;
	v17 =	vsel vm9, $0xFF800000, v34  }
0x38e: {  	vm12 =	veq.s32 v54, $0x15;
	v34 =	vsel vm11, $0xFF800000, v37;
	vm13 =	veq.s32 v54, $0x16  }
0x38f: {  	vm11 =	veq.s32 v54, $0x1C;
	vm14 =	vgt.f32 v25, v19;
	v18 =	vsel vm12, $0xFF800000, v38  }
0x390: {  	v38 =	vimm.s32 $0x10;
	v51 =	vsel vm14, v25, v19;
	v8 =	vsel vm14, v31, v26  }
0x391: {  	v31 =	vsel vm15, $0xFF800000, v32;
	v32 =	vsel vm8, $0xFF800000, v33;
	v33 =	vsel vm10, $0xFF800000, v36  }
0x392: {  	vm14 =	veq.s32 v54, $0x17;
	v36 =	vsel vm13, $0xFF800000, v13;
	vm6 =	vgt.f32 v18, v34  }
0x393: {  	vm13 =	veq.s32 v54, $0x18;
	vm8 =	veq.s32 v54, $0x1A;
	vm10 =	veq.s32 v54, $0x1B  }
0x394: {  	vm4 =	vgt.f32 v32, v31;
	vm5 =	vgt.f32 v33, v17;
	v37 =	vsel vm14, $0xFF800000, v39  }
0x395: {  	v13 =	vsel vm6, v18, v34;
	v19 =	vsel vm4, v32, v31;
	v25 =	vsel vm5, v33, v17  }
0x396: {  	v39 =	vimm.s32 $0x12;
	vm12 =	vgt.f32 v37, v36;
	vm15 =	vgt.f32 v25, v19  }
0x397: {  	v26 =	vsel vm5, $0x13, v39;
	v1 =	vsel vm15, v25, v19;
	v19 =	vsel vm12, v37, v36  }
0x398: {  	v25 =	vsel vm4, $0x11, v38;
	vm4 =	vgt.f32 v62, v58;
	vm14 =	vgt.f32 v19, v13  }
0x399: {  	v2 =	vsel vm15, v26, v25;
	v25 =	vsel vm13, $0xFF800000, v40;
	vm15 =	veq.s32 v54, $0x19  }
0x39a: {  	v26 =	vsel vm8, $0xFF800000, v56;
	vm13 =	veq.s32 v54, $0x1E;
	v0 =	vsel vm14, v19, v13  }
0x39b: {  	v19 =	vsel vm15, $0xFF800000, v41;
	v13 =	vsel vm10, $0xFF800000, v21;
	v21 =	vimm.s32 $0x14  }
0x39c: {  	v41 =	vimm.s32 $0x16;
	v40 =	vsel vm13, $0xFF800000, v61;
	v61 =	vimm.s32 $0x1A  }
0x39d: {  	vm3 =	vgt.f32 v19, v25;
	vm5 =	vgt.f32 v13, v26;
	v21 =	vsel vm6, $0x15, v21  }
0x39e: {  	v38 =	vsel vm12, $0x17, v41;
	vm12 =	veq.s32 v54, $0x1D;
	vm8 =	vgt.f32 v0, v1  }
0x39f: {  	v39 =	vsel vm3, v19, v25;
	v56 =	vsel vm5, v13, v26;
	v21 =	vsel vm14, v38, v21  }
0x3a0: {  	v38 =	vsel vm12, $0xFF800000, v10;
	vm14 =	veq.s32 v54, $0x1F;
	v10 =	vimm.s32 $0x18  }
0x3a1: {  	v0 =	vsel vm8, v0, v1;
	vm6 =	vgt.f32 v56, v39;
	v41 =	vsel vm14, $0xFF800000, v9  }
0x3a2: {  	v9 =	vsel vm5, $0x1B, v61;
	vm14 =	vgt.f32 v3, v4;
	v56 =	vsel vm6, v56, v39  }
0x3a3: {  	v39 =	vsel vm11, $0xFF800000, v7;
	vm12 =	vgt.f32 v41, v40;
	v7 =	vsel vm3, $0x19, v10  }
0x3a4: {  	vm15 =	vgt.f32 v38, v39;
	v61 =	vsel vm12, v41, v40;
	v7 =	vsel vm6, v9, v7  }
0x3a5: {  	v9 =	vsel vm4, v62, v58;
	v62 =	vimm.s32 $0x1E;
	v10 =	vsel vm15, v38, v39  }
0x3a6: {  	v3 =	vsel vm14, v3, v4;
	v58 =	vsel vm12, $0x1F, v62;
	vm13 =	vgt.f32 v61, v10  }
0x3a7: {  	vm12 =	vgt.f32 v63, v57;
	v10 =	vsel vm13, v61, v10;
	v61 =	vimm.s32 $0x1C  }
0x3a8: {  	v61 =	vsel vm15, $0x1D, v61;
	vm15 =	vgt.f32 v51, v45;
	vm9 =	vgt.f32 v10, v56  }
0x3a9: {  	v61 =	vsel vm13, v58, v61;
	v58 =	vsel vm14, v43, v44;
	v62 =	vsel vm15, v51, v45  }
0x3aa: {  	v8 =	vsel vm15, v8, v46;
	v44 =	vsel vm8, v21, v2;
	v45 =	vsel vm9, v10, v56  }
0x3ab: {  	vm13 =	vgt.f32 v20, v42;
	v7 =	vsel vm9, v61, v7;
	vm10 =	vgt.f32 v62, v3  }
0x3ac: {  	vm11 =	vgt.f32 v45, v0;
	v42 =	vsel vm13, v20, v42;
	v48 =	vsel vm13, v48, v59  }
0x3ad: {  	v46 =	vsel vm10, v62, v3;
	v51 =	vsel vm10, v8, v58;
	v2 =	vsel vm11, v45, v0  }
0x3ae: {  	v56 =	vsel vm11, v7, v44;
	v45 =	vsel vm12, v63, v57;
	vm3 =	vgt.f32 v2, v46  }
0x3af: {  	v59 =	vimm.s32 $0x2;
	vm11 =	vgt.f32 v45, v9;
	v57 =	vsel vm3, v56, v51  }
0x3b0: {  	v61 =	vld [tilespmem:$0x1FDA0];
	v44 =	vsel vm11, v45, v9;
	v56 =	vimm.s32 $0x0;
	vm14 =	veq.s32 v57, $0x0  }
0x3b1: {  	v58 =	vld [tilespmem:$0x1FD90];
	vm15 =	veq.s32 v57, $0x1;
	vm9 =	veq.s32 v57, $0x2;
	vm10 =	veq.s32 v57, $0x3  }
0x3b2: {  	[tilespmem:$0x1FF70] =	vst v46;
	vm5 =	vgt.f32 v44, v42;
	vm13 =	veq.s32 v57, $0x5;
	vm8 =	veq.s32 v57, $0x1C  }
0x3b3: {  	[tilespmem:$0x1FF60] =	vst v2;
	v46 =	vld [tilespmem:$0x1FDB0];
	v1 =	vsel vm14, $0xFF800000, v11;
	v2 =	vsel vm15, $0xFF800000, v12;
	v8 =	vsel vm9, $0xFF800000, v15  }
0x3b4: {  	v20 =	vsel vm10, $0xFF800000, v16;
	vm14 =	veq.s32 v57, $0x6;
	vm15 =	veq.s32 v57, $0x7  }
0x3b5: {  	v11 =	vimm.s32 $0x6;
	vm9 =	veq.s32 v57, $0xD;
	vm10 =	veq.s32 v57, $0xE  }
0x3b6: {  	v62 =	vsel vm4, v61, v58;
	vm6 =	vgt.f32 v2, v1;
	vm7 =	vgt.f32 v20, v8  }
0x3b7: {  	v21 =	vsel vm15, $0xFF800000, v60;
	v9 =	vsel vm10, $0xFF800000, v29;
	vm10 =	veq.s32 v57, $0x16  }
0x3b8: {  	v0 =	vsel vm12, v55, v46;
	v51 =	vsel vm6, v2, v1;
	v55 =	vsel vm7, v20, v8  }
0x3b9: {  	vm12 =	veq.s32 v57, $0x4;
	v3 =	vsel vm7, $0x3, v59;
	v0 =	vsel vm11, v0, v62  }
0x3ba: {  	vm4 =	vgt.f32 v55, v51;
	v7 =	vsel vm12, $0xFF800000, v5;
	v5 =	vsel vm13, $0xFF800000, v6  }
0x3bb: {  	v62 =	vimm.s32 $0x4;
	v6 =	vsel vm9, $0xFF800000, v27;
	vm11 =	veq.s32 v57, $0xF  }
0x3bc: {  	vm9 =	veq.s32 v57, $0x15;
	v58 =	vsel vm5, v0, v48;
	v43 =	vsel vm4, v55, v51  }
0x3bd: {  	v55 =	vsel vm14, $0xFF800000, v35;
	v0 =	vsel vm6, $0x1, v56;
	vm12 =	vgt.f32 v5, v7  }
0x3be: {  	vm14 =	veq.s32 v57, $0x8;
	v29 =	vsel vm9, $0xFF800000, v18;
	vm9 =	veq.s32 v57, $0x1D  }
0x3bf: {  	v35 =	vsel vm4, v3, v0;
	vm13 =	vgt.f32 v21, v55;
	v60 =	vsel vm12, v5, v7  }
0x3c0: {  	v63 =	vsel vm12, $0x5, v62;
	v46 =	vsel vm14, $0xFF800000, v22;
	vm12 =	veq.s32 v57, $0x9  }
0x3c1: {  	vm14 =	veq.s32 v57, $0xB;
	v62 =	vimm.s32 $0xA;
	v61 =	vsel vm13, v21, v55  }
0x3c2: {  	v12 =	vsel vm13, $0x7, v11;
	vm13 =	veq.s32 v57, $0xA;
	vm15 =	vgt.f32 v61, v60  }
0x3c3: {  	v24 =	vsel vm14, $0xFF800000, v24;
	v0 =	vsel vm13, $0xFF800000, v23;
	v48 =	vsel vm15, v61, v60  }
0x3c4: {  	v51 =	vsel vm15, v12, v63;
	v63 =	vsel vm12, $0xFF800000, v14;
	vm15 =	veq.s32 v57, $0xC  }
0x3c5: {  	vm12 =	vgt.f32 v24, v0;
	v14 =	vsel vm11, $0xFF800000, v30;
	v60 =	vimm.s32 $0x8  }
0x3c6: {  	vm11 =	veq.s32 v57, $0x10;
	v10 =	vsel vm15, $0xFF800000, v28;
	vm6 =	vgt.f32 v63, v46  }
0x3c7: {  	v16 =	vsel vm12, v24, v0;
	vm13 =	vgt.f32 v14, v9;
	v4 =	vsel vm12, $0xB, v62  }
0x3c8: {  	vm12 =	veq.s32 v57, $0x11;
	v11 =	vsel vm11, $0xFF800000, v31;
	vm11 =	veq.s32 v57, $0x17  }
0x3c9: {  	v62 =	vsel vm10, $0xFF800000, v36;
	v36 =	vimm.s32 $0x14;
	vm10 =	veq.s32 v57, $0x1E  }
0x3ca: {  	v15 =	vsel vm6, v63, v46;
	vm4 =	vgt.f32 v6, v10;
	v45 =	vsel vm13, v14, v9  }
0x3cb: {  	v61 =	vsel vm6, $0x9, v60;
	vm14 =	vgt.f32 v16, v15;
	v3 =	vsel vm4, v6, v10  }
0x3cc: {  	v30 =	vsel vm14, v16, v15;
	vm15 =	vgt.f32 v45, v3;
	v59 =	vsel vm14, v4, v61  }
0x3cd: {  	v15 =	vimm.s32 $0xC;
	v16 =	vimm.s32 $0xE;
	vm14 =	veq.s32 v57, $0x13  }
0x3ce: {  	v60 =	vsel vm15, v45, v3;
	v3 =	vsel vm4, $0xD, v15;
	v45 =	vsel vm13, $0xF, v16  }
0x3cf: {  	v15 =	vsel vm12, $0xFF800000, v32;
	vm13 =	veq.s32 v57, $0x12;
	v27 =	vsel vm14, $0xFF800000, v33  }
0x3d0: {  	v33 =	vimm.s32 $0x10;
	v61 =	vsel vm15, v45, v3;
	vm15 =	veq.s32 v57, $0x14  }
0x3d1: {  	v12 =	vsel vm13, $0xFF800000, v17;
	v17 =	vsel vm11, $0xFF800000, v37;
	vm4 =	vgt.f32 v15, v11  }
0x3d2: {  	v37 =	vimm.s32 $0x16;
	vm11 =	veq.s32 v57, $0x1F;
	v16 =	vsel vm15, $0xFF800000, v34  }
0x3d3: {  	vm12 =	vgt.f32 v27, v12;
	vm13 =	vgt.f32 v17, v62;
	v56 =	vsel vm4, v15, v11  }
0x3d4: {  	v28 =	vsel vm4, $0x11, v33;
	v34 =	vimm.s32 $0x12;
	vm7 =	vgt.f32 v29, v16  }
0x3d5: {  	v18 =	vsel vm12, v27, v12;
	v23 =	vsel vm13, v17, v62;
	v31 =	vsel vm12, $0x13, v34  }
0x3d6: {  	vm12 =	veq.s32 v57, $0x18;
	vm14 =	vgt.f32 v18, v56;
	v22 =	vsel vm7, v29, v16  }
0x3d7: {  	v3 =	vsel vm7, $0x15, v36;
	v4 =	vsel vm12, $0xFF800000, v25;
	vm15 =	vgt.f32 v23, v22  }
0x3d8: {  	v32 =	vsel vm14, v18, v56;
	v31 =	vsel vm14, v31, v28;
	v18 =	vsel vm13, $0x17, v37  }
0x3d9: {  	vm13 =	veq.s32 v57, $0x19;
	vm14 =	veq.s32 v57, $0x1A;
	v28 =	vsel vm11, $0xFF800000, v41  }
0x3da: {  	v41 =	vimm.s32 $0x18;
	v56 =	vimm.s32 $0x1A;
	vm11 =	vgt.f32 v48, v43  }
0x3db: {  	v33 =	vsel vm15, v23, v22;
	v34 =	vsel vm15, v18, v3;
	v25 =	vsel vm13, $0xFF800000, v19  }
0x3dc: {  	vm15 =	veq.s32 v57, $0x1B;
	v18 =	vsel vm14, $0xFF800000, v26;
	v26 =	vsel vm8, $0xFF800000, v39  }
0x3dd: {  	v22 =	vsel vm9, $0xFF800000, v38;
	v23 =	vsel vm10, $0xFF800000, v40;
	v35 =	vsel vm11, v51, v35  }
0x3de: {  	v19 =	vsel vm15, $0xFF800000, v13;
	vm4 =	vgt.f32 v25, v4;
	vm13 =	vgt.f32 v22, v26  }
0x3df: {  	vm14 =	vgt.f32 v28, v23;
	vm12 =	vgt.f32 v19, v18;
	v13 =	vsel vm4, v25, v4  }
0x3e0: {  	v45 =	vsel vm4, $0x19, v41;
	v39 =	vsel vm13, v22, v26;
	v40 =	vsel vm14, v28, v23  }
0x3e1: {  	v41 =	vimm.s32 $0x1E;
	v36 =	vsel vm12, v19, v18;
	v3 =	vsel vm12, $0x1B, v56  }
0x3e2: {  	vm10 =	vgt.f32 v40, v39;
	vm12 =	vgt.f32 v60, v30;
	vm15 =	vgt.f32 v36, v13  }
0x3e3: {  	v37 =	vsel vm10, v40, v39;
	v30 =	vsel vm12, v60, v30;
	v61 =	vsel vm12, v61, v59  }
0x3e4: {  	v13 =	vsel vm15, v36, v13;
	v36 =	vsel vm15, v3, v45;
	v45 =	vimm.s32 $0x1C  }
0x3e5: {  	v56 =	vsel vm13, $0x1D, v45;
	v45 =	vsel vm14, $0x1F, v41;
	vm13 =	vgt.f32 v33, v32  }
0x3e6: {  	vm14 =	vgt.f32 v37, v13;
	v38 =	vsel vm10, v45, v56;
	v56 =	vsel vm11, v48, v43  }
0x3e7: {  	v32 =	vsel vm13, v33, v32;
	v31 =	vsel vm13, v34, v31;
	v13 =	vsel vm14, v37, v13  }
0x3e8: {  	v48 =	vsel vm5, v44, v42;
	v34 =	vimm.s32 $0x0;
	v41 =	vsel vm14, v38, v36  }
0x3e9: {  	vm15 =	vgt.f32 v30, v56;
	vm9 =	vgt.f32 v13, v32;
	v36 =	vimm.s32 $0x2  }
0x3ea: {  	v51 =	vld [tilespmem:$0x1FDC0];
	v43 =	vsel vm15, v30, v56;
	v30 =	vsel vm15, v61, v35;
	v60 =	vsel vm9, v13, v32  }
0x3eb: {  	v45 =	vsel vm9, v41, v31;
	v31 =	vshrl.u32 v58, $0x3;
	v56 =	vld [tilespmem:$0x1FDD0];
	vm4 =	vgt.f32 v60, v43  }
0x3ec: {  	vm10 =	veq.s32 v31, $0x2;
	vm11 =	veq.s32 v31, $0x1;
	v61 =	vsel vm4, v45, v30  }
0x3ed: {  	v59 =	vld [tilespmem:$0x1FDE0];
	vm13 =	veq.s32 v31, $0x0;
	vm12 =	veq.s32 v61, $0x0;
	vm14 =	veq.s32 v61, $0x1  }
0x3ee: {  	vm15 =	veq.s32 v61, $0x2;
	vm9 =	veq.s32 v61, $0x6;
	v30 =	vsel vm12, $0xFF800000, v1  }
0x3ef: {  	vm12 =	veq.s32 v61, $0x3;
	v41 =	vsel vm14, $0xFF800000, v2;
	v37 =	vsel vm15, $0xFF800000, v8  }
0x3f0: {  	vm15 =	veq.s32 v61, $0x5;
	v13 =	vsel vm10, v51, v56;
	v38 =	vsel vm12, $0xFF800000, v20  }
0x3f1: {  	v8 =	vld [tilespmem:$0x1FDF0];
	vm5 =	vgt.f32 v41, v30;
	vm10 =	veq.s32 v61, $0x7;
	vm12 =	veq.s32 v61, $0x9  }
0x3f2: {  	v13 =	vsel vm11, v59, v13;
	vm6 =	vgt.f32 v38, v37;
	v32 =	vsel vm5, v41, v30  }
0x3f3: {  	v35 =	vsel vm5, $0x1, v34;
	v34 =	vsel vm9, $0xFF800000, v55;
	vm11 =	veq.s32 v61, $0x8  }
0x3f4: {  	v56 =	vsel vm12, $0xFF800000, v63;
	v55 =	vimm.s32 $0x4;
	v63 =	vimm.s32 $0x6  }
0x3f5: {  	vm9 =	veq.s32 v61, $0xD;
	v33 =	vsel vm6, v38, v37;
	v39 =	vsel vm6, $0x3, v36  }
0x3f6: {  	vm14 =	vgt.f32 v33, v32;
	v45 =	vsel vm13, v8, v13;
	vm13 =	veq.s32 v61, $0x4  }
0x3f7: {  	v42 =	vsel vm14, v33, v32;
	v51 =	vsel vm14, v39, v35;
	v33 =	vsel vm15, $0xFF800000, v5  }
0x3f8: {  	v32 =	vsel vm10, $0xFF800000, v21;
	vm14 =	veq.s32 v61, $0xB;
	v39 =	vsel vm9, $0xFF800000, v6  }
0x3f9: {  	v5 =	vimm.s32 $0x8;
	vm9 =	veq.s32 v61, $0x15;
	vm10 =	veq.s32 v61, $0x16  }
0x3fa: {  	v31 =	vsel vm13, $0xFF800000, v7;
	vm13 =	veq.s32 v61, $0xA;
	v7 =	vsel vm11, $0xFF800000, v46  }
0x3fb: {  	vm12 =	vgt.f32 v32, v34;
	v8 =	vsel vm14, $0xFF800000, v24;
	vm11 =	veq.s32 v61, $0xE  }
0x3fc: {  	[tilespmem:$0x1FF80] =	vst v43;
	v43 =	vsel vm13, $0xFF800000, v0;
	vm15 =	vgt.f32 v33, v31;
	v44 =	vsel vm12, v32, v34  }
0x3fd: {  	vm5 =	vgt.f32 v56, v7;
	v0 =	vsel vm12, $0x7, v63;
	vm12 =	veq.s32 v61, $0xF  }
0x3fe: {  	v40 =	vsel vm15, v33, v31;
	vm8 =	vgt.f32 v8, v43;
	v46 =	vsel vm5, v56, v7  }
0x3ff: {  	v59 =	vsel vm15, $0x5, v55;
	vm15 =	veq.s32 v61, $0xC;
	v36 =	vsel vm12, $0xFF800000, v14  }
0x400: {  	v6 =	vsel vm5, $0x9, v5;
	v55 =	vimm.s32 $0xE;
	vm12 =	veq.s32 v61, $0x11  }
0x401: {  	[tilespmem:$0x1FEF0] =	vst v48;
	vm13 =	vgt.f32 v44, v40;
	v48 =	vsel vm8, v8, v43;
	v35 =	vsel vm15, $0xFF800000, v10  }
0x402: {  	v24 =	vsel vm12, $0xFF800000, v15;
	v3 =	vsel vm13, v44, v40;
	vm14 =	vgt.f32 v48, v46  }
0x403: {  	v20 =	vsel vm13, v0, v59;
	v40 =	vsel vm11, $0xFF800000, v9;
	v9 =	vimm.s32 $0xA  }
0x404: {  	vm13 =	vgt.f32 v39, v35;
	v44 =	vimm.s32 $0xC;
	vm11 =	veq.s32 v61, $0x17  }
0x405: {  	v48 =	vsel vm14, v48, v46;
	v10 =	vsel vm8, $0xB, v9;
	vm6 =	vgt.f32 v36, v40  }
0x406: {  	v13 =	vsel vm13, v39, v35;
	v46 =	vsel vm13, $0xD, v44;
	vm13 =	veq.s32 v61, $0x12  }
0x407: {  	v6 =	vsel vm14, v10, v6;
	vm14 =	veq.s32 v61, $0x10;
	v14 =	vsel vm6, v36, v40  }
0x408: {  	v59 =	vsel vm6, $0xF, v55;
	vm15 =	vgt.f32 v14, v13;
	v44 =	vsel vm14, $0xFF800000, v11  }
0x409: {  	vm14 =	veq.s32 v61, $0x13;
	v11 =	vsel vm13, $0xFF800000, v12;
	v55 =	vsel vm15, v14, v13  }
0x40a: {  	v9 =	vsel vm15, v59, v46;
	v12 =	vsel vm14, $0xFF800000, v27;
	vm15 =	veq.s32 v61, $0x14  }
0x40b: {  	v13 =	vsel vm9, $0xFF800000, v29;
	v14 =	vsel vm10, $0xFF800000, v62;
	vm12 =	vgt.f32 v24, v44  }
0x40c: {  	v29 =	vsel vm11, $0xFF800000, v17;
	v59 =	vimm.s32 $0x10;
	v17 =	vimm.s32 $0x16  }
0x40d: {  	vm9 =	veq.s32 v61, $0x1C;
	vm10 =	veq.s32 v61, $0x1D;
	vm11 =	veq.s32 v61, $0x1E  }
0x40e: {  	v27 =	vsel vm15, $0xFF800000, v16;
	vm13 =	vgt.f32 v12, v11;
	v63 =	vsel vm12, v24, v44  }
0x40f: {  	vm8 =	vgt.f32 v29, v14;
	v62 =	vsel vm12, $0x11, v59;
	vm12 =	veq.s32 v61, $0x18  }
0x410: {  	v22 =	vsel vm10, $0xFF800000, v22;
	v23 =	vsel vm11, $0xFF800000, v23;
	v5 =	vsel vm13, v12, v11  }
0x411: {  	vm5 =	vgt.f32 v13, v27;
	v46 =	vsel vm8, v29, v14;
	vm14 =	vgt.f32 v5, v63  }
0x412: {  	v10 =	vsel vm5, v13, v27;
	v15 =	vsel vm14, v5, v63;
	v63 =	vimm.s32 $0x12  }
0x413: {  	v59 =	vimm.s32 $0x18;
	vm15 =	vgt.f32 v46, v10;
	v5 =	vsel vm13, $0x13, v63  }
0x414: {  	v63 =	vsel vm15, v46, v10;
	vm13 =	veq.s32 v61, $0x19;
	v10 =	vimm.s32 $0x14  }
0x415: {  	v46 =	vsel vm8, $0x17, v17;
	v17 =	vsel vm9, $0xFF800000, v26;
	v62 =	vsel vm14, v5, v62  }
0x416: {  	v16 =	vsel vm5, $0x15, v10;
	v5 =	vsel vm12, $0xFF800000, v4;
	vm14 =	veq.s32 v61, $0x1A  }
0x417: {  	vm12 =	veq.s32 v61, $0x1F;
	vm7 =	vgt.f32 v22, v17;
	v1 =	vsel vm15, v46, v16  }
0x418: {  	v16 =	vsel vm13, $0xFF800000, v25;
	vm15 =	veq.s32 v61, $0x1B;
	v10 =	vsel vm14, $0xFF800000, v18  }
0x419: {  	v18 =	vsel vm12, $0xFF800000, v28;
	v25 =	vsel vm7, v22, v17;
	v46 =	vimm.s32 $0x1A  }
0x41a: {  	v21 =	vsel vm15, $0xFF800000, v19;
	vm5 =	vgt.f32 v16, v5;
	vm14 =	vgt.f32 v18, v23  }
0x41b: {  	vm13 =	vgt.f32 v21, v10;
	v4 =	vsel vm5, v16, v5;
	v26 =	vsel vm14, v18, v23  }
0x41c: {  	v28 =	vsel vm5, $0x19, v59;
	v59 =	vimm.s32 $0x1C;
	v19 =	vsel vm13, v21, v10  }
0x41d: {  	vm12 =	vgt.f32 v26, v25;
	v0 =	vsel vm13, $0x1B, v46;
	vm13 =	vgt.f32 v3, v42  }
0x41e: {  	v46 =	vimm.s32 $0x1E;
	vm15 =	vgt.f32 v19, v4;
	v3 =	vsel vm13, v3, v42  }
0x41f: {  	v20 =	vsel vm13, v20, v51;
	v4 =	vsel vm15, v19, v4;
	v0 =	vsel vm15, v0, v28  }
0x420: {  	v19 =	vsel vm12, v26, v25;
	v25 =	vsel vm7, $0x1D, v59;
	v26 =	vsel vm14, $0x1F, v46  }
0x421: {  	vm14 =	vgt.f32 v55, v48;
	vm15 =	vgt.f32 v63, v15;
	v25 =	vsel vm12, v26, v25  }
0x422: {  	v26 =	vsel vm14, v55, v48;
	v6 =	vsel vm14, v9, v6;
	v59 =	vsel vm15, v63, v15  }
0x423: {  	vm9 =	vgt.f32 v19, v4;
	v1 =	vsel vm15, v1, v62;
	v63 =	vshll.u32 v45, $0x3  }
0x424: {  	v9 =	vand.u32 $0x7, v58;
	v15 =	vshrl.u32 v52, $0x3;
	v45 =	vand.u32 $0x7, v52  }
0x425: {  	v48 =	vimm.s32 $0x0;
	v52 =	vimm.s32 $0x2;
	v4 =	vsel vm9, v19, v4  }
0x426: {  	v46 =	vld [tilespmem:$0x1FE00];
	vm10 =	vgt.f32 v26, v3;
	v0 =	vsel vm9, v25, v0;
	vm6 =	veq.s32 v15, $0x0  }
0x427: {  	vm7 =	veq.s32 v15, $0x1;
	vm13 =	veq.s32 v15, $0x2;
	vm11 =	vgt.f32 v4, v59  }
0x428: {  	v51 =	vsel vm10, v26, v3;
	v62 =	vsel vm10, v6, v20;
	v26 =	vsel vm11, v4, v59  }
0x429: {  	v0 =	vsel vm11, v0, v1;
	v59 =	vor.u32 v9, v63;
	vm5 =	vgt.f32 v26, v51  }
0x42a: {  	v63 =	vimm.s32 $0x4;
	v4 =	vimm.s32 $0x6;
	v28 =	vsel vm5, v0, v62  }
0x42b: {  	v0 =	vsel vm13, v47, v46;
	vm12 =	veq.s32 v28, $0x0;
	vm14 =	veq.s32 v28, $0x1  }
0x42c: {  	vm15 =	veq.s32 v28, $0x2;
	v0 =	vsel vm7, v49, v0;
	vm13 =	veq.s32 v28, $0x4  }
0x42d: {  	vm10 =	veq.s32 v28, $0x18;
	vm11 =	veq.s32 v28, $0x1F;
	v15 =	vsel vm12, $0xFF800000, v30  }
0x42e: {  	v19 =	vsel vm14, $0xFF800000, v41;
	vm12 =	veq.s32 v28, $0x3;
	v20 =	vsel vm15, $0xFF800000, v37  }
0x42f: {  	v0 =	vsel vm6, v50, v0;
	v3 =	vsel vm13, $0xFF800000, v31;
	vm14 =	veq.s32 v28, $0x5  }
0x430: {  	vm15 =	veq.s32 v28, $0x6;
	v9 =	vsel vm12, $0xFF800000, v38;
	vm7 =	vgt.f32 v19, v15  }
0x431: {  	v0 =	vshll.u32 v0, $0x3;
	v38 =	vsel vm14, $0xFF800000, v33;
	v37 =	vsel vm15, $0xFF800000, v34  }
0x432: {  	vm12 =	veq.s32 v28, $0x7;
	vm15 =	veq.s32 v28, $0x8;
	vm8 =	vgt.f32 v9, v20  }
0x433: {  	v41 =	vsel vm7, v19, v15;
	v58 =	vor.u32 v45, v0;
	v33 =	vsel vm12, $0xFF800000, v32  }
0x434: {  	v0 =	vsel vm7, $0x1, v48;
	vm13 =	vgt.f32 v38, v3;
	v45 =	vsel vm15, $0xFF800000, v7  }
0x435: {  	vm15 =	veq.s32 v28, $0xB;
	v42 =	vsel vm8, v9, v20;
	v1 =	vsel vm8, $0x3, v52  }
0x436: {  	vm14 =	vgt.f32 v33, v37;
	v55 =	vsel vm13, v38, v3;
	v31 =	vsel vm13, $0x5, v63  }
0x437: {  	vm13 =	veq.s32 v28, $0x9;
	vm6 =	vgt.f32 v42, v41;
	v62 =	vsel vm14, v33, v37  }
0x438: {  	v6 =	vsel vm14, $0x7, v4;
	vm14 =	veq.s32 v28, $0xA;
	v4 =	vimm.s32 $0xA  }
0x439: {  	v25 =	vsel vm6, v42, v41;
	v30 =	vsel vm6, v1, v0;
	vm12 =	vgt.f32 v62, v55  }
0x43a: {  	v42 =	vsel vm13, $0xFF800000, v56;
	v52 =	vsel vm14, $0xFF800000, v43;
	v41 =	vsel vm15, $0xFF800000, v8  }
0x43b: {  	vm13 =	veq.s32 v28, $0xD;
	vm14 =	veq.s32 v28, $0xE;
	vm15 =	veq.s32 v28, $0xF  }
0x43c: {  	v48 =	vsel vm12, v62, v55;
	v55 =	vsel vm12, v6, v31;
	vm12 =	veq.s32 v28, $0xC  }
0x43d: {  	v31 =	vsel vm13, $0xFF800000, v39;
	v32 =	vsel vm14, $0xFF800000, v40;
	vm13 =	vgt.f32 v41, v52  }
0x43e: {  	v62 =	vimm.s32 $0x8;
	v34 =	vsel vm12, $0xFF800000, v35;
	vm12 =	vgt.f32 v42, v45  }
0x43f: {  	v35 =	vsel vm15, $0xFF800000, v36;
	v40 =	vsel vm13, v41, v52;
	v6 =	vsel vm13, $0xB, v4  }
0x440: {  	vm13 =	veq.s32 v28, $0x11;
	v39 =	vsel vm12, v42, v45;
	vm6 =	vgt.f32 v31, v34  }
0x441: {  	vm9 =	vgt.f32 v35, v32;
	v63 =	vsel vm12, $0x9, v62;
	vm12 =	veq.s32 v28, $0x10  }
0x442: {  	v24 =	vsel vm13, $0xFF800000, v24;
	vm13 =	veq.s32 v28, $0x15;
	vm14 =	vgt.f32 v40, v39  }
0x443: {  	v43 =	vsel vm6, v31, v34;
	v56 =	vsel vm9, v35, v32;
	v36 =	vsel vm12, $0xFF800000, v44  }
0x444: {  	vm12 =	veq.s32 v28, $0x14;
	v62 =	vsel vm13, $0xFF800000, v13;
	v7 =	vsel vm14, v40, v39  }
0x445: {  	vm15 =	vgt.f32 v56, v43;
	v8 =	vsel vm14, v6, v63;
	v39 =	vimm.s32 $0xC  }
0x446: {  	v40 =	vimm.s32 $0xE;
	vm14 =	veq.s32 v28, $0x12;
	v27 =	vsel vm12, $0xFF800000, v27  }
0x447: {  	v63 =	vimm.s32 $0x12;
	v43 =	vsel vm15, v56, v43;
	v0 =	vsel vm6, $0xD, v39  }
0x448: {  	v1 =	vsel vm9, $0xF, v40;
	v40 =	vsel vm14, $0xFF800000, v11;
	vm14 =	veq.s32 v28, $0x16  }
0x449: {  	vm6 =	vgt.f32 v24, v36;
	vm12 =	vgt.f32 v62, v27;
	v56 =	vimm.s32 $0x10  }
0x44a: {  	vm9 =	veq.s32 v28, $0x1D;
	v6 =	vsel vm15, v1, v0;
	vm15 =	veq.s32 v28, $0x13  }
0x44b: {  	v4 =	vsel vm14, $0xFF800000, v14;
	v39 =	vsel vm15, $0xFF800000, v12;
	vm15 =	veq.s32 v28, $0x17  }
0x44c: {  	v1 =	vsel vm6, v24, v36;
	v14 =	vsel vm6, $0x11, v56;
	v44 =	vsel vm15, $0xFF800000, v29  }
0x44d: {  	v0 =	vimm.s32 $0x18;
	vm7 =	vgt.f32 v39, v40;
	vm13 =	vgt.f32 v44, v4  }
0x44e: {  	v12 =	vsel vm12, v62, v27;
	v11 =	vsel vm7, v39, v40;
	v13 =	vsel vm13, v44, v4  }
0x44f: {  	v29 =	vsel vm7, $0x13, v63;
	vm14 =	vgt.f32 v11, v1;
	vm15 =	vgt.f32 v13, v12  }
0x450: {  	v56 =	vsel vm14, v11, v1;
	v63 =	vsel vm14, v29, v14;
	v11 =	vimm.s32 $0x14  }
0x451: {  	v29 =	vsel vm10, $0xFF800000, v5;
	vm14 =	veq.s32 v28, $0x1B;
	vm10 =	veq.s32 v28, $0x1E  }
0x452: {  	v5 =	vsel vm11, $0xFF800000, v18;
	v2 =	vsel vm15, v13, v12;
	v12 =	vsel vm12, $0x15, v11  }
0x453: {  	v13 =	vimm.s32 $0x16;
	vm12 =	veq.s32 v28, $0x19;
	v1 =	vsel vm14, $0xFF800000, v21  }
0x454: {  	v14 =	vsel vm13, $0x17, v13;
	v16 =	vsel vm12, $0xFF800000, v16;
	vm13 =	veq.s32 v28, $0x1A  }
0x455: {  	v11 =	vsel vm15, v14, v12;
	v13 =	vsel vm13, $0xFF800000, v10;
	vm15 =	veq.s32 v28, $0x1C  }
0x456: {  	v14 =	vsel vm9, $0xFF800000, v22;
	v10 =	vsel vm10, $0xFF800000, v23;
	vm12 =	vgt.f32 v16, v29  }
0x457: {  	v12 =	vsel vm15, $0xFF800000, v17;
	vm13 =	vgt.f32 v1, v13;
	v17 =	vsel vm12, v16, v29  }
0x458: {  	vm14 =	vgt.f32 v5, v10;
	v21 =	vsel vm12, $0x19, v0;
	v0 =	vimm.s32 $0x1A  }
0x459: {  	vm8 =	vgt.f32 v14, v12;
	v18 =	vsel vm13, v1, v13;
	v22 =	vsel vm13, $0x1B, v0  }
0x45a: {  	v0 =	vsel vm14, v5, v10;
	vm13 =	vgt.f32 v48, v25;
	vm15 =	vgt.f32 v18, v17  }
0x45b: {  	v23 =	vsel vm8, v14, v12;
	v17 =	vsel vm15, v18, v17;
	v18 =	vsel vm15, v22, v21  }
0x45c: {  	vm12 =	vgt.f32 v0, v23;
	v21 =	vimm.s32 $0x1C;
	v22 =	vimm.s32 $0x1E  }
0x45d: {  	vm15 =	vgt.f32 v2, v56;
	v21 =	vsel vm8, $0x1D, v21;
	v22 =	vsel vm14, $0x1F, v22  }
0x45e: {  	v0 =	vsel vm12, v0, v23;
	v23 =	vsel vm13, v55, v30;
	v30 =	vimm.s32 $0x0  }
0x45f: {  	vm14 =	vgt.f32 v43, v7;
	v11 =	vsel vm15, v11, v63;
	v55 =	vimm.s32 $0x1A  }
0x460: {  	v21 =	vsel vm12, v22, v21;
	v22 =	vsel vm13, v48, v25;
	v48 =	vimm.s32 $0x16  }
0x461: {  	v7 =	vsel vm14, v43, v7;
	v8 =	vsel vm14, v6, v8;
	vm9 =	vgt.f32 v0, v17  }
0x462: {  	v25 =	vsel vm15, v2, v56;
	vm10 =	vgt.f32 v7, v22;
	v0 =	vsel vm9, v0, v17  }
0x463: {  	v63 =	vsel vm9, v21, v18;
	v18 =	vshrl.u32 v53, $0x3;
	v2 =	vsel vm10, v7, v22  }
0x464: {  	v8 =	vsel vm10, v8, v23;
	vm11 =	vgt.f32 v0, v25;
	vm12 =	veq.s32 v18, $0x2  }
0x465: {  	vm13 =	veq.s32 v18, $0x1;
	vm14 =	veq.s32 v18, $0x0;
	v7 =	vsel vm11, v0, v25  }
0x466: {  	v43 =	vsel vm11, v63, v11;
	v56 =	vsel vm12, v47, v46;
	vm6 =	vgt.f32 v7, v2  }
0x467: {  	v18 =	vand.u32 $0x7, v53;
	v63 =	vsel vm13, v49, v56;
	v8 =	vsel vm6, v43, v8  }
0x468: {  	v0 =	vsel vm14, v50, v63;
	v43 =	vimm.s32 $0x14;
	vm15 =	veq.s32 v8, $0x0  }
0x469: {  	vm12 =	veq.s32 v8, $0x1;
	vm13 =	veq.s32 v8, $0x2;
	v0 =	vshll.u32 v0, $0x3  }
0x46a: {  	vm14 =	veq.s32 v8, $0x3;
	v6 =	vsel vm15, $0xFF800000, v15;
	v56 =	vsel vm12, $0xFF800000, v19  }
0x46b: {  	v63 =	vsel vm13, $0xFF800000, v20;
	v9 =	vsel vm14, $0xFF800000, v9;
	v0 =	vor.u32 v18, v0  }
0x46c: {  	vm15 =	veq.s32 v8, $0x4;
	vm12 =	veq.s32 v8, $0x5;
	vm13 =	veq.s32 v8, $0x6  }
0x46d: {  	vm14 =	veq.s32 v8, $0x7;
	vm7 =	vgt.f32 v56, v6;
	vm8 =	vgt.f32 v9, v63  }
0x46e: {  	v3 =	vsel vm15, $0xFF800000, v3;
	v53 =	vsel vm13, $0xFF800000, v37;
	v37 =	vimm.s32 $0x8  }
0x46f: {  	vm15 =	veq.s32 v8, $0x8;
	v18 =	vsel vm14, $0xFF800000, v33;
	v33 =	vimm.s32 $0x2  }
0x470: {  	vm14 =	veq.s32 v8, $0x10;
	v11 =	vsel vm7, v56, v6;
	v9 =	vsel vm8, v9, v63  }
0x471: {  	v6 =	vsel vm12, $0xFF800000, v38;
	v38 =	vimm.s32 $0xA;
	v19 =	vsel vm15, $0xFF800000, v45  }
0x472: {  	vm12 =	veq.s32 v8, $0x9;
	vm10 =	vgt.f32 v18, v53;
	vm15 =	veq.s32 v8, $0x11  }
0x473: {  	v20 =	vsel vm12, $0xFF800000, v42;
	v42 =	vimm.s32 $0x12;
	vm9 =	vgt.f32 v6, v3  }
0x474: {  	v56 =	vsel vm10, v18, v53;
	vm12 =	veq.s32 v8, $0xA;
	vm13 =	vgt.f32 v9, v11  }
0x475: {  	v53 =	vimm.s32 $0x18;
	v3 =	vsel vm9, v6, v3;
	vm11 =	vgt.f32 v20, v19  }
0x476: {  	v9 =	vsel vm13, v9, v11;
	v6 =	vsel vm12, $0xFF800000, v52;
	vm12 =	veq.s32 v8, $0xB  }
0x477: {  	v63 =	vsel vm11, v20, v19;
	v18 =	vsel vm12, $0xFF800000, v41;
	v41 =	vimm.s32 $0x10  }
0x478: {  	v19 =	vsel vm7, $0x1, v30;
	v20 =	vsel vm8, $0x3, v33;
	vm8 =	vgt.f32 v56, v3  }
0x479: {  	vm12 =	veq.s32 v8, $0xC;
	v52 =	vsel vm11, $0x9, v37;
	vm11 =	veq.s32 v8, $0x12  }
0x47a: {  	v19 =	vsel vm13, v20, v19;
	vm7 =	vgt.f32 v18, v6;
	v3 =	vsel vm8, v56, v3  }
0x47b: {  	v45 =	vsel vm12, $0xFF800000, v34;
	vm12 =	veq.s32 v8, $0xD;
	vm13 =	veq.s32 v8, $0xE  }
0x47c: {  	v11 =	vsel vm7, v18, v6;
	v18 =	vsel vm12, $0xFF800000, v31;
	v31 =	vimm.s32 $0x4  }
0x47d: {  	v20 =	vsel vm13, $0xFF800000, v32;
	v32 =	vimm.s32 $0x6;
	vm12 =	veq.s32 v8, $0xF  }
0x47e: {  	v21 =	vsel vm12, $0xFF800000, v35;
	v22 =	vsel vm9, $0x5, v31;
	v23 =	vsel vm10, $0x7, v32  }
0x47f: {  	vm13 =	vgt.f32 v11, v63;
	vm12 =	veq.s32 v8, $0x13;
	v22 =	vsel vm8, v23, v22  }
0x480: {  	vm8 =	vgt.f32 v18, v45;
	vm9 =	vgt.f32 v21, v20;
	v11 =	vsel vm13, v11, v63  }
0x481: {  	v23 =	vsel vm11, $0xFF800000, v40;
	v40 =	vimm.s32 $0xE;
	v15 =	vsel vm8, v18, v45  }
0x482: {  	v18 =	vsel vm9, v21, v20;
	v20 =	vsel vm7, $0xB, v38;
	v21 =	vsel vm15, $0xFF800000, v24  }
0x483: {  	v24 =	vsel vm12, $0xFF800000, v39;
	v39 =	vimm.s32 $0xC;
	vm12 =	veq.s32 v8, $0x16  }
0x484: {  	v17 =	vsel vm13, v20, v52;
	v20 =	vsel vm14, $0xFF800000, v36;
	vm13 =	veq.s32 v8, $0x14  }
0x485: {  	vm14 =	veq.s32 v8, $0x15;
	vm11 =	vgt.f32 v24, v23;
	vm15 =	vgt.f32 v18, v15  }
0x486: {  	v4 =	vsel vm12, $0xFF800000, v4;
	v52 =	vshrl.u32 v57, $0x3;
	v25 =	vsel vm13, $0xFF800000, v27  }
0x487: {  	v27 =	vsel vm14, $0xFF800000, v62;
	vm10 =	vgt.f32 v21, v20;
	v15 =	vsel vm15, v18, v15  }
0x488: {  	v18 =	vsel vm9, $0xF, v40;
	vm13 =	veq.s32 v8, $0x17;
	vm14 =	veq.s32 v8, $0x18  }
0x489: {  	v20 =	vsel vm10, v21, v20;
	v21 =	vsel vm11, v24, v23;
	v24 =	vsel vm8, $0xD, v39  }
0x48a: {  	vm7 =	vgt.f32 v27, v25;
	v18 =	vsel vm15, v18, v24;
	vm15 =	veq.s32 v8, $0x19  }
0x48b: {  	v56 =	vsel vm13, $0xFF800000, v44;
	v24 =	vsel vm14, $0xFF800000, v29;
	v16 =	vsel vm15, $0xFF800000, v16  }
0x48c: {  	v62 =	vsel vm10, $0x11, v41;
	vm13 =	veq.s32 v8, $0x1A;
	vm9 =	vgt.f32 v16, v24  }
0x48d: {  	vm12 =	vgt.f32 v21, v20;
	v16 =	vsel vm9, v16, v24;
	v24 =	vsel vm11, $0x13, v42  }
0x48e: {  	v20 =	vsel vm12, v21, v20;
	v6 =	vsel vm12, v24, v62;
	vm12 =	veq.s32 v8, $0x1D  }
0x48f: {  	v23 =	vsel vm7, v27, v25;
	v14 =	vsel vm12, $0xFF800000, v14;
	vm12 =	veq.s32 v8, $0x1F  }
0x490: {  	v25 =	vimm.s32 $0x1C;
	v5 =	vsel vm12, $0xFF800000, v5;
	vm12 =	vgt.f32 v3, v9  }
0x491: {  	vm8 =	vgt.f32 v56, v4;
	v13 =	vsel vm13, $0xFF800000, v13;
	v44 =	vsel vm12, v22, v19;
	v19 =	vld [tilespmem:$0x1FE10]  }
0x492: {  	vm14 =	veq.s32 v8, $0x1B;
	vm13 =	veq.s32 v8, $0x1E;
	v63 =	vsel vm7, $0x15, v43  }
0x493: {  	v43 =	vshrl.u32 v54, $0x3;
	v4 =	vsel vm8, v56, v4;
	vm15 =	veq.s32 v8, $0x1C  }
0x494: {  	v1 =	vsel vm14, $0xFF800000, v1;
	v10 =	vsel vm13, $0xFF800000, v10;
	v21 =	vsel vm8, $0x17, v48  }
0x495: {  	v12 =	vsel vm15, $0xFF800000, v12;
	vm14 =	vgt.f32 v1, v13;
	vm15 =	vgt.f32 v4, v23  }
0x496: {  	v1 =	vsel vm14, v1, v13;
	v4 =	vsel vm15, v4, v23;
	v13 =	vsel vm15, v21, v63  }
0x497: {  	v21 =	vsel vm9, $0x19, v53;
	v34 =	vsel vm14, $0x1B, v55;
	vm13 =	vgt.f32 v1, v16  }
0x498: {  	v1 =	vsel vm13, v1, v16;
	v16 =	vsel vm13, v34, v21;
	vm14 =	vgt.f32 v14, v12  }
0x499: {  	v12 =	vsel vm14, v14, v12;
	v35 =	vsel vm14, $0x1D, v25;
	vm14 =	veq.s32 v43, $0x2;
	v62 =	vld.idx.msk [tilespmem:v19+s9+$0x0], $0xffff  }
0x49a: {  	vm13 =	vgt.f32 v15, v11;
	v45 =	vsel vm14, v47, v46;
	vm14 =	vgt.f32 v4, v20;
	[tilespmem:s16+$0x9040] =	vst v19;
	v19 =	vld [tilespmem:$0x1FE20]  }
0x49b: {  	v29 =	vimm.s32 $0x1E;
	v11 =	vsel vm13, v15, v11;
	v4 =	vsel vm14, v4, v20;
	v20 =	vld [tilespmem:$0x1FE30]  }
0x49c: {  	v21 =	vld [tilespmem:$0x1FE40];
	v48 =	vsel vm13, v18, v17;
	vm13 =	veq.s32 v52, $0x2;
	vm15 =	vgt.f32 v5, v10  }
0x49d: {  	v3 =	vsel vm12, v3, v9;
	vm12 =	veq.s32 v43, $0x1;
	v53 =	vsel vm13, v47, v46;
	v22 =	vld [tilespmem:$0x1FE50]  }
0x49e: {  	v5 =	vsel vm15, v5, v10;
	v36 =	vsel vm15, $0x1F, v29;
	vm15 =	veq.s32 v43, $0x0  }
0x49f: {  	vm11 =	vgt.f32 v5, v12;
	v9 =	vsel vm12, v49, v45;
	v6 =	vsel vm14, v13, v6  }
0x4a0: {  	vm14 =	vgt.f32 v11, v3;
	v5 =	vsel vm11, v5, v12;
	v10 =	vsel vm11, v36, v35  }
0x4a1: {  	v9 =	vsel vm15, v50, v9;
	vm15 =	veq.s32 v52, $0x1;
	v3 =	vsel vm14, v11, v3  }
0x4a2: {  	v12 =	vsel vm14, v48, v44;
	vm14 =	veq.s32 v52, $0x0;
	v17 =	vsel vm15, v49, v53;
	v35 =	vld.idx.msk [tilespmem:v19+s9+$0x0], $0xffff;
	[tilespmem:s16+$0x90C0] =	vst v19  }
0x4a3: {  	s29 =	rddreg [dreg:$0xb];
	v18 =	vand.u32 $0x7, v54;
	v9 =	vshll.u32 v9, $0x3;
	v17 =	vsel vm14, v50, v17;
	v43 =	vld.idx.msk [tilespmem:v20+s9+$0x0], $0xffff;
	[tilespmem:s16+$0x9140] =	vst v20  }
0x4a4: {  	v9 =	vor.u32 v18, v9;
	v17 =	vshll.u32 v17, $0x3;
	v18 =	vld.idx.msk [tilespmem:v21+s9+$0x0], $0xffff;
	[tilespmem:s29+$0x9040] =	vst v21;
	v21 =	vand.u32 $0x7, v57  }
0x4a5: {  	v17 =	vor.u32 v21, v17;
	v21 =	vld.idx.msk [tilespmem:v22+s9+$0x0], $0xffff  }
0x4a6: {  	vm12 =	vgt.f32 v5, v1;
	[tilespmem:s16+$0x9240] =	vst v22;
	v22 =	vld [tilespmem:$0x1FE60]  }
0x4a7: {  	v1 =	vsel vm12, v5, v1  }
0x4a8: {  	vm15 =	vgt.f32 v1, v4  }
0x4a9: {  	v56 =	vsel vm12, v10, v16;
	v1 =	vsel vm15, v1, v4  }
0x4aa: {  	v55 =	vshrl.u32 v61, $0x3;
	v5 =	vsel vm15, v56, v6;
	vm7 =	vgt.f32 v1, v3  }
0x4ab: {  	v34 =	vshrl.u32 v28, $0x3;
	vm13 =	veq.s32 v55, $0x2;
	v5 =	vsel vm7, v5, v12  }
0x4ac: {  	v63 =	vsel vm13, v47, v46;
	v36 =	vshrl.u32 v8, $0x3;
	v19 =	vshrl.u32 v5, $0x3  }
0x4ad: {  	v23 =	vld [tilespmem:$0x1FE80];
	vm13 =	veq.s32 v36, $0x2;
	vm12 =	veq.s32 v34, $0x2;
	vm15 =	veq.s32 v19, $0x2  }
0x4ae: {  	v45 =	vsel vm13, v47, v46;
	v44 =	vsel vm12, v47, v46;
	v20 =	vsel vm15, v47, v46;
	v46 =	vld.idx.msk [tilespmem:v22+s9+$0x0], $0xffff  }
0x4af: {  	[tilespmem:s16+$0x92C0] =	vst v22;
	v22 =	vld [tilespmem:$0x1FE70]  }
0x4b0: {  	vm13 =	veq.s32 v34, $0x1  }
0x4b1: {  	v24 =	vld [tilespmem:$0x1FEA0];
	v14 =	vsel vm13, v49, v44;
	vm13 =	veq.s32 v34, $0x0  }
0x4b2: {  	vm14 =	veq.s32 v36, $0x1;
	vm12 =	veq.s32 v55, $0x1;
	v14 =	vsel vm13, v50, v14  }
0x4b3: {  	v14 =	vshll.u32 v14, $0x3;
	v10 =	vsub.f32 v23, v62;
	v23 =	vand.u32 $0x7, v28  }
0x4b4: {  	v15 =	vsel vm14, v49, v45;
	vm14 =	veq.s32 v36, $0x0;
	v53 =	vor.u32 v23, v14;
	v23 =	vld [tilespmem:$0x1FED0]  }
0x4b5: {  	v16 =	vsel vm12, v49, v63;
	vm12 =	veq.s32 v55, $0x0;
	vm15 =	veq.s32 v19, $0x1  }
0x4b6: {  	v47 =	vsel vm12, v50, v16;
	v20 =	vsel vm15, v49, v20;
	v12 =	vsub.f32 v24, v43;
	v24 =	vld [tilespmem:$0x1FEB0]  }
0x4b7: {  	vm15 =	veq.s32 v19, $0x0;
	v11 =	vshll.u32 v47, $0x3;
	v49 =	vld.idx.msk [tilespmem:v22+s9+$0x0], $0xffff;
	[tilespmem:s16+$0x9340] =	vst v22;
	v22 =	vand.u32 $0x7, v61  }
0x4b8: {  	v15 =	vsel vm14, v50, v15;
	v19 =	vsel vm15, v50, v20;
	v50 =	vor.u32 v22, v11;
	v22 =	vld [tilespmem:$0x1FE90]  }
0x4b9: {  	v13 =	vsub.f32 v23, v46;
	v23 =	vld [tilespmem:$0x1FEE0];
	_ =	sdelay $0x3  }
0x4ba: {  	v54 =	vld [tilespmem:$0x1FEC0];
	v18 =	vsub.f32 v24, v18;
	v4 =	vsub.f32 v22, v35  }
0x4bb: {  	v25 =	vld [tilespmem:$0x1FF50];
	v16 =	vsub.f32 v23, v49  }
0x4bc: {  	v48 =	vld.idx.msk [tilespmem:v58+s9+$0x0], $0xffff;
	v57 =	vshll.u32 v19, $0x3;
	v23 =	vadd.f32 v18, v12;
	v19 =	vadd.f32 v4, v10  }
0x4bd: {  	v55 =	vld [tilespmem:$0x1FEF0]  }
0x4be: {  	v62 =	vadd.f32 v23, v19;
	v19 =	vld [tilespmem:$0x1FF00]  }
0x4bf: {  	v23 =	vld [tilespmem:$0x1FF10]  }
0x4c0: {  	[tilespmem:s20+$0x9040] =	vst v58;
	v34 =	vld [tilespmem:$0x1FF20]  }
0x4c1: {  	v20 =	vld.idx.msk [tilespmem:v0+s9+$0x0], $0xffff  }
0x4c2: {  	v8 =	vand.u32 $0x7, v8;
	v15 =	vshll.u32 v15, $0x3;
	[tilespmem:s20+$0x90C0] =	vst v0;
	v52 =	vld.idx.msk [tilespmem:v59+s9+$0x0], $0xffff  }
0x4c3: {  	v8 =	vor.u32 v8, v15;
	v22 =	vld.idx.msk [tilespmem:v9+s9+$0x0], $0xffff  }
0x4c4: {  	[tilespmem:s20+$0x9140] =	vst v9;
	v19 =	vsel vm0, v23, v19;
	v23 =	vld [tilespmem:$0x1FF30]  }
0x4c5: {  	v14 =	vsub.f32 v54, v21;
	v21 =	vld.idx.msk [tilespmem:v17+s9+$0x0], $0xffff;
	[tilespmem:s20+$0x91C0] =	vst v17  }
0x4c6: {  	v56 =	vld.idx.msk [tilespmem:v50+s9+$0x0], $0xffff;
	[tilespmem:s20+$0x9240] =	vst v50  }
0x4c7: {  	v5 =	vand.u32 $0x7, v5;
	v24 =	vld.idx.msk [tilespmem:v53+s9+$0x0], $0xffff;
	[tilespmem:s20+$0x92C0] =	vst v53  }
0x4c8: {  	v0 =	vor.u32 v5, v57;
	v63 =	vld.idx.msk [tilespmem:v8+s9+$0x0], $0xffff  }
0x4c9: {  	v11 =	vsub.f32 v55, v52;
	[tilespmem:s20+$0x9340] =	vst v8;
	v8 =	vsel vm1, v34, v23;
	v23 =	vld [tilespmem:$0x1FF40];
	_ =	sdelay $0x1  }
0x4ca: {  	v29 =	vld [tilespmem:$0x1FF70];
	v58 =	vadd.f32 v13, v14;
	v61 =	vadd.f32 v11, v16  }
0x4cb: {  	v6 =	vsub.f32 v19, v48;
	v19 =	vld [tilespmem:$0x1FF80]  }
0x4cc: {  	v5 =	vadd.f32 v61, v58;
	v35 =	vld.idx.msk [tilespmem:v0+s9+$0x0], $0xffff  }
0x4cd: {  	v23 =	vsel vm2, v25, v23;
	v25 =	vld [tilespmem:$0x1FF60]  }
0x4ce: {  	v5 =	vadd.f32 v5, v62  }
0x4cf: {  	v2 =	vsel vm6, v7, v2;
	v1 =	vsel vm7, v1, v3  }
0x4d0: {  	v36 =	vadd.f32 $9.999999680e-21, v5;
	v2 =	vsub.f32 v2, v63;
	v19 =	vsel vm4, v60, v19  }
0x4d1: {  	v1 =	vsub.f32 v1, v35;
	v15 =	vsub.f32 v19, v56;
	v19 =	vsel vm5, v26, v51  }
0x4d2: {  	v8 =	vsub.f32 v8, v20;
	v43 =	vsub.f32 v19, v24;
	v25 =	vsel vm3, v25, v29  }
0x4d3: {  	v20 =	vsub.f32 v23, v22;
	v21 =	vsub.f32 v25, v21  }
0x4d4: {  	v17 =	vadd.f32 v1, v2;
	v44 =	vadd.f32 v8, v6  }
0x4d5: {  	(erf) = vrcp.f32 v36;
	v46 =	vadd.f32 v43, v15;
	v45 =	vadd.f32 v21, v20;
	_ =	sdelay $0x1  }
0x4d6: {  	v47 =	vadd.f32 v17, v46;
	v3 =	vadd.f32 v45, v44;
	_ =	sdelay $0x1  }
0x4d7: {  	v3 =	vadd.f32 v47, v3;
	_ =	sdelay $0x1  }
0x4d8: {  	v3 =	vadd.f32 $9.999999680e-21, v3;
	_ =	sdelay $0x1  }
0x4d9: {  	(erf) = vrcp.f32 v3  }
0x4da: {  	v48 =	vpop (erf)  }
0x4db: {  	v3 =	vmul.f32 $2.500000000e+00, v48  }
0x4dc: {  	s30 =	rddreg [dreg:$0xa]  }
0x4dd: {  	[tilespmem:s30+$0x9040] =	vst v59;
	v49 =	vmul.f32 v3, v10  }
0x4de: {  	[tilespmem:s20+$0x93C0] =	vst v0;
	v4 =	vmul.f32 v3, v4  }
0x4df: {  	v50 =	vmul.f32 v3, v12;
	[tilespmem:s16+$0x8040] =	vst v49  }
0x4e0: {  	v51 =	vmul.f32 v3, v18;
	[tilespmem:s16+$0x80C0] =	vst v4  }
0x4e1: {  	v52 =	vmul.f32 v3, v14;
	[tilespmem:s16+$0x8140] =	vst v50  }
0x4e2: {  	v53 =	vmul.f32 v3, v13;
	[tilespmem:s29+$0x8040] =	vst v51;
	v55 =	vpop (erf)  }
0x4e3: {  	v54 =	vmul.f32 v3, v16;
	[tilespmem:s16+$0x8240] =	vst v52;
	v56 =	vmul.f32 $2.500000000e+00, v55  }
0x4e4: {  	v3 =	vmul.f32 v3, v11;
	[tilespmem:s16+$0x82C0] =	vst v53  }
0x4e5: {  	[tilespmem:s16+$0x8340] =	vst v54;
	v57 =	vmul.f32 v56, v6  }
0x4e6: {  	[tilespmem:s30+$0x8040] =	vst v3;
	v58 =	vmul.f32 v56, v8  }
0x4e7: {  	v59 =	vmul.f32 v56, v20;
	[tilespmem:s20+$0x8040] =	vst v57  }
0x4e8: {  	v60 =	vmul.f32 v56, v21;
	[tilespmem:s20+$0x80C0] =	vst v58  }
0x4e9: {  	p0 =	slt.u32 s13, $0x1E;
	v61 =	vmul.f32 v56, v15;
	[tilespmem:s20+$0x8140] =	vst v59  }
.Ltmp0:
0x4ea: {  	v24 =	vld [tilespmem:$0x1FFC0];
	v62 =	vmul.f32 v56, v43;
	[tilespmem:s20+$0x81C0] =	vst v60;
	(pc) =	sbr.rel @p0 .LBB2_2-.Ltmp0, $4  }
0x4eb: {  	v23 =	vld [tilespmem:$0x1FFB0];
	v2 =	vmul.f32 v56, v2;
	[tilespmem:s20+$0x8240] =	vst v61  }
0x4ec: {  	v22 =	vld [tilespmem:$0x1FFA0];
	v63 =	vmul.f32 v56, v1;
	[tilespmem:s20+$0x82C0] =	vst v62  }
0x4ed: {  	v25 =	vld [tilespmem:$0x1FFD0];
	[tilespmem:s20+$0x8340] =	vst v2  }
0x4ee: {  	s31 =	sadd.s32 $0x2, s31;
	s14 =	sadd.s32 $0x20, s14;
	v20 =	vlaneseq.u32;
	v21 =	vld [tilespmem:$0x1FF90];
	[tilespmem:s20+$0x83C0] =	vst v63  }
0x4ef: {  	s0 =	rddreg [dreg:$0x6];
	s1 =	simm.s32 $0x9040  }
0x4f0: {  	[hbm4b:s0+s3] =	stream.linear.scatter [tilespmem:s1], [sflag:$0x1], $0x1000, $0x38;
	[tilespmem:$0xA040] =	vst v63  }
0x4f1: {  	s1 =	simm.s32 $0x1  }
0x4f2: {  	_ =	swait.ge [sflag:s1], $0x1000  }
0x4f3: {  	[sflag:s1] =	ssyncset.done $0x0  }
0x4f4: {  	s2 =	simm.s32 $0x8040;
	s29 =	rddreg [dreg:$0x7];
	[sflag:s1] =	ssyncadd.s32 $0xFFFFF000  }
0x4f5: {  	[hbm4b:s29+s3] =	stream.linear.scatter [tilespmem:s2], [sflag:$0x1], $0x1000, $0x38;
	[tilespmem:$0xA040] =	vst v63  }
0x4f6: {  	_ =	swait.ge [sflag:s1], $0x1000  }
0x4f7: {  	s30 =	rddreg [dreg:$0x9]  }
0x4f8: {  	s31 =	rddreg [dreg:$0x8];
	s2 =	sadd.s32 $0x1, s30  }
0x4f9: {  	p0 =	sne.s32 s2, s31  }
.Ltmp1:
0x4fa: {  	_ = 	snop;
	(pc) =	sbr.rel @p0 .LBB2_1-.Ltmp1, $3  }
0x4fb: {  	_ =	sdelay $0x1  }
0x4fc: {  	[sflag:s1] =	ssyncset.done $0x0  }
0x4fd: {  	[sflag:s1] =	ssyncadd.s32 $0xFFFFF000  }
0x4fe: {  	_ =	sfence.sel $0x180000  }
0x4ff: {  	[bflag:$0x0] =	sbarrier.arrive $0xFFFF  }
0x500: {  	_ =	strace $0x90000047  }
0x501: {  	s0 =	stileid.u32;
	[bflag:$0x2] =	sbarrier.arrive $0xFFFF  }
0x502: {  	p0 =	sne.s32 s0, $0x0;
	s0 =	rddreg [dreg:$0x4]  }
0x503: {  	s0 =	sadd.s32 @!p0 $0x100000, s0  }
0x504: {  	[sflag:s0] =	ssyncadd.tile.s32 @!p0 $0x1;
	_ =	shalt  }
.Lfunc_end2:
_tile_overlayer_lowered:
.L_overlay_start_2:
0x505: {  	(tag) =	ssettag $0x2  }
0x506: {  	s0 =	rddreg [dreg:$0x0];
	s2 =	stileid.u32  }
0x507: {  	s1 =	rddreg [dreg:$0x1];
	p0 =	sne.s32 s2, $0x0  }
0x508: {  	s3 =	rddreg [dreg:$0x2];
	[bflag:$0x3] =	sbarrier.arrive $0xFFFF;
	s2 =	simm.s32 @!p0 $0x1C01  }
0x509: {  	[timem:s3], [sflag:s2] =	dma.local @!p0 [hbm:s0], s1  }
0x50a: {  	s0 =	simm.s32 @!p0 $0x1  }
0x50b: {  	_ =	swait.ge @!p0 [sflag:s0], s1  }
0x50c: {  	s1 =	ssub.s32 @!p0 $0x0, s1;
	[sflag:s0] =	ssyncset.done @!p0 $0x0  }
0x50d: {  	[sflag:s0] =	ssyncadd.s32 @!p0 s1  }
0x50e: {  	[bflag:$0x3] =	sbarrier.arrive $0xFFFF  }
0x50f: {  	_ =	shalt  }

</sc_bundles>
